<compile_context>
chip_gen: v7x
topology: tpu7x:2x2x1
jax: 0.10.2.dev20260603
libtpu: 0.0.44.dev20260713+nightly
codegen_flags: <defaults>
</compile_context>

<pallas_src>
import functools

import jax
import jax.numpy as jnp
from jax import lax
from jax.experimental import pallas as pl
from jax.experimental.pallas import tpu as pltpu
from jax.experimental.pallas import tpu_sc as plsc

B = 1
S = 2048
D = 1024
H = 8
HD = D // H
T = S * H
E = 8
K = 2
F = 512

TH = T // 2
SH = S // 2
BM = 1024
NBH = TH * K // BM + E
PS = NBH * BM
NW = 32
TPW = TH // NW
CH = 128
NCH = TPW // CH
RB = 4096

_GELU_C = 0.7978845608028654
_GC1 = -2.0 * _GELU_C * 1.4426950408889634
_GC2 = _GC1 * 0.044715


def _gelu(x):
    t = jnp.exp2((_GC1 + _GC2 * (x * x)) * x)
    return x / (1.0 + t)



def _mh_kernel(x_ref, w_ref, b_ref, o_ref):
    y = (
        jnp.dot(x_ref[...], w_ref[...], preferred_element_type=jnp.float32)
        + b_ref[...]
    )
    o_ref[...] = y.reshape(o_ref.shape)


def _mh_proj(x, w, b, bm=512):
    return pl.pallas_call(
        _mh_kernel,
        grid=(S // bm,),
        in_specs=[
            pl.BlockSpec((bm, D), lambda i: (i, 0)),
            pl.BlockSpec((D, D), lambda i: (0, 0)),
            pl.BlockSpec((1, D), lambda i: (0, 0)),
        ],
        out_specs=pl.BlockSpec((bm * H, HD), lambda i: (i, 0)),
        out_shape=jax.ShapeDtypeStruct((T, HD), jnp.float32),
    )(x, w, b.reshape(1, D))



def _router_kernel(y_ref, wg_ref, e0_ref, e1_ref, g0_ref, g1_ref):
    y = y_ref[...]
    f32 = jnp.float32
    logits = jnp.dot(y, wg_ref[...], preferred_element_type=f32)
    U8 = (jax.lax.broadcasted_iota(jnp.int32, (E, E), 0)
          < jax.lax.broadcasted_iota(jnp.int32, (E, E), 1)).astype(f32)
    icol = jax.lax.broadcasted_iota(jnp.int32, (E, 1), 0).astype(f32)
    m1 = jnp.max(logits, axis=-1, keepdims=True)
    eq1 = logits == m1
    c1 = jnp.dot(eq1.astype(f32), U8, preferred_element_type=f32)
    f1 = jnp.logical_and(eq1, c1 == 0.0)
    i1 = jnp.dot(f1.astype(f32), icol, preferred_element_type=f32)
    lm = jnp.where(f1, -jnp.inf, logits)
    m2 = jnp.max(lm, axis=-1, keepdims=True)
    eq2 = lm == m2
    c2 = jnp.dot(eq2.astype(f32), U8, preferred_element_type=f32)
    f2 = jnp.logical_and(eq2, c2 == 0.0)
    i2 = jnp.dot(f2.astype(f32), icol, preferred_element_type=f32)
    t = jnp.exp(m2 - m1)
    g0 = 1.0 / (1.0 + t)
    g1 = t * g0
    e0_ref[...] = i1.astype(jnp.int32).reshape(RB // 128, 128)
    e1_ref[...] = i2.astype(jnp.int32).reshape(RB // 128, 128)
    g0_ref[...] = g0.reshape(RB // H, H)
    g1_ref[...] = g1.reshape(RB // H, H)


def _router(y16, Wg, half):
    nb = TH // RB
    return pl.pallas_call(
        _router_kernel,
        grid=(nb,),
        in_specs=[
            pl.BlockSpec((RB, HD), lambda i, h=half, n=nb: (i + h * n, 0)),
            pl.BlockSpec((HD, E), lambda i: (0, 0)),
        ],
        out_specs=[
            pl.BlockSpec((RB // 128, 128), lambda i: (i, 0)),
            pl.BlockSpec((RB // 128, 128), lambda i: (i, 0)),
            pl.BlockSpec((RB // H, H), lambda i: (i, 0)),
            pl.BlockSpec((RB // H, H), lambda i: (i, 0)),
        ],
        out_shape=[
            jax.ShapeDtypeStruct((TH // 128, 128), jnp.int32),
            jax.ShapeDtypeStruct((TH // 128, 128), jnp.int32),
            jax.ShapeDtypeStruct((SH, E), jnp.float32),
            jax.ShapeDtypeStruct((SH, E), jnp.float32),
        ],
    )(y16, Wg)



_NR = TH // 128


def _make_sortmeta_kernel():
    def kern(e0_ref, e1_ref, d0_ref, d1_ref, be_ref):
        f32 = jnp.float32
        ir = jax.lax.broadcasted_iota(jnp.int32, (128, 128), 0)
        ic = jax.lax.broadcasted_iota(jnp.int32, (128, 128), 1)
        U = (ir < ic).astype(f32)
        lr = jax.lax.broadcasted_iota(jnp.int32, (16, 16), 0)
        lc = jax.lax.broadcasted_iota(jnp.int32, (16, 16), 1)
        L16 = (lr > lc).astype(f32)

        e0 = e0_ref[...]
        e1 = e1_ref[...]

        counts = []
        for e in range(E):
            m = (e0 == e).astype(f32) + (e1 == e).astype(f32)
            counts.append(jnp.sum(m))
        starts = []
        s = jnp.float32(0.0)
        for e in range(E):
            starts.append(s)
            s = s + jnp.ceil(counts[e] / BM) * BM

        ib = jax.lax.broadcasted_iota(jnp.int32, (1, 256), 1).astype(f32) * BM
        be = jnp.zeros((1, 256), jnp.int32)
        for e in range(E):
            be = be + (ib >= starts[e]).astype(jnp.int32)
        be_ref[...] = jnp.where(ib < s, be - 1, -1)

        carry = [jnp.float32(0.0)] * E
        for c in range(_NR // 16):
            sl = slice(16 * c, 16 * c + 16)
            e0c = e0[sl, :]
            e1c = e1[sl, :]
            d0c = jnp.zeros((16, 128), f32)
            d1c = jnp.zeros((16, 128), f32)
            for e in range(E):
                m = (e0c == e).astype(f32) + (e1c == e).astype(f32)
                lane_excl = jnp.dot(m, U, preferred_element_type=f32)
                rowtot = jnp.sum(m, axis=1, keepdims=True)
                row_excl = jnp.dot(L16, rowtot, preferred_element_type=f32)
                slot = starts[e] + carry[e] + row_excl + lane_excl
                d0c = d0c + jnp.where(e0c == e, slot, 0.0)
                d1c = d1c + jnp.where(e1c == e, slot, 0.0)
                carry[e] = carry[e] + jnp.sum(m)
            d0_ref[sl, :] = d0c.astype(jnp.int32)
            d1_ref[sl, :] = d1c.astype(jnp.int32)
    return kern


def _sortmeta(e0, e1):
    return pl.pallas_call(
        _make_sortmeta_kernel(),
        grid=(1,),
        in_specs=[
            pl.BlockSpec((_NR, 128), lambda i: (0, 0)),
            pl.BlockSpec((_NR, 128), lambda i: (0, 0)),
        ],
        out_specs=[
            pl.BlockSpec((_NR, 128), lambda i: (0, 0)),
            pl.BlockSpec((_NR, 128), lambda i: (0, 0)),
            pl.BlockSpec((1, 256), lambda i: (0, 0)),
        ],
        out_shape=[
            jax.ShapeDtypeStruct((_NR, 128), jnp.int32),
            jax.ShapeDtypeStruct((_NR, 128), jnp.int32),
            jax.ShapeDtypeStruct((1, 256), jnp.int32),
        ],
    )(e0, e1)



def _make_dispatch_body(half):
    def body(y_hbm, d0_hbm, d1_hbm, yg_hbm, ybuf, d0b, d1b, sem):
        wid = lax.axis_index("s") * 2 + lax.axis_index("c")
        base = half * TH + wid * TPW
        pltpu.sync_copy(d0_hbm.at[pl.ds(wid * NCH, NCH)], d0b)
        pltpu.sync_copy(d1_hbm.at[pl.ds(wid * NCH, NCH)], d1b)
        pltpu.sync_copy(y_hbm.at[pl.ds(base, TPW)], ybuf)
        cps = []
        for j in range(NCH):
            rows = ybuf.at[pl.ds(j * CH, CH)]
            cps.append(pltpu.async_copy(rows, yg_hbm.at[d0b.at[j]], sem))
            cps.append(pltpu.async_copy(rows, yg_hbm.at[d1b.at[j]], sem))
        for cp in cps:
            cp.wait()
    return body


def _dispatch(y16, d0, d1, half):
    mesh = plsc.VectorSubcoreMesh(core_axis_name="c", subcore_axis_name="s")
    kfn = functools.partial(
        pl.kernel,
        out_type=jax.ShapeDtypeStruct((PS, HD), jnp.float32),
        mesh=mesh,
        scratch_types=[
            pltpu.VMEM((TPW, HD), jnp.float32),
            pltpu.VMEM((NCH, CH), jnp.int32),
            pltpu.VMEM((NCH, CH), jnp.int32),
            pltpu.SemaphoreType.DMA,
        ],
    )(_make_dispatch_body(half))
    return kfn(y16, d0, d1)



def _ffn_kernel(be_ref, yg_ref, w1_ref, b1_ref, w2_ref, b2_ref, o_ref):
    i = pl.program_id(0)

    @pl.when(be_ref[0, i] >= 0)
    def _():
        bf16 = jnp.bfloat16
        ygb = yg_ref[...].astype(bf16)
        h = _gelu(
            jnp.dot(ygb, w1_ref[0].astype(bf16),
                    preferred_element_type=jnp.float32)
            + b1_ref[0]
        )
        o_ref[...] = (
            jnp.dot(h.astype(bf16), w2_ref[0].astype(bf16),
                    preferred_element_type=jnp.float32)
            + b2_ref[0]
        )


def _grouped_ffn(be, yg, W1, b1, W2, b2):
    def we(i, be):
        return jnp.maximum(be[0, i], 0)

    grid_spec = pltpu.PrefetchScalarGridSpec(
        num_scalar_prefetch=1,
        grid=(NBH,),
        in_specs=[
            pl.BlockSpec((BM, HD), lambda i, be: (i, 0)),
            pl.BlockSpec((1, HD, F), lambda i, be: (we(i, be), 0, 0)),
            pl.BlockSpec((1, 1, F), lambda i, be: (we(i, be), 0, 0)),
            pl.BlockSpec((1, F, HD), lambda i, be: (we(i, be), 0, 0)),
            pl.BlockSpec((1, 1, HD), lambda i, be: (we(i, be), 0, 0)),
        ],
        out_specs=pl.BlockSpec((BM, HD), lambda i, be: (i, 0)),
    )
    return pl.pallas_call(
        _ffn_kernel,
        grid_spec=grid_spec,
        out_shape=jax.ShapeDtypeStruct((PS, HD), jnp.float32),
    )(be, yg, W1, b1.reshape(E, 1, F), W2, b2.reshape(E, 1, HD))



def _combine_body(eo_hbm, d0_hbm, d1_hbm, r0_hbm, r1_hbm,
                  d0b, d1b, r0buf, r1buf, sem, wsem):
    wid = lax.axis_index("s") * 2 + lax.axis_index("c")
    base = wid * TPW
    pltpu.sync_copy(d0_hbm.at[pl.ds(wid * NCH, NCH)], d0b)
    pltpu.sync_copy(d1_hbm.at[pl.ds(wid * NCH, NCH)], d1b)
    cps = []
    for j in range(NCH):
        dst = pl.ds(j * CH, CH)
        cps.append(pltpu.async_copy(eo_hbm.at[d0b.at[j]], r0buf.at[dst], sem))
        cps.append(pltpu.async_copy(eo_hbm.at[d1b.at[j]], r1buf.at[dst], sem))
    for cp in cps:
        cp.wait()
    out_sl = pl.ds(base, TPW)
    w0 = pltpu.async_copy(r0buf, r0_hbm.at[out_sl], wsem)
    w1 = pltpu.async_copy(r1buf, r1_hbm.at[out_sl], wsem)
    w0.wait()
    w1.wait()


def _combine(eo, d0, d1):
    mesh = plsc.VectorSubcoreMesh(core_axis_name="c", subcore_axis_name="s")
    kfn = functools.partial(
        pl.kernel,
        out_type=[
            jax.ShapeDtypeStruct((TH, HD), jnp.float32),
            jax.ShapeDtypeStruct((TH, HD), jnp.float32),
        ],
        mesh=mesh,
        scratch_types=[
            pltpu.VMEM((NCH, CH), jnp.int32),
            pltpu.VMEM((NCH, CH), jnp.int32),
            pltpu.VMEM((TPW, HD), jnp.float32),
            pltpu.VMEM((TPW, HD), jnp.float32),
            pltpu.SemaphoreType.DMA,
            pltpu.SemaphoreType.DMA,
        ],
    )(_combine_body)
    return kfn(eo, d0, d1)



def _merge_kernel(r0_ref, r1_ref, g0_ref, g1_ref, w_ref, b_ref, o_ref):
    bm = o_ref.shape[0]
    ih = jax.lax.broadcasted_iota(jnp.int32, (E, D), 0)
    ij = jax.lax.broadcasted_iota(jnp.int32, (E, D), 1)
    expand = (ij // HD == ih).astype(jnp.float32)
    g0w = jnp.dot(g0_ref[...], expand, preferred_element_type=jnp.float32)
    g1w = jnp.dot(g1_ref[...], expand, preferred_element_type=jnp.float32)
    r0 = r0_ref[...].reshape(bm, D)
    r1 = r1_ref[...].reshape(bm, D)
    ym = g0w * r0 + g1w * r1
    o_ref[...] = (
        jnp.dot(ym.astype(jnp.bfloat16), w_ref[...].astype(jnp.bfloat16),
                preferred_element_type=jnp.float32)
        + b_ref[...]
    )


def _merge(prev, r0, r1, g0, g1, w, b, half, bm=512):
    in_specs = [
        pl.BlockSpec((bm * H, HD), lambda i: (i, 0)),
        pl.BlockSpec((bm * H, HD), lambda i: (i, 0)),
        pl.BlockSpec((bm, E), lambda i: (i, 0)),
        pl.BlockSpec((bm, E), lambda i: (i, 0)),
        pl.BlockSpec((D, D), lambda i: (0, 0)),
        pl.BlockSpec((1, D), lambda i: (0, 0)),
    ]
    args = (r0, r1, g0, g1, w, b.reshape(1, D))
    kern = _merge_kernel
    aliases = {}
    if prev is not None:
        in_specs = [pl.BlockSpec(memory_space=pl.ANY)] + in_specs
        args = (prev,) + args
        kern = lambda p, *rest: _merge_kernel(*rest)
        aliases = {0: 0}
    return pl.pallas_call(
        kern,
        grid=(SH // bm,),
        in_specs=in_specs,
        out_specs=pl.BlockSpec(
            (bm, D), lambda i, h=half, n=SH // bm: (i + h * n, 0)
        ),
        out_shape=jax.ShapeDtypeStruct((S, D), jnp.float32),
        input_output_aliases=aliases,
    )(*args)



def kernel(x, W_mh, b_mh, Wg, W1, b1, W2, b2, W_merge, b_merge):
    xm = x.reshape(S, D)
    y16 = _mh_proj(xm, W_mh, b_mh)

    parts = []
    for h in range(2):
        e0, e1, g0, g1 = _router(y16, Wg, h)
        d0, d1, be = _sortmeta(e0, e1)
        yg = _dispatch(y16, d0, d1, h)
        eo = _grouped_ffn(be, yg, W1, b1, W2, b2)
        r0, r1 = _combine(eo, d0, d1)
        parts.append((r0, r1, g0, g1))

    out = None
    for h in range(2):
        r0, r1, g0, g1 = parts[h]
        out = _merge(out, r0, r1, g0, g1, W_merge, b_merge, h)
    return out.reshape(B, S, D)

# --- scband reference (transcript-rebuilt; emitter-appended) ---
"""Pipeline reference for scband-mh-mo-e-10161892622874 (READ-ONLY COPY).

The authoritative reference and input builder live on the scoring server;
editing this copy changes nothing except your own understanding.
"""

import jax, jax.numpy as jnp
import numpy as np

B = 1; S = 2048; D = 1024; H = 8
HD = D // H            # 128, nested MoE hidden size
T = S * H              # 16384 tokens entering the nested MoE
E = 8; K = 2; F = 512  # experts, top_k, expert FFN width


def setup_inputs(seed: int = 0):
    key = jax.random.key(seed)
    ks = jax.random.split(key, 8)
    x = jax.random.normal(ks[0], (B, S, D), dtype=jnp.float32)
    # multi_head_layer: xavier_uniform with gain 1/sqrt(2); approximate scale with normals
    W_mh = jax.random.normal(ks[1], (D, D), dtype=jnp.float32) * (1.0 / np.sqrt(D) / np.sqrt(2.0))
    b_mh = jnp.zeros((D,), dtype=jnp.float32)
    # nested VectorizedMoE params (top-k softmax router + per-expert 2-layer FFN)
    Wg = jax.random.normal(ks[2], (HD, E), dtype=jnp.float32) * (1.0 / np.sqrt(HD))
    W1 = jax.random.normal(ks[3], (E, HD, F), dtype=jnp.float32) * (1.0 / np.sqrt(HD))
    b1 = jnp.zeros((E, F), dtype=jnp.float32)
    W2 = jax.random.normal(ks[4], (E, F, HD), dtype=jnp.float32) * (1.0 / np.sqrt(F))
    b2 = jnp.zeros((E, HD), dtype=jnp.float32)
    # merge_layer: xavier_uniform, zero bias
    W_merge = jax.random.normal(ks[5], (D, D), dtype=jnp.float32) * (1.0 / np.sqrt(D))
    b_merge = jnp.zeros((D,), dtype=jnp.float32)
    return dict(x=x, W_mh=W_mh, b_mh=b_mh, Wg=Wg, W1=W1, b1=b1, W2=W2, b2=b2,
                W_merge=W_merge, b_merge=b_merge)


def _vectorized_moe(x, Wg, W1, b1, W2, b2):
    # x: [B, T, HD]
    logits = jnp.einsum('btd,de->bte', x, Wg)
    probs = jax.nn.softmax(logits, axis=-1)
    gate_vals, gate_idx = jax.lax.top_k(probs, K)                 # [B, T, K]
    gate_vals = gate_vals / (jnp.sum(gate_vals, axis=-1, keepdims=True) + 1e-9)
    combine = jnp.sum(jax.nn.one_hot(gate_idx, E, dtype=x.dtype) * gate_vals[..., None], axis=-2)  # [B, T, E]
    h = jax.nn.gelu(jnp.einsum('btd,edf->btef', x, W1) + b1)      # [B, T, E, F]
    eo = jnp.einsum('btef,efd->bted', h, W2) + b2                 # [B, T, E, HD]
    return jnp.einsum('bted,bte->btd', eo, combine)


def reference(x, W_mh, b_mh, Wg, W1, b1, W2, b2, W_merge, b_merge):
    y = jnp.einsum('bsd,de->bse', x, W_mh) + b_mh                 # multi_head_layer
    y = y.reshape(B, T, HD)                                       # split into sub-tokens
    y = _vectorized_moe(y, Wg, W1, b1, W2, b2)                     # nested MoE
    y = y.reshape(B, S, H, HD).reshape(B, S, D)                    # merge heads
    y = jnp.einsum('bsd,de->bse', y, W_merge) + b_merge            # merge_layer
    return y

if __name__ == "__main__":
    import jax
    _d = setup_inputs()
    print(jax.jit(kernel)(*tuple(_d.values())))

</pallas_src>

<mosaic_0001>
#map = affine_map<(d0, d1) -> (0, 0)>
module attributes {stable_mosaic.version = 14 : i64} {
  func.func @body(%arg0: i32, %arg1: i32, %arg2: memref<16384x128xf32, #tpu.memory_space<hbm>>, %arg3: memref<64x128xi32, #tpu.memory_space<hbm>>, %arg4: memref<64x128xi32, #tpu.memory_space<hbm>>, %arg5: memref<24576x128xf32, #tpu.memory_space<hbm>>, %arg6: memref<256x128xf32, #tpu.memory_space<vmem>>, %arg7: memref<2x128xi32, #tpu.memory_space<vmem>>, %arg8: memref<2x128xi32, #tpu.memory_space<vmem>>, %arg9: memref<!tpu.dma_semaphore, #tpu.memory_space<semaphore_mem>>) attributes {dimension_semantics = [#tpu.dimension_semantics<core_parallel>, #tpu.dimension_semantics<subcore_parallel>], iteration_bounds = array<i64: 2, 16>, scalar_prefetch = 0 : i64, scratch_operands = 4 : i64, tpu.core_type = #tpu.core_type<sc_vector_subcore>, window_params = [{transform_indices = #map}, {transform_indices = #map}, {transform_indices = #map}, {transform_indices = #map}]} {
    %mul3A = arith.constant 2 : i32
    %mul3A_0 = arith.muli %arg1, %mul3A : i32
    %add3A = arith.addi %mul3A_0, %arg0 : i32
    %mul3A_1 = arith.constant 256 : i32
    %mul3A_2 = arith.muli %add3A, %mul3A_1 : i32
    %add3A_3 = arith.constant 8192 : i32
    %add3A_4 = arith.addi %add3A_3, %mul3A_2 : i32
    %mul3A_5 = arith.constant 2 : i32
    %mul3A_6 = arith.muli %add3A, %mul3A_5 : i32
    "tpu.region"() ({
      %run_scoped3A = tpu.sem_alloc : memref<!tpu.dma_semaphore, #tpu.memory_space<semaphore_mem>>
      %dma_start3A_87 = arith.constant 0 : i32
      %dma_start3A_88 = tpu.memref_slice %arg3[%mul3A_6, %dma_start3A_87] : memref<64x128xi32, #tpu.memory_space<hbm>> -> memref<2x128xi32, #tpu.memory_space<hbm>>
      %dma_start3A_89 = arith.constant 0 : i32
      %dma_start3A_90 = tpu.memref_slice %arg3[%mul3A_6, %dma_start3A_89] : memref<64x128xi32, #tpu.memory_space<hbm>> -> memref<2x128xi32, #tpu.memory_space<hbm>>
      tpu.enqueue_dma source(%dma_start3A_90 : memref<2x128xi32, #tpu.memory_space<hbm>>) target(%arg7 : memref<2x128xi32, #tpu.memory_space<vmem>>) target_semaphore(%run_scoped3A : memref<!tpu.dma_semaphore, #tpu.memory_space<semaphore_mem>>)
      %dma_wait3A_91 = arith.constant 0 : i32
      %dma_wait3A_92 = tpu.memref_slice %arg3[%mul3A_6, %dma_wait3A_91] : memref<64x128xi32, #tpu.memory_space<hbm>> -> memref<2x128xi32, #tpu.memory_space<hbm>>
      %dma_wait3A_93 = arith.constant 0 : i32
      %dma_wait3A_94 = tpu.memref_slice %arg3[%mul3A_6, %dma_wait3A_93] : memref<64x128xi32, #tpu.memory_space<hbm>> -> memref<2x128xi32, #tpu.memory_space<hbm>>
      tpu.wait_dma2 semaphore(%run_scoped3A : memref<!tpu.dma_semaphore, #tpu.memory_space<semaphore_mem>>) src(%dma_wait3A_94 : memref<2x128xi32, #tpu.memory_space<hbm>>) dst(%arg7 : memref<2x128xi32, #tpu.memory_space<vmem>>)
      tpu.yield
    }) : () -> ()
    %mul3A_7 = arith.constant 2 : i32
    %mul3A_8 = arith.muli %add3A, %mul3A_7 : i32
    "tpu.region"() ({
      %run_scoped3A = tpu.sem_alloc : memref<!tpu.dma_semaphore, #tpu.memory_space<semaphore_mem>>
      %dma_start3A_87 = arith.constant 0 : i32
      %dma_start3A_88 = tpu.memref_slice %arg4[%mul3A_8, %dma_start3A_87] : memref<64x128xi32, #tpu.memory_space<hbm>> -> memref<2x128xi32, #tpu.memory_space<hbm>>
      %dma_start3A_89 = arith.constant 0 : i32
      %dma_start3A_90 = tpu.memref_slice %arg4[%mul3A_8, %dma_start3A_89] : memref<64x128xi32, #tpu.memory_space<hbm>> -> memref<2x128xi32, #tpu.memory_space<hbm>>
      tpu.enqueue_dma source(%dma_start3A_90 : memref<2x128xi32, #tpu.memory_space<hbm>>) target(%arg8 : memref<2x128xi32, #tpu.memory_space<vmem>>) target_semaphore(%run_scoped3A : memref<!tpu.dma_semaphore, #tpu.memory_space<semaphore_mem>>)
      %dma_wait3A_91 = arith.constant 0 : i32
      %dma_wait3A_92 = tpu.memref_slice %arg4[%mul3A_8, %dma_wait3A_91] : memref<64x128xi32, #tpu.memory_space<hbm>> -> memref<2x128xi32, #tpu.memory_space<hbm>>
      %dma_wait3A_93 = arith.constant 0 : i32
      %dma_wait3A_94 = tpu.memref_slice %arg4[%mul3A_8, %dma_wait3A_93] : memref<64x128xi32, #tpu.memory_space<hbm>> -> memref<2x128xi32, #tpu.memory_space<hbm>>
      tpu.wait_dma2 semaphore(%run_scoped3A : memref<!tpu.dma_semaphore, #tpu.memory_space<semaphore_mem>>) src(%dma_wait3A_94 : memref<2x128xi32, #tpu.memory_space<hbm>>) dst(%arg8 : memref<2x128xi32, #tpu.memory_space<vmem>>)
      tpu.yield
    }) : () -> ()
    "tpu.region"() ({
      %run_scoped3A = tpu.sem_alloc : memref<!tpu.dma_semaphore, #tpu.memory_space<semaphore_mem>>
      %dma_start3A_87 = arith.constant 0 : i32
      %dma_start3A_88 = tpu.memref_slice %arg2[%add3A_4, %dma_start3A_87] : memref<16384x128xf32, #tpu.memory_space<hbm>> -> memref<256x128xf32, #tpu.memory_space<hbm>>
      %dma_start3A_89 = arith.constant 0 : i32
      %dma_start3A_90 = tpu.memref_slice %arg2[%add3A_4, %dma_start3A_89] : memref<16384x128xf32, #tpu.memory_space<hbm>> -> memref<256x128xf32, #tpu.memory_space<hbm>>
      tpu.enqueue_dma source(%dma_start3A_90 : memref<256x128xf32, #tpu.memory_space<hbm>>) target(%arg6 : memref<256x128xf32, #tpu.memory_space<vmem>>) target_semaphore(%run_scoped3A : memref<!tpu.dma_semaphore, #tpu.memory_space<semaphore_mem>>)
      %dma_wait3A_91 = arith.constant 0 : i32
      %dma_wait3A_92 = tpu.memref_slice %arg2[%add3A_4, %dma_wait3A_91] : memref<16384x128xf32, #tpu.memory_space<hbm>> -> memref<256x128xf32, #tpu.memory_space<hbm>>
      %dma_wait3A_93 = arith.constant 0 : i32
      %dma_wait3A_94 = tpu.memref_slice %arg2[%add3A_4, %dma_wait3A_93] : memref<16384x128xf32, #tpu.memory_space<hbm>> -> memref<256x128xf32, #tpu.memory_space<hbm>>
      tpu.wait_dma2 semaphore(%run_scoped3A : memref<!tpu.dma_semaphore, #tpu.memory_space<semaphore_mem>>) src(%dma_wait3A_94 : memref<256x128xf32, #tpu.memory_space<hbm>>) dst(%arg6 : memref<256x128xf32, #tpu.memory_space<vmem>>)
      tpu.yield
    }) : () -> ()
    %dma_start3A = arith.constant 0 : i32
    %dma_start3A_9 = arith.constant 0 : i32
    %dma_start3A_10 = arith.constant 0 : i32
    %dma_start3A_11 = tpu.memref_slice %arg6[%dma_start3A_9, %dma_start3A_10] : memref<256x128xf32, #tpu.memory_space<vmem>> -> memref<128x128xf32, #tpu.memory_space<vmem>>
    %dma_start3A_12 = arith.constant 0 : i32
    %dma_start3A_13 = tpu.memref_slice %arg7[%dma_start3A, %dma_start3A_12] : memref<2x128xi32, #tpu.memory_space<vmem>> -> memref<1x128xi32, #tpu.memory_space<vmem>>
    %dma_start3A_14 = tpu.memref_squeeze %dma_start3A_13 : memref<1x128xi32, #tpu.memory_space<vmem>> -> memref<128xi32, #tpu.memory_space<vmem>>
    %dma_start3A_15 = arith.constant 0 : i32
    %dma_start3A_16 = arith.constant 0 : i32
    %dma_start3A_17 = tpu.memref_slice %arg5[%dma_start3A_15, %dma_start3A_16] : memref<24576x128xf32, #tpu.memory_space<hbm>> -> memref<24576x128xf32, #tpu.memory_space<hbm>>
    tpu.enqueue_indirect_dma source(%dma_start3A_11 : memref<128x128xf32, #tpu.memory_space<vmem>>) target(%dma_start3A_17 : memref<24576x128xf32, #tpu.memory_space<hbm>>) offsets(%dma_start3A_14 : memref<128xi32, #tpu.memory_space<vmem>>) semaphore(%arg9 : memref<!tpu.dma_semaphore, #tpu.memory_space<semaphore_mem>>)
    %dma_start3A_18 = arith.constant 0 : i32
    %dma_start3A_19 = arith.constant 0 : i32
    %dma_start3A_20 = arith.constant 0 : i32
    %dma_start3A_21 = tpu.memref_slice %arg6[%dma_start3A_19, %dma_start3A_20] : memref<256x128xf32, #tpu.memory_space<vmem>> -> memref<128x128xf32, #tpu.memory_space<vmem>>
    %dma_start3A_22 = arith.constant 0 : i32
    %dma_start3A_23 = tpu.memref_slice %arg8[%dma_start3A_18, %dma_start3A_22] : memref<2x128xi32, #tpu.memory_space<vmem>> -> memref<1x128xi32, #tpu.memory_space<vmem>>
    %dma_start3A_24 = tpu.memref_squeeze %dma_start3A_23 : memref<1x128xi32, #tpu.memory_space<vmem>> -> memref<128xi32, #tpu.memory_space<vmem>>
    %dma_start3A_25 = arith.constant 0 : i32
    %dma_start3A_26 = arith.constant 0 : i32
    %dma_start3A_27 = tpu.memref_slice %arg5[%dma_start3A_25, %dma_start3A_26] : memref<24576x128xf32, #tpu.memory_space<hbm>> -> memref<24576x128xf32, #tpu.memory_space<hbm>>
    tpu.enqueue_indirect_dma source(%dma_start3A_21 : memref<128x128xf32, #tpu.memory_space<vmem>>) target(%dma_start3A_27 : memref<24576x128xf32, #tpu.memory_space<hbm>>) offsets(%dma_start3A_24 : memref<128xi32, #tpu.memory_space<vmem>>) semaphore(%arg9 : memref<!tpu.dma_semaphore, #tpu.memory_space<semaphore_mem>>)
    %dma_start3A_28 = arith.constant 1 : i32
    %dma_start3A_29 = arith.constant 128 : i32
    %dma_start3A_30 = arith.constant 0 : i32
    %dma_start3A_31 = tpu.memref_slice %arg6[%dma_start3A_29, %dma_start3A_30] : memref<256x128xf32, #tpu.memory_space<vmem>> -> memref<128x128xf32, #tpu.memory_space<vmem>>
    %dma_start3A_32 = arith.constant 0 : i32
    %dma_start3A_33 = tpu.memref_slice %arg7[%dma_start3A_28, %dma_start3A_32] : memref<2x128xi32, #tpu.memory_space<vmem>> -> memref<1x128xi32, #tpu.memory_space<vmem>>
    %dma_start3A_34 = tpu.memref_squeeze %dma_start3A_33 : memref<1x128xi32, #tpu.memory_space<vmem>> -> memref<128xi32, #tpu.memory_space<vmem>>
    %dma_start3A_35 = arith.constant 0 : i32
    %dma_start3A_36 = arith.constant 0 : i32
    %dma_start3A_37 = tpu.memref_slice %arg5[%dma_start3A_35, %dma_start3A_36] : memref<24576x128xf32, #tpu.memory_space<hbm>> -> memref<24576x128xf32, #tpu.memory_space<hbm>>
    tpu.enqueue_indirect_dma source(%dma_start3A_31 : memref<128x128xf32, #tpu.memory_space<vmem>>) target(%dma_start3A_37 : memref<24576x128xf32, #tpu.memory_space<hbm>>) offsets(%dma_start3A_34 : memref<128xi32, #tpu.memory_space<vmem>>) semaphore(%arg9 : memref<!tpu.dma_semaphore, #tpu.memory_space<semaphore_mem>>)
    %dma_start3A_38 = arith.constant 1 : i32
    %dma_start3A_39 = arith.constant 128 : i32
    %dma_start3A_40 = arith.constant 0 : i32
    %dma_start3A_41 = tpu.memref_slice %arg6[%dma_start3A_39, %dma_start3A_40] : memref<256x128xf32, #tpu.memory_space<vmem>> -> memref<128x128xf32, #tpu.memory_space<vmem>>
    %dma_start3A_42 = arith.constant 0 : i32
    %dma_start3A_43 = tpu.memref_slice %arg8[%dma_start3A_38, %dma_start3A_42] : memref<2x128xi32, #tpu.memory_space<vmem>> -> memref<1x128xi32, #tpu.memory_space<vmem>>
    %dma_start3A_44 = tpu.memref_squeeze %dma_start3A_43 : memref<1x128xi32, #tpu.memory_space<vmem>> -> memref<128xi32, #tpu.memory_space<vmem>>
    %dma_start3A_45 = arith.constant 0 : i32
    %dma_start3A_46 = arith.constant 0 : i32
    %dma_start3A_47 = tpu.memref_slice %arg5[%dma_start3A_45, %dma_start3A_46] : memref<24576x128xf32, #tpu.memory_space<hbm>> -> memref<24576x128xf32, #tpu.memory_space<hbm>>
    tpu.enqueue_indirect_dma source(%dma_start3A_41 : memref<128x128xf32, #tpu.memory_space<vmem>>) target(%dma_start3A_47 : memref<24576x128xf32, #tpu.memory_space<hbm>>) offsets(%dma_start3A_44 : memref<128xi32, #tpu.memory_space<vmem>>) semaphore(%arg9 : memref<!tpu.dma_semaphore, #tpu.memory_space<semaphore_mem>>)
    %dma_wait3A = arith.constant 0 : i32
    %dma_wait3A_48 = arith.constant 0 : i32
    %dma_wait3A_49 = arith.constant 0 : i32
    %dma_wait3A_50 = tpu.memref_slice %arg6[%dma_wait3A_48, %dma_wait3A_49] : memref<256x128xf32, #tpu.memory_space<vmem>> -> memref<128x128xf32, #tpu.memory_space<vmem>>
    %dma_wait3A_51 = arith.constant 0 : i32
    %dma_wait3A_52 = tpu.memref_slice %arg7[%dma_wait3A, %dma_wait3A_51] : memref<2x128xi32, #tpu.memory_space<vmem>> -> memref<1x128xi32, #tpu.memory_space<vmem>>
    %dma_wait3A_53 = tpu.memref_squeeze %dma_wait3A_52 : memref<1x128xi32, #tpu.memory_space<vmem>> -> memref<128xi32, #tpu.memory_space<vmem>>
    %dma_wait3A_54 = arith.constant 0 : i32
    %dma_wait3A_55 = arith.constant 0 : i32
    %dma_wait3A_56 = tpu.memref_slice %arg5[%dma_wait3A_54, %dma_wait3A_55] : memref<24576x128xf32, #tpu.memory_space<hbm>> -> memref<24576x128xf32, #tpu.memory_space<hbm>>
    tpu.wait_indirect_dma semaphore(%arg9 : memref<!tpu.dma_semaphore, #tpu.memory_space<semaphore_mem>>) src(%dma_wait3A_50 : memref<128x128xf32, #tpu.memory_space<vmem>>) dst(%dma_wait3A_56 : memref<24576x128xf32, #tpu.memory_space<hbm>>)
    %dma_wait3A_57 = arith.constant 0 : i32
    %dma_wait3A_58 = arith.constant 0 : i32
    %dma_wait3A_59 = arith.constant 0 : i32
    %dma_wait3A_60 = tpu.memref_slice %arg6[%dma_wait3A_58, %dma_wait3A_59] : memref<256x128xf32, #tpu.memory_space<vmem>> -> memref<128x128xf32, #tpu.memory_space<vmem>>
    %dma_wait3A_61 = arith.constant 0 : i32
    %dma_wait3A_62 = tpu.memref_slice %arg8[%dma_wait3A_57, %dma_wait3A_61] : memref<2x128xi32, #tpu.memory_space<vmem>> -> memref<1x128xi32, #tpu.memory_space<vmem>>
    %dma_wait3A_63 = tpu.memref_squeeze %dma_wait3A_62 : memref<1x128xi32, #tpu.memory_space<vmem>> -> memref<128xi32, #tpu.memory_space<vmem>>
    %dma_wait3A_64 = arith.constant 0 : i32
    %dma_wait3A_65 = arith.constant 0 : i32
    %dma_wait3A_66 = tpu.memref_slice %arg5[%dma_wait3A_64, %dma_wait3A_65] : memref<24576x128xf32, #tpu.memory_space<hbm>> -> memref<24576x128xf32, #tpu.memory_space<hbm>>
    tpu.wait_indirect_dma semaphore(%arg9 : memref<!tpu.dma_semaphore, #tpu.memory_space<semaphore_mem>>) src(%dma_wait3A_60 : memref<128x128xf32, #tpu.memory_space<vmem>>) dst(%dma_wait3A_66 : memref<24576x128xf32, #tpu.memory_space<hbm>>)
    %dma_wait3A_67 = arith.constant 1 : i32
    %dma_wait3A_68 = arith.constant 128 : i32
    %dma_wait3A_69 = arith.constant 0 : i32
    %dma_wait3A_70 = tpu.memref_slice %arg6[%dma_wait3A_68, %dma_wait3A_69] : memref<256x128xf32, #tpu.memory_space<vmem>> -> memref<128x128xf32, #tpu.memory_space<vmem>>
    %dma_wait3A_71 = arith.constant 0 : i32
    %dma_wait3A_72 = tpu.memref_slice %arg7[%dma_wait3A_67, %dma_wait3A_71] : memref<2x128xi32, #tpu.memory_space<vmem>> -> memref<1x128xi32, #tpu.memory_space<vmem>>
    %dma_wait3A_73 = tpu.memref_squeeze %dma_wait3A_72 : memref<1x128xi32, #tpu.memory_space<vmem>> -> memref<128xi32, #tpu.memory_space<vmem>>
    %dma_wait3A_74 = arith.constant 0 : i32
    %dma_wait3A_75 = arith.constant 0 : i32
    %dma_wait3A_76 = tpu.memref_slice %arg5[%dma_wait3A_74, %dma_wait3A_75] : memref<24576x128xf32, #tpu.memory_space<hbm>> -> memref<24576x128xf32, #tpu.memory_space<hbm>>
    tpu.wait_indirect_dma semaphore(%arg9 : memref<!tpu.dma_semaphore, #tpu.memory_space<semaphore_mem>>) src(%dma_wait3A_70 : memref<128x128xf32, #tpu.memory_space<vmem>>) dst(%dma_wait3A_76 : memref<24576x128xf32, #tpu.memory_space<hbm>>)
    %dma_wait3A_77 = arith.constant 1 : i32
    %dma_wait3A_78 = arith.constant 128 : i32
    %dma_wait3A_79 = arith.constant 0 : i32
    %dma_wait3A_80 = tpu.memref_slice %arg6[%dma_wait3A_78, %dma_wait3A_79] : memref<256x128xf32, #tpu.memory_space<vmem>> -> memref<128x128xf32, #tpu.memory_space<vmem>>
    %dma_wait3A_81 = arith.constant 0 : i32
    %dma_wait3A_82 = tpu.memref_slice %arg8[%dma_wait3A_77, %dma_wait3A_81] : memref<2x128xi32, #tpu.memory_space<vmem>> -> memref<1x128xi32, #tpu.memory_space<vmem>>
    %dma_wait3A_83 = tpu.memref_squeeze %dma_wait3A_82 : memref<1x128xi32, #tpu.memory_space<vmem>> -> memref<128xi32, #tpu.memory_space<vmem>>
    %dma_wait3A_84 = arith.constant 0 : i32
    %dma_wait3A_85 = arith.constant 0 : i32
    %dma_wait3A_86 = tpu.memref_slice %arg5[%dma_wait3A_84, %dma_wait3A_85] : memref<24576x128xf32, #tpu.memory_space<hbm>> -> memref<24576x128xf32, #tpu.memory_space<hbm>>
    tpu.wait_indirect_dma semaphore(%arg9 : memref<!tpu.dma_semaphore, #tpu.memory_space<semaphore_mem>>) src(%dma_wait3A_80 : memref<128x128xf32, #tpu.memory_space<vmem>>) dst(%dma_wait3A_86 : memref<24576x128xf32, #tpu.memory_space<hbm>>)
    return
  }
}

#map = affine_map<(d0, d1) -> (0, 0)>
module attributes {stable_mosaic.version = 14 : i64} {
  func.func @body(%arg0: i32, %arg1: i32, %arg2: memref<16384x128xf32, #tpu.memory_space<hbm>>, %arg3: memref<64x128xi32, #tpu.memory_space<hbm>>, %arg4: memref<64x128xi32, #tpu.memory_space<hbm>>, %arg5: memref<24576x128xf32, #tpu.memory_space<hbm>>, %arg6: memref<256x128xf32, #tpu.memory_space<vmem>>, %arg7: memref<2x128xi32, #tpu.memory_space<vmem>>, %arg8: memref<2x128xi32, #tpu.memory_space<vmem>>, %arg9: memref<!tpu.dma_semaphore, #tpu.memory_space<semaphore_mem>>) attributes {dimension_semantics = [#tpu.dimension_semantics<core_parallel>, #tpu.dimension_semantics<subcore_parallel>], iteration_bounds = array<i64: 2, 16>, scalar_prefetch = 0 : i64, scratch_operands = 4 : i64, tpu.core_type = #tpu.core_type<sc_vector_subcore>, window_params = [{transform_indices = #map}, {transform_indices = #map}, {transform_indices = #map}, {transform_indices = #map}]} {
    %mul3A = arith.constant 2 : i32
    %mul3A_0 = arith.muli %arg1, %mul3A : i32
    %add3A = arith.addi %mul3A_0, %arg0 : i32
    %mul3A_1 = arith.constant 256 : i32
    %mul3A_2 = arith.muli %add3A, %mul3A_1 : i32
    %add3A_3 = arith.constant 0 : i32
    %add3A_4 = arith.addi %add3A_3, %mul3A_2 : i32
    %mul3A_5 = arith.constant 2 : i32
    %mul3A_6 = arith.muli %add3A, %mul3A_5 : i32
    "tpu.region"() ({
      %run_scoped3A = tpu.sem_alloc : memref<!tpu.dma_semaphore, #tpu.memory_space<semaphore_mem>>
      %dma_start3A_87 = arith.constant 0 : i32
      %dma_start3A_88 = tpu.memref_slice %arg3[%mul3A_6, %dma_start3A_87] : memref<64x128xi32, #tpu.memory_space<hbm>> -> memref<2x128xi32, #tpu.memory_space<hbm>>
      %dma_start3A_89 = arith.constant 0 : i32
      %dma_start3A_90 = tpu.memref_slice %arg3[%mul3A_6, %dma_start3A_89] : memref<64x128xi32, #tpu.memory_space<hbm>> -> memref<2x128xi32, #tpu.memory_space<hbm>>
      tpu.enqueue_dma source(%dma_start3A_90 : memref<2x128xi32, #tpu.memory_space<hbm>>) target(%arg7 : memref<2x128xi32, #tpu.memory_space<vmem>>) target_semaphore(%run_scoped3A : memref<!tpu.dma_semaphore, #tpu.memory_space<semaphore_mem>>)
      %dma_wait3A_91 = arith.constant 0 : i32
      %dma_wait3A_92 = tpu.memref_slice %arg3[%mul3A_6, %dma_wait3A_91] : memref<64x128xi32, #tpu.memory_space<hbm>> -> memref<2x128xi32, #tpu.memory_space<hbm>>
      %dma_wait3A_93 = arith.constant 0 : i32
      %dma_wait3A_94 = tpu.memref_slice %arg3[%mul3A_6, %dma_wait3A_93] : memref<64x128xi32, #tpu.memory_space<hbm>> -> memref<2x128xi32, #tpu.memory_space<hbm>>
      tpu.wait_dma2 semaphore(%run_scoped3A : memref<!tpu.dma_semaphore, #tpu.memory_space<semaphore_mem>>) src(%dma_wait3A_94 : memref<2x128xi32, #tpu.memory_space<hbm>>) dst(%arg7 : memref<2x128xi32, #tpu.memory_space<vmem>>)
      tpu.yield
    }) : () -> ()
    %mul3A_7 = arith.constant 2 : i32
    %mul3A_8 = arith.muli %add3A, %mul3A_7 : i32
    "tpu.region"() ({
      %run_scoped3A = tpu.sem_alloc : memref<!tpu.dma_semaphore, #tpu.memory_space<semaphore_mem>>
      %dma_start3A_87 = arith.constant 0 : i32
      %dma_start3A_88 = tpu.memref_slice %arg4[%mul3A_8, %dma_start3A_87] : memref<64x128xi32, #tpu.memory_space<hbm>> -> memref<2x128xi32, #tpu.memory_space<hbm>>
      %dma_start3A_89 = arith.constant 0 : i32
      %dma_start3A_90 = tpu.memref_slice %arg4[%mul3A_8, %dma_start3A_89] : memref<64x128xi32, #tpu.memory_space<hbm>> -> memref<2x128xi32, #tpu.memory_space<hbm>>
      tpu.enqueue_dma source(%dma_start3A_90 : memref<2x128xi32, #tpu.memory_space<hbm>>) target(%arg8 : memref<2x128xi32, #tpu.memory_space<vmem>>) target_semaphore(%run_scoped3A : memref<!tpu.dma_semaphore, #tpu.memory_space<semaphore_mem>>)
      %dma_wait3A_91 = arith.constant 0 : i32
      %dma_wait3A_92 = tpu.memref_slice %arg4[%mul3A_8, %dma_wait3A_91] : memref<64x128xi32, #tpu.memory_space<hbm>> -> memref<2x128xi32, #tpu.memory_space<hbm>>
      %dma_wait3A_93 = arith.constant 0 : i32
      %dma_wait3A_94 = tpu.memref_slice %arg4[%mul3A_8, %dma_wait3A_93] : memref<64x128xi32, #tpu.memory_space<hbm>> -> memref<2x128xi32, #tpu.memory_space<hbm>>
      tpu.wait_dma2 semaphore(%run_scoped3A : memref<!tpu.dma_semaphore, #tpu.memory_space<semaphore_mem>>) src(%dma_wait3A_94 : memref<2x128xi32, #tpu.memory_space<hbm>>) dst(%arg8 : memref<2x128xi32, #tpu.memory_space<vmem>>)
      tpu.yield
    }) : () -> ()
    "tpu.region"() ({
      %run_scoped3A = tpu.sem_alloc : memref<!tpu.dma_semaphore, #tpu.memory_space<semaphore_mem>>
      %dma_start3A_87 = arith.constant 0 : i32
      %dma_start3A_88 = tpu.memref_slice %arg2[%add3A_4, %dma_start3A_87] : memref<16384x128xf32, #tpu.memory_space<hbm>> -> memref<256x128xf32, #tpu.memory_space<hbm>>
      %dma_start3A_89 = arith.constant 0 : i32
      %dma_start3A_90 = tpu.memref_slice %arg2[%add3A_4, %dma_start3A_89] : memref<16384x128xf32, #tpu.memory_space<hbm>> -> memref<256x128xf32, #tpu.memory_space<hbm>>
      tpu.enqueue_dma source(%dma_start3A_90 : memref<256x128xf32, #tpu.memory_space<hbm>>) target(%arg6 : memref<256x128xf32, #tpu.memory_space<vmem>>) target_semaphore(%run_scoped3A : memref<!tpu.dma_semaphore, #tpu.memory_space<semaphore_mem>>)
      %dma_wait3A_91 = arith.constant 0 : i32
      %dma_wait3A_92 = tpu.memref_slice %arg2[%add3A_4, %dma_wait3A_91] : memref<16384x128xf32, #tpu.memory_space<hbm>> -> memref<256x128xf32, #tpu.memory_space<hbm>>
      %dma_wait3A_93 = arith.constant 0 : i32
      %dma_wait3A_94 = tpu.memref_slice %arg2[%add3A_4, %dma_wait3A_93] : memref<16384x128xf32, #tpu.memory_space<hbm>> -> memref<256x128xf32, #tpu.memory_space<hbm>>
      tpu.wait_dma2 semaphore(%run_scoped3A : memref<!tpu.dma_semaphore, #tpu.memory_space<semaphore_mem>>) src(%dma_wait3A_94 : memref<256x128xf32, #tpu.memory_space<hbm>>) dst(%arg6 : memref<256x128xf32, #tpu.memory_space<vmem>>)
      tpu.yield
    }) : () -> ()
    %dma_start3A = arith.constant 0 : i32
    %dma_start3A_9 = arith.constant 0 : i32
    %dma_start3A_10 = arith.constant 0 : i32
    %dma_start3A_11 = tpu.memref_slice %arg6[%dma_start3A_9, %dma_start3A_10] : memref<256x128xf32, #tpu.memory_space<vmem>> -> memref<128x128xf32, #tpu.memory_space<vmem>>
    %dma_start3A_12 = arith.constant 0 : i32
    %dma_start3A_13 = tpu.memref_slice %arg7[%dma_start3A, %dma_start3A_12] : memref<2x128xi32, #tpu.memory_space<vmem>> -> memref<1x128xi32, #tpu.memory_space<vmem>>
    %dma_start3A_14 = tpu.memref_squeeze %dma_start3A_13 : memref<1x128xi32, #tpu.memory_space<vmem>> -> memref<128xi32, #tpu.memory_space<vmem>>
    %dma_start3A_15 = arith.constant 0 : i32
    %dma_start3A_16 = arith.constant 0 : i32
    %dma_start3A_17 = tpu.memref_slice %arg5[%dma_start3A_15, %dma_start3A_16] : memref<24576x128xf32, #tpu.memory_space<hbm>> -> memref<24576x128xf32, #tpu.memory_space<hbm>>
    tpu.enqueue_indirect_dma source(%dma_start3A_11 : memref<128x128xf32, #tpu.memory_space<vmem>>) target(%dma_start3A_17 : memref<24576x128xf32, #tpu.memory_space<hbm>>) offsets(%dma_start3A_14 : memref<128xi32, #tpu.memory_space<vmem>>) semaphore(%arg9 : memref<!tpu.dma_semaphore, #tpu.memory_space<semaphore_mem>>)
    %dma_start3A_18 = arith.constant 0 : i32
    %dma_start3A_19 = arith.constant 0 : i32
    %dma_start3A_20 = arith.constant 0 : i32
    %dma_start3A_21 = tpu.memref_slice %arg6[%dma_start3A_19, %dma_start3A_20] : memref<256x128xf32, #tpu.memory_space<vmem>> -> memref<128x128xf32, #tpu.memory_space<vmem>>
    %dma_start3A_22 = arith.constant 0 : i32
    %dma_start3A_23 = tpu.memref_slice %arg8[%dma_start3A_18, %dma_start3A_22] : memref<2x128xi32, #tpu.memory_space<vmem>> -> memref<1x128xi32, #tpu.memory_space<vmem>>
    %dma_start3A_24 = tpu.memref_squeeze %dma_start3A_23 : memref<1x128xi32, #tpu.memory_space<vmem>> -> memref<128xi32, #tpu.memory_space<vmem>>
    %dma_start3A_25 = arith.constant 0 : i32
    %dma_start3A_26 = arith.constant 0 : i32
    %dma_start3A_27 = tpu.memref_slice %arg5[%dma_start3A_25, %dma_start3A_26] : memref<24576x128xf32, #tpu.memory_space<hbm>> -> memref<24576x128xf32, #tpu.memory_space<hbm>>
    tpu.enqueue_indirect_dma source(%dma_start3A_21 : memref<128x128xf32, #tpu.memory_space<vmem>>) target(%dma_start3A_27 : memref<24576x128xf32, #tpu.memory_space<hbm>>) offsets(%dma_start3A_24 : memref<128xi32, #tpu.memory_space<vmem>>) semaphore(%arg9 : memref<!tpu.dma_semaphore, #tpu.memory_space<semaphore_mem>>)
    %dma_start3A_28 = arith.constant 1 : i32
    %dma_start3A_29 = arith.constant 128 : i32
    %dma_start3A_30 = arith.constant 0 : i32
    %dma_start3A_31 = tpu.memref_slice %arg6[%dma_start3A_29, %dma_start3A_30] : memref<256x128xf32, #tpu.memory_space<vmem>> -> memref<128x128xf32, #tpu.memory_space<vmem>>
    %dma_start3A_32 = arith.constant 0 : i32
    %dma_start3A_33 = tpu.memref_slice %arg7[%dma_start3A_28, %dma_start3A_32] : memref<2x128xi32, #tpu.memory_space<vmem>> -> memref<1x128xi32, #tpu.memory_space<vmem>>
    %dma_start3A_34 = tpu.memref_squeeze %dma_start3A_33 : memref<1x128xi32, #tpu.memory_space<vmem>> -> memref<128xi32, #tpu.memory_space<vmem>>
    %dma_start3A_35 = arith.constant 0 : i32
    %dma_start3A_36 = arith.constant 0 : i32
    %dma_start3A_37 = tpu.memref_slice %arg5[%dma_start3A_35, %dma_start3A_36] : memref<24576x128xf32, #tpu.memory_space<hbm>> -> memref<24576x128xf32, #tpu.memory_space<hbm>>
    tpu.enqueue_indirect_dma source(%dma_start3A_31 : memref<128x128xf32, #tpu.memory_space<vmem>>) target(%dma_start3A_37 : memref<24576x128xf32, #tpu.memory_space<hbm>>) offsets(%dma_start3A_34 : memref<128xi32, #tpu.memory_space<vmem>>) semaphore(%arg9 : memref<!tpu.dma_semaphore, #tpu.memory_space<semaphore_mem>>)
    %dma_start3A_38 = arith.constant 1 : i32
    %dma_start3A_39 = arith.constant 128 : i32
    %dma_start3A_40 = arith.constant 0 : i32
    %dma_start3A_41 = tpu.memref_slice %arg6[%dma_start3A_39, %dma_start3A_40] : memref<256x128xf32, #tpu.memory_space<vmem>> -> memref<128x128xf32, #tpu.memory_space<vmem>>
    %dma_start3A_42 = arith.constant 0 : i32
    %dma_start3A_43 = tpu.memref_slice %arg8[%dma_start3A_38, %dma_start3A_42] : memref<2x128xi32, #tpu.memory_space<vmem>> -> memref<1x128xi32, #tpu.memory_space<vmem>>
    %dma_start3A_44 = tpu.memref_squeeze %dma_start3A_43 : memref<1x128xi32, #tpu.memory_space<vmem>> -> memref<128xi32, #tpu.memory_space<vmem>>
    %dma_start3A_45 = arith.constant 0 : i32
    %dma_start3A_46 = arith.constant 0 : i32
    %dma_start3A_47 = tpu.memref_slice %arg5[%dma_start3A_45, %dma_start3A_46] : memref<24576x128xf32, #tpu.memory_space<hbm>> -> memref<24576x128xf32, #tpu.memory_space<hbm>>
    tpu.enqueue_indirect_dma source(%dma_start3A_41 : memref<128x128xf32, #tpu.memory_space<vmem>>) target(%dma_start3A_47 : memref<24576x128xf32, #tpu.memory_space<hbm>>) offsets(%dma_start3A_44 : memref<128xi32, #tpu.memory_space<vmem>>) semaphore(%arg9 : memref<!tpu.dma_semaphore, #tpu.memory_space<semaphore_mem>>)
    %dma_wait3A = arith.constant 0 : i32
    %dma_wait3A_48 = arith.constant 0 : i32
    %dma_wait3A_49 = arith.constant 0 : i32
    %dma_wait3A_50 = tpu.memref_slice %arg6[%dma_wait3A_48, %dma_wait3A_49] : memref<256x128xf32, #tpu.memory_space<vmem>> -> memref<128x128xf32, #tpu.memory_space<vmem>>
    %dma_wait3A_51 = arith.constant 0 : i32
    %dma_wait3A_52 = tpu.memref_slice %arg7[%dma_wait3A, %dma_wait3A_51] : memref<2x128xi32, #tpu.memory_space<vmem>> -> memref<1x128xi32, #tpu.memory_space<vmem>>
    %dma_wait3A_53 = tpu.memref_squeeze %dma_wait3A_52 : memref<1x128xi32, #tpu.memory_space<vmem>> -> memref<128xi32, #tpu.memory_space<vmem>>
    %dma_wait3A_54 = arith.constant 0 : i32
    %dma_wait3A_55 = arith.constant 0 : i32
    %dma_wait3A_56 = tpu.memref_slice %arg5[%dma_wait3A_54, %dma_wait3A_55] : memref<24576x128xf32, #tpu.memory_space<hbm>> -> memref<24576x128xf32, #tpu.memory_space<hbm>>
    tpu.wait_indirect_dma semaphore(%arg9 : memref<!tpu.dma_semaphore, #tpu.memory_space<semaphore_mem>>) src(%dma_wait3A_50 : memref<128x128xf32, #tpu.memory_space<vmem>>) dst(%dma_wait3A_56 : memref<24576x128xf32, #tpu.memory_space<hbm>>)
    %dma_wait3A_57 = arith.constant 0 : i32
    %dma_wait3A_58 = arith.constant 0 : i32
    %dma_wait3A_59 = arith.constant 0 : i32
    %dma_wait3A_60 = tpu.memref_slice %arg6[%dma_wait3A_58, %dma_wait3A_59] : memref<256x128xf32, #tpu.memory_space<vmem>> -> memref<128x128xf32, #tpu.memory_space<vmem>>
    %dma_wait3A_61 = arith.constant 0 : i32
    %dma_wait3A_62 = tpu.memref_slice %arg8[%dma_wait3A_57, %dma_wait3A_61] : memref<2x128xi32, #tpu.memory_space<vmem>> -> memref<1x128xi32, #tpu.memory_space<vmem>>
    %dma_wait3A_63 = tpu.memref_squeeze %dma_wait3A_62 : memref<1x128xi32, #tpu.memory_space<vmem>> -> memref<128xi32, #tpu.memory_space<vmem>>
    %dma_wait3A_64 = arith.constant 0 : i32
    %dma_wait3A_65 = arith.constant 0 : i32
    %dma_wait3A_66 = tpu.memref_slice %arg5[%dma_wait3A_64, %dma_wait3A_65] : memref<24576x128xf32, #tpu.memory_space<hbm>> -> memref<24576x128xf32, #tpu.memory_space<hbm>>
    tpu.wait_indirect_dma semaphore(%arg9 : memref<!tpu.dma_semaphore, #tpu.memory_space<semaphore_mem>>) src(%dma_wait3A_60 : memref<128x128xf32, #tpu.memory_space<vmem>>) dst(%dma_wait3A_66 : memref<24576x128xf32, #tpu.memory_space<hbm>>)
    %dma_wait3A_67 = arith.constant 1 : i32
    %dma_wait3A_68 = arith.constant 128 : i32
    %dma_wait3A_69 = arith.constant 0 : i32
    %dma_wait3A_70 = tpu.memref_slice %arg6[%dma_wait3A_68, %dma_wait3A_69] : memref<256x128xf32, #tpu.memory_space<vmem>> -> memref<128x128xf32, #tpu.memory_space<vmem>>
    %dma_wait3A_71 = arith.constant 0 : i32
    %dma_wait3A_72 = tpu.memref_slice %arg7[%dma_wait3A_67, %dma_wait3A_71] : memref<2x128xi32, #tpu.memory_space<vmem>> -> memref<1x128xi32, #tpu.memory_space<vmem>>
    %dma_wait3A_73 = tpu.memref_squeeze %dma_wait3A_72 : memref<1x128xi32, #tpu.memory_space<vmem>> -> memref<128xi32, #tpu.memory_space<vmem>>
    %dma_wait3A_74 = arith.constant 0 : i32
    %dma_wait3A_75 = arith.constant 0 : i32
    %dma_wait3A_76 = tpu.memref_slice %arg5[%dma_wait3A_74, %dma_wait3A_75] : memref<24576x128xf32, #tpu.memory_space<hbm>> -> memref<24576x128xf32, #tpu.memory_space<hbm>>
    tpu.wait_indirect_dma semaphore(%arg9 : memref<!tpu.dma_semaphore, #tpu.memory_space<semaphore_mem>>) src(%dma_wait3A_70 : memref<128x128xf32, #tpu.memory_space<vmem>>) dst(%dma_wait3A_76 : memref<24576x128xf32, #tpu.memory_space<hbm>>)
    %dma_wait3A_77 = arith.constant 1 : i32
    %dma_wait3A_78 = arith.constant 128 : i32
    %dma_wait3A_79 = arith.constant 0 : i32
    %dma_wait3A_80 = tpu.memref_slice %arg6[%dma_wait3A_78, %dma_wait3A_79] : memref<256x128xf32, #tpu.memory_space<vmem>> -> memref<128x128xf32, #tpu.memory_space<vmem>>
    %dma_wait3A_81 = arith.constant 0 : i32
    %dma_wait3A_82 = tpu.memref_slice %arg8[%dma_wait3A_77, %dma_wait3A_81] : memref<2x128xi32, #tpu.memory_space<vmem>> -> memref<1x128xi32, #tpu.memory_space<vmem>>
    %dma_wait3A_83 = tpu.memref_squeeze %dma_wait3A_82 : memref<1x128xi32, #tpu.memory_space<vmem>> -> memref<128xi32, #tpu.memory_space<vmem>>
    %dma_wait3A_84 = arith.constant 0 : i32
    %dma_wait3A_85 = arith.constant 0 : i32
    %dma_wait3A_86 = tpu.memref_slice %arg5[%dma_wait3A_84, %dma_wait3A_85] : memref<24576x128xf32, #tpu.memory_space<hbm>> -> memref<24576x128xf32, #tpu.memory_space<hbm>>
    tpu.wait_indirect_dma semaphore(%arg9 : memref<!tpu.dma_semaphore, #tpu.memory_space<semaphore_mem>>) src(%dma_wait3A_80 : memref<128x128xf32, #tpu.memory_space<vmem>>) dst(%dma_wait3A_86 : memref<24576x128xf32, #tpu.memory_space<hbm>>)
    return
  }
}

#map = affine_map<(d0, d1) -> (0, 0)>
module attributes {stable_mosaic.version = 14 : i64} {
  func.func @_combine_body(%arg0: i32, %arg1: i32, %arg2: memref<24576x128xf32, #tpu.memory_space<hbm>>, %arg3: memref<64x128xi32, #tpu.memory_space<hbm>>, %arg4: memref<64x128xi32, #tpu.memory_space<hbm>>, %arg5: memref<8192x128xf32, #tpu.memory_space<hbm>>, %arg6: memref<8192x128xf32, #tpu.memory_space<hbm>>, %arg7: memref<2x128xi32, #tpu.memory_space<vmem>>, %arg8: memref<2x128xi32, #tpu.memory_space<vmem>>, %arg9: memref<256x128xf32, #tpu.memory_space<vmem>>, %arg10: memref<256x128xf32, #tpu.memory_space<vmem>>, %arg11: memref<!tpu.dma_semaphore, #tpu.memory_space<semaphore_mem>>, %arg12: memref<!tpu.dma_semaphore, #tpu.memory_space<semaphore_mem>>) attributes {dimension_semantics = [#tpu.dimension_semantics<core_parallel>, #tpu.dimension_semantics<subcore_parallel>], iteration_bounds = array<i64: 2, 16>, scalar_prefetch = 0 : i64, scratch_operands = 6 : i64, tpu.core_type = #tpu.core_type<sc_vector_subcore>, window_params = [{transform_indices = #map}, {transform_indices = #map}, {transform_indices = #map}, {transform_indices = #map}, {transform_indices = #map}]} {
    %mul3A = arith.constant 2 : i32
    %mul3A_0 = arith.muli %arg1, %mul3A : i32
    %add3A = arith.addi %mul3A_0, %arg0 : i32
    %mul3A_1 = arith.constant 256 : i32
    %mul3A_2 = arith.muli %add3A, %mul3A_1 : i32
    %mul3A_3 = arith.constant 2 : i32
    %mul3A_4 = arith.muli %add3A, %mul3A_3 : i32
    "tpu.region"() ({
      %run_scoped3A = tpu.sem_alloc : memref<!tpu.dma_semaphore, #tpu.memory_space<semaphore_mem>>
      %dma_start3A_101 = arith.constant 0 : i32
      %dma_start3A_102 = tpu.memref_slice %arg3[%mul3A_4, %dma_start3A_101] : memref<64x128xi32, #tpu.memory_space<hbm>> -> memref<2x128xi32, #tpu.memory_space<hbm>>
      %dma_start3A_103 = arith.constant 0 : i32
      %dma_start3A_104 = tpu.memref_slice %arg3[%mul3A_4, %dma_start3A_103] : memref<64x128xi32, #tpu.memory_space<hbm>> -> memref<2x128xi32, #tpu.memory_space<hbm>>
      tpu.enqueue_dma source(%dma_start3A_104 : memref<2x128xi32, #tpu.memory_space<hbm>>) target(%arg7 : memref<2x128xi32, #tpu.memory_space<vmem>>) target_semaphore(%run_scoped3A : memref<!tpu.dma_semaphore, #tpu.memory_space<semaphore_mem>>)
      %dma_wait3A_105 = arith.constant 0 : i32
      %dma_wait3A_106 = tpu.memref_slice %arg3[%mul3A_4, %dma_wait3A_105] : memref<64x128xi32, #tpu.memory_space<hbm>> -> memref<2x128xi32, #tpu.memory_space<hbm>>
      %dma_wait3A_107 = arith.constant 0 : i32
      %dma_wait3A_108 = tpu.memref_slice %arg3[%mul3A_4, %dma_wait3A_107] : memref<64x128xi32, #tpu.memory_space<hbm>> -> memref<2x128xi32, #tpu.memory_space<hbm>>
      tpu.wait_dma2 semaphore(%run_scoped3A : memref<!tpu.dma_semaphore, #tpu.memory_space<semaphore_mem>>) src(%dma_wait3A_108 : memref<2x128xi32, #tpu.memory_space<hbm>>) dst(%arg7 : memref<2x128xi32, #tpu.memory_space<vmem>>)
      tpu.yield
    }) : () -> ()
    %mul3A_5 = arith.constant 2 : i32
    %mul3A_6 = arith.muli %add3A, %mul3A_5 : i32
    "tpu.region"() ({
      %run_scoped3A = tpu.sem_alloc : memref<!tpu.dma_semaphore, #tpu.memory_space<semaphore_mem>>
      %dma_start3A_101 = arith.constant 0 : i32
      %dma_start3A_102 = tpu.memref_slice %arg4[%mul3A_6, %dma_start3A_101] : memref<64x128xi32, #tpu.memory_space<hbm>> -> memref<2x128xi32, #tpu.memory_space<hbm>>
      %dma_start3A_103 = arith.constant 0 : i32
      %dma_start3A_104 = tpu.memref_slice %arg4[%mul3A_6, %dma_start3A_103] : memref<64x128xi32, #tpu.memory_space<hbm>> -> memref<2x128xi32, #tpu.memory_space<hbm>>
      tpu.enqueue_dma source(%dma_start3A_104 : memref<2x128xi32, #tpu.memory_space<hbm>>) target(%arg8 : memref<2x128xi32, #tpu.memory_space<vmem>>) target_semaphore(%run_scoped3A : memref<!tpu.dma_semaphore, #tpu.memory_space<semaphore_mem>>)
      %dma_wait3A_105 = arith.constant 0 : i32
      %dma_wait3A_106 = tpu.memref_slice %arg4[%mul3A_6, %dma_wait3A_105] : memref<64x128xi32, #tpu.memory_space<hbm>> -> memref<2x128xi32, #tpu.memory_space<hbm>>
      %dma_wait3A_107 = arith.constant 0 : i32
      %dma_wait3A_108 = tpu.memref_slice %arg4[%mul3A_6, %dma_wait3A_107] : memref<64x128xi32, #tpu.memory_space<hbm>> -> memref<2x128xi32, #tpu.memory_space<hbm>>
      tpu.wait_dma2 semaphore(%run_scoped3A : memref<!tpu.dma_semaphore, #tpu.memory_space<semaphore_mem>>) src(%dma_wait3A_108 : memref<2x128xi32, #tpu.memory_space<hbm>>) dst(%arg8 : memref<2x128xi32, #tpu.memory_space<vmem>>)
      tpu.yield
    }) : () -> ()
    %dma_start3A = arith.constant 0 : i32
    %dma_start3A_7 = arith.constant 0 : i32
    %dma_start3A_8 = arith.constant 0 : i32
    %dma_start3A_9 = tpu.memref_slice %arg9[%dma_start3A_7, %dma_start3A_8] : memref<256x128xf32, #tpu.memory_space<vmem>> -> memref<128x128xf32, #tpu.memory_space<vmem>>
    %dma_start3A_10 = arith.constant 0 : i32
    %dma_start3A_11 = tpu.memref_slice %arg7[%dma_start3A, %dma_start3A_10] : memref<2x128xi32, #tpu.memory_space<vmem>> -> memref<1x128xi32, #tpu.memory_space<vmem>>
    %dma_start3A_12 = tpu.memref_squeeze %dma_start3A_11 : memref<1x128xi32, #tpu.memory_space<vmem>> -> memref<128xi32, #tpu.memory_space<vmem>>
    %dma_start3A_13 = arith.constant 0 : i32
    %dma_start3A_14 = arith.constant 0 : i32
    %dma_start3A_15 = tpu.memref_slice %arg2[%dma_start3A_13, %dma_start3A_14] : memref<24576x128xf32, #tpu.memory_space<hbm>> -> memref<24576x128xf32, #tpu.memory_space<hbm>>
    tpu.enqueue_indirect_dma source(%dma_start3A_15 : memref<24576x128xf32, #tpu.memory_space<hbm>>) target(%dma_start3A_9 : memref<128x128xf32, #tpu.memory_space<vmem>>) offsets(%dma_start3A_12 : memref<128xi32, #tpu.memory_space<vmem>>) semaphore(%arg11 : memref<!tpu.dma_semaphore, #tpu.memory_space<semaphore_mem>>)
    %dma_start3A_16 = arith.constant 0 : i32
    %dma_start3A_17 = arith.constant 0 : i32
    %dma_start3A_18 = arith.constant 0 : i32
    %dma_start3A_19 = tpu.memref_slice %arg10[%dma_start3A_17, %dma_start3A_18] : memref<256x128xf32, #tpu.memory_space<vmem>> -> memref<128x128xf32, #tpu.memory_space<vmem>>
    %dma_start3A_20 = arith.constant 0 : i32
    %dma_start3A_21 = tpu.memref_slice %arg8[%dma_start3A_16, %dma_start3A_20] : memref<2x128xi32, #tpu.memory_space<vmem>> -> memref<1x128xi32, #tpu.memory_space<vmem>>
    %dma_start3A_22 = tpu.memref_squeeze %dma_start3A_21 : memref<1x128xi32, #tpu.memory_space<vmem>> -> memref<128xi32, #tpu.memory_space<vmem>>
    %dma_start3A_23 = arith.constant 0 : i32
    %dma_start3A_24 = arith.constant 0 : i32
    %dma_start3A_25 = tpu.memref_slice %arg2[%dma_start3A_23, %dma_start3A_24] : memref<24576x128xf32, #tpu.memory_space<hbm>> -> memref<24576x128xf32, #tpu.memory_space<hbm>>
    tpu.enqueue_indirect_dma source(%dma_start3A_25 : memref<24576x128xf32, #tpu.memory_space<hbm>>) target(%dma_start3A_19 : memref<128x128xf32, #tpu.memory_space<vmem>>) offsets(%dma_start3A_22 : memref<128xi32, #tpu.memory_space<vmem>>) semaphore(%arg11 : memref<!tpu.dma_semaphore, #tpu.memory_space<semaphore_mem>>)
    %dma_start3A_26 = arith.constant 1 : i32
    %dma_start3A_27 = arith.constant 128 : i32
    %dma_start3A_28 = arith.constant 0 : i32
    %dma_start3A_29 = tpu.memref_slice %arg9[%dma_start3A_27, %dma_start3A_28] : memref<256x128xf32, #tpu.memory_space<vmem>> -> memref<128x128xf32, #tpu.memory_space<vmem>>
    %dma_start3A_30 = arith.constant 0 : i32
    %dma_start3A_31 = tpu.memref_slice %arg7[%dma_start3A_26, %dma_start3A_30] : memref<2x128xi32, #tpu.memory_space<vmem>> -> memref<1x128xi32, #tpu.memory_space<vmem>>
    %dma_start3A_32 = tpu.memref_squeeze %dma_start3A_31 : memref<1x128xi32, #tpu.memory_space<vmem>> -> memref<128xi32, #tpu.memory_space<vmem>>
    %dma_start3A_33 = arith.constant 0 : i32
    %dma_start3A_34 = arith.constant 0 : i32
    %dma_start3A_35 = tpu.memref_slice %arg2[%dma_start3A_33, %dma_start3A_34] : memref<24576x128xf32, #tpu.memory_space<hbm>> -> memref<24576x128xf32, #tpu.memory_space<hbm>>
    tpu.enqueue_indirect_dma source(%dma_start3A_35 : memref<24576x128xf32, #tpu.memory_space<hbm>>) target(%dma_start3A_29 : memref<128x128xf32, #tpu.memory_space<vmem>>) offsets(%dma_start3A_32 : memref<128xi32, #tpu.memory_space<vmem>>) semaphore(%arg11 : memref<!tpu.dma_semaphore, #tpu.memory_space<semaphore_mem>>)
    %dma_start3A_36 = arith.constant 1 : i32
    %dma_start3A_37 = arith.constant 128 : i32
    %dma_start3A_38 = arith.constant 0 : i32
    %dma_start3A_39 = tpu.memref_slice %arg10[%dma_start3A_37, %dma_start3A_38] : memref<256x128xf32, #tpu.memory_space<vmem>> -> memref<128x128xf32, #tpu.memory_space<vmem>>
    %dma_start3A_40 = arith.constant 0 : i32
    %dma_start3A_41 = tpu.memref_slice %arg8[%dma_start3A_36, %dma_start3A_40] : memref<2x128xi32, #tpu.memory_space<vmem>> -> memref<1x128xi32, #tpu.memory_space<vmem>>
    %dma_start3A_42 = tpu.memref_squeeze %dma_start3A_41 : memref<1x128xi32, #tpu.memory_space<vmem>> -> memref<128xi32, #tpu.memory_space<vmem>>
    %dma_start3A_43 = arith.constant 0 : i32
    %dma_start3A_44 = arith.constant 0 : i32
    %dma_start3A_45 = tpu.memref_slice %arg2[%dma_start3A_43, %dma_start3A_44] : memref<24576x128xf32, #tpu.memory_space<hbm>> -> memref<24576x128xf32, #tpu.memory_space<hbm>>
    tpu.enqueue_indirect_dma source(%dma_start3A_45 : memref<24576x128xf32, #tpu.memory_space<hbm>>) target(%dma_start3A_39 : memref<128x128xf32, #tpu.memory_space<vmem>>) offsets(%dma_start3A_42 : memref<128xi32, #tpu.memory_space<vmem>>) semaphore(%arg11 : memref<!tpu.dma_semaphore, #tpu.memory_space<semaphore_mem>>)
    %dma_wait3A = arith.constant 0 : i32
    %dma_wait3A_46 = arith.constant 0 : i32
    %dma_wait3A_47 = arith.constant 0 : i32
    %dma_wait3A_48 = tpu.memref_slice %arg9[%dma_wait3A_46, %dma_wait3A_47] : memref<256x128xf32, #tpu.memory_space<vmem>> -> memref<128x128xf32, #tpu.memory_space<vmem>>
    %dma_wait3A_49 = arith.constant 0 : i32
    %dma_wait3A_50 = tpu.memref_slice %arg7[%dma_wait3A, %dma_wait3A_49] : memref<2x128xi32, #tpu.memory_space<vmem>> -> memref<1x128xi32, #tpu.memory_space<vmem>>
    %dma_wait3A_51 = tpu.memref_squeeze %dma_wait3A_50 : memref<1x128xi32, #tpu.memory_space<vmem>> -> memref<128xi32, #tpu.memory_space<vmem>>
    %dma_wait3A_52 = arith.constant 0 : i32
    %dma_wait3A_53 = arith.constant 0 : i32
    %dma_wait3A_54 = tpu.memref_slice %arg2[%dma_wait3A_52, %dma_wait3A_53] : memref<24576x128xf32, #tpu.memory_space<hbm>> -> memref<24576x128xf32, #tpu.memory_space<hbm>>
    tpu.wait_indirect_dma semaphore(%arg11 : memref<!tpu.dma_semaphore, #tpu.memory_space<semaphore_mem>>) src(%dma_wait3A_54 : memref<24576x128xf32, #tpu.memory_space<hbm>>) dst(%dma_wait3A_48 : memref<128x128xf32, #tpu.memory_space<vmem>>)
    %dma_wait3A_55 = arith.constant 0 : i32
    %dma_wait3A_56 = arith.constant 0 : i32
    %dma_wait3A_57 = arith.constant 0 : i32
    %dma_wait3A_58 = tpu.memref_slice %arg10[%dma_wait3A_56, %dma_wait3A_57] : memref<256x128xf32, #tpu.memory_space<vmem>> -> memref<128x128xf32, #tpu.memory_space<vmem>>
    %dma_wait3A_59 = arith.constant 0 : i32
    %dma_wait3A_60 = tpu.memref_slice %arg8[%dma_wait3A_55, %dma_wait3A_59] : memref<2x128xi32, #tpu.memory_space<vmem>> -> memref<1x128xi32, #tpu.memory_space<vmem>>
    %dma_wait3A_61 = tpu.memref_squeeze %dma_wait3A_60 : memref<1x128xi32, #tpu.memory_space<vmem>> -> memref<128xi32, #tpu.memory_space<vmem>>
    %dma_wait3A_62 = arith.constant 0 : i32
    %dma_wait3A_63 = arith.constant 0 : i32
    %dma_wait3A_64 = tpu.memref_slice %arg2[%dma_wait3A_62, %dma_wait3A_63] : memref<24576x128xf32, #tpu.memory_space<hbm>> -> memref<24576x128xf32, #tpu.memory_space<hbm>>
    tpu.wait_indirect_dma semaphore(%arg11 : memref<!tpu.dma_semaphore, #tpu.memory_space<semaphore_mem>>) src(%dma_wait3A_64 : memref<24576x128xf32, #tpu.memory_space<hbm>>) dst(%dma_wait3A_58 : memref<128x128xf32, #tpu.memory_space<vmem>>)
    %dma_wait3A_65 = arith.constant 1 : i32
    %dma_wait3A_66 = arith.constant 128 : i32
    %dma_wait3A_67 = arith.constant 0 : i32
    %dma_wait3A_68 = tpu.memref_slice %arg9[%dma_wait3A_66, %dma_wait3A_67] : memref<256x128xf32, #tpu.memory_space<vmem>> -> memref<128x128xf32, #tpu.memory_space<vmem>>
    %dma_wait3A_69 = arith.constant 0 : i32
    %dma_wait3A_70 = tpu.memref_slice %arg7[%dma_wait3A_65, %dma_wait3A_69] : memref<2x128xi32, #tpu.memory_space<vmem>> -> memref<1x128xi32, #tpu.memory_space<vmem>>
    %dma_wait3A_71 = tpu.memref_squeeze %dma_wait3A_70 : memref<1x128xi32, #tpu.memory_space<vmem>> -> memref<128xi32, #tpu.memory_space<vmem>>
    %dma_wait3A_72 = arith.constant 0 : i32
    %dma_wait3A_73 = arith.constant 0 : i32
    %dma_wait3A_74 = tpu.memref_slice %arg2[%dma_wait3A_72, %dma_wait3A_73] : memref<24576x128xf32, #tpu.memory_space<hbm>> -> memref<24576x128xf32, #tpu.memory_space<hbm>>
    tpu.wait_indirect_dma semaphore(%arg11 : memref<!tpu.dma_semaphore, #tpu.memory_space<semaphore_mem>>) src(%dma_wait3A_74 : memref<24576x128xf32, #tpu.memory_space<hbm>>) dst(%dma_wait3A_68 : memref<128x128xf32, #tpu.memory_space<vmem>>)
    %dma_wait3A_75 = arith.constant 1 : i32
    %dma_wait3A_76 = arith.constant 128 : i32
    %dma_wait3A_77 = arith.constant 0 : i32
    %dma_wait3A_78 = tpu.memref_slice %arg10[%dma_wait3A_76, %dma_wait3A_77] : memref<256x128xf32, #tpu.memory_space<vmem>> -> memref<128x128xf32, #tpu.memory_space<vmem>>
    %dma_wait3A_79 = arith.constant 0 : i32
    %dma_wait3A_80 = tpu.memref_slice %arg8[%dma_wait3A_75, %dma_wait3A_79] : memref<2x128xi32, #tpu.memory_space<vmem>> -> memref<1x128xi32, #tpu.memory_space<vmem>>
    %dma_wait3A_81 = tpu.memref_squeeze %dma_wait3A_80 : memref<1x128xi32, #tpu.memory_space<vmem>> -> memref<128xi32, #tpu.memory_space<vmem>>
    %dma_wait3A_82 = arith.constant 0 : i32
    %dma_wait3A_83 = arith.constant 0 : i32
    %dma_wait3A_84 = tpu.memref_slice %arg2[%dma_wait3A_82, %dma_wait3A_83] : memref<24576x128xf32, #tpu.memory_space<hbm>> -> memref<24576x128xf32, #tpu.memory_space<hbm>>
    tpu.wait_indirect_dma semaphore(%arg11 : memref<!tpu.dma_semaphore, #tpu.memory_space<semaphore_mem>>) src(%dma_wait3A_84 : memref<24576x128xf32, #tpu.memory_space<hbm>>) dst(%dma_wait3A_78 : memref<128x128xf32, #tpu.memory_space<vmem>>)
    %dma_start3A_85 = arith.constant 0 : i32
    %dma_start3A_86 = tpu.memref_slice %arg5[%mul3A_2, %dma_start3A_85] : memref<8192x128xf32, #tpu.memory_space<hbm>> -> memref<256x128xf32, #tpu.memory_space<hbm>>
    %dma_start3A_87 = arith.constant 0 : i32
    %dma_start3A_88 = tpu.memref_slice %arg5[%mul3A_2, %dma_start3A_87] : memref<8192x128xf32, #tpu.memory_space<hbm>> -> memref<256x128xf32, #tpu.memory_space<hbm>>
    tpu.enqueue_dma source(%arg9 : memref<256x128xf32, #tpu.memory_space<vmem>>) target(%dma_start3A_88 : memref<256x128xf32, #tpu.memory_space<hbm>>) target_semaphore(%arg12 : memref<!tpu.dma_semaphore, #tpu.memory_space<semaphore_mem>>)
    %dma_start3A_89 = arith.constant 0 : i32
    %dma_start3A_90 = tpu.memref_slice %arg6[%mul3A_2, %dma_start3A_89] : memref<8192x128xf32, #tpu.memory_space<hbm>> -> memref<256x128xf32, #tpu.memory_space<hbm>>
    %dma_start3A_91 = arith.constant 0 : i32
    %dma_start3A_92 = tpu.memref_slice %arg6[%mul3A_2, %dma_start3A_91] : memref<8192x128xf32, #tpu.memory_space<hbm>> -> memref<256x128xf32, #tpu.memory_space<hbm>>
    tpu.enqueue_dma source(%arg10 : memref<256x128xf32, #tpu.memory_space<vmem>>) target(%dma_start3A_92 : memref<256x128xf32, #tpu.memory_space<hbm>>) target_semaphore(%arg12 : memref<!tpu.dma_semaphore, #tpu.memory_space<semaphore_mem>>)
    %dma_wait3A_93 = arith.constant 0 : i32
    %dma_wait3A_94 = tpu.memref_slice %arg5[%mul3A_2, %dma_wait3A_93] : memref<8192x128xf32, #tpu.memory_space<hbm>> -> memref<256x128xf32, #tpu.memory_space<hbm>>
    %dma_wait3A_95 = arith.constant 0 : i32
    %dma_wait3A_96 = tpu.memref_slice %arg5[%mul3A_2, %dma_wait3A_95] : memref<8192x128xf32, #tpu.memory_space<hbm>> -> memref<256x128xf32, #tpu.memory_space<hbm>>
    tpu.wait_dma2 semaphore(%arg12 : memref<!tpu.dma_semaphore, #tpu.memory_space<semaphore_mem>>) src(%arg9 : memref<256x128xf32, #tpu.memory_space<vmem>>) dst(%dma_wait3A_96 : memref<256x128xf32, #tpu.memory_space<hbm>>)
    %dma_wait3A_97 = arith.constant 0 : i32
    %dma_wait3A_98 = tpu.memref_slice %arg6[%mul3A_2, %dma_wait3A_97] : memref<8192x128xf32, #tpu.memory_space<hbm>> -> memref<256x128xf32, #tpu.memory_space<hbm>>
    %dma_wait3A_99 = arith.constant 0 : i32
    %dma_wait3A_100 = tpu.memref_slice %arg6[%mul3A_2, %dma_wait3A_99] : memref<8192x128xf32, #tpu.memory_space<hbm>> -> memref<256x128xf32, #tpu.memory_space<hbm>>
    tpu.wait_dma2 semaphore(%arg12 : memref<!tpu.dma_semaphore, #tpu.memory_space<semaphore_mem>>) src(%arg10 : memref<256x128xf32, #tpu.memory_space<vmem>>) dst(%dma_wait3A_100 : memref<256x128xf32, #tpu.memory_space<hbm>>)
    return
  }
}

#map = affine_map<(d0, d1) -> (0, 0)>
module attributes {stable_mosaic.version = 14 : i64} {
  func.func @_combine_body(%arg0: i32, %arg1: i32, %arg2: memref<24576x128xf32, #tpu.memory_space<hbm>>, %arg3: memref<64x128xi32, #tpu.memory_space<hbm>>, %arg4: memref<64x128xi32, #tpu.memory_space<hbm>>, %arg5: memref<8192x128xf32, #tpu.memory_space<hbm>>, %arg6: memref<8192x128xf32, #tpu.memory_space<hbm>>, %arg7: memref<2x128xi32, #tpu.memory_space<vmem>>, %arg8: memref<2x128xi32, #tpu.memory_space<vmem>>, %arg9: memref<256x128xf32, #tpu.memory_space<vmem>>, %arg10: memref<256x128xf32, #tpu.memory_space<vmem>>, %arg11: memref<!tpu.dma_semaphore, #tpu.memory_space<semaphore_mem>>, %arg12: memref<!tpu.dma_semaphore, #tpu.memory_space<semaphore_mem>>) attributes {dimension_semantics = [#tpu.dimension_semantics<core_parallel>, #tpu.dimension_semantics<subcore_parallel>], iteration_bounds = array<i64: 2, 16>, scalar_prefetch = 0 : i64, scratch_operands = 6 : i64, tpu.core_type = #tpu.core_type<sc_vector_subcore>, window_params = [{transform_indices = #map}, {transform_indices = #map}, {transform_indices = #map}, {transform_indices = #map}, {transform_indices = #map}]} {
    %mul3A = arith.constant 2 : i32
    %mul3A_0 = arith.muli %arg1, %mul3A : i32
    %add3A = arith.addi %mul3A_0, %arg0 : i32
    %mul3A_1 = arith.constant 256 : i32
    %mul3A_2 = arith.muli %add3A, %mul3A_1 : i32
    %mul3A_3 = arith.constant 2 : i32
    %mul3A_4 = arith.muli %add3A, %mul3A_3 : i32
    "tpu.region"() ({
      %run_scoped3A = tpu.sem_alloc : memref<!tpu.dma_semaphore, #tpu.memory_space<semaphore_mem>>
      %dma_start3A_101 = arith.constant 0 : i32
      %dma_start3A_102 = tpu.memref_slice %arg3[%mul3A_4, %dma_start3A_101] : memref<64x128xi32, #tpu.memory_space<hbm>> -> memref<2x128xi32, #tpu.memory_space<hbm>>
      %dma_start3A_103 = arith.constant 0 : i32
      %dma_start3A_104 = tpu.memref_slice %arg3[%mul3A_4, %dma_start3A_103] : memref<64x128xi32, #tpu.memory_space<hbm>> -> memref<2x128xi32, #tpu.memory_space<hbm>>
      tpu.enqueue_dma source(%dma_start3A_104 : memref<2x128xi32, #tpu.memory_space<hbm>>) target(%arg7 : memref<2x128xi32, #tpu.memory_space<vmem>>) target_semaphore(%run_scoped3A : memref<!tpu.dma_semaphore, #tpu.memory_space<semaphore_mem>>)
      %dma_wait3A_105 = arith.constant 0 : i32
      %dma_wait3A_106 = tpu.memref_slice %arg3[%mul3A_4, %dma_wait3A_105] : memref<64x128xi32, #tpu.memory_space<hbm>> -> memref<2x128xi32, #tpu.memory_space<hbm>>
      %dma_wait3A_107 = arith.constant 0 : i32
      %dma_wait3A_108 = tpu.memref_slice %arg3[%mul3A_4, %dma_wait3A_107] : memref<64x128xi32, #tpu.memory_space<hbm>> -> memref<2x128xi32, #tpu.memory_space<hbm>>
      tpu.wait_dma2 semaphore(%run_scoped3A : memref<!tpu.dma_semaphore, #tpu.memory_space<semaphore_mem>>) src(%dma_wait3A_108 : memref<2x128xi32, #tpu.memory_space<hbm>>) dst(%arg7 : memref<2x128xi32, #tpu.memory_space<vmem>>)
      tpu.yield
    }) : () -> ()
    %mul3A_5 = arith.constant 2 : i32
    %mul3A_6 = arith.muli %add3A, %mul3A_5 : i32
    "tpu.region"() ({
      %run_scoped3A = tpu.sem_alloc : memref<!tpu.dma_semaphore, #tpu.memory_space<semaphore_mem>>
      %dma_start3A_101 = arith.constant 0 : i32
      %dma_start3A_102 = tpu.memref_slice %arg4[%mul3A_6, %dma_start3A_101] : memref<64x128xi32, #tpu.memory_space<hbm>> -> memref<2x128xi32, #tpu.memory_space<hbm>>
      %dma_start3A_103 = arith.constant 0 : i32
      %dma_start3A_104 = tpu.memref_slice %arg4[%mul3A_6, %dma_start3A_103] : memref<64x128xi32, #tpu.memory_space<hbm>> -> memref<2x128xi32, #tpu.memory_space<hbm>>
      tpu.enqueue_dma source(%dma_start3A_104 : memref<2x128xi32, #tpu.memory_space<hbm>>) target(%arg8 : memref<2x128xi32, #tpu.memory_space<vmem>>) target_semaphore(%run_scoped3A : memref<!tpu.dma_semaphore, #tpu.memory_space<semaphore_mem>>)
      %dma_wait3A_105 = arith.constant 0 : i32
      %dma_wait3A_106 = tpu.memref_slice %arg4[%mul3A_6, %dma_wait3A_105] : memref<64x128xi32, #tpu.memory_space<hbm>> -> memref<2x128xi32, #tpu.memory_space<hbm>>
      %dma_wait3A_107 = arith.constant 0 : i32
      %dma_wait3A_108 = tpu.memref_slice %arg4[%mul3A_6, %dma_wait3A_107] : memref<64x128xi32, #tpu.memory_space<hbm>> -> memref<2x128xi32, #tpu.memory_space<hbm>>
      tpu.wait_dma2 semaphore(%run_scoped3A : memref<!tpu.dma_semaphore, #tpu.memory_space<semaphore_mem>>) src(%dma_wait3A_108 : memref<2x128xi32, #tpu.memory_space<hbm>>) dst(%arg8 : memref<2x128xi32, #tpu.memory_space<vmem>>)
      tpu.yield
    }) : () -> ()
    %dma_start3A = arith.constant 0 : i32
    %dma_start3A_7 = arith.constant 0 : i32
    %dma_start3A_8 = arith.constant 0 : i32
    %dma_start3A_9 = tpu.memref_slice %arg9[%dma_start3A_7, %dma_start3A_8] : memref<256x128xf32, #tpu.memory_space<vmem>> -> memref<128x128xf32, #tpu.memory_space<vmem>>
    %dma_start3A_10 = arith.constant 0 : i32
    %dma_start3A_11 = tpu.memref_slice %arg7[%dma_start3A, %dma_start3A_10] : memref<2x128xi32, #tpu.memory_space<vmem>> -> memref<1x128xi32, #tpu.memory_space<vmem>>
    %dma_start3A_12 = tpu.memref_squeeze %dma_start3A_11 : memref<1x128xi32, #tpu.memory_space<vmem>> -> memref<128xi32, #tpu.memory_space<vmem>>
    %dma_start3A_13 = arith.constant 0 : i32
    %dma_start3A_14 = arith.constant 0 : i32
    %dma_start3A_15 = tpu.memref_slice %arg2[%dma_start3A_13, %dma_start3A_14] : memref<24576x128xf32, #tpu.memory_space<hbm>> -> memref<24576x128xf32, #tpu.memory_space<hbm>>
    tpu.enqueue_indirect_dma source(%dma_start3A_15 : memref<24576x128xf32, #tpu.memory_space<hbm>>) target(%dma_start3A_9 : memref<128x128xf32, #tpu.memory_space<vmem>>) offsets(%dma_start3A_12 : memref<128xi32, #tpu.memory_space<vmem>>) semaphore(%arg11 : memref<!tpu.dma_semaphore, #tpu.memory_space<semaphore_mem>>)
    %dma_start3A_16 = arith.constant 0 : i32
    %dma_start3A_17 = arith.constant 0 : i32
    %dma_start3A_18 = arith.constant 0 : i32
    %dma_start3A_19 = tpu.memref_slice %arg10[%dma_start3A_17, %dma_start3A_18] : memref<256x128xf32, #tpu.memory_space<vmem>> -> memref<128x128xf32, #tpu.memory_space<vmem>>
    %dma_start3A_20 = arith.constant 0 : i32
    %dma_start3A_21 = tpu.memref_slice %arg8[%dma_start3A_16, %dma_start3A_20] : memref<2x128xi32, #tpu.memory_space<vmem>> -> memref<1x128xi32, #tpu.memory_space<vmem>>
    %dma_start3A_22 = tpu.memref_squeeze %dma_start3A_21 : memref<1x128xi32, #tpu.memory_space<vmem>> -> memref<128xi32, #tpu.memory_space<vmem>>
    %dma_start3A_23 = arith.constant 0 : i32
    %dma_start3A_24 = arith.constant 0 : i32
    %dma_start3A_25 = tpu.memref_slice %arg2[%dma_start3A_23, %dma_start3A_24] : memref<24576x128xf32, #tpu.memory_space<hbm>> -> memref<24576x128xf32, #tpu.memory_space<hbm>>
    tpu.enqueue_indirect_dma source(%dma_start3A_25 : memref<24576x128xf32, #tpu.memory_space<hbm>>) target(%dma_start3A_19 : memref<128x128xf32, #tpu.memory_space<vmem>>) offsets(%dma_start3A_22 : memref<128xi32, #tpu.memory_space<vmem>>) semaphore(%arg11 : memref<!tpu.dma_semaphore, #tpu.memory_space<semaphore_mem>>)
    %dma_start3A_26 = arith.constant 1 : i32
    %dma_start3A_27 = arith.constant 128 : i32
    %dma_start3A_28 = arith.constant 0 : i32
    %dma_start3A_29 = tpu.memref_slice %arg9[%dma_start3A_27, %dma_start3A_28] : memref<256x128xf32, #tpu.memory_space<vmem>> -> memref<128x128xf32, #tpu.memory_space<vmem>>
    %dma_start3A_30 = arith.constant 0 : i32
    %dma_start3A_31 = tpu.memref_slice %arg7[%dma_start3A_26, %dma_start3A_30] : memref<2x128xi32, #tpu.memory_space<vmem>> -> memref<1x128xi32, #tpu.memory_space<vmem>>
    %dma_start3A_32 = tpu.memref_squeeze %dma_start3A_31 : memref<1x128xi32, #tpu.memory_space<vmem>> -> memref<128xi32, #tpu.memory_space<vmem>>
    %dma_start3A_33 = arith.constant 0 : i32
    %dma_start3A_34 = arith.constant 0 : i32
    %dma_start3A_35 = tpu.memref_slice %arg2[%dma_start3A_33, %dma_start3A_34] : memref<24576x128xf32, #tpu.memory_space<hbm>> -> memref<24576x128xf32, #tpu.memory_space<hbm>>
    tpu.enqueue_indirect_dma source(%dma_start3A_35 : memref<24576x128xf32, #tpu.memory_space<hbm>>) target(%dma_start3A_29 : memref<128x128xf32, #tpu.memory_space<vmem>>) offsets(%dma_start3A_32 : memref<128xi32, #tpu.memory_space<vmem>>) semaphore(%arg11 : memref<!tpu.dma_semaphore, #tpu.memory_space<semaphore_mem>>)
    %dma_start3A_36 = arith.constant 1 : i32
    %dma_start3A_37 = arith.constant 128 : i32
    %dma_start3A_38 = arith.constant 0 : i32
    %dma_start3A_39 = tpu.memref_slice %arg10[%dma_start3A_37, %dma_start3A_38] : memref<256x128xf32, #tpu.memory_space<vmem>> -> memref<128x128xf32, #tpu.memory_space<vmem>>
    %dma_start3A_40 = arith.constant 0 : i32
    %dma_start3A_41 = tpu.memref_slice %arg8[%dma_start3A_36, %dma_start3A_40] : memref<2x128xi32, #tpu.memory_space<vmem>> -> memref<1x128xi32, #tpu.memory_space<vmem>>
    %dma_start3A_42 = tpu.memref_squeeze %dma_start3A_41 : memref<1x128xi32, #tpu.memory_space<vmem>> -> memref<128xi32, #tpu.memory_space<vmem>>
    %dma_start3A_43 = arith.constant 0 : i32
    %dma_start3A_44 = arith.constant 0 : i32
    %dma_start3A_45 = tpu.memref_slice %arg2[%dma_start3A_43, %dma_start3A_44] : memref<24576x128xf32, #tpu.memory_space<hbm>> -> memref<24576x128xf32, #tpu.memory_space<hbm>>
    tpu.enqueue_indirect_dma source(%dma_start3A_45 : memref<24576x128xf32, #tpu.memory_space<hbm>>) target(%dma_start3A_39 : memref<128x128xf32, #tpu.memory_space<vmem>>) offsets(%dma_start3A_42 : memref<128xi32, #tpu.memory_space<vmem>>) semaphore(%arg11 : memref<!tpu.dma_semaphore, #tpu.memory_space<semaphore_mem>>)
    %dma_wait3A = arith.constant 0 : i32
    %dma_wait3A_46 = arith.constant 0 : i32
    %dma_wait3A_47 = arith.constant 0 : i32
    %dma_wait3A_48 = tpu.memref_slice %arg9[%dma_wait3A_46, %dma_wait3A_47] : memref<256x128xf32, #tpu.memory_space<vmem>> -> memref<128x128xf32, #tpu.memory_space<vmem>>
    %dma_wait3A_49 = arith.constant 0 : i32
    %dma_wait3A_50 = tpu.memref_slice %arg7[%dma_wait3A, %dma_wait3A_49] : memref<2x128xi32, #tpu.memory_space<vmem>> -> memref<1x128xi32, #tpu.memory_space<vmem>>
    %dma_wait3A_51 = tpu.memref_squeeze %dma_wait3A_50 : memref<1x128xi32, #tpu.memory_space<vmem>> -> memref<128xi32, #tpu.memory_space<vmem>>
    %dma_wait3A_52 = arith.constant 0 : i32
    %dma_wait3A_53 = arith.constant 0 : i32
    %dma_wait3A_54 = tpu.memref_slice %arg2[%dma_wait3A_52, %dma_wait3A_53] : memref<24576x128xf32, #tpu.memory_space<hbm>> -> memref<24576x128xf32, #tpu.memory_space<hbm>>
    tpu.wait_indirect_dma semaphore(%arg11 : memref<!tpu.dma_semaphore, #tpu.memory_space<semaphore_mem>>) src(%dma_wait3A_54 : memref<24576x128xf32, #tpu.memory_space<hbm>>) dst(%dma_wait3A_48 : memref<128x128xf32, #tpu.memory_space<vmem>>)
    %dma_wait3A_55 = arith.constant 0 : i32
    %dma_wait3A_56 = arith.constant 0 : i32
    %dma_wait3A_57 = arith.constant 0 : i32
    %dma_wait3A_58 = tpu.memref_slice %arg10[%dma_wait3A_56, %dma_wait3A_57] : memref<256x128xf32, #tpu.memory_space<vmem>> -> memref<128x128xf32, #tpu.memory_space<vmem>>
    %dma_wait3A_59 = arith.constant 0 : i32
    %dma_wait3A_60 = tpu.memref_slice %arg8[%dma_wait3A_55, %dma_wait3A_59] : memref<2x128xi32, #tpu.memory_space<vmem>> -> memref<1x128xi32, #tpu.memory_space<vmem>>
    %dma_wait3A_61 = tpu.memref_squeeze %dma_wait3A_60 : memref<1x128xi32, #tpu.memory_space<vmem>> -> memref<128xi32, #tpu.memory_space<vmem>>
    %dma_wait3A_62 = arith.constant 0 : i32
    %dma_wait3A_63 = arith.constant 0 : i32
    %dma_wait3A_64 = tpu.memref_slice %arg2[%dma_wait3A_62, %dma_wait3A_63] : memref<24576x128xf32, #tpu.memory_space<hbm>> -> memref<24576x128xf32, #tpu.memory_space<hbm>>
    tpu.wait_indirect_dma semaphore(%arg11 : memref<!tpu.dma_semaphore, #tpu.memory_space<semaphore_mem>>) src(%dma_wait3A_64 : memref<24576x128xf32, #tpu.memory_space<hbm>>) dst(%dma_wait3A_58 : memref<128x128xf32, #tpu.memory_space<vmem>>)
    %dma_wait3A_65 = arith.constant 1 : i32
    %dma_wait3A_66 = arith.constant 128 : i32
    %dma_wait3A_67 = arith.constant 0 : i32
    %dma_wait3A_68 = tpu.memref_slice %arg9[%dma_wait3A_66, %dma_wait3A_67] : memref<256x128xf32, #tpu.memory_space<vmem>> -> memref<128x128xf32, #tpu.memory_space<vmem>>
    %dma_wait3A_69 = arith.constant 0 : i32
    %dma_wait3A_70 = tpu.memref_slice %arg7[%dma_wait3A_65, %dma_wait3A_69] : memref<2x128xi32, #tpu.memory_space<vmem>> -> memref<1x128xi32, #tpu.memory_space<vmem>>
    %dma_wait3A_71 = tpu.memref_squeeze %dma_wait3A_70 : memref<1x128xi32, #tpu.memory_space<vmem>> -> memref<128xi32, #tpu.memory_space<vmem>>
    %dma_wait3A_72 = arith.constant 0 : i32
    %dma_wait3A_73 = arith.constant 0 : i32
    %dma_wait3A_74 = tpu.memref_slice %arg2[%dma_wait3A_72, %dma_wait3A_73] : memref<24576x128xf32, #tpu.memory_space<hbm>> -> memref<24576x128xf32, #tpu.memory_space<hbm>>
    tpu.wait_indirect_dma semaphore(%arg11 : memref<!tpu.dma_semaphore, #tpu.memory_space<semaphore_mem>>) src(%dma_wait3A_74 : memref<24576x128xf32, #tpu.memory_space<hbm>>) dst(%dma_wait3A_68 : memref<128x128xf32, #tpu.memory_space<vmem>>)
    %dma_wait3A_75 = arith.constant 1 : i32
    %dma_wait3A_76 = arith.constant 128 : i32
    %dma_wait3A_77 = arith.constant 0 : i32
    %dma_wait3A_78 = tpu.memref_slice %arg10[%dma_wait3A_76, %dma_wait3A_77] : memref<256x128xf32, #tpu.memory_space<vmem>> -> memref<128x128xf32, #tpu.memory_space<vmem>>
    %dma_wait3A_79 = arith.constant 0 : i32
    %dma_wait3A_80 = tpu.memref_slice %arg8[%dma_wait3A_75, %dma_wait3A_79] : memref<2x128xi32, #tpu.memory_space<vmem>> -> memref<1x128xi32, #tpu.memory_space<vmem>>
    %dma_wait3A_81 = tpu.memref_squeeze %dma_wait3A_80 : memref<1x128xi32, #tpu.memory_space<vmem>> -> memref<128xi32, #tpu.memory_space<vmem>>
    %dma_wait3A_82 = arith.constant 0 : i32
    %dma_wait3A_83 = arith.constant 0 : i32
    %dma_wait3A_84 = tpu.memref_slice %arg2[%dma_wait3A_82, %dma_wait3A_83] : memref<24576x128xf32, #tpu.memory_space<hbm>> -> memref<24576x128xf32, #tpu.memory_space<hbm>>
    tpu.wait_indirect_dma semaphore(%arg11 : memref<!tpu.dma_semaphore, #tpu.memory_space<semaphore_mem>>) src(%dma_wait3A_84 : memref<24576x128xf32, #tpu.memory_space<hbm>>) dst(%dma_wait3A_78 : memref<128x128xf32, #tpu.memory_space<vmem>>)
    %dma_start3A_85 = arith.constant 0 : i32
    %dma_start3A_86 = tpu.memref_slice %arg5[%mul3A_2, %dma_start3A_85] : memref<8192x128xf32, #tpu.memory_space<hbm>> -> memref<256x128xf32, #tpu.memory_space<hbm>>
    %dma_start3A_87 = arith.constant 0 : i32
    %dma_start3A_88 = tpu.memref_slice %arg5[%mul3A_2, %dma_start3A_87] : memref<8192x128xf32, #tpu.memory_space<hbm>> -> memref<256x128xf32, #tpu.memory_space<hbm>>
    tpu.enqueue_dma source(%arg9 : memref<256x128xf32, #tpu.memory_space<vmem>>) target(%dma_start3A_88 : memref<256x128xf32, #tpu.memory_space<hbm>>) target_semaphore(%arg12 : memref<!tpu.dma_semaphore, #tpu.memory_space<semaphore_mem>>)
    %dma_start3A_89 = arith.constant 0 : i32
    %dma_start3A_90 = tpu.memref_slice %arg6[%mul3A_2, %dma_start3A_89] : memref<8192x128xf32, #tpu.memory_space<hbm>> -> memref<256x128xf32, #tpu.memory_space<hbm>>
    %dma_start3A_91 = arith.constant 0 : i32
    %dma_start3A_92 = tpu.memref_slice %arg6[%mul3A_2, %dma_start3A_91] : memref<8192x128xf32, #tpu.memory_space<hbm>> -> memref<256x128xf32, #tpu.memory_space<hbm>>
    tpu.enqueue_dma source(%arg10 : memref<256x128xf32, #tpu.memory_space<vmem>>) target(%dma_start3A_92 : memref<256x128xf32, #tpu.memory_space<hbm>>) target_semaphore(%arg12 : memref<!tpu.dma_semaphore, #tpu.memory_space<semaphore_mem>>)
    %dma_wait3A_93 = arith.constant 0 : i32
    %dma_wait3A_94 = tpu.memref_slice %arg5[%mul3A_2, %dma_wait3A_93] : memref<8192x128xf32, #tpu.memory_space<hbm>> -> memref<256x128xf32, #tpu.memory_space<hbm>>
    %dma_wait3A_95 = arith.constant 0 : i32
    %dma_wait3A_96 = tpu.memref_slice %arg5[%mul3A_2, %dma_wait3A_95] : memref<8192x128xf32, #tpu.memory_space<hbm>> -> memref<256x128xf32, #tpu.memory_space<hbm>>
    tpu.wait_dma2 semaphore(%arg12 : memref<!tpu.dma_semaphore, #tpu.memory_space<semaphore_mem>>) src(%arg9 : memref<256x128xf32, #tpu.memory_space<vmem>>) dst(%dma_wait3A_96 : memref<256x128xf32, #tpu.memory_space<hbm>>)
    %dma_wait3A_97 = arith.constant 0 : i32
    %dma_wait3A_98 = tpu.memref_slice %arg6[%mul3A_2, %dma_wait3A_97] : memref<8192x128xf32, #tpu.memory_space<hbm>> -> memref<256x128xf32, #tpu.memory_space<hbm>>
    %dma_wait3A_99 = arith.constant 0 : i32
    %dma_wait3A_100 = tpu.memref_slice %arg6[%mul3A_2, %dma_wait3A_99] : memref<8192x128xf32, #tpu.memory_space<hbm>> -> memref<256x128xf32, #tpu.memory_space<hbm>>
    tpu.wait_dma2 semaphore(%arg12 : memref<!tpu.dma_semaphore, #tpu.memory_space<semaphore_mem>>) src(%arg10 : memref<256x128xf32, #tpu.memory_space<vmem>>) dst(%dma_wait3A_100 : memref<256x128xf32, #tpu.memory_space<hbm>>)
    return
  }
}

module attributes {stable_mosaic.version = 14 : i64} {
  func.func @_mh_kernel(%arg0: i32, %arg1: memref<512x1024xf32, #tpu.memory_space<vmem>>, %arg2: memref<1024x1024xf32, #tpu.memory_space<vmem>>, %arg3: memref<1x1024xf32, #tpu.memory_space<vmem>>, %arg4: memref<4096x128xf32, #tpu.memory_space<vmem>>) attributes {dimension_semantics = [#tpu.dimension_semantics<arbitrary>], iteration_bounds = array<i64: 4>, scalar_prefetch = 0 : i64, scratch_operands = 0 : i64, tpu.core_type = #tpu.core_type<tc>, window_params = [{transform_indices = @transform_0, window_bounds = array<i64: 512, 1024>}, {pipeline_mode = #tpu.pipeline_mode<synchronous>, transform_indices = @transform_1, window_bounds = array<i64: 1024, 1024>}, {pipeline_mode = #tpu.pipeline_mode<synchronous>, transform_indices = @transform_2, window_bounds = array<i64: 1, 1024>}, {transform_indices = @transform_3, window_bounds = array<i64: 4096, 128>}]} {
    %get3A = arith.constant 0 : index
    %get3A_0 = arith.constant 0 : index
    %get3A_1 = vector.load %arg1[%get3A, %get3A_0] : memref<512x1024xf32, #tpu.memory_space<vmem>>, vector<512x1024xf32>
    %get3A_2 = arith.constant 0 : index
    %get3A_3 = arith.constant 0 : index
    %get3A_4 = vector.load %arg2[%get3A_2, %get3A_3] : memref<1024x1024xf32, #tpu.memory_space<vmem>>, vector<1024x1024xf32>
    %dot_general3A = arith.constant dense<0.000000e+00> : vector<512x1024xf32>
    %dot_general3A_5 = tpu.matmul %get3A_1, %get3A_4, %dot_general3A {dimension_numbers = #tpu.dot_dimension_numbers<[1], [0], [0], [1], [0, 0, 1, 1], [], []>, transpose_lhs_hint = false} : vector<512x1024xf32>, vector<1024x1024xf32>, vector<512x1024xf32> -> vector<512x1024xf32>
    %get3A_6 = arith.constant 0 : index
    %get3A_7 = arith.constant 0 : index
    %get3A_8 = vector.load %arg3[%get3A_6, %get3A_7] : memref<1x1024xf32, #tpu.memory_space<vmem>>, vector<1x1024xf32>
    %add3A = vector.broadcast %get3A_8 : vector<1x1024xf32> to vector<512x1024xf32>
    %add3A_9 = arith.addf %dot_general3A_5, %add3A : vector<512x1024xf32>
    %reshape3A = vector.shape_cast %add3A_9 : vector<512x1024xf32> to vector<4096x128xf32>
    %swap3A = arith.constant 0 : index
    %swap3A_10 = arith.constant 0 : index
    %swap3A_11 = vector.load %arg4[%swap3A, %swap3A_10] : memref<4096x128xf32, #tpu.memory_space<vmem>>, vector<4096x128xf32>
    tpu.vector_store %arg4[%swap3A, %swap3A_10], %reshape3A {strides = array<i32>} : memref<4096x128xf32, #tpu.memory_space<vmem>>, vector<4096x128xf32>,
    return
  }
  func.func @transform_0(%arg0: i32) -> (i32, i32) {
    %c0_i32 = arith.constant 0 : i32
    %c0_i32_0 = arith.constant 0 : i32
    return %arg0, %c0_i32 : i32, i32
  }
  func.func @transform_1(%arg0: i32) -> (i32, i32) {
    %c0_i32 = arith.constant 0 : i32
    %c0_i32_0 = arith.constant 0 : i32
    %c0_i32_1 = arith.constant 0 : i32
    return %c0_i32, %c0_i32_0 : i32, i32
  }
  func.func @transform_2(%arg0: i32) -> (i32, i32) {
    %c0_i32 = arith.constant 0 : i32
    %c0_i32_0 = arith.constant 0 : i32
    %c0_i32_1 = arith.constant 0 : i32
    return %c0_i32, %c0_i32_0 : i32, i32
  }
  func.func @transform_3(%arg0: i32) -> (i32, i32) {
    %c0_i32 = arith.constant 0 : i32
    %c0_i32_0 = arith.constant 0 : i32
    return %arg0, %c0_i32 : i32, i32
  }
}

module attributes {stable_mosaic.version = 14 : i64} {
  func.func @_router_kernel(%arg0: i32, %arg1: memref<4096x128xf32, #tpu.memory_space<vmem>>, %arg2: memref<128x8xf32, #tpu.memory_space<vmem>>, %arg3: memref<32x128xi32, #tpu.memory_space<vmem>>, %arg4: memref<32x128xi32, #tpu.memory_space<vmem>>, %arg5: memref<512x8xf32, #tpu.memory_space<vmem>>, %arg6: memref<512x8xf32, #tpu.memory_space<vmem>>) attributes {dimension_semantics = [#tpu.dimension_semantics<arbitrary>], iteration_bounds = array<i64: 2>, scalar_prefetch = 0 : i64, scratch_operands = 0 : i64, tpu.core_type = #tpu.core_type<tc>, window_params = [{transform_indices = @transform_0, window_bounds = array<i64: 4096, 128>}, {pipeline_mode = #tpu.pipeline_mode<synchronous>, transform_indices = @transform_1, window_bounds = array<i64: 128, 8>}, {transform_indices = @transform_2, window_bounds = array<i64: 32, 128>}, {transform_indices = @transform_3, window_bounds = array<i64: 32, 128>}, {transform_indices = @transform_4, window_bounds = array<i64: 512, 8>}, {transform_indices = @transform_5, window_bounds = array<i64: 512, 8>}]} {
    %get3A = arith.constant 0 : index
    %get3A_0 = arith.constant 0 : index
    %get3A_1 = vector.load %arg1[%get3A, %get3A_0] : memref<4096x128xf32, #tpu.memory_space<vmem>>, vector<4096x128xf32>
    %get3A_2 = arith.constant 0 : index
    %get3A_3 = arith.constant 0 : index
    %get3A_4 = vector.load %arg2[%get3A_2, %get3A_3] : memref<128x8xf32, #tpu.memory_space<vmem>>, vector<128x8xf32>
    %dot_general3A = arith.constant dense<0.000000e+00> : vector<4096x8xf32>
    %dot_general3A_5 = tpu.matmul %get3A_1, %get3A_4, %dot_general3A {dimension_numbers = #tpu.dot_dimension_numbers<[1], [0], [0], [1], [0, 0, 1, 1], [], []>, transpose_lhs_hint = false} : vector<4096x128xf32>, vector<128x8xf32>, vector<4096x8xf32> -> vector<4096x8xf32>
    %iota3A = tpu.iota {dimensions = array<i32: 0>} : vector<8x8xi32>
    %iota3A_6 = tpu.iota {dimensions = array<i32: 1>} : vector<8x8xi32>
    %lt3A = arith.cmpi slt, %iota3A, %iota3A_6 : vector<8x8xi32>
    %convert_element_type3A = arith.extui %lt3A : vector<8x8xi1> to vector<8x8xi32>
    %convert_element_type3A_7 = arith.sitofp %convert_element_type3A : vector<8x8xi32> to vector<8x8xf32>
    %iota3A_8 = tpu.iota {dimensions = array<i32: 0>} : vector<8x1xi32>
    %convert_element_type3A_9 = arith.sitofp %iota3A_8 : vector<8x1xi32> to vector<8x1xf32>
    %reduce_max3A = arith.constant dense<0xFF800000> : vector<4096xf32>
    %reduce_max3A_10 = vector.multi_reduction <maximumf>, %dot_general3A_5, %reduce_max3A [1] : vector<4096x8xf32> to vector<4096xf32>
    %broadcast_in_dim3A = vector.shape_cast %reduce_max3A_10 : vector<4096xf32> to vector<4096x1xf32>
    %eq3A = vector.broadcast %broadcast_in_dim3A : vector<4096x1xf32> to vector<4096x8xf32>
    %eq3A_11 = arith.cmpf oeq, %dot_general3A_5, %eq3A : vector<4096x8xf32>
    %convert_element_type3A_12 = arith.extui %eq3A_11 : vector<4096x8xi1> to vector<4096x8xi32>
    %convert_element_type3A_13 = arith.sitofp %convert_element_type3A_12 : vector<4096x8xi32> to vector<4096x8xf32>
    %dot_general3A_14 = arith.constant dense<0.000000e+00> : vector<4096x8xf32>
    %dot_general3A_15 = tpu.matmul %convert_element_type3A_13, %convert_element_type3A_7, %dot_general3A_14 {dimension_numbers = #tpu.dot_dimension_numbers<[1], [0], [0], [1], [0, 0, 1, 1], [], []>, transpose_lhs_hint = false} : vector<4096x8xf32>, vector<8x8xf32>, vector<4096x8xf32> -> vector<4096x8xf32>
    %eq3A_16 = arith.constant 0.000000e+00 : f32
    %eq3A_17 = vector.broadcast %eq3A_16 : f32 to vector<4096x8xf32>
    %eq3A_18 = arith.cmpf oeq, %dot_general3A_15, %eq3A_17 : vector<4096x8xf32>
    %and3A = arith.andi %eq3A_11, %eq3A_18 : vector<4096x8xi1>
    %convert_element_type3A_19 = arith.extui %and3A : vector<4096x8xi1> to vector<4096x8xi32>
    %convert_element_type3A_20 = arith.sitofp %convert_element_type3A_19 : vector<4096x8xi32> to vector<4096x8xf32>
    %dot_general3A_21 = arith.constant dense<0.000000e+00> : vector<4096x1xf32>
    %dot_general3A_22 = tpu.matmul %convert_element_type3A_20, %convert_element_type3A_9, %dot_general3A_21 {dimension_numbers = #tpu.dot_dimension_numbers<[1], [0], [0], [1], [0, 0, 1, 1], [], []>, transpose_lhs_hint = false} : vector<4096x8xf32>, vector<8x1xf32>, vector<4096x1xf32> -> vector<4096x1xf32>
    %jit3A = arith.constant 0xFF800000 : f32
    %broadcast_in_dim3A_23 = vector.broadcast %jit3A : f32 to vector<4096x8xf32>
    %select_n3A = arith.select %and3A, %broadcast_in_dim3A_23, %dot_general3A_5 : vector<4096x8xi1>, vector<4096x8xf32>
    %reduce_max3A_24 = arith.constant dense<0xFF800000> : vector<4096xf32>
    %reduce_max3A_25 = vector.multi_reduction <maximumf>, %select_n3A, %reduce_max3A_24 [1] : vector<4096x8xf32> to vector<4096xf32>
    %broadcast_in_dim3A_26 = vector.shape_cast %reduce_max3A_25 : vector<4096xf32> to vector<4096x1xf32>
    %eq3A_27 = vector.broadcast %broadcast_in_dim3A_26 : vector<4096x1xf32> to vector<4096x8xf32>
    %eq3A_28 = arith.cmpf oeq, %select_n3A, %eq3A_27 : vector<4096x8xf32>
    %convert_element_type3A_29 = arith.extui %eq3A_28 : vector<4096x8xi1> to vector<4096x8xi32>
    %convert_element_type3A_30 = arith.sitofp %convert_element_type3A_29 : vector<4096x8xi32> to vector<4096x8xf32>
    %dot_general3A_31 = arith.constant dense<0.000000e+00> : vector<4096x8xf32>
    %dot_general3A_32 = tpu.matmul %convert_element_type3A_30, %convert_element_type3A_7, %dot_general3A_31 {dimension_numbers = #tpu.dot_dimension_numbers<[1], [0], [0], [1], [0, 0, 1, 1], [], []>, transpose_lhs_hint = false} : vector<4096x8xf32>, vector<8x8xf32>, vector<4096x8xf32> -> vector<4096x8xf32>
    %eq3A_33 = arith.constant 0.000000e+00 : f32
    %eq3A_34 = vector.broadcast %eq3A_33 : f32 to vector<4096x8xf32>
    %eq3A_35 = arith.cmpf oeq, %dot_general3A_32, %eq3A_34 : vector<4096x8xf32>
    %and3A_36 = arith.andi %eq3A_28, %eq3A_35 : vector<4096x8xi1>
    %convert_element_type3A_37 = arith.extui %and3A_36 : vector<4096x8xi1> to vector<4096x8xi32>
    %convert_element_type3A_38 = arith.sitofp %convert_element_type3A_37 : vector<4096x8xi32> to vector<4096x8xf32>
    %dot_general3A_39 = arith.constant dense<0.000000e+00> : vector<4096x1xf32>
    %dot_general3A_40 = tpu.matmul %convert_element_type3A_38, %convert_element_type3A_9, %dot_general3A_39 {dimension_numbers = #tpu.dot_dimension_numbers<[1], [0], [0], [1], [0, 0, 1, 1], [], []>, transpose_lhs_hint = false} : vector<4096x8xf32>, vector<8x1xf32>, vector<4096x1xf32> -> vector<4096x1xf32>
    %sub3A = arith.subf %broadcast_in_dim3A_26, %broadcast_in_dim3A : vector<4096x1xf32>
    %exp3A = math.exp %sub3A : vector<4096x1xf32>
    %add3A = arith.constant 1.000000e+00 : f32
    %add3A_41 = vector.broadcast %add3A : f32 to vector<4096x1xf32>
    %add3A_42 = arith.addf %add3A_41, %exp3A : vector<4096x1xf32>
    %div3A = arith.constant 1.000000e+00 : f32
    %div3A_43 = vector.broadcast %div3A : f32 to vector<4096x1xf32>
    %div3A_44 = arith.divf %div3A_43, %add3A_42 : vector<4096x1xf32>
    %mul3A = arith.mulf %exp3A, %div3A_44 : vector<4096x1xf32>
    %convert_element_type3A_45 = arith.fptosi %dot_general3A_22 : vector<4096x1xf32> to vector<4096x1xi32>
    %reshape3A = vector.shape_cast %convert_element_type3A_45 : vector<4096x1xi32> to vector<32x128xi32>
    %swap3A = arith.constant 0 : index
    %swap3A_46 = arith.constant 0 : index
    %swap3A_47 = vector.load %arg3[%swap3A, %swap3A_46] : memref<32x128xi32, #tpu.memory_space<vmem>>, vector<32x128xi32>
    tpu.vector_store %arg3[%swap3A, %swap3A_46], %reshape3A {strides = array<i32>} : memref<32x128xi32, #tpu.memory_space<vmem>>, vector<32x128xi32>,
    %convert_element_type3A_48 = arith.fptosi %dot_general3A_40 : vector<4096x1xf32> to vector<4096x1xi32>
    %reshape3A_49 = vector.shape_cast %convert_element_type3A_48 : vector<4096x1xi32> to vector<32x128xi32>
    %swap3A_50 = arith.constant 0 : index
    %swap3A_51 = arith.constant 0 : index
    %swap3A_52 = vector.load %arg4[%swap3A_50, %swap3A_51] : memref<32x128xi32, #tpu.memory_space<vmem>>, vector<32x128xi32>
    tpu.vector_store %arg4[%swap3A_50, %swap3A_51], %reshape3A_49 {strides = array<i32>} : memref<32x128xi32, #tpu.memory_space<vmem>>, vector<32x128xi32>,
    %reshape3A_53 = vector.shape_cast %div3A_44 : vector<4096x1xf32> to vector<512x8xf32>
    %swap3A_54 = arith.constant 0 : index
    %swap3A_55 = arith.constant 0 : index
    %swap3A_56 = vector.load %arg5[%swap3A_54, %swap3A_55] : memref<512x8xf32, #tpu.memory_space<vmem>>, vector<512x8xf32>
    tpu.vector_store %arg5[%swap3A_54, %swap3A_55], %reshape3A_53 {strides = array<i32>} : memref<512x8xf32, #tpu.memory_space<vmem>>, vector<512x8xf32>,
    %reshape3A_57 = vector.shape_cast %mul3A : vector<4096x1xf32> to vector<512x8xf32>
    %swap3A_58 = arith.constant 0 : index
    %swap3A_59 = arith.constant 0 : index
    %swap3A_60 = vector.load %arg6[%swap3A_58, %swap3A_59] : memref<512x8xf32, #tpu.memory_space<vmem>>, vector<512x8xf32>
    tpu.vector_store %arg6[%swap3A_58, %swap3A_59], %reshape3A_57 {strides = array<i32>} : memref<512x8xf32, #tpu.memory_space<vmem>>, vector<512x8xf32>,
    return
  }
  func.func @transform_0(%arg0: i32) -> (i32, i32) {
    %add3A = arith.constant 0 : i32
    %add3A_0 = arith.addi %arg0, %add3A : i32
    %c0_i32 = arith.constant 0 : i32
    %c0_i32_1 = arith.constant 0 : i32
    return %add3A_0, %c0_i32 : i32, i32
  }
  func.func @transform_1(%arg0: i32) -> (i32, i32) {
    %c0_i32 = arith.constant 0 : i32
    %c0_i32_0 = arith.constant 0 : i32
    %c0_i32_1 = arith.constant 0 : i32
    return %c0_i32, %c0_i32_0 : i32, i32
  }
  func.func @transform_2(%arg0: i32) -> (i32, i32) {
    %c0_i32 = arith.constant 0 : i32
    %c0_i32_0 = arith.constant 0 : i32
    return %arg0, %c0_i32 : i32, i32
  }
  func.func @transform_3(%arg0: i32) -> (i32, i32) {
    %c0_i32 = arith.constant 0 : i32
    %c0_i32_0 = arith.constant 0 : i32
    return %arg0, %c0_i32 : i32, i32
  }
  func.func @transform_4(%arg0: i32) -> (i32, i32) {
    %c0_i32 = arith.constant 0 : i32
    %c0_i32_0 = arith.constant 0 : i32
    return %arg0, %c0_i32 : i32, i32
  }
  func.func @transform_5(%arg0: i32) -> (i32, i32) {
    %c0_i32 = arith.constant 0 : i32
    %c0_i32_0 = arith.constant 0 : i32
    return %arg0, %c0_i32 : i32, i32
  }
}

module attributes {stable_mosaic.version = 14 : i64} {
  func.func @kern(%arg0: i32, %arg1: memref<64x128xi32, #tpu.memory_space<vmem>>, %arg2: memref<64x128xi32, #tpu.memory_space<vmem>>, %arg3: memref<64x128xi32, #tpu.memory_space<vmem>>, %arg4: memref<64x128xi32, #tpu.memory_space<vmem>>, %arg5: memref<1x256xi32, #tpu.memory_space<vmem>>) attributes {dimension_semantics = [#tpu.dimension_semantics<arbitrary>], iteration_bounds = array<i64: 1>, scalar_prefetch = 0 : i64, scratch_operands = 0 : i64, tpu.core_type = #tpu.core_type<tc>, window_params = [{pipeline_mode = #tpu.pipeline_mode<synchronous>, transform_indices = @transform_0, window_bounds = array<i64: 64, 128>}, {pipeline_mode = #tpu.pipeline_mode<synchronous>, transform_indices = @transform_1, window_bounds = array<i64: 64, 128>}, {pipeline_mode = #tpu.pipeline_mode<synchronous>, transform_indices = @transform_2, window_bounds = array<i64: 64, 128>}, {pipeline_mode = #tpu.pipeline_mode<synchronous>, transform_indices = @transform_3, window_bounds = array<i64: 64, 128>}, {pipeline_mode = #tpu.pipeline_mode<synchronous>, transform_indices = @transform_4, window_bounds = array<i64: 1, 256>}]} {
    %iota3A = tpu.iota {dimensions = array<i32: 0>} : vector<128x128xi32>
    %iota3A_0 = tpu.iota {dimensions = array<i32: 1>} : vector<128x128xi32>
    %lt3A = arith.cmpi slt, %iota3A, %iota3A_0 : vector<128x128xi32>
    %convert_element_type3A = arith.extui %lt3A : vector<128x128xi1> to vector<128x128xi32>
    %convert_element_type3A_1 = arith.sitofp %convert_element_type3A : vector<128x128xi32> to vector<128x128xf32>
    %iota3A_2 = tpu.iota {dimensions = array<i32: 0>} : vector<16x16xi32>
    %iota3A_3 = tpu.iota {dimensions = array<i32: 1>} : vector<16x16xi32>
    %gt3A = arith.cmpi sgt, %iota3A_2, %iota3A_3 : vector<16x16xi32>
    %convert_element_type3A_4 = arith.extui %gt3A : vector<16x16xi1> to vector<16x16xi32>
    %convert_element_type3A_5 = arith.sitofp %convert_element_type3A_4 : vector<16x16xi32> to vector<16x16xf32>
    %get3A = arith.constant 0 : index
    %get3A_6 = arith.constant 0 : index
    %get3A_7 = vector.load %arg1[%get3A, %get3A_6] : memref<64x128xi32, #tpu.memory_space<vmem>>, vector<64x128xi32>
    %get3A_8 = arith.constant 0 : index
    %get3A_9 = arith.constant 0 : index
    %get3A_10 = vector.load %arg2[%get3A_8, %get3A_9] : memref<64x128xi32, #tpu.memory_space<vmem>>, vector<64x128xi32>
    %eq3A = arith.constant 0 : i32
    %eq3A_11 = vector.broadcast %eq3A : i32 to vector<64x128xi32>
    %eq3A_12 = arith.cmpi eq, %get3A_7, %eq3A_11 : vector<64x128xi32>
    %convert_element_type3A_13 = arith.extui %eq3A_12 : vector<64x128xi1> to vector<64x128xi32>
    %convert_element_type3A_14 = arith.sitofp %convert_element_type3A_13 : vector<64x128xi32> to vector<64x128xf32>
    %eq3A_15 = arith.constant 0 : i32
    %eq3A_16 = vector.broadcast %eq3A_15 : i32 to vector<64x128xi32>
    %eq3A_17 = arith.cmpi eq, %get3A_10, %eq3A_16 : vector<64x128xi32>
    %convert_element_type3A_18 = arith.extui %eq3A_17 : vector<64x128xi1> to vector<64x128xi32>
    %convert_element_type3A_19 = arith.sitofp %convert_element_type3A_18 : vector<64x128xi32> to vector<64x128xf32>
    %add3A = arith.addf %convert_element_type3A_14, %convert_element_type3A_19 : vector<64x128xf32>
    %reduce_sum3A = vector.shape_cast %add3A : vector<64x128xf32> to vector<1x64x128xf32>
    %reduce_sum3A_20 = arith.constant dense<0.000000e+00> : vector<1xf32>
    %reduce_sum3A_21 = vector.multi_reduction <add>, %reduce_sum3A, %reduce_sum3A_20 [1, 2] : vector<1x64x128xf32> to vector<1xf32>
    %reduce_sum3A_22 = vector.shape_cast %reduce_sum3A_21 : vector<1xf32> to vector<1x1x1xf32>
    %reduce_sum3A_23 = vector.extract %reduce_sum3A_22[0, 0, 0] : f32 from vector<1x1x1xf32>
    %eq3A_24 = arith.constant 1 : i32
    %eq3A_25 = vector.broadcast %eq3A_24 : i32 to vector<64x128xi32>
    %eq3A_26 = arith.cmpi eq, %get3A_7, %eq3A_25 : vector<64x128xi32>
    %convert_element_type3A_27 = arith.extui %eq3A_26 : vector<64x128xi1> to vector<64x128xi32>
    %convert_element_type3A_28 = arith.sitofp %convert_element_type3A_27 : vector<64x128xi32> to vector<64x128xf32>
    %eq3A_29 = arith.constant 1 : i32
    %eq3A_30 = vector.broadcast %eq3A_29 : i32 to vector<64x128xi32>
    %eq3A_31 = arith.cmpi eq, %get3A_10, %eq3A_30 : vector<64x128xi32>
    %convert_element_type3A_32 = arith.extui %eq3A_31 : vector<64x128xi1> to vector<64x128xi32>
    %convert_element_type3A_33 = arith.sitofp %convert_element_type3A_32 : vector<64x128xi32> to vector<64x128xf32>
    %add3A_34 = arith.addf %convert_element_type3A_28, %convert_element_type3A_33 : vector<64x128xf32>
    %reduce_sum3A_35 = vector.shape_cast %add3A_34 : vector<64x128xf32> to vector<1x64x128xf32>
    %reduce_sum3A_36 = arith.constant dense<0.000000e+00> : vector<1xf32>
    %reduce_sum3A_37 = vector.multi_reduction <add>, %reduce_sum3A_35, %reduce_sum3A_36 [1, 2] : vector<1x64x128xf32> to vector<1xf32>
    %reduce_sum3A_38 = vector.shape_cast %reduce_sum3A_37 : vector<1xf32> to vector<1x1x1xf32>
    %reduce_sum3A_39 = vector.extract %reduce_sum3A_38[0, 0, 0] : f32 from vector<1x1x1xf32>
    %eq3A_40 = arith.constant 2 : i32
    %eq3A_41 = vector.broadcast %eq3A_40 : i32 to vector<64x128xi32>
    %eq3A_42 = arith.cmpi eq, %get3A_7, %eq3A_41 : vector<64x128xi32>
    %convert_element_type3A_43 = arith.extui %eq3A_42 : vector<64x128xi1> to vector<64x128xi32>
    %convert_element_type3A_44 = arith.sitofp %convert_element_type3A_43 : vector<64x128xi32> to vector<64x128xf32>
    %eq3A_45 = arith.constant 2 : i32
    %eq3A_46 = vector.broadcast %eq3A_45 : i32 to vector<64x128xi32>
    %eq3A_47 = arith.cmpi eq, %get3A_10, %eq3A_46 : vector<64x128xi32>
    %convert_element_type3A_48 = arith.extui %eq3A_47 : vector<64x128xi1> to vector<64x128xi32>
    %convert_element_type3A_49 = arith.sitofp %convert_element_type3A_48 : vector<64x128xi32> to vector<64x128xf32>
    %add3A_50 = arith.addf %convert_element_type3A_44, %convert_element_type3A_49 : vector<64x128xf32>
    %reduce_sum3A_51 = vector.shape_cast %add3A_50 : vector<64x128xf32> to vector<1x64x128xf32>
    %reduce_sum3A_52 = arith.constant dense<0.000000e+00> : vector<1xf32>
    %reduce_sum3A_53 = vector.multi_reduction <add>, %reduce_sum3A_51, %reduce_sum3A_52 [1, 2] : vector<1x64x128xf32> to vector<1xf32>
    %reduce_sum3A_54 = vector.shape_cast %reduce_sum3A_53 : vector<1xf32> to vector<1x1x1xf32>
    %reduce_sum3A_55 = vector.extract %reduce_sum3A_54[0, 0, 0] : f32 from vector<1x1x1xf32>
    %eq3A_56 = arith.constant 3 : i32
    %eq3A_57 = vector.broadcast %eq3A_56 : i32 to vector<64x128xi32>
    %eq3A_58 = arith.cmpi eq, %get3A_7, %eq3A_57 : vector<64x128xi32>
    %convert_element_type3A_59 = arith.extui %eq3A_58 : vector<64x128xi1> to vector<64x128xi32>
    %convert_element_type3A_60 = arith.sitofp %convert_element_type3A_59 : vector<64x128xi32> to vector<64x128xf32>
    %eq3A_61 = arith.constant 3 : i32
    %eq3A_62 = vector.broadcast %eq3A_61 : i32 to vector<64x128xi32>
    %eq3A_63 = arith.cmpi eq, %get3A_10, %eq3A_62 : vector<64x128xi32>
    %convert_element_type3A_64 = arith.extui %eq3A_63 : vector<64x128xi1> to vector<64x128xi32>
    %convert_element_type3A_65 = arith.sitofp %convert_element_type3A_64 : vector<64x128xi32> to vector<64x128xf32>
    %add3A_66 = arith.addf %convert_element_type3A_60, %convert_element_type3A_65 : vector<64x128xf32>
    %reduce_sum3A_67 = vector.shape_cast %add3A_66 : vector<64x128xf32> to vector<1x64x128xf32>
    %reduce_sum3A_68 = arith.constant dense<0.000000e+00> : vector<1xf32>
    %reduce_sum3A_69 = vector.multi_reduction <add>, %reduce_sum3A_67, %reduce_sum3A_68 [1, 2] : vector<1x64x128xf32> to vector<1xf32>
    %reduce_sum3A_70 = vector.shape_cast %reduce_sum3A_69 : vector<1xf32> to vector<1x1x1xf32>
    %reduce_sum3A_71 = vector.extract %reduce_sum3A_70[0, 0, 0] : f32 from vector<1x1x1xf32>
    %eq3A_72 = arith.constant 4 : i32
    %eq3A_73 = vector.broadcast %eq3A_72 : i32 to vector<64x128xi32>
    %eq3A_74 = arith.cmpi eq, %get3A_7, %eq3A_73 : vector<64x128xi32>
    %convert_element_type3A_75 = arith.extui %eq3A_74 : vector<64x128xi1> to vector<64x128xi32>
    %convert_element_type3A_76 = arith.sitofp %convert_element_type3A_75 : vector<64x128xi32> to vector<64x128xf32>
    %eq3A_77 = arith.constant 4 : i32
    %eq3A_78 = vector.broadcast %eq3A_77 : i32 to vector<64x128xi32>
    %eq3A_79 = arith.cmpi eq, %get3A_10, %eq3A_78 : vector<64x128xi32>
    %convert_element_type3A_80 = arith.extui %eq3A_79 : vector<64x128xi1> to vector<64x128xi32>
    %convert_element_type3A_81 = arith.sitofp %convert_element_type3A_80 : vector<64x128xi32> to vector<64x128xf32>
    %add3A_82 = arith.addf %convert_element_type3A_76, %convert_element_type3A_81 : vector<64x128xf32>
    %reduce_sum3A_83 = vector.shape_cast %add3A_82 : vector<64x128xf32> to vector<1x64x128xf32>
    %reduce_sum3A_84 = arith.constant dense<0.000000e+00> : vector<1xf32>
    %reduce_sum3A_85 = vector.multi_reduction <add>, %reduce_sum3A_83, %reduce_sum3A_84 [1, 2] : vector<1x64x128xf32> to vector<1xf32>
    %reduce_sum3A_86 = vector.shape_cast %reduce_sum3A_85 : vector<1xf32> to vector<1x1x1xf32>
    %reduce_sum3A_87 = vector.extract %reduce_sum3A_86[0, 0, 0] : f32 from vector<1x1x1xf32>
    %eq3A_88 = arith.constant 5 : i32
    %eq3A_89 = vector.broadcast %eq3A_88 : i32 to vector<64x128xi32>
    %eq3A_90 = arith.cmpi eq, %get3A_7, %eq3A_89 : vector<64x128xi32>
    %convert_element_type3A_91 = arith.extui %eq3A_90 : vector<64x128xi1> to vector<64x128xi32>
    %convert_element_type3A_92 = arith.sitofp %convert_element_type3A_91 : vector<64x128xi32> to vector<64x128xf32>
    %eq3A_93 = arith.constant 5 : i32
    %eq3A_94 = vector.broadcast %eq3A_93 : i32 to vector<64x128xi32>
    %eq3A_95 = arith.cmpi eq, %get3A_10, %eq3A_94 : vector<64x128xi32>
    %convert_element_type3A_96 = arith.extui %eq3A_95 : vector<64x128xi1> to vector<64x128xi32>
    %convert_element_type3A_97 = arith.sitofp %convert_element_type3A_96 : vector<64x128xi32> to vector<64x128xf32>
    %add3A_98 = arith.addf %convert_element_type3A_92, %convert_element_type3A_97 : vector<64x128xf32>
    %reduce_sum3A_99 = vector.shape_cast %add3A_98 : vector<64x128xf32> to vector<1x64x128xf32>
    %reduce_sum3A_100 = arith.constant dense<0.000000e+00> : vector<1xf32>
    %reduce_sum3A_101 = vector.multi_reduction <add>, %reduce_sum3A_99, %reduce_sum3A_100 [1, 2] : vector<1x64x128xf32> to vector<1xf32>
    %reduce_sum3A_102 = vector.shape_cast %reduce_sum3A_101 : vector<1xf32> to vector<1x1x1xf32>
    %reduce_sum3A_103 = vector.extract %reduce_sum3A_102[0, 0, 0] : f32 from vector<1x1x1xf32>
    %eq3A_104 = arith.constant 6 : i32
    %eq3A_105 = vector.broadcast %eq3A_104 : i32 to vector<64x128xi32>
    %eq3A_106 = arith.cmpi eq, %get3A_7, %eq3A_105 : vector<64x128xi32>
    %convert_element_type3A_107 = arith.extui %eq3A_106 : vector<64x128xi1> to vector<64x128xi32>
    %convert_element_type3A_108 = arith.sitofp %convert_element_type3A_107 : vector<64x128xi32> to vector<64x128xf32>
    %eq3A_109 = arith.constant 6 : i32
    %eq3A_110 = vector.broadcast %eq3A_109 : i32 to vector<64x128xi32>
    %eq3A_111 = arith.cmpi eq, %get3A_10, %eq3A_110 : vector<64x128xi32>
    %convert_element_type3A_112 = arith.extui %eq3A_111 : vector<64x128xi1> to vector<64x128xi32>
    %convert_element_type3A_113 = arith.sitofp %convert_element_type3A_112 : vector<64x128xi32> to vector<64x128xf32>
    %add3A_114 = arith.addf %convert_element_type3A_108, %convert_element_type3A_113 : vector<64x128xf32>
    %reduce_sum3A_115 = vector.shape_cast %add3A_114 : vector<64x128xf32> to vector<1x64x128xf32>
    %reduce_sum3A_116 = arith.constant dense<0.000000e+00> : vector<1xf32>
    %reduce_sum3A_117 = vector.multi_reduction <add>, %reduce_sum3A_115, %reduce_sum3A_116 [1, 2] : vector<1x64x128xf32> to vector<1xf32>
    %reduce_sum3A_118 = vector.shape_cast %reduce_sum3A_117 : vector<1xf32> to vector<1x1x1xf32>
    %reduce_sum3A_119 = vector.extract %reduce_sum3A_118[0, 0, 0] : f32 from vector<1x1x1xf32>
    %eq3A_120 = arith.constant 7 : i32
    %eq3A_121 = vector.broadcast %eq3A_120 : i32 to vector<64x128xi32>
    %eq3A_122 = arith.cmpi eq, %get3A_7, %eq3A_121 : vector<64x128xi32>
    %convert_element_type3A_123 = arith.extui %eq3A_122 : vector<64x128xi1> to vector<64x128xi32>
    %convert_element_type3A_124 = arith.sitofp %convert_element_type3A_123 : vector<64x128xi32> to vector<64x128xf32>
    %eq3A_125 = arith.constant 7 : i32
    %eq3A_126 = vector.broadcast %eq3A_125 : i32 to vector<64x128xi32>
    %eq3A_127 = arith.cmpi eq, %get3A_10, %eq3A_126 : vector<64x128xi32>
    %convert_element_type3A_128 = arith.extui %eq3A_127 : vector<64x128xi1> to vector<64x128xi32>
    %convert_element_type3A_129 = arith.sitofp %convert_element_type3A_128 : vector<64x128xi32> to vector<64x128xf32>
    %add3A_130 = arith.addf %convert_element_type3A_124, %convert_element_type3A_129 : vector<64x128xf32>
    %reduce_sum3A_131 = vector.shape_cast %add3A_130 : vector<64x128xf32> to vector<1x64x128xf32>
    %reduce_sum3A_132 = arith.constant dense<0.000000e+00> : vector<1xf32>
    %reduce_sum3A_133 = vector.multi_reduction <add>, %reduce_sum3A_131, %reduce_sum3A_132 [1, 2] : vector<1x64x128xf32> to vector<1xf32>
    %reduce_sum3A_134 = vector.shape_cast %reduce_sum3A_133 : vector<1xf32> to vector<1x1x1xf32>
    %reduce_sum3A_135 = vector.extract %reduce_sum3A_134[0, 0, 0] : f32 from vector<1x1x1xf32>
    %div3A = arith.constant 1.024000e+03 : f32
    %div3A_136 = arith.divf %reduce_sum3A_23, %div3A : f32
    %ceil3A = math.ceil %div3A_136 : f32
    %mul3A = arith.constant 1.024000e+03 : f32
    %mul3A_137 = arith.mulf %ceil3A, %mul3A : f32
    %add3A_138 = arith.constant 0.000000e+00 : f32
    %add3A_139 = arith.addf %add3A_138, %mul3A_137 : f32
    %div3A_140 = arith.constant 1.024000e+03 : f32
    %div3A_141 = arith.divf %reduce_sum3A_39, %div3A_140 : f32
    %ceil3A_142 = math.ceil %div3A_141 : f32
    %mul3A_143 = arith.constant 1.024000e+03 : f32
    %mul3A_144 = arith.mulf %ceil3A_142, %mul3A_143 : f32
    %add3A_145 = arith.addf %add3A_139, %mul3A_144 : f32
    %div3A_146 = arith.constant 1.024000e+03 : f32
    %div3A_147 = arith.divf %reduce_sum3A_55, %div3A_146 : f32
    %ceil3A_148 = math.ceil %div3A_147 : f32
    %mul3A_149 = arith.constant 1.024000e+03 : f32
    %mul3A_150 = arith.mulf %ceil3A_148, %mul3A_149 : f32
    %add3A_151 = arith.addf %add3A_145, %mul3A_150 : f32
    %div3A_152 = arith.constant 1.024000e+03 : f32
    %div3A_153 = arith.divf %reduce_sum3A_71, %div3A_152 : f32
    %ceil3A_154 = math.ceil %div3A_153 : f32
    %mul3A_155 = arith.constant 1.024000e+03 : f32
    %mul3A_156 = arith.mulf %ceil3A_154, %mul3A_155 : f32
    %add3A_157 = arith.addf %add3A_151, %mul3A_156 : f32
    %div3A_158 = arith.constant 1.024000e+03 : f32
    %div3A_159 = arith.divf %reduce_sum3A_87, %div3A_158 : f32
    %ceil3A_160 = math.ceil %div3A_159 : f32
    %mul3A_161 = arith.constant 1.024000e+03 : f32
    %mul3A_162 = arith.mulf %ceil3A_160, %mul3A_161 : f32
    %add3A_163 = arith.addf %add3A_157, %mul3A_162 : f32
    %div3A_164 = arith.constant 1.024000e+03 : f32
    %div3A_165 = arith.divf %reduce_sum3A_103, %div3A_164 : f32
    %ceil3A_166 = math.ceil %div3A_165 : f32
    %mul3A_167 = arith.constant 1.024000e+03 : f32
    %mul3A_168 = arith.mulf %ceil3A_166, %mul3A_167 : f32
    %add3A_169 = arith.addf %add3A_163, %mul3A_168 : f32
    %div3A_170 = arith.constant 1.024000e+03 : f32
    %div3A_171 = arith.divf %reduce_sum3A_119, %div3A_170 : f32
    %ceil3A_172 = math.ceil %div3A_171 : f32
    %mul3A_173 = arith.constant 1.024000e+03 : f32
    %mul3A_174 = arith.mulf %ceil3A_172, %mul3A_173 : f32
    %add3A_175 = arith.addf %add3A_169, %mul3A_174 : f32
    %div3A_176 = arith.constant 1.024000e+03 : f32
    %div3A_177 = arith.divf %reduce_sum3A_135, %div3A_176 : f32
    %ceil3A_178 = math.ceil %div3A_177 : f32
    %mul3A_179 = arith.constant 1.024000e+03 : f32
    %mul3A_180 = arith.mulf %ceil3A_178, %mul3A_179 : f32
    %add3A_181 = arith.addf %add3A_175, %mul3A_180 : f32
    %iota3A_182 = tpu.iota {dimensions = array<i32: 1>} : vector<1x256xi32>
    %convert_element_type3A_183 = arith.sitofp %iota3A_182 : vector<1x256xi32> to vector<1x256xf32>
    %mul3A_184 = arith.constant 1.024000e+03 : f32
    %mul3A_185 = vector.broadcast %mul3A_184 : f32 to vector<1x256xf32>
    %mul3A_186 = arith.mulf %convert_element_type3A_183, %mul3A_185 : vector<1x256xf32>
    %broadcast_in_dim3A = arith.constant 0 : i32
    %broadcast_in_dim3A_187 = vector.broadcast %broadcast_in_dim3A : i32 to vector<1x256xi32>
    %ge3A = arith.constant 0.000000e+00 : f32
    %ge3A_188 = vector.broadcast %ge3A : f32 to vector<1x256xf32>
    %ge3A_189 = arith.cmpf oge, %mul3A_186, %ge3A_188 : vector<1x256xf32>
    %convert_element_type3A_190 = arith.extui %ge3A_189 : vector<1x256xi1> to vector<1x256xi32>
    %add3A_191 = arith.addi %broadcast_in_dim3A_187, %convert_element_type3A_190 : vector<1x256xi32>
    %ge3A_192 = vector.broadcast %add3A_139 : f32 to vector<1x256xf32>
    %ge3A_193 = arith.cmpf oge, %mul3A_186, %ge3A_192 : vector<1x256xf32>
    %convert_element_type3A_194 = arith.extui %ge3A_193 : vector<1x256xi1> to vector<1x256xi32>
    %add3A_195 = arith.addi %add3A_191, %convert_element_type3A_194 : vector<1x256xi32>
    %ge3A_196 = vector.broadcast %add3A_145 : f32 to vector<1x256xf32>
    %ge3A_197 = arith.cmpf oge, %mul3A_186, %ge3A_196 : vector<1x256xf32>
    %convert_element_type3A_198 = arith.extui %ge3A_197 : vector<1x256xi1> to vector<1x256xi32>
    %add3A_199 = arith.addi %add3A_195, %convert_element_type3A_198 : vector<1x256xi32>
    %ge3A_200 = vector.broadcast %add3A_151 : f32 to vector<1x256xf32>
    %ge3A_201 = arith.cmpf oge, %mul3A_186, %ge3A_200 : vector<1x256xf32>
    %convert_element_type3A_202 = arith.extui %ge3A_201 : vector<1x256xi1> to vector<1x256xi32>
    %add3A_203 = arith.addi %add3A_199, %convert_element_type3A_202 : vector<1x256xi32>
    %ge3A_204 = vector.broadcast %add3A_157 : f32 to vector<1x256xf32>
    %ge3A_205 = arith.cmpf oge, %mul3A_186, %ge3A_204 : vector<1x256xf32>
    %convert_element_type3A_206 = arith.extui %ge3A_205 : vector<1x256xi1> to vector<1x256xi32>
    %add3A_207 = arith.addi %add3A_203, %convert_element_type3A_206 : vector<1x256xi32>
    %ge3A_208 = vector.broadcast %add3A_163 : f32 to vector<1x256xf32>
    %ge3A_209 = arith.cmpf oge, %mul3A_186, %ge3A_208 : vector<1x256xf32>
    %convert_element_type3A_210 = arith.extui %ge3A_209 : vector<1x256xi1> to vector<1x256xi32>
    %add3A_211 = arith.addi %add3A_207, %convert_element_type3A_210 : vector<1x256xi32>
    %ge3A_212 = vector.broadcast %add3A_169 : f32 to vector<1x256xf32>
    %ge3A_213 = arith.cmpf oge, %mul3A_186, %ge3A_212 : vector<1x256xf32>
    %convert_element_type3A_214 = arith.extui %ge3A_213 : vector<1x256xi1> to vector<1x256xi32>
    %add3A_215 = arith.addi %add3A_211, %convert_element_type3A_214 : vector<1x256xi32>
    %ge3A_216 = vector.broadcast %add3A_175 : f32 to vector<1x256xf32>
    %ge3A_217 = arith.cmpf oge, %mul3A_186, %ge3A_216 : vector<1x256xf32>
    %convert_element_type3A_218 = arith.extui %ge3A_217 : vector<1x256xi1> to vector<1x256xi32>
    %add3A_219 = arith.addi %add3A_215, %convert_element_type3A_218 : vector<1x256xi32>
    %lt3A_220 = vector.broadcast %add3A_181 : f32 to vector<1x256xf32>
    %lt3A_221 = arith.cmpf olt, %mul3A_186, %lt3A_220 : vector<1x256xf32>
    %sub3A = arith.constant 1 : i32
    %sub3A_222 = vector.broadcast %sub3A : i32 to vector<1x256xi32>
    %sub3A_223 = arith.subi %add3A_219, %sub3A_222 : vector<1x256xi32>
    %jit3A = arith.constant -1 : i32
    %broadcast_in_dim3A_224 = vector.broadcast %jit3A : i32 to vector<1x256xi32>
    %select_n3A = arith.select %lt3A_221, %sub3A_223, %broadcast_in_dim3A_224 : vector<1x256xi1>, vector<1x256xi32>
    %swap3A = arith.constant 0 : index
    %swap3A_225 = arith.constant 0 : index
    %swap3A_226 = vector.load %arg5[%swap3A, %swap3A_225] : memref<1x256xi32, #tpu.memory_space<vmem>>, vector<1x256xi32>
    tpu.vector_store %arg5[%swap3A, %swap3A_225], %select_n3A {strides = array<i32>} : memref<1x256xi32, #tpu.memory_space<vmem>>, vector<1x256xi32>,
    %slice3A = vector.extract_strided_slice %get3A_7 {offsets = [0, 0], sizes = [16, 128], strides = [1, 1]} : vector<64x128xi32> to vector<16x128xi32>
    %slice3A_227 = vector.extract_strided_slice %get3A_10 {offsets = [0, 0], sizes = [16, 128], strides = [1, 1]} : vector<64x128xi32> to vector<16x128xi32>
    %broadcast_in_dim3A_228 = arith.constant 0.000000e+00 : f32
    %broadcast_in_dim3A_229 = vector.broadcast %broadcast_in_dim3A_228 : f32 to vector<16x128xf32>
    %broadcast_in_dim3A_230 = arith.constant 0.000000e+00 : f32
    %broadcast_in_dim3A_231 = vector.broadcast %broadcast_in_dim3A_230 : f32 to vector<16x128xf32>
    %eq3A_232 = arith.constant 0 : i32
    %eq3A_233 = vector.broadcast %eq3A_232 : i32 to vector<16x128xi32>
    %eq3A_234 = arith.cmpi eq, %slice3A, %eq3A_233 : vector<16x128xi32>
    %convert_element_type3A_235 = arith.extui %eq3A_234 : vector<16x128xi1> to vector<16x128xi32>
    %convert_element_type3A_236 = arith.sitofp %convert_element_type3A_235 : vector<16x128xi32> to vector<16x128xf32>
    %eq3A_237 = arith.constant 0 : i32
    %eq3A_238 = vector.broadcast %eq3A_237 : i32 to vector<16x128xi32>
    %eq3A_239 = arith.cmpi eq, %slice3A_227, %eq3A_238 : vector<16x128xi32>
    %convert_element_type3A_240 = arith.extui %eq3A_239 : vector<16x128xi1> to vector<16x128xi32>
    %convert_element_type3A_241 = arith.sitofp %convert_element_type3A_240 : vector<16x128xi32> to vector<16x128xf32>
    %add3A_242 = arith.addf %convert_element_type3A_236, %convert_element_type3A_241 : vector<16x128xf32>
    %dot_general3A = arith.constant dense<0.000000e+00> : vector<16x128xf32>
    %dot_general3A_243 = tpu.matmul %add3A_242, %convert_element_type3A_1, %dot_general3A {dimension_numbers = #tpu.dot_dimension_numbers<[1], [0], [0], [1], [0, 0, 1, 1], [], []>, transpose_lhs_hint = false} : vector<16x128xf32>, vector<128x128xf32>, vector<16x128xf32> -> vector<16x128xf32>
    %reduce_sum3A_244 = arith.constant dense<0.000000e+00> : vector<16xf32>
    %reduce_sum3A_245 = vector.multi_reduction <add>, %add3A_242, %reduce_sum3A_244 [1] : vector<16x128xf32> to vector<16xf32>
    %broadcast_in_dim3A_246 = vector.shape_cast %reduce_sum3A_245 : vector<16xf32> to vector<16x1xf32>
    %dot_general3A_247 = arith.constant dense<0.000000e+00> : vector<16x1xf32>
    %dot_general3A_248 = tpu.matmul %convert_element_type3A_5, %broadcast_in_dim3A_246, %dot_general3A_247 {dimension_numbers = #tpu.dot_dimension_numbers<[1], [0], [0], [1], [0, 0, 1, 1], [], []>, transpose_lhs_hint = false} : vector<16x16xf32>, vector<16x1xf32>, vector<16x1xf32> -> vector<16x1xf32>
    %add3A_249 = arith.constant 0.000000e+00 : f32
    %add3A_250 = arith.constant 0.000000e+00 : f32
    %add3A_251 = arith.addf %add3A_249, %add3A_250 : f32
    %add3A_252 = vector.broadcast %add3A_251 : f32 to vector<16x1xf32>
    %add3A_253 = arith.addf %add3A_252, %dot_general3A_248 : vector<16x1xf32>
    %add3A_254 = vector.broadcast %add3A_253 : vector<16x1xf32> to vector<16x128xf32>
    %add3A_255 = arith.addf %add3A_254, %dot_general3A_243 : vector<16x128xf32>
    %eq3A_256 = arith.constant 0 : i32
    %eq3A_257 = vector.broadcast %eq3A_256 : i32 to vector<16x128xi32>
    %eq3A_258 = arith.cmpi eq, %slice3A, %eq3A_257 : vector<16x128xi32>
    %jit3A_259 = arith.constant 0.000000e+00 : f32
    %broadcast_in_dim3A_260 = vector.broadcast %jit3A_259 : f32 to vector<16x128xf32>
    %select_n3A_261 = arith.select %eq3A_258, %add3A_255, %broadcast_in_dim3A_260 : vector<16x128xi1>, vector<16x128xf32>
    %add3A_262 = arith.addf %broadcast_in_dim3A_229, %select_n3A_261 : vector<16x128xf32>
    %eq3A_263 = arith.constant 0 : i32
    %eq3A_264 = vector.broadcast %eq3A_263 : i32 to vector<16x128xi32>
    %eq3A_265 = arith.cmpi eq, %slice3A_227, %eq3A_264 : vector<16x128xi32>
    %jit3A_266 = arith.constant 0.000000e+00 : f32
    %broadcast_in_dim3A_267 = vector.broadcast %jit3A_266 : f32 to vector<16x128xf32>
    %select_n3A_268 = arith.select %eq3A_265, %add3A_255, %broadcast_in_dim3A_267 : vector<16x128xi1>, vector<16x128xf32>
    %add3A_269 = arith.addf %broadcast_in_dim3A_231, %select_n3A_268 : vector<16x128xf32>
    %reduce_sum3A_270 = vector.shape_cast %add3A_242 : vector<16x128xf32> to vector<1x16x128xf32>
    %reduce_sum3A_271 = arith.constant dense<0.000000e+00> : vector<1xf32>
    %reduce_sum3A_272 = vector.multi_reduction <add>, %reduce_sum3A_270, %reduce_sum3A_271 [1, 2] : vector<1x16x128xf32> to vector<1xf32>
    %reduce_sum3A_273 = vector.shape_cast %reduce_sum3A_272 : vector<1xf32> to vector<1x1x1xf32>
    %reduce_sum3A_274 = vector.extract %reduce_sum3A_273[0, 0, 0] : f32 from vector<1x1x1xf32>
    %add3A_275 = arith.constant 0.000000e+00 : f32
    %add3A_276 = arith.addf %add3A_275, %reduce_sum3A_274 : f32
    %eq3A_277 = arith.constant 1 : i32
    %eq3A_278 = vector.broadcast %eq3A_277 : i32 to vector<16x128xi32>
    %eq3A_279 = arith.cmpi eq, %slice3A, %eq3A_278 : vector<16x128xi32>
    %convert_element_type3A_280 = arith.extui %eq3A_279 : vector<16x128xi1> to vector<16x128xi32>
    %convert_element_type3A_281 = arith.sitofp %convert_element_type3A_280 : vector<16x128xi32> to vector<16x128xf32>
    %eq3A_282 = arith.constant 1 : i32
    %eq3A_283 = vector.broadcast %eq3A_282 : i32 to vector<16x128xi32>
    %eq3A_284 = arith.cmpi eq, %slice3A_227, %eq3A_283 : vector<16x128xi32>
    %convert_element_type3A_285 = arith.extui %eq3A_284 : vector<16x128xi1> to vector<16x128xi32>
    %convert_element_type3A_286 = arith.sitofp %convert_element_type3A_285 : vector<16x128xi32> to vector<16x128xf32>
    %add3A_287 = arith.addf %convert_element_type3A_281, %convert_element_type3A_286 : vector<16x128xf32>
    %dot_general3A_288 = arith.constant dense<0.000000e+00> : vector<16x128xf32>
    %dot_general3A_289 = tpu.matmul %add3A_287, %convert_element_type3A_1, %dot_general3A_288 {dimension_numbers = #tpu.dot_dimension_numbers<[1], [0], [0], [1], [0, 0, 1, 1], [], []>, transpose_lhs_hint = false} : vector<16x128xf32>, vector<128x128xf32>, vector<16x128xf32> -> vector<16x128xf32>
    %reduce_sum3A_290 = arith.constant dense<0.000000e+00> : vector<16xf32>
    %reduce_sum3A_291 = vector.multi_reduction <add>, %add3A_287, %reduce_sum3A_290 [1] : vector<16x128xf32> to vector<16xf32>
    %broadcast_in_dim3A_292 = vector.shape_cast %reduce_sum3A_291 : vector<16xf32> to vector<16x1xf32>
    %dot_general3A_293 = arith.constant dense<0.000000e+00> : vector<16x1xf32>
    %dot_general3A_294 = tpu.matmul %convert_element_type3A_5, %broadcast_in_dim3A_292, %dot_general3A_293 {dimension_numbers = #tpu.dot_dimension_numbers<[1], [0], [0], [1], [0, 0, 1, 1], [], []>, transpose_lhs_hint = false} : vector<16x16xf32>, vector<16x1xf32>, vector<16x1xf32> -> vector<16x1xf32>
    %add3A_295 = arith.constant 0.000000e+00 : f32
    %add3A_296 = arith.addf %add3A_139, %add3A_295 : f32
    %add3A_297 = vector.broadcast %add3A_296 : f32 to vector<16x1xf32>
    %add3A_298 = arith.addf %add3A_297, %dot_general3A_294 : vector<16x1xf32>
    %add3A_299 = vector.broadcast %add3A_298 : vector<16x1xf32> to vector<16x128xf32>
    %add3A_300 = arith.addf %add3A_299, %dot_general3A_289 : vector<16x128xf32>
    %eq3A_301 = arith.constant 1 : i32
    %eq3A_302 = vector.broadcast %eq3A_301 : i32 to vector<16x128xi32>
    %eq3A_303 = arith.cmpi eq, %slice3A, %eq3A_302 : vector<16x128xi32>
    %jit3A_304 = arith.constant 0.000000e+00 : f32
    %broadcast_in_dim3A_305 = vector.broadcast %jit3A_304 : f32 to vector<16x128xf32>
    %select_n3A_306 = arith.select %eq3A_303, %add3A_300, %broadcast_in_dim3A_305 : vector<16x128xi1>, vector<16x128xf32>
    %add3A_307 = arith.addf %add3A_262, %select_n3A_306 : vector<16x128xf32>
    %eq3A_308 = arith.constant 1 : i32
    %eq3A_309 = vector.broadcast %eq3A_308 : i32 to vector<16x128xi32>
    %eq3A_310 = arith.cmpi eq, %slice3A_227, %eq3A_309 : vector<16x128xi32>
    %jit3A_311 = arith.constant 0.000000e+00 : f32
    %broadcast_in_dim3A_312 = vector.broadcast %jit3A_311 : f32 to vector<16x128xf32>
    %select_n3A_313 = arith.select %eq3A_310, %add3A_300, %broadcast_in_dim3A_312 : vector<16x128xi1>, vector<16x128xf32>
    %add3A_314 = arith.addf %add3A_269, %select_n3A_313 : vector<16x128xf32>
    %reduce_sum3A_315 = vector.shape_cast %add3A_287 : vector<16x128xf32> to vector<1x16x128xf32>
    %reduce_sum3A_316 = arith.constant dense<0.000000e+00> : vector<1xf32>
    %reduce_sum3A_317 = vector.multi_reduction <add>, %reduce_sum3A_315, %reduce_sum3A_316 [1, 2] : vector<1x16x128xf32> to vector<1xf32>
    %reduce_sum3A_318 = vector.shape_cast %reduce_sum3A_317 : vector<1xf32> to vector<1x1x1xf32>
    %reduce_sum3A_319 = vector.extract %reduce_sum3A_318[0, 0, 0] : f32 from vector<1x1x1xf32>
    %add3A_320 = arith.constant 0.000000e+00 : f32
    %add3A_321 = arith.addf %add3A_320, %reduce_sum3A_319 : f32
    %eq3A_322 = arith.constant 2 : i32
    %eq3A_323 = vector.broadcast %eq3A_322 : i32 to vector<16x128xi32>
    %eq3A_324 = arith.cmpi eq, %slice3A, %eq3A_323 : vector<16x128xi32>
    %convert_element_type3A_325 = arith.extui %eq3A_324 : vector<16x128xi1> to vector<16x128xi32>
    %convert_element_type3A_326 = arith.sitofp %convert_element_type3A_325 : vector<16x128xi32> to vector<16x128xf32>
    %eq3A_327 = arith.constant 2 : i32
    %eq3A_328 = vector.broadcast %eq3A_327 : i32 to vector<16x128xi32>
    %eq3A_329 = arith.cmpi eq, %slice3A_227, %eq3A_328 : vector<16x128xi32>
    %convert_element_type3A_330 = arith.extui %eq3A_329 : vector<16x128xi1> to vector<16x128xi32>
    %convert_element_type3A_331 = arith.sitofp %convert_element_type3A_330 : vector<16x128xi32> to vector<16x128xf32>
    %add3A_332 = arith.addf %convert_element_type3A_326, %convert_element_type3A_331 : vector<16x128xf32>
    %dot_general3A_333 = arith.constant dense<0.000000e+00> : vector<16x128xf32>
    %dot_general3A_334 = tpu.matmul %add3A_332, %convert_element_type3A_1, %dot_general3A_333 {dimension_numbers = #tpu.dot_dimension_numbers<[1], [0], [0], [1], [0, 0, 1, 1], [], []>, transpose_lhs_hint = false} : vector<16x128xf32>, vector<128x128xf32>, vector<16x128xf32> -> vector<16x128xf32>
    %reduce_sum3A_335 = arith.constant dense<0.000000e+00> : vector<16xf32>
    %reduce_sum3A_336 = vector.multi_reduction <add>, %add3A_332, %reduce_sum3A_335 [1] : vector<16x128xf32> to vector<16xf32>
    %broadcast_in_dim3A_337 = vector.shape_cast %reduce_sum3A_336 : vector<16xf32> to vector<16x1xf32>
    %dot_general3A_338 = arith.constant dense<0.000000e+00> : vector<16x1xf32>
    %dot_general3A_339 = tpu.matmul %convert_element_type3A_5, %broadcast_in_dim3A_337, %dot_general3A_338 {dimension_numbers = #tpu.dot_dimension_numbers<[1], [0], [0], [1], [0, 0, 1, 1], [], []>, transpose_lhs_hint = false} : vector<16x16xf32>, vector<16x1xf32>, vector<16x1xf32> -> vector<16x1xf32>
    %add3A_340 = arith.constant 0.000000e+00 : f32
    %add3A_341 = arith.addf %add3A_145, %add3A_340 : f32
    %add3A_342 = vector.broadcast %add3A_341 : f32 to vector<16x1xf32>
    %add3A_343 = arith.addf %add3A_342, %dot_general3A_339 : vector<16x1xf32>
    %add3A_344 = vector.broadcast %add3A_343 : vector<16x1xf32> to vector<16x128xf32>
    %add3A_345 = arith.addf %add3A_344, %dot_general3A_334 : vector<16x128xf32>
    %eq3A_346 = arith.constant 2 : i32
    %eq3A_347 = vector.broadcast %eq3A_346 : i32 to vector<16x128xi32>
    %eq3A_348 = arith.cmpi eq, %slice3A, %eq3A_347 : vector<16x128xi32>
    %jit3A_349 = arith.constant 0.000000e+00 : f32
    %broadcast_in_dim3A_350 = vector.broadcast %jit3A_349 : f32 to vector<16x128xf32>
    %select_n3A_351 = arith.select %eq3A_348, %add3A_345, %broadcast_in_dim3A_350 : vector<16x128xi1>, vector<16x128xf32>
    %add3A_352 = arith.addf %add3A_307, %select_n3A_351 : vector<16x128xf32>
    %eq3A_353 = arith.constant 2 : i32
    %eq3A_354 = vector.broadcast %eq3A_353 : i32 to vector<16x128xi32>
    %eq3A_355 = arith.cmpi eq, %slice3A_227, %eq3A_354 : vector<16x128xi32>
    %jit3A_356 = arith.constant 0.000000e+00 : f32
    %broadcast_in_dim3A_357 = vector.broadcast %jit3A_356 : f32 to vector<16x128xf32>
    %select_n3A_358 = arith.select %eq3A_355, %add3A_345, %broadcast_in_dim3A_357 : vector<16x128xi1>, vector<16x128xf32>
    %add3A_359 = arith.addf %add3A_314, %select_n3A_358 : vector<16x128xf32>
    %reduce_sum3A_360 = vector.shape_cast %add3A_332 : vector<16x128xf32> to vector<1x16x128xf32>
    %reduce_sum3A_361 = arith.constant dense<0.000000e+00> : vector<1xf32>
    %reduce_sum3A_362 = vector.multi_reduction <add>, %reduce_sum3A_360, %reduce_sum3A_361 [1, 2] : vector<1x16x128xf32> to vector<1xf32>
    %reduce_sum3A_363 = vector.shape_cast %reduce_sum3A_362 : vector<1xf32> to vector<1x1x1xf32>
    %reduce_sum3A_364 = vector.extract %reduce_sum3A_363[0, 0, 0] : f32 from vector<1x1x1xf32>
    %add3A_365 = arith.constant 0.000000e+00 : f32
    %add3A_366 = arith.addf %add3A_365, %reduce_sum3A_364 : f32
    %eq3A_367 = arith.constant 3 : i32
    %eq3A_368 = vector.broadcast %eq3A_367 : i32 to vector<16x128xi32>
    %eq3A_369 = arith.cmpi eq, %slice3A, %eq3A_368 : vector<16x128xi32>
    %convert_element_type3A_370 = arith.extui %eq3A_369 : vector<16x128xi1> to vector<16x128xi32>
    %convert_element_type3A_371 = arith.sitofp %convert_element_type3A_370 : vector<16x128xi32> to vector<16x128xf32>
    %eq3A_372 = arith.constant 3 : i32
    %eq3A_373 = vector.broadcast %eq3A_372 : i32 to vector<16x128xi32>
    %eq3A_374 = arith.cmpi eq, %slice3A_227, %eq3A_373 : vector<16x128xi32>
    %convert_element_type3A_375 = arith.extui %eq3A_374 : vector<16x128xi1> to vector<16x128xi32>
    %convert_element_type3A_376 = arith.sitofp %convert_element_type3A_375 : vector<16x128xi32> to vector<16x128xf32>
    %add3A_377 = arith.addf %convert_element_type3A_371, %convert_element_type3A_376 : vector<16x128xf32>
    %dot_general3A_378 = arith.constant dense<0.000000e+00> : vector<16x128xf32>
    %dot_general3A_379 = tpu.matmul %add3A_377, %convert_element_type3A_1, %dot_general3A_378 {dimension_numbers = #tpu.dot_dimension_numbers<[1], [0], [0], [1], [0, 0, 1, 1], [], []>, transpose_lhs_hint = false} : vector<16x128xf32>, vector<128x128xf32>, vector<16x128xf32> -> vector<16x128xf32>
    %reduce_sum3A_380 = arith.constant dense<0.000000e+00> : vector<16xf32>
    %reduce_sum3A_381 = vector.multi_reduction <add>, %add3A_377, %reduce_sum3A_380 [1] : vector<16x128xf32> to vector<16xf32>
    %broadcast_in_dim3A_382 = vector.shape_cast %reduce_sum3A_381 : vector<16xf32> to vector<16x1xf32>
    %dot_general3A_383 = arith.constant dense<0.000000e+00> : vector<16x1xf32>
    %dot_general3A_384 = tpu.matmul %convert_element_type3A_5, %broadcast_in_dim3A_382, %dot_general3A_383 {dimension_numbers = #tpu.dot_dimension_numbers<[1], [0], [0], [1], [0, 0, 1, 1], [], []>, transpose_lhs_hint = false} : vector<16x16xf32>, vector<16x1xf32>, vector<16x1xf32> -> vector<16x1xf32>
    %add3A_385 = arith.constant 0.000000e+00 : f32
    %add3A_386 = arith.addf %add3A_151, %add3A_385 : f32
    %add3A_387 = vector.broadcast %add3A_386 : f32 to vector<16x1xf32>
    %add3A_388 = arith.addf %add3A_387, %dot_general3A_384 : vector<16x1xf32>
    %add3A_389 = vector.broadcast %add3A_388 : vector<16x1xf32> to vector<16x128xf32>
    %add3A_390 = arith.addf %add3A_389, %dot_general3A_379 : vector<16x128xf32>
    %eq3A_391 = arith.constant 3 : i32
    %eq3A_392 = vector.broadcast %eq3A_391 : i32 to vector<16x128xi32>
    %eq3A_393 = arith.cmpi eq, %slice3A, %eq3A_392 : vector<16x128xi32>
    %jit3A_394 = arith.constant 0.000000e+00 : f32
    %broadcast_in_dim3A_395 = vector.broadcast %jit3A_394 : f32 to vector<16x128xf32>
    %select_n3A_396 = arith.select %eq3A_393, %add3A_390, %broadcast_in_dim3A_395 : vector<16x128xi1>, vector<16x128xf32>
    %add3A_397 = arith.addf %add3A_352, %select_n3A_396 : vector<16x128xf32>
    %eq3A_398 = arith.constant 3 : i32
    %eq3A_399 = vector.broadcast %eq3A_398 : i32 to vector<16x128xi32>
    %eq3A_400 = arith.cmpi eq, %slice3A_227, %eq3A_399 : vector<16x128xi32>
    %jit3A_401 = arith.constant 0.000000e+00 : f32
    %broadcast_in_dim3A_402 = vector.broadcast %jit3A_401 : f32 to vector<16x128xf32>
    %select_n3A_403 = arith.select %eq3A_400, %add3A_390, %broadcast_in_dim3A_402 : vector<16x128xi1>, vector<16x128xf32>
    %add3A_404 = arith.addf %add3A_359, %select_n3A_403 : vector<16x128xf32>
    %reduce_sum3A_405 = vector.shape_cast %add3A_377 : vector<16x128xf32> to vector<1x16x128xf32>
    %reduce_sum3A_406 = arith.constant dense<0.000000e+00> : vector<1xf32>
    %reduce_sum3A_407 = vector.multi_reduction <add>, %reduce_sum3A_405, %reduce_sum3A_406 [1, 2] : vector<1x16x128xf32> to vector<1xf32>
    %reduce_sum3A_408 = vector.shape_cast %reduce_sum3A_407 : vector<1xf32> to vector<1x1x1xf32>
    %reduce_sum3A_409 = vector.extract %reduce_sum3A_408[0, 0, 0] : f32 from vector<1x1x1xf32>
    %add3A_410 = arith.constant 0.000000e+00 : f32
    %add3A_411 = arith.addf %add3A_410, %reduce_sum3A_409 : f32
    %eq3A_412 = arith.constant 4 : i32
    %eq3A_413 = vector.broadcast %eq3A_412 : i32 to vector<16x128xi32>
    %eq3A_414 = arith.cmpi eq, %slice3A, %eq3A_413 : vector<16x128xi32>
    %convert_element_type3A_415 = arith.extui %eq3A_414 : vector<16x128xi1> to vector<16x128xi32>
    %convert_element_type3A_416 = arith.sitofp %convert_element_type3A_415 : vector<16x128xi32> to vector<16x128xf32>
    %eq3A_417 = arith.constant 4 : i32
    %eq3A_418 = vector.broadcast %eq3A_417 : i32 to vector<16x128xi32>
    %eq3A_419 = arith.cmpi eq, %slice3A_227, %eq3A_418 : vector<16x128xi32>
    %convert_element_type3A_420 = arith.extui %eq3A_419 : vector<16x128xi1> to vector<16x128xi32>
    %convert_element_type3A_421 = arith.sitofp %convert_element_type3A_420 : vector<16x128xi32> to vector<16x128xf32>
    %add3A_422 = arith.addf %convert_element_type3A_416, %convert_element_type3A_421 : vector<16x128xf32>
    %dot_general3A_423 = arith.constant dense<0.000000e+00> : vector<16x128xf32>
    %dot_general3A_424 = tpu.matmul %add3A_422, %convert_element_type3A_1, %dot_general3A_423 {dimension_numbers = #tpu.dot_dimension_numbers<[1], [0], [0], [1], [0, 0, 1, 1], [], []>, transpose_lhs_hint = false} : vector<16x128xf32>, vector<128x128xf32>, vector<16x128xf32> -> vector<16x128xf32>
    %reduce_sum3A_425 = arith.constant dense<0.000000e+00> : vector<16xf32>
    %reduce_sum3A_426 = vector.multi_reduction <add>, %add3A_422, %reduce_sum3A_425 [1] : vector<16x128xf32> to vector<16xf32>
    %broadcast_in_dim3A_427 = vector.shape_cast %reduce_sum3A_426 : vector<16xf32> to vector<16x1xf32>
    %dot_general3A_428 = arith.constant dense<0.000000e+00> : vector<16x1xf32>
    %dot_general3A_429 = tpu.matmul %convert_element_type3A_5, %broadcast_in_dim3A_427, %dot_general3A_428 {dimension_numbers = #tpu.dot_dimension_numbers<[1], [0], [0], [1], [0, 0, 1, 1], [], []>, transpose_lhs_hint = false} : vector<16x16xf32>, vector<16x1xf32>, vector<16x1xf32> -> vector<16x1xf32>
    %add3A_430 = arith.constant 0.000000e+00 : f32
    %add3A_431 = arith.addf %add3A_157, %add3A_430 : f32
    %add3A_432 = vector.broadcast %add3A_431 : f32 to vector<16x1xf32>
    %add3A_433 = arith.addf %add3A_432, %dot_general3A_429 : vector<16x1xf32>
    %add3A_434 = vector.broadcast %add3A_433 : vector<16x1xf32> to vector<16x128xf32>
    %add3A_435 = arith.addf %add3A_434, %dot_general3A_424 : vector<16x128xf32>
    %eq3A_436 = arith.constant 4 : i32
    %eq3A_437 = vector.broadcast %eq3A_436 : i32 to vector<16x128xi32>
    %eq3A_438 = arith.cmpi eq, %slice3A, %eq3A_437 : vector<16x128xi32>
    %jit3A_439 = arith.constant 0.000000e+00 : f32
    %broadcast_in_dim3A_440 = vector.broadcast %jit3A_439 : f32 to vector<16x128xf32>
    %select_n3A_441 = arith.select %eq3A_438, %add3A_435, %broadcast_in_dim3A_440 : vector<16x128xi1>, vector<16x128xf32>
    %add3A_442 = arith.addf %add3A_397, %select_n3A_441 : vector<16x128xf32>
    %eq3A_443 = arith.constant 4 : i32
    %eq3A_444 = vector.broadcast %eq3A_443 : i32 to vector<16x128xi32>
    %eq3A_445 = arith.cmpi eq, %slice3A_227, %eq3A_444 : vector<16x128xi32>
    %jit3A_446 = arith.constant 0.000000e+00 : f32
    %broadcast_in_dim3A_447 = vector.broadcast %jit3A_446 : f32 to vector<16x128xf32>
    %select_n3A_448 = arith.select %eq3A_445, %add3A_435, %broadcast_in_dim3A_447 : vector<16x128xi1>, vector<16x128xf32>
    %add3A_449 = arith.addf %add3A_404, %select_n3A_448 : vector<16x128xf32>
    %reduce_sum3A_450 = vector.shape_cast %add3A_422 : vector<16x128xf32> to vector<1x16x128xf32>
    %reduce_sum3A_451 = arith.constant dense<0.000000e+00> : vector<1xf32>
    %reduce_sum3A_452 = vector.multi_reduction <add>, %reduce_sum3A_450, %reduce_sum3A_451 [1, 2] : vector<1x16x128xf32> to vector<1xf32>
    %reduce_sum3A_453 = vector.shape_cast %reduce_sum3A_452 : vector<1xf32> to vector<1x1x1xf32>
    %reduce_sum3A_454 = vector.extract %reduce_sum3A_453[0, 0, 0] : f32 from vector<1x1x1xf32>
    %add3A_455 = arith.constant 0.000000e+00 : f32
    %add3A_456 = arith.addf %add3A_455, %reduce_sum3A_454 : f32
    %eq3A_457 = arith.constant 5 : i32
    %eq3A_458 = vector.broadcast %eq3A_457 : i32 to vector<16x128xi32>
    %eq3A_459 = arith.cmpi eq, %slice3A, %eq3A_458 : vector<16x128xi32>
    %convert_element_type3A_460 = arith.extui %eq3A_459 : vector<16x128xi1> to vector<16x128xi32>
    %convert_element_type3A_461 = arith.sitofp %convert_element_type3A_460 : vector<16x128xi32> to vector<16x128xf32>
    %eq3A_462 = arith.constant 5 : i32
    %eq3A_463 = vector.broadcast %eq3A_462 : i32 to vector<16x128xi32>
    %eq3A_464 = arith.cmpi eq, %slice3A_227, %eq3A_463 : vector<16x128xi32>
    %convert_element_type3A_465 = arith.extui %eq3A_464 : vector<16x128xi1> to vector<16x128xi32>
    %convert_element_type3A_466 = arith.sitofp %convert_element_type3A_465 : vector<16x128xi32> to vector<16x128xf32>
    %add3A_467 = arith.addf %convert_element_type3A_461, %convert_element_type3A_466 : vector<16x128xf32>
    %dot_general3A_468 = arith.constant dense<0.000000e+00> : vector<16x128xf32>
    %dot_general3A_469 = tpu.matmul %add3A_467, %convert_element_type3A_1, %dot_general3A_468 {dimension_numbers = #tpu.dot_dimension_numbers<[1], [0], [0], [1], [0, 0, 1, 1], [], []>, transpose_lhs_hint = false} : vector<16x128xf32>, vector<128x128xf32>, vector<16x128xf32> -> vector<16x128xf32>
    %reduce_sum3A_470 = arith.constant dense<0.000000e+00> : vector<16xf32>
    %reduce_sum3A_471 = vector.multi_reduction <add>, %add3A_467, %reduce_sum3A_470 [1] : vector<16x128xf32> to vector<16xf32>
    %broadcast_in_dim3A_472 = vector.shape_cast %reduce_sum3A_471 : vector<16xf32> to vector<16x1xf32>
    %dot_general3A_473 = arith.constant dense<0.000000e+00> : vector<16x1xf32>
    %dot_general3A_474 = tpu.matmul %convert_element_type3A_5, %broadcast_in_dim3A_472, %dot_general3A_473 {dimension_numbers = #tpu.dot_dimension_numbers<[1], [0], [0], [1], [0, 0, 1, 1], [], []>, transpose_lhs_hint = false} : vector<16x16xf32>, vector<16x1xf32>, vector<16x1xf32> -> vector<16x1xf32>
    %add3A_475 = arith.constant 0.000000e+00 : f32
    %add3A_476 = arith.addf %add3A_163, %add3A_475 : f32
    %add3A_477 = vector.broadcast %add3A_476 : f32 to vector<16x1xf32>
    %add3A_478 = arith.addf %add3A_477, %dot_general3A_474 : vector<16x1xf32>
    %add3A_479 = vector.broadcast %add3A_478 : vector<16x1xf32> to vector<16x128xf32>
    %add3A_480 = arith.addf %add3A_479, %dot_general3A_469 : vector<16x128xf32>
    %eq3A_481 = arith.constant 5 : i32
    %eq3A_482 = vector.broadcast %eq3A_481 : i32 to vector<16x128xi32>
    %eq3A_483 = arith.cmpi eq, %slice3A, %eq3A_482 : vector<16x128xi32>
    %jit3A_484 = arith.constant 0.000000e+00 : f32
    %broadcast_in_dim3A_485 = vector.broadcast %jit3A_484 : f32 to vector<16x128xf32>
    %select_n3A_486 = arith.select %eq3A_483, %add3A_480, %broadcast_in_dim3A_485 : vector<16x128xi1>, vector<16x128xf32>
    %add3A_487 = arith.addf %add3A_442, %select_n3A_486 : vector<16x128xf32>
    %eq3A_488 = arith.constant 5 : i32
    %eq3A_489 = vector.broadcast %eq3A_488 : i32 to vector<16x128xi32>
    %eq3A_490 = arith.cmpi eq, %slice3A_227, %eq3A_489 : vector<16x128xi32>
    %jit3A_491 = arith.constant 0.000000e+00 : f32
    %broadcast_in_dim3A_492 = vector.broadcast %jit3A_491 : f32 to vector<16x128xf32>
    %select_n3A_493 = arith.select %eq3A_490, %add3A_480, %broadcast_in_dim3A_492 : vector<16x128xi1>, vector<16x128xf32>
    %add3A_494 = arith.addf %add3A_449, %select_n3A_493 : vector<16x128xf32>
    %reduce_sum3A_495 = vector.shape_cast %add3A_467 : vector<16x128xf32> to vector<1x16x128xf32>
    %reduce_sum3A_496 = arith.constant dense<0.000000e+00> : vector<1xf32>
    %reduce_sum3A_497 = vector.multi_reduction <add>, %reduce_sum3A_495, %reduce_sum3A_496 [1, 2] : vector<1x16x128xf32> to vector<1xf32>
    %reduce_sum3A_498 = vector.shape_cast %reduce_sum3A_497 : vector<1xf32> to vector<1x1x1xf32>
    %reduce_sum3A_499 = vector.extract %reduce_sum3A_498[0, 0, 0] : f32 from vector<1x1x1xf32>
    %add3A_500 = arith.constant 0.000000e+00 : f32
    %add3A_501 = arith.addf %add3A_500, %reduce_sum3A_499 : f32
    %eq3A_502 = arith.constant 6 : i32
    %eq3A_503 = vector.broadcast %eq3A_502 : i32 to vector<16x128xi32>
    %eq3A_504 = arith.cmpi eq, %slice3A, %eq3A_503 : vector<16x128xi32>
    %convert_element_type3A_505 = arith.extui %eq3A_504 : vector<16x128xi1> to vector<16x128xi32>
    %convert_element_type3A_506 = arith.sitofp %convert_element_type3A_505 : vector<16x128xi32> to vector<16x128xf32>
    %eq3A_507 = arith.constant 6 : i32
    %eq3A_508 = vector.broadcast %eq3A_507 : i32 to vector<16x128xi32>
    %eq3A_509 = arith.cmpi eq, %slice3A_227, %eq3A_508 : vector<16x128xi32>
    %convert_element_type3A_510 = arith.extui %eq3A_509 : vector<16x128xi1> to vector<16x128xi32>
    %convert_element_type3A_511 = arith.sitofp %convert_element_type3A_510 : vector<16x128xi32> to vector<16x128xf32>
    %add3A_512 = arith.addf %convert_element_type3A_506, %convert_element_type3A_511 : vector<16x128xf32>
    %dot_general3A_513 = arith.constant dense<0.000000e+00> : vector<16x128xf32>
    %dot_general3A_514 = tpu.matmul %add3A_512, %convert_element_type3A_1, %dot_general3A_513 {dimension_numbers = #tpu.dot_dimension_numbers<[1], [0], [0], [1], [0, 0, 1, 1], [], []>, transpose_lhs_hint = false} : vector<16x128xf32>, vector<128x128xf32>, vector<16x128xf32> -> vector<16x128xf32>
    %reduce_sum3A_515 = arith.constant dense<0.000000e+00> : vector<16xf32>
    %reduce_sum3A_516 = vector.multi_reduction <add>, %add3A_512, %reduce_sum3A_515 [1] : vector<16x128xf32> to vector<16xf32>
    %broadcast_in_dim3A_517 = vector.shape_cast %reduce_sum3A_516 : vector<16xf32> to vector<16x1xf32>
    %dot_general3A_518 = arith.constant dense<0.000000e+00> : vector<16x1xf32>
    %dot_general3A_519 = tpu.matmul %convert_element_type3A_5, %broadcast_in_dim3A_517, %dot_general3A_518 {dimension_numbers = #tpu.dot_dimension_numbers<[1], [0], [0], [1], [0, 0, 1, 1], [], []>, transpose_lhs_hint = false} : vector<16x16xf32>, vector<16x1xf32>, vector<16x1xf32> -> vector<16x1xf32>
    %add3A_520 = arith.constant 0.000000e+00 : f32
    %add3A_521 = arith.addf %add3A_169, %add3A_520 : f32
    %add3A_522 = vector.broadcast %add3A_521 : f32 to vector<16x1xf32>
    %add3A_523 = arith.addf %add3A_522, %dot_general3A_519 : vector<16x1xf32>
    %add3A_524 = vector.broadcast %add3A_523 : vector<16x1xf32> to vector<16x128xf32>
    %add3A_525 = arith.addf %add3A_524, %dot_general3A_514 : vector<16x128xf32>
    %eq3A_526 = arith.constant 6 : i32
    %eq3A_527 = vector.broadcast %eq3A_526 : i32 to vector<16x128xi32>
    %eq3A_528 = arith.cmpi eq, %slice3A, %eq3A_527 : vector<16x128xi32>
    %jit3A_529 = arith.constant 0.000000e+00 : f32
    %broadcast_in_dim3A_530 = vector.broadcast %jit3A_529 : f32 to vector<16x128xf32>
    %select_n3A_531 = arith.select %eq3A_528, %add3A_525, %broadcast_in_dim3A_530 : vector<16x128xi1>, vector<16x128xf32>
    %add3A_532 = arith.addf %add3A_487, %select_n3A_531 : vector<16x128xf32>
    %eq3A_533 = arith.constant 6 : i32
    %eq3A_534 = vector.broadcast %eq3A_533 : i32 to vector<16x128xi32>
    %eq3A_535 = arith.cmpi eq, %slice3A_227, %eq3A_534 : vector<16x128xi32>
    %jit3A_536 = arith.constant 0.000000e+00 : f32
    %broadcast_in_dim3A_537 = vector.broadcast %jit3A_536 : f32 to vector<16x128xf32>
    %select_n3A_538 = arith.select %eq3A_535, %add3A_525, %broadcast_in_dim3A_537 : vector<16x128xi1>, vector<16x128xf32>
    %add3A_539 = arith.addf %add3A_494, %select_n3A_538 : vector<16x128xf32>
    %reduce_sum3A_540 = vector.shape_cast %add3A_512 : vector<16x128xf32> to vector<1x16x128xf32>
    %reduce_sum3A_541 = arith.constant dense<0.000000e+00> : vector<1xf32>
    %reduce_sum3A_542 = vector.multi_reduction <add>, %reduce_sum3A_540, %reduce_sum3A_541 [1, 2] : vector<1x16x128xf32> to vector<1xf32>
    %reduce_sum3A_543 = vector.shape_cast %reduce_sum3A_542 : vector<1xf32> to vector<1x1x1xf32>
    %reduce_sum3A_544 = vector.extract %reduce_sum3A_543[0, 0, 0] : f32 from vector<1x1x1xf32>
    %add3A_545 = arith.constant 0.000000e+00 : f32
    %add3A_546 = arith.addf %add3A_545, %reduce_sum3A_544 : f32
    %eq3A_547 = arith.constant 7 : i32
    %eq3A_548 = vector.broadcast %eq3A_547 : i32 to vector<16x128xi32>
    %eq3A_549 = arith.cmpi eq, %slice3A, %eq3A_548 : vector<16x128xi32>
    %convert_element_type3A_550 = arith.extui %eq3A_549 : vector<16x128xi1> to vector<16x128xi32>
    %convert_element_type3A_551 = arith.sitofp %convert_element_type3A_550 : vector<16x128xi32> to vector<16x128xf32>
    %eq3A_552 = arith.constant 7 : i32
    %eq3A_553 = vector.broadcast %eq3A_552 : i32 to vector<16x128xi32>
    %eq3A_554 = arith.cmpi eq, %slice3A_227, %eq3A_553 : vector<16x128xi32>
    %convert_element_type3A_555 = arith.extui %eq3A_554 : vector<16x128xi1> to vector<16x128xi32>
    %convert_element_type3A_556 = arith.sitofp %convert_element_type3A_555 : vector<16x128xi32> to vector<16x128xf32>
    %add3A_557 = arith.addf %convert_element_type3A_551, %convert_element_type3A_556 : vector<16x128xf32>
    %dot_general3A_558 = arith.constant dense<0.000000e+00> : vector<16x128xf32>
    %dot_general3A_559 = tpu.matmul %add3A_557, %convert_element_type3A_1, %dot_general3A_558 {dimension_numbers = #tpu.dot_dimension_numbers<[1], [0], [0], [1], [0, 0, 1, 1], [], []>, transpose_lhs_hint = false} : vector<16x128xf32>, vector<128x128xf32>, vector<16x128xf32> -> vector<16x128xf32>
    %reduce_sum3A_560 = arith.constant dense<0.000000e+00> : vector<16xf32>
    %reduce_sum3A_561 = vector.multi_reduction <add>, %add3A_557, %reduce_sum3A_560 [1] : vector<16x128xf32> to vector<16xf32>
    %broadcast_in_dim3A_562 = vector.shape_cast %reduce_sum3A_561 : vector<16xf32> to vector<16x1xf32>
    %dot_general3A_563 = arith.constant dense<0.000000e+00> : vector<16x1xf32>
    %dot_general3A_564 = tpu.matmul %convert_element_type3A_5, %broadcast_in_dim3A_562, %dot_general3A_563 {dimension_numbers = #tpu.dot_dimension_numbers<[1], [0], [0], [1], [0, 0, 1, 1], [], []>, transpose_lhs_hint = false} : vector<16x16xf32>, vector<16x1xf32>, vector<16x1xf32> -> vector<16x1xf32>
    %add3A_565 = arith.constant 0.000000e+00 : f32
    %add3A_566 = arith.addf %add3A_175, %add3A_565 : f32
    %add3A_567 = vector.broadcast %add3A_566 : f32 to vector<16x1xf32>
    %add3A_568 = arith.addf %add3A_567, %dot_general3A_564 : vector<16x1xf32>
    %add3A_569 = vector.broadcast %add3A_568 : vector<16x1xf32> to vector<16x128xf32>
    %add3A_570 = arith.addf %add3A_569, %dot_general3A_559 : vector<16x128xf32>
    %eq3A_571 = arith.constant 7 : i32
    %eq3A_572 = vector.broadcast %eq3A_571 : i32 to vector<16x128xi32>
    %eq3A_573 = arith.cmpi eq, %slice3A, %eq3A_572 : vector<16x128xi32>
    %jit3A_574 = arith.constant 0.000000e+00 : f32
    %broadcast_in_dim3A_575 = vector.broadcast %jit3A_574 : f32 to vector<16x128xf32>
    %select_n3A_576 = arith.select %eq3A_573, %add3A_570, %broadcast_in_dim3A_575 : vector<16x128xi1>, vector<16x128xf32>
    %add3A_577 = arith.addf %add3A_532, %select_n3A_576 : vector<16x128xf32>
    %eq3A_578 = arith.constant 7 : i32
    %eq3A_579 = vector.broadcast %eq3A_578 : i32 to vector<16x128xi32>
    %eq3A_580 = arith.cmpi eq, %slice3A_227, %eq3A_579 : vector<16x128xi32>
    %jit3A_581 = arith.constant 0.000000e+00 : f32
    %broadcast_in_dim3A_582 = vector.broadcast %jit3A_581 : f32 to vector<16x128xf32>
    %select_n3A_583 = arith.select %eq3A_580, %add3A_570, %broadcast_in_dim3A_582 : vector<16x128xi1>, vector<16x128xf32>
    %add3A_584 = arith.addf %add3A_539, %select_n3A_583 : vector<16x128xf32>
    %reduce_sum3A_585 = vector.shape_cast %add3A_557 : vector<16x128xf32> to vector<1x16x128xf32>
    %reduce_sum3A_586 = arith.constant dense<0.000000e+00> : vector<1xf32>
    %reduce_sum3A_587 = vector.multi_reduction <add>, %reduce_sum3A_585, %reduce_sum3A_586 [1, 2] : vector<1x16x128xf32> to vector<1xf32>
    %reduce_sum3A_588 = vector.shape_cast %reduce_sum3A_587 : vector<1xf32> to vector<1x1x1xf32>
    %reduce_sum3A_589 = vector.extract %reduce_sum3A_588[0, 0, 0] : f32 from vector<1x1x1xf32>
    %add3A_590 = arith.constant 0.000000e+00 : f32
    %add3A_591 = arith.addf %add3A_590, %reduce_sum3A_589 : f32
    %convert_element_type3A_592 = arith.fptosi %add3A_577 : vector<16x128xf32> to vector<16x128xi32>
    %swap3A_593 = arith.constant 0 : index
    %swap3A_594 = arith.constant 0 : index
    %swap3A_595 = vector.load %arg3[%swap3A_593, %swap3A_594] : memref<64x128xi32, #tpu.memory_space<vmem>>, vector<16x128xi32>
    tpu.vector_store %arg3[%swap3A_593, %swap3A_594], %convert_element_type3A_592 {strides = array<i32>} : memref<64x128xi32, #tpu.memory_space<vmem>>, vector<16x128xi32>,
    %convert_element_type3A_596 = arith.fptosi %add3A_584 : vector<16x128xf32> to vector<16x128xi32>
    %swap3A_597 = arith.constant 0 : index
    %swap3A_598 = arith.constant 0 : index
    %swap3A_599 = vector.load %arg4[%swap3A_597, %swap3A_598] : memref<64x128xi32, #tpu.memory_space<vmem>>, vector<16x128xi32>
    tpu.vector_store %arg4[%swap3A_597, %swap3A_598], %convert_element_type3A_596 {strides = array<i32>} : memref<64x128xi32, #tpu.memory_space<vmem>>, vector<16x128xi32>,
    %slice3A_600 = vector.extract_strided_slice %get3A_7 {offsets = [16, 0], sizes = [16, 128], strides = [1, 1]} : vector<64x128xi32> to vector<16x128xi32>
    %slice3A_601 = vector.extract_strided_slice %get3A_10 {offsets = [16, 0], sizes = [16, 128], strides = [1, 1]} : vector<64x128xi32> to vector<16x128xi32>
    %broadcast_in_dim3A_602 = arith.constant 0.000000e+00 : f32
    %broadcast_in_dim3A_603 = vector.broadcast %broadcast_in_dim3A_602 : f32 to vector<16x128xf32>
    %broadcast_in_dim3A_604 = arith.constant 0.000000e+00 : f32
    %broadcast_in_dim3A_605 = vector.broadcast %broadcast_in_dim3A_604 : f32 to vector<16x128xf32>
    %eq3A_606 = arith.constant 0 : i32
    %eq3A_607 = vector.broadcast %eq3A_606 : i32 to vector<16x128xi32>
    %eq3A_608 = arith.cmpi eq, %slice3A_600, %eq3A_607 : vector<16x128xi32>
    %convert_element_type3A_609 = arith.extui %eq3A_608 : vector<16x128xi1> to vector<16x128xi32>
    %convert_element_type3A_610 = arith.sitofp %convert_element_type3A_609 : vector<16x128xi32> to vector<16x128xf32>
    %eq3A_611 = arith.constant 0 : i32
    %eq3A_612 = vector.broadcast %eq3A_611 : i32 to vector<16x128xi32>
    %eq3A_613 = arith.cmpi eq, %slice3A_601, %eq3A_612 : vector<16x128xi32>
    %convert_element_type3A_614 = arith.extui %eq3A_613 : vector<16x128xi1> to vector<16x128xi32>
    %convert_element_type3A_615 = arith.sitofp %convert_element_type3A_614 : vector<16x128xi32> to vector<16x128xf32>
    %add3A_616 = arith.addf %convert_element_type3A_610, %convert_element_type3A_615 : vector<16x128xf32>
    %dot_general3A_617 = arith.constant dense<0.000000e+00> : vector<16x128xf32>
    %dot_general3A_618 = tpu.matmul %add3A_616, %convert_element_type3A_1, %dot_general3A_617 {dimension_numbers = #tpu.dot_dimension_numbers<[1], [0], [0], [1], [0, 0, 1, 1], [], []>, transpose_lhs_hint = false} : vector<16x128xf32>, vector<128x128xf32>, vector<16x128xf32> -> vector<16x128xf32>
    %reduce_sum3A_619 = arith.constant dense<0.000000e+00> : vector<16xf32>
    %reduce_sum3A_620 = vector.multi_reduction <add>, %add3A_616, %reduce_sum3A_619 [1] : vector<16x128xf32> to vector<16xf32>
    %broadcast_in_dim3A_621 = vector.shape_cast %reduce_sum3A_620 : vector<16xf32> to vector<16x1xf32>
    %dot_general3A_622 = arith.constant dense<0.000000e+00> : vector<16x1xf32>
    %dot_general3A_623 = tpu.matmul %convert_element_type3A_5, %broadcast_in_dim3A_621, %dot_general3A_622 {dimension_numbers = #tpu.dot_dimension_numbers<[1], [0], [0], [1], [0, 0, 1, 1], [], []>, transpose_lhs_hint = false} : vector<16x16xf32>, vector<16x1xf32>, vector<16x1xf32> -> vector<16x1xf32>
    %add3A_624 = arith.constant 0.000000e+00 : f32
    %add3A_625 = arith.addf %add3A_624, %add3A_276 : f32
    %add3A_626 = vector.broadcast %add3A_625 : f32 to vector<16x1xf32>
    %add3A_627 = arith.addf %add3A_626, %dot_general3A_623 : vector<16x1xf32>
    %add3A_628 = vector.broadcast %add3A_627 : vector<16x1xf32> to vector<16x128xf32>
    %add3A_629 = arith.addf %add3A_628, %dot_general3A_618 : vector<16x128xf32>
    %eq3A_630 = arith.constant 0 : i32
    %eq3A_631 = vector.broadcast %eq3A_630 : i32 to vector<16x128xi32>
    %eq3A_632 = arith.cmpi eq, %slice3A_600, %eq3A_631 : vector<16x128xi32>
    %jit3A_633 = arith.constant 0.000000e+00 : f32
    %broadcast_in_dim3A_634 = vector.broadcast %jit3A_633 : f32 to vector<16x128xf32>
    %select_n3A_635 = arith.select %eq3A_632, %add3A_629, %broadcast_in_dim3A_634 : vector<16x128xi1>, vector<16x128xf32>
    %add3A_636 = arith.addf %broadcast_in_dim3A_603, %select_n3A_635 : vector<16x128xf32>
    %eq3A_637 = arith.constant 0 : i32
    %eq3A_638 = vector.broadcast %eq3A_637 : i32 to vector<16x128xi32>
    %eq3A_639 = arith.cmpi eq, %slice3A_601, %eq3A_638 : vector<16x128xi32>
    %jit3A_640 = arith.constant 0.000000e+00 : f32
    %broadcast_in_dim3A_641 = vector.broadcast %jit3A_640 : f32 to vector<16x128xf32>
    %select_n3A_642 = arith.select %eq3A_639, %add3A_629, %broadcast_in_dim3A_641 : vector<16x128xi1>, vector<16x128xf32>
    %add3A_643 = arith.addf %broadcast_in_dim3A_605, %select_n3A_642 : vector<16x128xf32>
    %reduce_sum3A_644 = vector.shape_cast %add3A_616 : vector<16x128xf32> to vector<1x16x128xf32>
    %reduce_sum3A_645 = arith.constant dense<0.000000e+00> : vector<1xf32>
    %reduce_sum3A_646 = vector.multi_reduction <add>, %reduce_sum3A_644, %reduce_sum3A_645 [1, 2] : vector<1x16x128xf32> to vector<1xf32>
    %reduce_sum3A_647 = vector.shape_cast %reduce_sum3A_646 : vector<1xf32> to vector<1x1x1xf32>
    %reduce_sum3A_648 = vector.extract %reduce_sum3A_647[0, 0, 0] : f32 from vector<1x1x1xf32>
    %add3A_649 = arith.addf %add3A_276, %reduce_sum3A_648 : f32
    %eq3A_650 = arith.constant 1 : i32
    %eq3A_651 = vector.broadcast %eq3A_650 : i32 to vector<16x128xi32>
    %eq3A_652 = arith.cmpi eq, %slice3A_600, %eq3A_651 : vector<16x128xi32>
    %convert_element_type3A_653 = arith.extui %eq3A_652 : vector<16x128xi1> to vector<16x128xi32>
    %convert_element_type3A_654 = arith.sitofp %convert_element_type3A_653 : vector<16x128xi32> to vector<16x128xf32>
    %eq3A_655 = arith.constant 1 : i32
    %eq3A_656 = vector.broadcast %eq3A_655 : i32 to vector<16x128xi32>
    %eq3A_657 = arith.cmpi eq, %slice3A_601, %eq3A_656 : vector<16x128xi32>
    %convert_element_type3A_658 = arith.extui %eq3A_657 : vector<16x128xi1> to vector<16x128xi32>
    %convert_element_type3A_659 = arith.sitofp %convert_element_type3A_658 : vector<16x128xi32> to vector<16x128xf32>
    %add3A_660 = arith.addf %convert_element_type3A_654, %convert_element_type3A_659 : vector<16x128xf32>
    %dot_general3A_661 = arith.constant dense<0.000000e+00> : vector<16x128xf32>
    %dot_general3A_662 = tpu.matmul %add3A_660, %convert_element_type3A_1, %dot_general3A_661 {dimension_numbers = #tpu.dot_dimension_numbers<[1], [0], [0], [1], [0, 0, 1, 1], [], []>, transpose_lhs_hint = false} : vector<16x128xf32>, vector<128x128xf32>, vector<16x128xf32> -> vector<16x128xf32>
    %reduce_sum3A_663 = arith.constant dense<0.000000e+00> : vector<16xf32>
    %reduce_sum3A_664 = vector.multi_reduction <add>, %add3A_660, %reduce_sum3A_663 [1] : vector<16x128xf32> to vector<16xf32>
    %broadcast_in_dim3A_665 = vector.shape_cast %reduce_sum3A_664 : vector<16xf32> to vector<16x1xf32>
    %dot_general3A_666 = arith.constant dense<0.000000e+00> : vector<16x1xf32>
    %dot_general3A_667 = tpu.matmul %convert_element_type3A_5, %broadcast_in_dim3A_665, %dot_general3A_666 {dimension_numbers = #tpu.dot_dimension_numbers<[1], [0], [0], [1], [0, 0, 1, 1], [], []>, transpose_lhs_hint = false} : vector<16x16xf32>, vector<16x1xf32>, vector<16x1xf32> -> vector<16x1xf32>
    %add3A_668 = arith.addf %add3A_139, %add3A_321 : f32
    %add3A_669 = vector.broadcast %add3A_668 : f32 to vector<16x1xf32>
    %add3A_670 = arith.addf %add3A_669, %dot_general3A_667 : vector<16x1xf32>
    %add3A_671 = vector.broadcast %add3A_670 : vector<16x1xf32> to vector<16x128xf32>
    %add3A_672 = arith.addf %add3A_671, %dot_general3A_662 : vector<16x128xf32>
    %eq3A_673 = arith.constant 1 : i32
    %eq3A_674 = vector.broadcast %eq3A_673 : i32 to vector<16x128xi32>
    %eq3A_675 = arith.cmpi eq, %slice3A_600, %eq3A_674 : vector<16x128xi32>
    %jit3A_676 = arith.constant 0.000000e+00 : f32
    %broadcast_in_dim3A_677 = vector.broadcast %jit3A_676 : f32 to vector<16x128xf32>
    %select_n3A_678 = arith.select %eq3A_675, %add3A_672, %broadcast_in_dim3A_677 : vector<16x128xi1>, vector<16x128xf32>
    %add3A_679 = arith.addf %add3A_636, %select_n3A_678 : vector<16x128xf32>
    %eq3A_680 = arith.constant 1 : i32
    %eq3A_681 = vector.broadcast %eq3A_680 : i32 to vector<16x128xi32>
    %eq3A_682 = arith.cmpi eq, %slice3A_601, %eq3A_681 : vector<16x128xi32>
    %jit3A_683 = arith.constant 0.000000e+00 : f32
    %broadcast_in_dim3A_684 = vector.broadcast %jit3A_683 : f32 to vector<16x128xf32>
    %select_n3A_685 = arith.select %eq3A_682, %add3A_672, %broadcast_in_dim3A_684 : vector<16x128xi1>, vector<16x128xf32>
    %add3A_686 = arith.addf %add3A_643, %select_n3A_685 : vector<16x128xf32>
    %reduce_sum3A_687 = vector.shape_cast %add3A_660 : vector<16x128xf32> to vector<1x16x128xf32>
    %reduce_sum3A_688 = arith.constant dense<0.000000e+00> : vector<1xf32>
    %reduce_sum3A_689 = vector.multi_reduction <add>, %reduce_sum3A_687, %reduce_sum3A_688 [1, 2] : vector<1x16x128xf32> to vector<1xf32>
    %reduce_sum3A_690 = vector.shape_cast %reduce_sum3A_689 : vector<1xf32> to vector<1x1x1xf32>
    %reduce_sum3A_691 = vector.extract %reduce_sum3A_690[0, 0, 0] : f32 from vector<1x1x1xf32>
    %add3A_692 = arith.addf %add3A_321, %reduce_sum3A_691 : f32
    %eq3A_693 = arith.constant 2 : i32
    %eq3A_694 = vector.broadcast %eq3A_693 : i32 to vector<16x128xi32>
    %eq3A_695 = arith.cmpi eq, %slice3A_600, %eq3A_694 : vector<16x128xi32>
    %convert_element_type3A_696 = arith.extui %eq3A_695 : vector<16x128xi1> to vector<16x128xi32>
    %convert_element_type3A_697 = arith.sitofp %convert_element_type3A_696 : vector<16x128xi32> to vector<16x128xf32>
    %eq3A_698 = arith.constant 2 : i32
    %eq3A_699 = vector.broadcast %eq3A_698 : i32 to vector<16x128xi32>
    %eq3A_700 = arith.cmpi eq, %slice3A_601, %eq3A_699 : vector<16x128xi32>
    %convert_element_type3A_701 = arith.extui %eq3A_700 : vector<16x128xi1> to vector<16x128xi32>
    %convert_element_type3A_702 = arith.sitofp %convert_element_type3A_701 : vector<16x128xi32> to vector<16x128xf32>
    %add3A_703 = arith.addf %convert_element_type3A_697, %convert_element_type3A_702 : vector<16x128xf32>
    %dot_general3A_704 = arith.constant dense<0.000000e+00> : vector<16x128xf32>
    %dot_general3A_705 = tpu.matmul %add3A_703, %convert_element_type3A_1, %dot_general3A_704 {dimension_numbers = #tpu.dot_dimension_numbers<[1], [0], [0], [1], [0, 0, 1, 1], [], []>, transpose_lhs_hint = false} : vector<16x128xf32>, vector<128x128xf32>, vector<16x128xf32> -> vector<16x128xf32>
    %reduce_sum3A_706 = arith.constant dense<0.000000e+00> : vector<16xf32>
    %reduce_sum3A_707 = vector.multi_reduction <add>, %add3A_703, %reduce_sum3A_706 [1] : vector<16x128xf32> to vector<16xf32>
    %broadcast_in_dim3A_708 = vector.shape_cast %reduce_sum3A_707 : vector<16xf32> to vector<16x1xf32>
    %dot_general3A_709 = arith.constant dense<0.000000e+00> : vector<16x1xf32>
    %dot_general3A_710 = tpu.matmul %convert_element_type3A_5, %broadcast_in_dim3A_708, %dot_general3A_709 {dimension_numbers = #tpu.dot_dimension_numbers<[1], [0], [0], [1], [0, 0, 1, 1], [], []>, transpose_lhs_hint = false} : vector<16x16xf32>, vector<16x1xf32>, vector<16x1xf32> -> vector<16x1xf32>
    %add3A_711 = arith.addf %add3A_145, %add3A_366 : f32
    %add3A_712 = vector.broadcast %add3A_711 : f32 to vector<16x1xf32>
    %add3A_713 = arith.addf %add3A_712, %dot_general3A_710 : vector<16x1xf32>
    %add3A_714 = vector.broadcast %add3A_713 : vector<16x1xf32> to vector<16x128xf32>
    %add3A_715 = arith.addf %add3A_714, %dot_general3A_705 : vector<16x128xf32>
    %eq3A_716 = arith.constant 2 : i32
    %eq3A_717 = vector.broadcast %eq3A_716 : i32 to vector<16x128xi32>
    %eq3A_718 = arith.cmpi eq, %slice3A_600, %eq3A_717 : vector<16x128xi32>
    %jit3A_719 = arith.constant 0.000000e+00 : f32
    %broadcast_in_dim3A_720 = vector.broadcast %jit3A_719 : f32 to vector<16x128xf32>
    %select_n3A_721 = arith.select %eq3A_718, %add3A_715, %broadcast_in_dim3A_720 : vector<16x128xi1>, vector<16x128xf32>
    %add3A_722 = arith.addf %add3A_679, %select_n3A_721 : vector<16x128xf32>
    %eq3A_723 = arith.constant 2 : i32
    %eq3A_724 = vector.broadcast %eq3A_723 : i32 to vector<16x128xi32>
    %eq3A_725 = arith.cmpi eq, %slice3A_601, %eq3A_724 : vector<16x128xi32>
    %jit3A_726 = arith.constant 0.000000e+00 : f32
    %broadcast_in_dim3A_727 = vector.broadcast %jit3A_726 : f32 to vector<16x128xf32>
    %select_n3A_728 = arith.select %eq3A_725, %add3A_715, %broadcast_in_dim3A_727 : vector<16x128xi1>, vector<16x128xf32>
    %add3A_729 = arith.addf %add3A_686, %select_n3A_728 : vector<16x128xf32>
    %reduce_sum3A_730 = vector.shape_cast %add3A_703 : vector<16x128xf32> to vector<1x16x128xf32>
    %reduce_sum3A_731 = arith.constant dense<0.000000e+00> : vector<1xf32>
    %reduce_sum3A_732 = vector.multi_reduction <add>, %reduce_sum3A_730, %reduce_sum3A_731 [1, 2] : vector<1x16x128xf32> to vector<1xf32>
    %reduce_sum3A_733 = vector.shape_cast %reduce_sum3A_732 : vector<1xf32> to vector<1x1x1xf32>
    %reduce_sum3A_734 = vector.extract %reduce_sum3A_733[0, 0, 0] : f32 from vector<1x1x1xf32>
    %add3A_735 = arith.addf %add3A_366, %reduce_sum3A_734 : f32
    %eq3A_736 = arith.constant 3 : i32
    %eq3A_737 = vector.broadcast %eq3A_736 : i32 to vector<16x128xi32>
    %eq3A_738 = arith.cmpi eq, %slice3A_600, %eq3A_737 : vector<16x128xi32>
    %convert_element_type3A_739 = arith.extui %eq3A_738 : vector<16x128xi1> to vector<16x128xi32>
    %convert_element_type3A_740 = arith.sitofp %convert_element_type3A_739 : vector<16x128xi32> to vector<16x128xf32>
    %eq3A_741 = arith.constant 3 : i32
    %eq3A_742 = vector.broadcast %eq3A_741 : i32 to vector<16x128xi32>
    %eq3A_743 = arith.cmpi eq, %slice3A_601, %eq3A_742 : vector<16x128xi32>
    %convert_element_type3A_744 = arith.extui %eq3A_743 : vector<16x128xi1> to vector<16x128xi32>
    %convert_element_type3A_745 = arith.sitofp %convert_element_type3A_744 : vector<16x128xi32> to vector<16x128xf32>
    %add3A_746 = arith.addf %convert_element_type3A_740, %convert_element_type3A_745 : vector<16x128xf32>
    %dot_general3A_747 = arith.constant dense<0.000000e+00> : vector<16x128xf32>
    %dot_general3A_748 = tpu.matmul %add3A_746, %convert_element_type3A_1, %dot_general3A_747 {dimension_numbers = #tpu.dot_dimension_numbers<[1], [0], [0], [1], [0, 0, 1, 1], [], []>, transpose_lhs_hint = false} : vector<16x128xf32>, vector<128x128xf32>, vector<16x128xf32> -> vector<16x128xf32>
    %reduce_sum3A_749 = arith.constant dense<0.000000e+00> : vector<16xf32>
    %reduce_sum3A_750 = vector.multi_reduction <add>, %add3A_746, %reduce_sum3A_749 [1] : vector<16x128xf32> to vector<16xf32>
    %broadcast_in_dim3A_751 = vector.shape_cast %reduce_sum3A_750 : vector<16xf32> to vector<16x1xf32>
    %dot_general3A_752 = arith.constant dense<0.000000e+00> : vector<16x1xf32>
    %dot_general3A_753 = tpu.matmul %convert_element_type3A_5, %broadcast_in_dim3A_751, %dot_general3A_752 {dimension_numbers = #tpu.dot_dimension_numbers<[1], [0], [0], [1], [0, 0, 1, 1], [], []>, transpose_lhs_hint = false} : vector<16x16xf32>, vector<16x1xf32>, vector<16x1xf32> -> vector<16x1xf32>
    %add3A_754 = arith.addf %add3A_151, %add3A_411 : f32
    %add3A_755 = vector.broadcast %add3A_754 : f32 to vector<16x1xf32>
    %add3A_756 = arith.addf %add3A_755, %dot_general3A_753 : vector<16x1xf32>
    %add3A_757 = vector.broadcast %add3A_756 : vector<16x1xf32> to vector<16x128xf32>
    %add3A_758 = arith.addf %add3A_757, %dot_general3A_748 : vector<16x128xf32>
    %eq3A_759 = arith.constant 3 : i32
    %eq3A_760 = vector.broadcast %eq3A_759 : i32 to vector<16x128xi32>
    %eq3A_761 = arith.cmpi eq, %slice3A_600, %eq3A_760 : vector<16x128xi32>
    %jit3A_762 = arith.constant 0.000000e+00 : f32
    %broadcast_in_dim3A_763 = vector.broadcast %jit3A_762 : f32 to vector<16x128xf32>
    %select_n3A_764 = arith.select %eq3A_761, %add3A_758, %broadcast_in_dim3A_763 : vector<16x128xi1>, vector<16x128xf32>
    %add3A_765 = arith.addf %add3A_722, %select_n3A_764 : vector<16x128xf32>
    %eq3A_766 = arith.constant 3 : i32
    %eq3A_767 = vector.broadcast %eq3A_766 : i32 to vector<16x128xi32>
    %eq3A_768 = arith.cmpi eq, %slice3A_601, %eq3A_767 : vector<16x128xi32>
    %jit3A_769 = arith.constant 0.000000e+00 : f32
    %broadcast_in_dim3A_770 = vector.broadcast %jit3A_769 : f32 to vector<16x128xf32>
    %select_n3A_771 = arith.select %eq3A_768, %add3A_758, %broadcast_in_dim3A_770 : vector<16x128xi1>, vector<16x128xf32>
    %add3A_772 = arith.addf %add3A_729, %select_n3A_771 : vector<16x128xf32>
    %reduce_sum3A_773 = vector.shape_cast %add3A_746 : vector<16x128xf32> to vector<1x16x128xf32>
    %reduce_sum3A_774 = arith.constant dense<0.000000e+00> : vector<1xf32>
    %reduce_sum3A_775 = vector.multi_reduction <add>, %reduce_sum3A_773, %reduce_sum3A_774 [1, 2] : vector<1x16x128xf32> to vector<1xf32>
    %reduce_sum3A_776 = vector.shape_cast %reduce_sum3A_775 : vector<1xf32> to vector<1x1x1xf32>
    %reduce_sum3A_777 = vector.extract %reduce_sum3A_776[0, 0, 0] : f32 from vector<1x1x1xf32>
    %add3A_778 = arith.addf %add3A_411, %reduce_sum3A_777 : f32
    %eq3A_779 = arith.constant 4 : i32
    %eq3A_780 = vector.broadcast %eq3A_779 : i32 to vector<16x128xi32>
    %eq3A_781 = arith.cmpi eq, %slice3A_600, %eq3A_780 : vector<16x128xi32>
    %convert_element_type3A_782 = arith.extui %eq3A_781 : vector<16x128xi1> to vector<16x128xi32>
    %convert_element_type3A_783 = arith.sitofp %convert_element_type3A_782 : vector<16x128xi32> to vector<16x128xf32>
    %eq3A_784 = arith.constant 4 : i32
    %eq3A_785 = vector.broadcast %eq3A_784 : i32 to vector<16x128xi32>
    %eq3A_786 = arith.cmpi eq, %slice3A_601, %eq3A_785 : vector<16x128xi32>
    %convert_element_type3A_787 = arith.extui %eq3A_786 : vector<16x128xi1> to vector<16x128xi32>
    %convert_element_type3A_788 = arith.sitofp %convert_element_type3A_787 : vector<16x128xi32> to vector<16x128xf32>
    %add3A_789 = arith.addf %convert_element_type3A_783, %convert_element_type3A_788 : vector<16x128xf32>
    %dot_general3A_790 = arith.constant dense<0.000000e+00> : vector<16x128xf32>
    %dot_general3A_791 = tpu.matmul %add3A_789, %convert_element_type3A_1, %dot_general3A_790 {dimension_numbers = #tpu.dot_dimension_numbers<[1], [0], [0], [1], [0, 0, 1, 1], [], []>, transpose_lhs_hint = false} : vector<16x128xf32>, vector<128x128xf32>, vector<16x128xf32> -> vector<16x128xf32>
    %reduce_sum3A_792 = arith.constant dense<0.000000e+00> : vector<16xf32>
    %reduce_sum3A_793 = vector.multi_reduction <add>, %add3A_789, %reduce_sum3A_792 [1] : vector<16x128xf32> to vector<16xf32>
    %broadcast_in_dim3A_794 = vector.shape_cast %reduce_sum3A_793 : vector<16xf32> to vector<16x1xf32>
    %dot_general3A_795 = arith.constant dense<0.000000e+00> : vector<16x1xf32>
    %dot_general3A_796 = tpu.matmul %convert_element_type3A_5, %broadcast_in_dim3A_794, %dot_general3A_795 {dimension_numbers = #tpu.dot_dimension_numbers<[1], [0], [0], [1], [0, 0, 1, 1], [], []>, transpose_lhs_hint = false} : vector<16x16xf32>, vector<16x1xf32>, vector<16x1xf32> -> vector<16x1xf32>
    %add3A_797 = arith.addf %add3A_157, %add3A_456 : f32
    %add3A_798 = vector.broadcast %add3A_797 : f32 to vector<16x1xf32>
    %add3A_799 = arith.addf %add3A_798, %dot_general3A_796 : vector<16x1xf32>
    %add3A_800 = vector.broadcast %add3A_799 : vector<16x1xf32> to vector<16x128xf32>
    %add3A_801 = arith.addf %add3A_800, %dot_general3A_791 : vector<16x128xf32>
    %eq3A_802 = arith.constant 4 : i32
    %eq3A_803 = vector.broadcast %eq3A_802 : i32 to vector<16x128xi32>
    %eq3A_804 = arith.cmpi eq, %slice3A_600, %eq3A_803 : vector<16x128xi32>
    %jit3A_805 = arith.constant 0.000000e+00 : f32
    %broadcast_in_dim3A_806 = vector.broadcast %jit3A_805 : f32 to vector<16x128xf32>
    %select_n3A_807 = arith.select %eq3A_804, %add3A_801, %broadcast_in_dim3A_806 : vector<16x128xi1>, vector<16x128xf32>
    %add3A_808 = arith.addf %add3A_765, %select_n3A_807 : vector<16x128xf32>
    %eq3A_809 = arith.constant 4 : i32
    %eq3A_810 = vector.broadcast %eq3A_809 : i32 to vector<16x128xi32>
    %eq3A_811 = arith.cmpi eq, %slice3A_601, %eq3A_810 : vector<16x128xi32>
    %jit3A_812 = arith.constant 0.000000e+00 : f32
    %broadcast_in_dim3A_813 = vector.broadcast %jit3A_812 : f32 to vector<16x128xf32>
    %select_n3A_814 = arith.select %eq3A_811, %add3A_801, %broadcast_in_dim3A_813 : vector<16x128xi1>, vector<16x128xf32>
    %add3A_815 = arith.addf %add3A_772, %select_n3A_814 : vector<16x128xf32>
    %reduce_sum3A_816 = vector.shape_cast %add3A_789 : vector<16x128xf32> to vector<1x16x128xf32>
    %reduce_sum3A_817 = arith.constant dense<0.000000e+00> : vector<1xf32>
    %reduce_sum3A_818 = vector.multi_reduction <add>, %reduce_sum3A_816, %reduce_sum3A_817 [1, 2] : vector<1x16x128xf32> to vector<1xf32>
    %reduce_sum3A_819 = vector.shape_cast %reduce_sum3A_818 : vector<1xf32> to vector<1x1x1xf32>
    %reduce_sum3A_820 = vector.extract %reduce_sum3A_819[0, 0, 0] : f32 from vector<1x1x1xf32>
    %add3A_821 = arith.addf %add3A_456, %reduce_sum3A_820 : f32
    %eq3A_822 = arith.constant 5 : i32
    %eq3A_823 = vector.broadcast %eq3A_822 : i32 to vector<16x128xi32>
    %eq3A_824 = arith.cmpi eq, %slice3A_600, %eq3A_823 : vector<16x128xi32>
    %convert_element_type3A_825 = arith.extui %eq3A_824 : vector<16x128xi1> to vector<16x128xi32>
    %convert_element_type3A_826 = arith.sitofp %convert_element_type3A_825 : vector<16x128xi32> to vector<16x128xf32>
    %eq3A_827 = arith.constant 5 : i32
    %eq3A_828 = vector.broadcast %eq3A_827 : i32 to vector<16x128xi32>
    %eq3A_829 = arith.cmpi eq, %slice3A_601, %eq3A_828 : vector<16x128xi32>
    %convert_element_type3A_830 = arith.extui %eq3A_829 : vector<16x128xi1> to vector<16x128xi32>
    %convert_element_type3A_831 = arith.sitofp %convert_element_type3A_830 : vector<16x128xi32> to vector<16x128xf32>
    %add3A_832 = arith.addf %convert_element_type3A_826, %convert_element_type3A_831 : vector<16x128xf32>
    %dot_general3A_833 = arith.constant dense<0.000000e+00> : vector<16x128xf32>
    %dot_general3A_834 = tpu.matmul %add3A_832, %convert_element_type3A_1, %dot_general3A_833 {dimension_numbers = #tpu.dot_dimension_numbers<[1], [0], [0], [1], [0, 0, 1, 1], [], []>, transpose_lhs_hint = false} : vector<16x128xf32>, vector<128x128xf32>, vector<16x128xf32> -> vector<16x128xf32>
    %reduce_sum3A_835 = arith.constant dense<0.000000e+00> : vector<16xf32>
    %reduce_sum3A_836 = vector.multi_reduction <add>, %add3A_832, %reduce_sum3A_835 [1] : vector<16x128xf32> to vector<16xf32>
    %broadcast_in_dim3A_837 = vector.shape_cast %reduce_sum3A_836 : vector<16xf32> to vector<16x1xf32>
    %dot_general3A_838 = arith.constant dense<0.000000e+00> : vector<16x1xf32>
    %dot_general3A_839 = tpu.matmul %convert_element_type3A_5, %broadcast_in_dim3A_837, %dot_general3A_838 {dimension_numbers = #tpu.dot_dimension_numbers<[1], [0], [0], [1], [0, 0, 1, 1], [], []>, transpose_lhs_hint = false} : vector<16x16xf32>, vector<16x1xf32>, vector<16x1xf32> -> vector<16x1xf32>
    %add3A_840 = arith.addf %add3A_163, %add3A_501 : f32
    %add3A_841 = vector.broadcast %add3A_840 : f32 to vector<16x1xf32>
    %add3A_842 = arith.addf %add3A_841, %dot_general3A_839 : vector<16x1xf32>
    %add3A_843 = vector.broadcast %add3A_842 : vector<16x1xf32> to vector<16x128xf32>
    %add3A_844 = arith.addf %add3A_843, %dot_general3A_834 : vector<16x128xf32>
    %eq3A_845 = arith.constant 5 : i32
    %eq3A_846 = vector.broadcast %eq3A_845 : i32 to vector<16x128xi32>
    %eq3A_847 = arith.cmpi eq, %slice3A_600, %eq3A_846 : vector<16x128xi32>
    %jit3A_848 = arith.constant 0.000000e+00 : f32
    %broadcast_in_dim3A_849 = vector.broadcast %jit3A_848 : f32 to vector<16x128xf32>
    %select_n3A_850 = arith.select %eq3A_847, %add3A_844, %broadcast_in_dim3A_849 : vector<16x128xi1>, vector<16x128xf32>
    %add3A_851 = arith.addf %add3A_808, %select_n3A_850 : vector<16x128xf32>
    %eq3A_852 = arith.constant 5 : i32
    %eq3A_853 = vector.broadcast %eq3A_852 : i32 to vector<16x128xi32>
    %eq3A_854 = arith.cmpi eq, %slice3A_601, %eq3A_853 : vector<16x128xi32>
    %jit3A_855 = arith.constant 0.000000e+00 : f32
    %broadcast_in_dim3A_856 = vector.broadcast %jit3A_855 : f32 to vector<16x128xf32>
    %select_n3A_857 = arith.select %eq3A_854, %add3A_844, %broadcast_in_dim3A_856 : vector<16x128xi1>, vector<16x128xf32>
    %add3A_858 = arith.addf %add3A_815, %select_n3A_857 : vector<16x128xf32>
    %reduce_sum3A_859 = vector.shape_cast %add3A_832 : vector<16x128xf32> to vector<1x16x128xf32>
    %reduce_sum3A_860 = arith.constant dense<0.000000e+00> : vector<1xf32>
    %reduce_sum3A_861 = vector.multi_reduction <add>, %reduce_sum3A_859, %reduce_sum3A_860 [1, 2] : vector<1x16x128xf32> to vector<1xf32>
    %reduce_sum3A_862 = vector.shape_cast %reduce_sum3A_861 : vector<1xf32> to vector<1x1x1xf32>
    %reduce_sum3A_863 = vector.extract %reduce_sum3A_862[0, 0, 0] : f32 from vector<1x1x1xf32>
    %add3A_864 = arith.addf %add3A_501, %reduce_sum3A_863 : f32
    %eq3A_865 = arith.constant 6 : i32
    %eq3A_866 = vector.broadcast %eq3A_865 : i32 to vector<16x128xi32>
    %eq3A_867 = arith.cmpi eq, %slice3A_600, %eq3A_866 : vector<16x128xi32>
    %convert_element_type3A_868 = arith.extui %eq3A_867 : vector<16x128xi1> to vector<16x128xi32>
    %convert_element_type3A_869 = arith.sitofp %convert_element_type3A_868 : vector<16x128xi32> to vector<16x128xf32>
    %eq3A_870 = arith.constant 6 : i32
    %eq3A_871 = vector.broadcast %eq3A_870 : i32 to vector<16x128xi32>
    %eq3A_872 = arith.cmpi eq, %slice3A_601, %eq3A_871 : vector<16x128xi32>
    %convert_element_type3A_873 = arith.extui %eq3A_872 : vector<16x128xi1> to vector<16x128xi32>
    %convert_element_type3A_874 = arith.sitofp %convert_element_type3A_873 : vector<16x128xi32> to vector<16x128xf32>
    %add3A_875 = arith.addf %convert_element_type3A_869, %convert_element_type3A_874 : vector<16x128xf32>
    %dot_general3A_876 = arith.constant dense<0.000000e+00> : vector<16x128xf32>
    %dot_general3A_877 = tpu.matmul %add3A_875, %convert_element_type3A_1, %dot_general3A_876 {dimension_numbers = #tpu.dot_dimension_numbers<[1], [0], [0], [1], [0, 0, 1, 1], [], []>, transpose_lhs_hint = false} : vector<16x128xf32>, vector<128x128xf32>, vector<16x128xf32> -> vector<16x128xf32>
    %reduce_sum3A_878 = arith.constant dense<0.000000e+00> : vector<16xf32>
    %reduce_sum3A_879 = vector.multi_reduction <add>, %add3A_875, %reduce_sum3A_878 [1] : vector<16x128xf32> to vector<16xf32>
    %broadcast_in_dim3A_880 = vector.shape_cast %reduce_sum3A_879 : vector<16xf32> to vector<16x1xf32>
    %dot_general3A_881 = arith.constant dense<0.000000e+00> : vector<16x1xf32>
    %dot_general3A_882 = tpu.matmul %convert_element_type3A_5, %broadcast_in_dim3A_880, %dot_general3A_881 {dimension_numbers = #tpu.dot_dimension_numbers<[1], [0], [0], [1], [0, 0, 1, 1], [], []>, transpose_lhs_hint = false} : vector<16x16xf32>, vector<16x1xf32>, vector<16x1xf32> -> vector<16x1xf32>
    %add3A_883 = arith.addf %add3A_169, %add3A_546 : f32
    %add3A_884 = vector.broadcast %add3A_883 : f32 to vector<16x1xf32>
    %add3A_885 = arith.addf %add3A_884, %dot_general3A_882 : vector<16x1xf32>
    %add3A_886 = vector.broadcast %add3A_885 : vector<16x1xf32> to vector<16x128xf32>
    %add3A_887 = arith.addf %add3A_886, %dot_general3A_877 : vector<16x128xf32>
    %eq3A_888 = arith.constant 6 : i32
    %eq3A_889 = vector.broadcast %eq3A_888 : i32 to vector<16x128xi32>
    %eq3A_890 = arith.cmpi eq, %slice3A_600, %eq3A_889 : vector<16x128xi32>
    %jit3A_891 = arith.constant 0.000000e+00 : f32
    %broadcast_in_dim3A_892 = vector.broadcast %jit3A_891 : f32 to vector<16x128xf32>
    %select_n3A_893 = arith.select %eq3A_890, %add3A_887, %broadcast_in_dim3A_892 : vector<16x128xi1>, vector<16x128xf32>
    %add3A_894 = arith.addf %add3A_851, %select_n3A_893 : vector<16x128xf32>
    %eq3A_895 = arith.constant 6 : i32
    %eq3A_896 = vector.broadcast %eq3A_895 : i32 to vector<16x128xi32>
    %eq3A_897 = arith.cmpi eq, %slice3A_601, %eq3A_896 : vector<16x128xi32>
    %jit3A_898 = arith.constant 0.000000e+00 : f32
    %broadcast_in_dim3A_899 = vector.broadcast %jit3A_898 : f32 to vector<16x128xf32>
    %select_n3A_900 = arith.select %eq3A_897, %add3A_887, %broadcast_in_dim3A_899 : vector<16x128xi1>, vector<16x128xf32>
    %add3A_901 = arith.addf %add3A_858, %select_n3A_900 : vector<16x128xf32>
    %reduce_sum3A_902 = vector.shape_cast %add3A_875 : vector<16x128xf32> to vector<1x16x128xf32>
    %reduce_sum3A_903 = arith.constant dense<0.000000e+00> : vector<1xf32>
    %reduce_sum3A_904 = vector.multi_reduction <add>, %reduce_sum3A_902, %reduce_sum3A_903 [1, 2] : vector<1x16x128xf32> to vector<1xf32>
    %reduce_sum3A_905 = vector.shape_cast %reduce_sum3A_904 : vector<1xf32> to vector<1x1x1xf32>
    %reduce_sum3A_906 = vector.extract %reduce_sum3A_905[0, 0, 0] : f32 from vector<1x1x1xf32>
    %add3A_907 = arith.addf %add3A_546, %reduce_sum3A_906 : f32
    %eq3A_908 = arith.constant 7 : i32
    %eq3A_909 = vector.broadcast %eq3A_908 : i32 to vector<16x128xi32>
    %eq3A_910 = arith.cmpi eq, %slice3A_600, %eq3A_909 : vector<16x128xi32>
    %convert_element_type3A_911 = arith.extui %eq3A_910 : vector<16x128xi1> to vector<16x128xi32>
    %convert_element_type3A_912 = arith.sitofp %convert_element_type3A_911 : vector<16x128xi32> to vector<16x128xf32>
    %eq3A_913 = arith.constant 7 : i32
    %eq3A_914 = vector.broadcast %eq3A_913 : i32 to vector<16x128xi32>
    %eq3A_915 = arith.cmpi eq, %slice3A_601, %eq3A_914 : vector<16x128xi32>
    %convert_element_type3A_916 = arith.extui %eq3A_915 : vector<16x128xi1> to vector<16x128xi32>
    %convert_element_type3A_917 = arith.sitofp %convert_element_type3A_916 : vector<16x128xi32> to vector<16x128xf32>
    %add3A_918 = arith.addf %convert_element_type3A_912, %convert_element_type3A_917 : vector<16x128xf32>
    %dot_general3A_919 = arith.constant dense<0.000000e+00> : vector<16x128xf32>
    %dot_general3A_920 = tpu.matmul %add3A_918, %convert_element_type3A_1, %dot_general3A_919 {dimension_numbers = #tpu.dot_dimension_numbers<[1], [0], [0], [1], [0, 0, 1, 1], [], []>, transpose_lhs_hint = false} : vector<16x128xf32>, vector<128x128xf32>, vector<16x128xf32> -> vector<16x128xf32>
    %reduce_sum3A_921 = arith.constant dense<0.000000e+00> : vector<16xf32>
    %reduce_sum3A_922 = vector.multi_reduction <add>, %add3A_918, %reduce_sum3A_921 [1] : vector<16x128xf32> to vector<16xf32>
    %broadcast_in_dim3A_923 = vector.shape_cast %reduce_sum3A_922 : vector<16xf32> to vector<16x1xf32>
    %dot_general3A_924 = arith.constant dense<0.000000e+00> : vector<16x1xf32>
    %dot_general3A_925 = tpu.matmul %convert_element_type3A_5, %broadcast_in_dim3A_923, %dot_general3A_924 {dimension_numbers = #tpu.dot_dimension_numbers<[1], [0], [0], [1], [0, 0, 1, 1], [], []>, transpose_lhs_hint = false} : vector<16x16xf32>, vector<16x1xf32>, vector<16x1xf32> -> vector<16x1xf32>
    %add3A_926 = arith.addf %add3A_175, %add3A_591 : f32
    %add3A_927 = vector.broadcast %add3A_926 : f32 to vector<16x1xf32>
    %add3A_928 = arith.addf %add3A_927, %dot_general3A_925 : vector<16x1xf32>
    %add3A_929 = vector.broadcast %add3A_928 : vector<16x1xf32> to vector<16x128xf32>
    %add3A_930 = arith.addf %add3A_929, %dot_general3A_920 : vector<16x128xf32>
    %eq3A_931 = arith.constant 7 : i32
    %eq3A_932 = vector.broadcast %eq3A_931 : i32 to vector<16x128xi32>
    %eq3A_933 = arith.cmpi eq, %slice3A_600, %eq3A_932 : vector<16x128xi32>
    %jit3A_934 = arith.constant 0.000000e+00 : f32
    %broadcast_in_dim3A_935 = vector.broadcast %jit3A_934 : f32 to vector<16x128xf32>
    %select_n3A_936 = arith.select %eq3A_933, %add3A_930, %broadcast_in_dim3A_935 : vector<16x128xi1>, vector<16x128xf32>
    %add3A_937 = arith.addf %add3A_894, %select_n3A_936 : vector<16x128xf32>
    %eq3A_938 = arith.constant 7 : i32
    %eq3A_939 = vector.broadcast %eq3A_938 : i32 to vector<16x128xi32>
    %eq3A_940 = arith.cmpi eq, %slice3A_601, %eq3A_939 : vector<16x128xi32>
    %jit3A_941 = arith.constant 0.000000e+00 : f32
    %broadcast_in_dim3A_942 = vector.broadcast %jit3A_941 : f32 to vector<16x128xf32>
    %select_n3A_943 = arith.select %eq3A_940, %add3A_930, %broadcast_in_dim3A_942 : vector<16x128xi1>, vector<16x128xf32>
    %add3A_944 = arith.addf %add3A_901, %select_n3A_943 : vector<16x128xf32>
    %reduce_sum3A_945 = vector.shape_cast %add3A_918 : vector<16x128xf32> to vector<1x16x128xf32>
    %reduce_sum3A_946 = arith.constant dense<0.000000e+00> : vector<1xf32>
    %reduce_sum3A_947 = vector.multi_reduction <add>, %reduce_sum3A_945, %reduce_sum3A_946 [1, 2] : vector<1x16x128xf32> to vector<1xf32>
    %reduce_sum3A_948 = vector.shape_cast %reduce_sum3A_947 : vector<1xf32> to vector<1x1x1xf32>
    %reduce_sum3A_949 = vector.extract %reduce_sum3A_948[0, 0, 0] : f32 from vector<1x1x1xf32>
    %add3A_950 = arith.addf %add3A_591, %reduce_sum3A_949 : f32
    %convert_element_type3A_951 = arith.fptosi %add3A_937 : vector<16x128xf32> to vector<16x128xi32>
    %swap3A_952 = arith.constant 16 : index
    %swap3A_953 = arith.constant 0 : index
    %swap3A_954 = vector.load %arg3[%swap3A_952, %swap3A_953] : memref<64x128xi32, #tpu.memory_space<vmem>>, vector<16x128xi32>
    tpu.vector_store %arg3[%swap3A_952, %swap3A_953], %convert_element_type3A_951 {strides = array<i32>} : memref<64x128xi32, #tpu.memory_space<vmem>>, vector<16x128xi32>,
    %convert_element_type3A_955 = arith.fptosi %add3A_944 : vector<16x128xf32> to vector<16x128xi32>
    %swap3A_956 = arith.constant 16 : index
    %swap3A_957 = arith.constant 0 : index
    %swap3A_958 = vector.load %arg4[%swap3A_956, %swap3A_957] : memref<64x128xi32, #tpu.memory_space<vmem>>, vector<16x128xi32>
    tpu.vector_store %arg4[%swap3A_956, %swap3A_957], %convert_element_type3A_955 {strides = array<i32>} : memref<64x128xi32, #tpu.memory_space<vmem>>, vector<16x128xi32>,
    %slice3A_959 = vector.extract_strided_slice %get3A_7 {offsets = [32, 0], sizes = [16, 128], strides = [1, 1]} : vector<64x128xi32> to vector<16x128xi32>
    %slice3A_960 = vector.extract_strided_slice %get3A_10 {offsets = [32, 0], sizes = [16, 128], strides = [1, 1]} : vector<64x128xi32> to vector<16x128xi32>
    %broadcast_in_dim3A_961 = arith.constant 0.000000e+00 : f32
    %broadcast_in_dim3A_962 = vector.broadcast %broadcast_in_dim3A_961 : f32 to vector<16x128xf32>
    %broadcast_in_dim3A_963 = arith.constant 0.000000e+00 : f32
    %broadcast_in_dim3A_964 = vector.broadcast %broadcast_in_dim3A_963 : f32 to vector<16x128xf32>
    %eq3A_965 = arith.constant 0 : i32
    %eq3A_966 = vector.broadcast %eq3A_965 : i32 to vector<16x128xi32>
    %eq3A_967 = arith.cmpi eq, %slice3A_959, %eq3A_966 : vector<16x128xi32>
    %convert_element_type3A_968 = arith.extui %eq3A_967 : vector<16x128xi1> to vector<16x128xi32>
    %convert_element_type3A_969 = arith.sitofp %convert_element_type3A_968 : vector<16x128xi32> to vector<16x128xf32>
    %eq3A_970 = arith.constant 0 : i32
    %eq3A_971 = vector.broadcast %eq3A_970 : i32 to vector<16x128xi32>
    %eq3A_972 = arith.cmpi eq, %slice3A_960, %eq3A_971 : vector<16x128xi32>
    %convert_element_type3A_973 = arith.extui %eq3A_972 : vector<16x128xi1> to vector<16x128xi32>
    %convert_element_type3A_974 = arith.sitofp %convert_element_type3A_973 : vector<16x128xi32> to vector<16x128xf32>
    %add3A_975 = arith.addf %convert_element_type3A_969, %convert_element_type3A_974 : vector<16x128xf32>
    %dot_general3A_976 = arith.constant dense<0.000000e+00> : vector<16x128xf32>
    %dot_general3A_977 = tpu.matmul %add3A_975, %convert_element_type3A_1, %dot_general3A_976 {dimension_numbers = #tpu.dot_dimension_numbers<[1], [0], [0], [1], [0, 0, 1, 1], [], []>, transpose_lhs_hint = false} : vector<16x128xf32>, vector<128x128xf32>, vector<16x128xf32> -> vector<16x128xf32>
    %reduce_sum3A_978 = arith.constant dense<0.000000e+00> : vector<16xf32>
    %reduce_sum3A_979 = vector.multi_reduction <add>, %add3A_975, %reduce_sum3A_978 [1] : vector<16x128xf32> to vector<16xf32>
    %broadcast_in_dim3A_980 = vector.shape_cast %reduce_sum3A_979 : vector<16xf32> to vector<16x1xf32>
    %dot_general3A_981 = arith.constant dense<0.000000e+00> : vector<16x1xf32>
    %dot_general3A_982 = tpu.matmul %convert_element_type3A_5, %broadcast_in_dim3A_980, %dot_general3A_981 {dimension_numbers = #tpu.dot_dimension_numbers<[1], [0], [0], [1], [0, 0, 1, 1], [], []>, transpose_lhs_hint = false} : vector<16x16xf32>, vector<16x1xf32>, vector<16x1xf32> -> vector<16x1xf32>
    %add3A_983 = arith.constant 0.000000e+00 : f32
    %add3A_984 = arith.addf %add3A_983, %add3A_649 : f32
    %add3A_985 = vector.broadcast %add3A_984 : f32 to vector<16x1xf32>
    %add3A_986 = arith.addf %add3A_985, %dot_general3A_982 : vector<16x1xf32>
    %add3A_987 = vector.broadcast %add3A_986 : vector<16x1xf32> to vector<16x128xf32>
    %add3A_988 = arith.addf %add3A_987, %dot_general3A_977 : vector<16x128xf32>
    %eq3A_989 = arith.constant 0 : i32
    %eq3A_990 = vector.broadcast %eq3A_989 : i32 to vector<16x128xi32>
    %eq3A_991 = arith.cmpi eq, %slice3A_959, %eq3A_990 : vector<16x128xi32>
    %jit3A_992 = arith.constant 0.000000e+00 : f32
    %broadcast_in_dim3A_993 = vector.broadcast %jit3A_992 : f32 to vector<16x128xf32>
    %select_n3A_994 = arith.select %eq3A_991, %add3A_988, %broadcast_in_dim3A_993 : vector<16x128xi1>, vector<16x128xf32>
    %add3A_995 = arith.addf %broadcast_in_dim3A_962, %select_n3A_994 : vector<16x128xf32>
    %eq3A_996 = arith.constant 0 : i32
    %eq3A_997 = vector.broadcast %eq3A_996 : i32 to vector<16x128xi32>
    %eq3A_998 = arith.cmpi eq, %slice3A_960, %eq3A_997 : vector<16x128xi32>
    %jit3A_999 = arith.constant 0.000000e+00 : f32
    %broadcast_in_dim3A_1000 = vector.broadcast %jit3A_999 : f32 to vector<16x128xf32>
    %select_n3A_1001 = arith.select %eq3A_998, %add3A_988, %broadcast_in_dim3A_1000 : vector<16x128xi1>, vector<16x128xf32>
    %add3A_1002 = arith.addf %broadcast_in_dim3A_964, %select_n3A_1001 : vector<16x128xf32>
    %reduce_sum3A_1003 = vector.shape_cast %add3A_975 : vector<16x128xf32> to vector<1x16x128xf32>
    %reduce_sum3A_1004 = arith.constant dense<0.000000e+00> : vector<1xf32>
    %reduce_sum3A_1005 = vector.multi_reduction <add>, %reduce_sum3A_1003, %reduce_sum3A_1004 [1, 2] : vector<1x16x128xf32> to vector<1xf32>
    %reduce_sum3A_1006 = vector.shape_cast %reduce_sum3A_1005 : vector<1xf32> to vector<1x1x1xf32>
    %reduce_sum3A_1007 = vector.extract %reduce_sum3A_1006[0, 0, 0] : f32 from vector<1x1x1xf32>
    %add3A_1008 = arith.addf %add3A_649, %reduce_sum3A_1007 : f32
    %eq3A_1009 = arith.constant 1 : i32
    %eq3A_1010 = vector.broadcast %eq3A_1009 : i32 to vector<16x128xi32>
    %eq3A_1011 = arith.cmpi eq, %slice3A_959, %eq3A_1010 : vector<16x128xi32>
    %convert_element_type3A_1012 = arith.extui %eq3A_1011 : vector<16x128xi1> to vector<16x128xi32>
    %convert_element_type3A_1013 = arith.sitofp %convert_element_type3A_1012 : vector<16x128xi32> to vector<16x128xf32>
    %eq3A_1014 = arith.constant 1 : i32
    %eq3A_1015 = vector.broadcast %eq3A_1014 : i32 to vector<16x128xi32>
    %eq3A_1016 = arith.cmpi eq, %slice3A_960, %eq3A_1015 : vector<16x128xi32>
    %convert_element_type3A_1017 = arith.extui %eq3A_1016 : vector<16x128xi1> to vector<16x128xi32>
    %convert_element_type3A_1018 = arith.sitofp %convert_element_type3A_1017 : vector<16x128xi32> to vector<16x128xf32>
    %add3A_1019 = arith.addf %convert_element_type3A_1013, %convert_element_type3A_1018 : vector<16x128xf32>
    %dot_general3A_1020 = arith.constant dense<0.000000e+00> : vector<16x128xf32>
    %dot_general3A_1021 = tpu.matmul %add3A_1019, %convert_element_type3A_1, %dot_general3A_1020 {dimension_numbers = #tpu.dot_dimension_numbers<[1], [0], [0], [1], [0, 0, 1, 1], [], []>, transpose_lhs_hint = false} : vector<16x128xf32>, vector<128x128xf32>, vector<16x128xf32> -> vector<16x128xf32>
    %reduce_sum3A_1022 = arith.constant dense<0.000000e+00> : vector<16xf32>
    %reduce_sum3A_1023 = vector.multi_reduction <add>, %add3A_1019, %reduce_sum3A_1022 [1] : vector<16x128xf32> to vector<16xf32>
    %broadcast_in_dim3A_1024 = vector.shape_cast %reduce_sum3A_1023 : vector<16xf32> to vector<16x1xf32>
    %dot_general3A_1025 = arith.constant dense<0.000000e+00> : vector<16x1xf32>
    %dot_general3A_1026 = tpu.matmul %convert_element_type3A_5, %broadcast_in_dim3A_1024, %dot_general3A_1025 {dimension_numbers = #tpu.dot_dimension_numbers<[1], [0], [0], [1], [0, 0, 1, 1], [], []>, transpose_lhs_hint = false} : vector<16x16xf32>, vector<16x1xf32>, vector<16x1xf32> -> vector<16x1xf32>
    %add3A_1027 = arith.addf %add3A_139, %add3A_692 : f32
    %add3A_1028 = vector.broadcast %add3A_1027 : f32 to vector<16x1xf32>
    %add3A_1029 = arith.addf %add3A_1028, %dot_general3A_1026 : vector<16x1xf32>
    %add3A_1030 = vector.broadcast %add3A_1029 : vector<16x1xf32> to vector<16x128xf32>
    %add3A_1031 = arith.addf %add3A_1030, %dot_general3A_1021 : vector<16x128xf32>
    %eq3A_1032 = arith.constant 1 : i32
    %eq3A_1033 = vector.broadcast %eq3A_1032 : i32 to vector<16x128xi32>
    %eq3A_1034 = arith.cmpi eq, %slice3A_959, %eq3A_1033 : vector<16x128xi32>
    %jit3A_1035 = arith.constant 0.000000e+00 : f32
    %broadcast_in_dim3A_1036 = vector.broadcast %jit3A_1035 : f32 to vector<16x128xf32>
    %select_n3A_1037 = arith.select %eq3A_1034, %add3A_1031, %broadcast_in_dim3A_1036 : vector<16x128xi1>, vector<16x128xf32>
    %add3A_1038 = arith.addf %add3A_995, %select_n3A_1037 : vector<16x128xf32>
    %eq3A_1039 = arith.constant 1 : i32
    %eq3A_1040 = vector.broadcast %eq3A_1039 : i32 to vector<16x128xi32>
    %eq3A_1041 = arith.cmpi eq, %slice3A_960, %eq3A_1040 : vector<16x128xi32>
    %jit3A_1042 = arith.constant 0.000000e+00 : f32
    %broadcast_in_dim3A_1043 = vector.broadcast %jit3A_1042 : f32 to vector<16x128xf32>
    %select_n3A_1044 = arith.select %eq3A_1041, %add3A_1031, %broadcast_in_dim3A_1043 : vector<16x128xi1>, vector<16x128xf32>
    %add3A_1045 = arith.addf %add3A_1002, %select_n3A_1044 : vector<16x128xf32>
    %reduce_sum3A_1046 = vector.shape_cast %add3A_1019 : vector<16x128xf32> to vector<1x16x128xf32>
    %reduce_sum3A_1047 = arith.constant dense<0.000000e+00> : vector<1xf32>
    %reduce_sum3A_1048 = vector.multi_reduction <add>, %reduce_sum3A_1046, %reduce_sum3A_1047 [1, 2] : vector<1x16x128xf32> to vector<1xf32>
    %reduce_sum3A_1049 = vector.shape_cast %reduce_sum3A_1048 : vector<1xf32> to vector<1x1x1xf32>
    %reduce_sum3A_1050 = vector.extract %reduce_sum3A_1049[0, 0, 0] : f32 from vector<1x1x1xf32>
    %add3A_1051 = arith.addf %add3A_692, %reduce_sum3A_1050 : f32
    %eq3A_1052 = arith.constant 2 : i32
    %eq3A_1053 = vector.broadcast %eq3A_1052 : i32 to vector<16x128xi32>
    %eq3A_1054 = arith.cmpi eq, %slice3A_959, %eq3A_1053 : vector<16x128xi32>
    %convert_element_type3A_1055 = arith.extui %eq3A_1054 : vector<16x128xi1> to vector<16x128xi32>
    %convert_element_type3A_1056 = arith.sitofp %convert_element_type3A_1055 : vector<16x128xi32> to vector<16x128xf32>
    %eq3A_1057 = arith.constant 2 : i32
    %eq3A_1058 = vector.broadcast %eq3A_1057 : i32 to vector<16x128xi32>
    %eq3A_1059 = arith.cmpi eq, %slice3A_960, %eq3A_1058 : vector<16x128xi32>
    %convert_element_type3A_1060 = arith.extui %eq3A_1059 : vector<16x128xi1> to vector<16x128xi32>
    %convert_element_type3A_1061 = arith.sitofp %convert_element_type3A_1060 : vector<16x128xi32> to vector<16x128xf32>
    %add3A_1062 = arith.addf %convert_element_type3A_1056, %convert_element_type3A_1061 : vector<16x128xf32>
    %dot_general3A_1063 = arith.constant dense<0.000000e+00> : vector<16x128xf32>
    %dot_general3A_1064 = tpu.matmul %add3A_1062, %convert_element_type3A_1, %dot_general3A_1063 {dimension_numbers = #tpu.dot_dimension_numbers<[1], [0], [0], [1], [0, 0, 1, 1], [], []>, transpose_lhs_hint = false} : vector<16x128xf32>, vector<128x128xf32>, vector<16x128xf32> -> vector<16x128xf32>
    %reduce_sum3A_1065 = arith.constant dense<0.000000e+00> : vector<16xf32>
    %reduce_sum3A_1066 = vector.multi_reduction <add>, %add3A_1062, %reduce_sum3A_1065 [1] : vector<16x128xf32> to vector<16xf32>
    %broadcast_in_dim3A_1067 = vector.shape_cast %reduce_sum3A_1066 : vector<16xf32> to vector<16x1xf32>
    %dot_general3A_1068 = arith.constant dense<0.000000e+00> : vector<16x1xf32>
    %dot_general3A_1069 = tpu.matmul %convert_element_type3A_5, %broadcast_in_dim3A_1067, %dot_general3A_1068 {dimension_numbers = #tpu.dot_dimension_numbers<[1], [0], [0], [1], [0, 0, 1, 1], [], []>, transpose_lhs_hint = false} : vector<16x16xf32>, vector<16x1xf32>, vector<16x1xf32> -> vector<16x1xf32>
    %add3A_1070 = arith.addf %add3A_145, %add3A_735 : f32
    %add3A_1071 = vector.broadcast %add3A_1070 : f32 to vector<16x1xf32>
    %add3A_1072 = arith.addf %add3A_1071, %dot_general3A_1069 : vector<16x1xf32>
    %add3A_1073 = vector.broadcast %add3A_1072 : vector<16x1xf32> to vector<16x128xf32>
    %add3A_1074 = arith.addf %add3A_1073, %dot_general3A_1064 : vector<16x128xf32>
    %eq3A_1075 = arith.constant 2 : i32
    %eq3A_1076 = vector.broadcast %eq3A_1075 : i32 to vector<16x128xi32>
    %eq3A_1077 = arith.cmpi eq, %slice3A_959, %eq3A_1076 : vector<16x128xi32>
    %jit3A_1078 = arith.constant 0.000000e+00 : f32
    %broadcast_in_dim3A_1079 = vector.broadcast %jit3A_1078 : f32 to vector<16x128xf32>
    %select_n3A_1080 = arith.select %eq3A_1077, %add3A_1074, %broadcast_in_dim3A_1079 : vector<16x128xi1>, vector<16x128xf32>
    %add3A_1081 = arith.addf %add3A_1038, %select_n3A_1080 : vector<16x128xf32>
    %eq3A_1082 = arith.constant 2 : i32
    %eq3A_1083 = vector.broadcast %eq3A_1082 : i32 to vector<16x128xi32>
    %eq3A_1084 = arith.cmpi eq, %slice3A_960, %eq3A_1083 : vector<16x128xi32>
    %jit3A_1085 = arith.constant 0.000000e+00 : f32
    %broadcast_in_dim3A_1086 = vector.broadcast %jit3A_1085 : f32 to vector<16x128xf32>
    %select_n3A_1087 = arith.select %eq3A_1084, %add3A_1074, %broadcast_in_dim3A_1086 : vector<16x128xi1>, vector<16x128xf32>
    %add3A_1088 = arith.addf %add3A_1045, %select_n3A_1087 : vector<16x128xf32>
    %reduce_sum3A_1089 = vector.shape_cast %add3A_1062 : vector<16x128xf32> to vector<1x16x128xf32>
    %reduce_sum3A_1090 = arith.constant dense<0.000000e+00> : vector<1xf32>
    %reduce_sum3A_1091 = vector.multi_reduction <add>, %reduce_sum3A_1089, %reduce_sum3A_1090 [1, 2] : vector<1x16x128xf32> to vector<1xf32>
    %reduce_sum3A_1092 = vector.shape_cast %reduce_sum3A_1091 : vector<1xf32> to vector<1x1x1xf32>
    %reduce_sum3A_1093 = vector.extract %reduce_sum3A_1092[0, 0, 0] : f32 from vector<1x1x1xf32>
    %add3A_1094 = arith.addf %add3A_735, %reduce_sum3A_1093 : f32
    %eq3A_1095 = arith.constant 3 : i32
    %eq3A_1096 = vector.broadcast %eq3A_1095 : i32 to vector<16x128xi32>
    %eq3A_1097 = arith.cmpi eq, %slice3A_959, %eq3A_1096 : vector<16x128xi32>
    %convert_element_type3A_1098 = arith.extui %eq3A_1097 : vector<16x128xi1> to vector<16x128xi32>
    %convert_element_type3A_1099 = arith.sitofp %convert_element_type3A_1098 : vector<16x128xi32> to vector<16x128xf32>
    %eq3A_1100 = arith.constant 3 : i32
    %eq3A_1101 = vector.broadcast %eq3A_1100 : i32 to vector<16x128xi32>
    %eq3A_1102 = arith.cmpi eq, %slice3A_960, %eq3A_1101 : vector<16x128xi32>
    %convert_element_type3A_1103 = arith.extui %eq3A_1102 : vector<16x128xi1> to vector<16x128xi32>
    %convert_element_type3A_1104 = arith.sitofp %convert_element_type3A_1103 : vector<16x128xi32> to vector<16x128xf32>
    %add3A_1105 = arith.addf %convert_element_type3A_1099, %convert_element_type3A_1104 : vector<16x128xf32>
    %dot_general3A_1106 = arith.constant dense<0.000000e+00> : vector<16x128xf32>
    %dot_general3A_1107 = tpu.matmul %add3A_1105, %convert_element_type3A_1, %dot_general3A_1106 {dimension_numbers = #tpu.dot_dimension_numbers<[1], [0], [0], [1], [0, 0, 1, 1], [], []>, transpose_lhs_hint = false} : vector<16x128xf32>, vector<128x128xf32>, vector<16x128xf32> -> vector<16x128xf32>
    %reduce_sum3A_1108 = arith.constant dense<0.000000e+00> : vector<16xf32>
    %reduce_sum3A_1109 = vector.multi_reduction <add>, %add3A_1105, %reduce_sum3A_1108 [1] : vector<16x128xf32> to vector<16xf32>
    %broadcast_in_dim3A_1110 = vector.shape_cast %reduce_sum3A_1109 : vector<16xf32> to vector<16x1xf32>
    %dot_general3A_1111 = arith.constant dense<0.000000e+00> : vector<16x1xf32>
    %dot_general3A_1112 = tpu.matmul %convert_element_type3A_5, %broadcast_in_dim3A_1110, %dot_general3A_1111 {dimension_numbers = #tpu.dot_dimension_numbers<[1], [0], [0], [1], [0, 0, 1, 1], [], []>, transpose_lhs_hint = false} : vector<16x16xf32>, vector<16x1xf32>, vector<16x1xf32> -> vector<16x1xf32>
    %add3A_1113 = arith.addf %add3A_151, %add3A_778 : f32
    %add3A_1114 = vector.broadcast %add3A_1113 : f32 to vector<16x1xf32>
    %add3A_1115 = arith.addf %add3A_1114, %dot_general3A_1112 : vector<16x1xf32>
    %add3A_1116 = vector.broadcast %add3A_1115 : vector<16x1xf32> to vector<16x128xf32>
    %add3A_1117 = arith.addf %add3A_1116, %dot_general3A_1107 : vector<16x128xf32>
    %eq3A_1118 = arith.constant 3 : i32
    %eq3A_1119 = vector.broadcast %eq3A_1118 : i32 to vector<16x128xi32>
    %eq3A_1120 = arith.cmpi eq, %slice3A_959, %eq3A_1119 : vector<16x128xi32>
    %jit3A_1121 = arith.constant 0.000000e+00 : f32
    %broadcast_in_dim3A_1122 = vector.broadcast %jit3A_1121 : f32 to vector<16x128xf32>
    %select_n3A_1123 = arith.select %eq3A_1120, %add3A_1117, %broadcast_in_dim3A_1122 : vector<16x128xi1>, vector<16x128xf32>
    %add3A_1124 = arith.addf %add3A_1081, %select_n3A_1123 : vector<16x128xf32>
    %eq3A_1125 = arith.constant 3 : i32
    %eq3A_1126 = vector.broadcast %eq3A_1125 : i32 to vector<16x128xi32>
    %eq3A_1127 = arith.cmpi eq, %slice3A_960, %eq3A_1126 : vector<16x128xi32>
    %jit3A_1128 = arith.constant 0.000000e+00 : f32
    %broadcast_in_dim3A_1129 = vector.broadcast %jit3A_1128 : f32 to vector<16x128xf32>
    %select_n3A_1130 = arith.select %eq3A_1127, %add3A_1117, %broadcast_in_dim3A_1129 : vector<16x128xi1>, vector<16x128xf32>
    %add3A_1131 = arith.addf %add3A_1088, %select_n3A_1130 : vector<16x128xf32>
    %reduce_sum3A_1132 = vector.shape_cast %add3A_1105 : vector<16x128xf32> to vector<1x16x128xf32>
    %reduce_sum3A_1133 = arith.constant dense<0.000000e+00> : vector<1xf32>
    %reduce_sum3A_1134 = vector.multi_reduction <add>, %reduce_sum3A_1132, %reduce_sum3A_1133 [1, 2] : vector<1x16x128xf32> to vector<1xf32>
    %reduce_sum3A_1135 = vector.shape_cast %reduce_sum3A_1134 : vector<1xf32> to vector<1x1x1xf32>
    %reduce_sum3A_1136 = vector.extract %reduce_sum3A_1135[0, 0, 0] : f32 from vector<1x1x1xf32>
    %add3A_1137 = arith.addf %add3A_778, %reduce_sum3A_1136 : f32
    %eq3A_1138 = arith.constant 4 : i32
    %eq3A_1139 = vector.broadcast %eq3A_1138 : i32 to vector<16x128xi32>
    %eq3A_1140 = arith.cmpi eq, %slice3A_959, %eq3A_1139 : vector<16x128xi32>
    %convert_element_type3A_1141 = arith.extui %eq3A_1140 : vector<16x128xi1> to vector<16x128xi32>
    %convert_element_type3A_1142 = arith.sitofp %convert_element_type3A_1141 : vector<16x128xi32> to vector<16x128xf32>
    %eq3A_1143 = arith.constant 4 : i32
    %eq3A_1144 = vector.broadcast %eq3A_1143 : i32 to vector<16x128xi32>
    %eq3A_1145 = arith.cmpi eq, %slice3A_960, %eq3A_1144 : vector<16x128xi32>
    %convert_element_type3A_1146 = arith.extui %eq3A_1145 : vector<16x128xi1> to vector<16x128xi32>
    %convert_element_type3A_1147 = arith.sitofp %convert_element_type3A_1146 : vector<16x128xi32> to vector<16x128xf32>
    %add3A_1148 = arith.addf %convert_element_type3A_1142, %convert_element_type3A_1147 : vector<16x128xf32>
    %dot_general3A_1149 = arith.constant dense<0.000000e+00> : vector<16x128xf32>
    %dot_general3A_1150 = tpu.matmul %add3A_1148, %convert_element_type3A_1, %dot_general3A_1149 {dimension_numbers = #tpu.dot_dimension_numbers<[1], [0], [0], [1], [0, 0, 1, 1], [], []>, transpose_lhs_hint = false} : vector<16x128xf32>, vector<128x128xf32>, vector<16x128xf32> -> vector<16x128xf32>
    %reduce_sum3A_1151 = arith.constant dense<0.000000e+00> : vector<16xf32>
    %reduce_sum3A_1152 = vector.multi_reduction <add>, %add3A_1148, %reduce_sum3A_1151 [1] : vector<16x128xf32> to vector<16xf32>
    %broadcast_in_dim3A_1153 = vector.shape_cast %reduce_sum3A_1152 : vector<16xf32> to vector<16x1xf32>
    %dot_general3A_1154 = arith.constant dense<0.000000e+00> : vector<16x1xf32>
    %dot_general3A_1155 = tpu.matmul %convert_element_type3A_5, %broadcast_in_dim3A_1153, %dot_general3A_1154 {dimension_numbers = #tpu.dot_dimension_numbers<[1], [0], [0], [1], [0, 0, 1, 1], [], []>, transpose_lhs_hint = false} : vector<16x16xf32>, vector<16x1xf32>, vector<16x1xf32> -> vector<16x1xf32>
    %add3A_1156 = arith.addf %add3A_157, %add3A_821 : f32
    %add3A_1157 = vector.broadcast %add3A_1156 : f32 to vector<16x1xf32>
    %add3A_1158 = arith.addf %add3A_1157, %dot_general3A_1155 : vector<16x1xf32>
    %add3A_1159 = vector.broadcast %add3A_1158 : vector<16x1xf32> to vector<16x128xf32>
    %add3A_1160 = arith.addf %add3A_1159, %dot_general3A_1150 : vector<16x128xf32>
    %eq3A_1161 = arith.constant 4 : i32
    %eq3A_1162 = vector.broadcast %eq3A_1161 : i32 to vector<16x128xi32>
    %eq3A_1163 = arith.cmpi eq, %slice3A_959, %eq3A_1162 : vector<16x128xi32>
    %jit3A_1164 = arith.constant 0.000000e+00 : f32
    %broadcast_in_dim3A_1165 = vector.broadcast %jit3A_1164 : f32 to vector<16x128xf32>
    %select_n3A_1166 = arith.select %eq3A_1163, %add3A_1160, %broadcast_in_dim3A_1165 : vector<16x128xi1>, vector<16x128xf32>
    %add3A_1167 = arith.addf %add3A_1124, %select_n3A_1166 : vector<16x128xf32>
    %eq3A_1168 = arith.constant 4 : i32
    %eq3A_1169 = vector.broadcast %eq3A_1168 : i32 to vector<16x128xi32>
    %eq3A_1170 = arith.cmpi eq, %slice3A_960, %eq3A_1169 : vector<16x128xi32>
    %jit3A_1171 = arith.constant 0.000000e+00 : f32
    %broadcast_in_dim3A_1172 = vector.broadcast %jit3A_1171 : f32 to vector<16x128xf32>
    %select_n3A_1173 = arith.select %eq3A_1170, %add3A_1160, %broadcast_in_dim3A_1172 : vector<16x128xi1>, vector<16x128xf32>
    %add3A_1174 = arith.addf %add3A_1131, %select_n3A_1173 : vector<16x128xf32>
    %reduce_sum3A_1175 = vector.shape_cast %add3A_1148 : vector<16x128xf32> to vector<1x16x128xf32>
    %reduce_sum3A_1176 = arith.constant dense<0.000000e+00> : vector<1xf32>
    %reduce_sum3A_1177 = vector.multi_reduction <add>, %reduce_sum3A_1175, %reduce_sum3A_1176 [1, 2] : vector<1x16x128xf32> to vector<1xf32>
    %reduce_sum3A_1178 = vector.shape_cast %reduce_sum3A_1177 : vector<1xf32> to vector<1x1x1xf32>
    %reduce_sum3A_1179 = vector.extract %reduce_sum3A_1178[0, 0, 0] : f32 from vector<1x1x1xf32>
    %add3A_1180 = arith.addf %add3A_821, %reduce_sum3A_1179 : f32
    %eq3A_1181 = arith.constant 5 : i32
    %eq3A_1182 = vector.broadcast %eq3A_1181 : i32 to vector<16x128xi32>
    %eq3A_1183 = arith.cmpi eq, %slice3A_959, %eq3A_1182 : vector<16x128xi32>
    %convert_element_type3A_1184 = arith.extui %eq3A_1183 : vector<16x128xi1> to vector<16x128xi32>
    %convert_element_type3A_1185 = arith.sitofp %convert_element_type3A_1184 : vector<16x128xi32> to vector<16x128xf32>
    %eq3A_1186 = arith.constant 5 : i32
    %eq3A_1187 = vector.broadcast %eq3A_1186 : i32 to vector<16x128xi32>
    %eq3A_1188 = arith.cmpi eq, %slice3A_960, %eq3A_1187 : vector<16x128xi32>
    %convert_element_type3A_1189 = arith.extui %eq3A_1188 : vector<16x128xi1> to vector<16x128xi32>
    %convert_element_type3A_1190 = arith.sitofp %convert_element_type3A_1189 : vector<16x128xi32> to vector<16x128xf32>
    %add3A_1191 = arith.addf %convert_element_type3A_1185, %convert_element_type3A_1190 : vector<16x128xf32>
    %dot_general3A_1192 = arith.constant dense<0.000000e+00> : vector<16x128xf32>
    %dot_general3A_1193 = tpu.matmul %add3A_1191, %convert_element_type3A_1, %dot_general3A_1192 {dimension_numbers = #tpu.dot_dimension_numbers<[1], [0], [0], [1], [0, 0, 1, 1], [], []>, transpose_lhs_hint = false} : vector<16x128xf32>, vector<128x128xf32>, vector<16x128xf32> -> vector<16x128xf32>
    %reduce_sum3A_1194 = arith.constant dense<0.000000e+00> : vector<16xf32>
    %reduce_sum3A_1195 = vector.multi_reduction <add>, %add3A_1191, %reduce_sum3A_1194 [1] : vector<16x128xf32> to vector<16xf32>
    %broadcast_in_dim3A_1196 = vector.shape_cast %reduce_sum3A_1195 : vector<16xf32> to vector<16x1xf32>
    %dot_general3A_1197 = arith.constant dense<0.000000e+00> : vector<16x1xf32>
    %dot_general3A_1198 = tpu.matmul %convert_element_type3A_5, %broadcast_in_dim3A_1196, %dot_general3A_1197 {dimension_numbers = #tpu.dot_dimension_numbers<[1], [0], [0], [1], [0, 0, 1, 1], [], []>, transpose_lhs_hint = false} : vector<16x16xf32>, vector<16x1xf32>, vector<16x1xf32> -> vector<16x1xf32>
    %add3A_1199 = arith.addf %add3A_163, %add3A_864 : f32
    %add3A_1200 = vector.broadcast %add3A_1199 : f32 to vector<16x1xf32>
    %add3A_1201 = arith.addf %add3A_1200, %dot_general3A_1198 : vector<16x1xf32>
    %add3A_1202 = vector.broadcast %add3A_1201 : vector<16x1xf32> to vector<16x128xf32>
    %add3A_1203 = arith.addf %add3A_1202, %dot_general3A_1193 : vector<16x128xf32>
    %eq3A_1204 = arith.constant 5 : i32
    %eq3A_1205 = vector.broadcast %eq3A_1204 : i32 to vector<16x128xi32>
    %eq3A_1206 = arith.cmpi eq, %slice3A_959, %eq3A_1205 : vector<16x128xi32>
    %jit3A_1207 = arith.constant 0.000000e+00 : f32
    %broadcast_in_dim3A_1208 = vector.broadcast %jit3A_1207 : f32 to vector<16x128xf32>
    %select_n3A_1209 = arith.select %eq3A_1206, %add3A_1203, %broadcast_in_dim3A_1208 : vector<16x128xi1>, vector<16x128xf32>
    %add3A_1210 = arith.addf %add3A_1167, %select_n3A_1209 : vector<16x128xf32>
    %eq3A_1211 = arith.constant 5 : i32
    %eq3A_1212 = vector.broadcast %eq3A_1211 : i32 to vector<16x128xi32>
    %eq3A_1213 = arith.cmpi eq, %slice3A_960, %eq3A_1212 : vector<16x128xi32>
    %jit3A_1214 = arith.constant 0.000000e+00 : f32
    %broadcast_in_dim3A_1215 = vector.broadcast %jit3A_1214 : f32 to vector<16x128xf32>
    %select_n3A_1216 = arith.select %eq3A_1213, %add3A_1203, %broadcast_in_dim3A_1215 : vector<16x128xi1>, vector<16x128xf32>
    %add3A_1217 = arith.addf %add3A_1174, %select_n3A_1216 : vector<16x128xf32>
    %reduce_sum3A_1218 = vector.shape_cast %add3A_1191 : vector<16x128xf32> to vector<1x16x128xf32>
    %reduce_sum3A_1219 = arith.constant dense<0.000000e+00> : vector<1xf32>
    %reduce_sum3A_1220 = vector.multi_reduction <add>, %reduce_sum3A_1218, %reduce_sum3A_1219 [1, 2] : vector<1x16x128xf32> to vector<1xf32>
    %reduce_sum3A_1221 = vector.shape_cast %reduce_sum3A_1220 : vector<1xf32> to vector<1x1x1xf32>
    %reduce_sum3A_1222 = vector.extract %reduce_sum3A_1221[0, 0, 0] : f32 from vector<1x1x1xf32>
    %add3A_1223 = arith.addf %add3A_864, %reduce_sum3A_1222 : f32
    %eq3A_1224 = arith.constant 6 : i32
    %eq3A_1225 = vector.broadcast %eq3A_1224 : i32 to vector<16x128xi32>
    %eq3A_1226 = arith.cmpi eq, %slice3A_959, %eq3A_1225 : vector<16x128xi32>
    %convert_element_type3A_1227 = arith.extui %eq3A_1226 : vector<16x128xi1> to vector<16x128xi32>
    %convert_element_type3A_1228 = arith.sitofp %convert_element_type3A_1227 : vector<16x128xi32> to vector<16x128xf32>
    %eq3A_1229 = arith.constant 6 : i32
    %eq3A_1230 = vector.broadcast %eq3A_1229 : i32 to vector<16x128xi32>
    %eq3A_1231 = arith.cmpi eq, %slice3A_960, %eq3A_1230 : vector<16x128xi32>
    %convert_element_type3A_1232 = arith.extui %eq3A_1231 : vector<16x128xi1> to vector<16x128xi32>
    %convert_element_type3A_1233 = arith.sitofp %convert_element_type3A_1232 : vector<16x128xi32> to vector<16x128xf32>
    %add3A_1234 = arith.addf %convert_element_type3A_1228, %convert_element_type3A_1233 : vector<16x128xf32>
    %dot_general3A_1235 = arith.constant dense<0.000000e+00> : vector<16x128xf32>
    %dot_general3A_1236 = tpu.matmul %add3A_1234, %convert_element_type3A_1, %dot_general3A_1235 {dimension_numbers = #tpu.dot_dimension_numbers<[1], [0], [0], [1], [0, 0, 1, 1], [], []>, transpose_lhs_hint = false} : vector<16x128xf32>, vector<128x128xf32>, vector<16x128xf32> -> vector<16x128xf32>
    %reduce_sum3A_1237 = arith.constant dense<0.000000e+00> : vector<16xf32>
    %reduce_sum3A_1238 = vector.multi_reduction <add>, %add3A_1234, %reduce_sum3A_1237 [1] : vector<16x128xf32> to vector<16xf32>
    %broadcast_in_dim3A_1239 = vector.shape_cast %reduce_sum3A_1238 : vector<16xf32> to vector<16x1xf32>
    %dot_general3A_1240 = arith.constant dense<0.000000e+00> : vector<16x1xf32>
    %dot_general3A_1241 = tpu.matmul %convert_element_type3A_5, %broadcast_in_dim3A_1239, %dot_general3A_1240 {dimension_numbers = #tpu.dot_dimension_numbers<[1], [0], [0], [1], [0, 0, 1, 1], [], []>, transpose_lhs_hint = false} : vector<16x16xf32>, vector<16x1xf32>, vector<16x1xf32> -> vector<16x1xf32>
    %add3A_1242 = arith.addf %add3A_169, %add3A_907 : f32
    %add3A_1243 = vector.broadcast %add3A_1242 : f32 to vector<16x1xf32>
    %add3A_1244 = arith.addf %add3A_1243, %dot_general3A_1241 : vector<16x1xf32>
    %add3A_1245 = vector.broadcast %add3A_1244 : vector<16x1xf32> to vector<16x128xf32>
    %add3A_1246 = arith.addf %add3A_1245, %dot_general3A_1236 : vector<16x128xf32>
    %eq3A_1247 = arith.constant 6 : i32
    %eq3A_1248 = vector.broadcast %eq3A_1247 : i32 to vector<16x128xi32>
    %eq3A_1249 = arith.cmpi eq, %slice3A_959, %eq3A_1248 : vector<16x128xi32>
    %jit3A_1250 = arith.constant 0.000000e+00 : f32
    %broadcast_in_dim3A_1251 = vector.broadcast %jit3A_1250 : f32 to vector<16x128xf32>
    %select_n3A_1252 = arith.select %eq3A_1249, %add3A_1246, %broadcast_in_dim3A_1251 : vector<16x128xi1>, vector<16x128xf32>
    %add3A_1253 = arith.addf %add3A_1210, %select_n3A_1252 : vector<16x128xf32>
    %eq3A_1254 = arith.constant 6 : i32
    %eq3A_1255 = vector.broadcast %eq3A_1254 : i32 to vector<16x128xi32>
    %eq3A_1256 = arith.cmpi eq, %slice3A_960, %eq3A_1255 : vector<16x128xi32>
    %jit3A_1257 = arith.constant 0.000000e+00 : f32
    %broadcast_in_dim3A_1258 = vector.broadcast %jit3A_1257 : f32 to vector<16x128xf32>
    %select_n3A_1259 = arith.select %eq3A_1256, %add3A_1246, %broadcast_in_dim3A_1258 : vector<16x128xi1>, vector<16x128xf32>
    %add3A_1260 = arith.addf %add3A_1217, %select_n3A_1259 : vector<16x128xf32>
    %reduce_sum3A_1261 = vector.shape_cast %add3A_1234 : vector<16x128xf32> to vector<1x16x128xf32>
    %reduce_sum3A_1262 = arith.constant dense<0.000000e+00> : vector<1xf32>
    %reduce_sum3A_1263 = vector.multi_reduction <add>, %reduce_sum3A_1261, %reduce_sum3A_1262 [1, 2] : vector<1x16x128xf32> to vector<1xf32>
    %reduce_sum3A_1264 = vector.shape_cast %reduce_sum3A_1263 : vector<1xf32> to vector<1x1x1xf32>
    %reduce_sum3A_1265 = vector.extract %reduce_sum3A_1264[0, 0, 0] : f32 from vector<1x1x1xf32>
    %add3A_1266 = arith.addf %add3A_907, %reduce_sum3A_1265 : f32
    %eq3A_1267 = arith.constant 7 : i32
    %eq3A_1268 = vector.broadcast %eq3A_1267 : i32 to vector<16x128xi32>
    %eq3A_1269 = arith.cmpi eq, %slice3A_959, %eq3A_1268 : vector<16x128xi32>
    %convert_element_type3A_1270 = arith.extui %eq3A_1269 : vector<16x128xi1> to vector<16x128xi32>
    %convert_element_type3A_1271 = arith.sitofp %convert_element_type3A_1270 : vector<16x128xi32> to vector<16x128xf32>
    %eq3A_1272 = arith.constant 7 : i32
    %eq3A_1273 = vector.broadcast %eq3A_1272 : i32 to vector<16x128xi32>
    %eq3A_1274 = arith.cmpi eq, %slice3A_960, %eq3A_1273 : vector<16x128xi32>
    %convert_element_type3A_1275 = arith.extui %eq3A_1274 : vector<16x128xi1> to vector<16x128xi32>
    %convert_element_type3A_1276 = arith.sitofp %convert_element_type3A_1275 : vector<16x128xi32> to vector<16x128xf32>
    %add3A_1277 = arith.addf %convert_element_type3A_1271, %convert_element_type3A_1276 : vector<16x128xf32>
    %dot_general3A_1278 = arith.constant dense<0.000000e+00> : vector<16x128xf32>
    %dot_general3A_1279 = tpu.matmul %add3A_1277, %convert_element_type3A_1, %dot_general3A_1278 {dimension_numbers = #tpu.dot_dimension_numbers<[1], [0], [0], [1], [0, 0, 1, 1], [], []>, transpose_lhs_hint = false} : vector<16x128xf32>, vector<128x128xf32>, vector<16x128xf32> -> vector<16x128xf32>
    %reduce_sum3A_1280 = arith.constant dense<0.000000e+00> : vector<16xf32>
    %reduce_sum3A_1281 = vector.multi_reduction <add>, %add3A_1277, %reduce_sum3A_1280 [1] : vector<16x128xf32> to vector<16xf32>
    %broadcast_in_dim3A_1282 = vector.shape_cast %reduce_sum3A_1281 : vector<16xf32> to vector<16x1xf32>
    %dot_general3A_1283 = arith.constant dense<0.000000e+00> : vector<16x1xf32>
    %dot_general3A_1284 = tpu.matmul %convert_element_type3A_5, %broadcast_in_dim3A_1282, %dot_general3A_1283 {dimension_numbers = #tpu.dot_dimension_numbers<[1], [0], [0], [1], [0, 0, 1, 1], [], []>, transpose_lhs_hint = false} : vector<16x16xf32>, vector<16x1xf32>, vector<16x1xf32> -> vector<16x1xf32>
    %add3A_1285 = arith.addf %add3A_175, %add3A_950 : f32
    %add3A_1286 = vector.broadcast %add3A_1285 : f32 to vector<16x1xf32>
    %add3A_1287 = arith.addf %add3A_1286, %dot_general3A_1284 : vector<16x1xf32>
    %add3A_1288 = vector.broadcast %add3A_1287 : vector<16x1xf32> to vector<16x128xf32>
    %add3A_1289 = arith.addf %add3A_1288, %dot_general3A_1279 : vector<16x128xf32>
    %eq3A_1290 = arith.constant 7 : i32
    %eq3A_1291 = vector.broadcast %eq3A_1290 : i32 to vector<16x128xi32>
    %eq3A_1292 = arith.cmpi eq, %slice3A_959, %eq3A_1291 : vector<16x128xi32>
    %jit3A_1293 = arith.constant 0.000000e+00 : f32
    %broadcast_in_dim3A_1294 = vector.broadcast %jit3A_1293 : f32 to vector<16x128xf32>
    %select_n3A_1295 = arith.select %eq3A_1292, %add3A_1289, %broadcast_in_dim3A_1294 : vector<16x128xi1>, vector<16x128xf32>
    %add3A_1296 = arith.addf %add3A_1253, %select_n3A_1295 : vector<16x128xf32>
    %eq3A_1297 = arith.constant 7 : i32
    %eq3A_1298 = vector.broadcast %eq3A_1297 : i32 to vector<16x128xi32>
    %eq3A_1299 = arith.cmpi eq, %slice3A_960, %eq3A_1298 : vector<16x128xi32>
    %jit3A_1300 = arith.constant 0.000000e+00 : f32
    %broadcast_in_dim3A_1301 = vector.broadcast %jit3A_1300 : f32 to vector<16x128xf32>
    %select_n3A_1302 = arith.select %eq3A_1299, %add3A_1289, %broadcast_in_dim3A_1301 : vector<16x128xi1>, vector<16x128xf32>
    %add3A_1303 = arith.addf %add3A_1260, %select_n3A_1302 : vector<16x128xf32>
    %reduce_sum3A_1304 = vector.shape_cast %add3A_1277 : vector<16x128xf32> to vector<1x16x128xf32>
    %reduce_sum3A_1305 = arith.constant dense<0.000000e+00> : vector<1xf32>
    %reduce_sum3A_1306 = vector.multi_reduction <add>, %reduce_sum3A_1304, %reduce_sum3A_1305 [1, 2] : vector<1x16x128xf32> to vector<1xf32>
    %reduce_sum3A_1307 = vector.shape_cast %reduce_sum3A_1306 : vector<1xf32> to vector<1x1x1xf32>
    %reduce_sum3A_1308 = vector.extract %reduce_sum3A_1307[0, 0, 0] : f32 from vector<1x1x1xf32>
    %add3A_1309 = arith.addf %add3A_950, %reduce_sum3A_1308 : f32
    %convert_element_type3A_1310 = arith.fptosi %add3A_1296 : vector<16x128xf32> to vector<16x128xi32>
    %swap3A_1311 = arith.constant 32 : index
    %swap3A_1312 = arith.constant 0 : index
    %swap3A_1313 = vector.load %arg3[%swap3A_1311, %swap3A_1312] : memref<64x128xi32, #tpu.memory_space<vmem>>, vector<16x128xi32>
    tpu.vector_store %arg3[%swap3A_1311, %swap3A_1312], %convert_element_type3A_1310 {strides = array<i32>} : memref<64x128xi32, #tpu.memory_space<vmem>>, vector<16x128xi32>,
    %convert_element_type3A_1314 = arith.fptosi %add3A_1303 : vector<16x128xf32> to vector<16x128xi32>
    %swap3A_1315 = arith.constant 32 : index
    %swap3A_1316 = arith.constant 0 : index
    %swap3A_1317 = vector.load %arg4[%swap3A_1315, %swap3A_1316] : memref<64x128xi32, #tpu.memory_space<vmem>>, vector<16x128xi32>
    tpu.vector_store %arg4[%swap3A_1315, %swap3A_1316], %convert_element_type3A_1314 {strides = array<i32>} : memref<64x128xi32, #tpu.memory_space<vmem>>, vector<16x128xi32>,
    %slice3A_1318 = vector.extract_strided_slice %get3A_7 {offsets = [48, 0], sizes = [16, 128], strides = [1, 1]} : vector<64x128xi32> to vector<16x128xi32>
    %slice3A_1319 = vector.extract_strided_slice %get3A_10 {offsets = [48, 0], sizes = [16, 128], strides = [1, 1]} : vector<64x128xi32> to vector<16x128xi32>
    %broadcast_in_dim3A_1320 = arith.constant 0.000000e+00 : f32
    %broadcast_in_dim3A_1321 = vector.broadcast %broadcast_in_dim3A_1320 : f32 to vector<16x128xf32>
    %broadcast_in_dim3A_1322 = arith.constant 0.000000e+00 : f32
    %broadcast_in_dim3A_1323 = vector.broadcast %broadcast_in_dim3A_1322 : f32 to vector<16x128xf32>
    %eq3A_1324 = arith.constant 0 : i32
    %eq3A_1325 = vector.broadcast %eq3A_1324 : i32 to vector<16x128xi32>
    %eq3A_1326 = arith.cmpi eq, %slice3A_1318, %eq3A_1325 : vector<16x128xi32>
    %convert_element_type3A_1327 = arith.extui %eq3A_1326 : vector<16x128xi1> to vector<16x128xi32>
    %convert_element_type3A_1328 = arith.sitofp %convert_element_type3A_1327 : vector<16x128xi32> to vector<16x128xf32>
    %eq3A_1329 = arith.constant 0 : i32
    %eq3A_1330 = vector.broadcast %eq3A_1329 : i32 to vector<16x128xi32>
    %eq3A_1331 = arith.cmpi eq, %slice3A_1319, %eq3A_1330 : vector<16x128xi32>
    %convert_element_type3A_1332 = arith.extui %eq3A_1331 : vector<16x128xi1> to vector<16x128xi32>
    %convert_element_type3A_1333 = arith.sitofp %convert_element_type3A_1332 : vector<16x128xi32> to vector<16x128xf32>
    %add3A_1334 = arith.addf %convert_element_type3A_1328, %convert_element_type3A_1333 : vector<16x128xf32>
    %dot_general3A_1335 = arith.constant dense<0.000000e+00> : vector<16x128xf32>
    %dot_general3A_1336 = tpu.matmul %add3A_1334, %convert_element_type3A_1, %dot_general3A_1335 {dimension_numbers = #tpu.dot_dimension_numbers<[1], [0], [0], [1], [0, 0, 1, 1], [], []>, transpose_lhs_hint = false} : vector<16x128xf32>, vector<128x128xf32>, vector<16x128xf32> -> vector<16x128xf32>
    %reduce_sum3A_1337 = arith.constant dense<0.000000e+00> : vector<16xf32>
    %reduce_sum3A_1338 = vector.multi_reduction <add>, %add3A_1334, %reduce_sum3A_1337 [1] : vector<16x128xf32> to vector<16xf32>
    %broadcast_in_dim3A_1339 = vector.shape_cast %reduce_sum3A_1338 : vector<16xf32> to vector<16x1xf32>
    %dot_general3A_1340 = arith.constant dense<0.000000e+00> : vector<16x1xf32>
    %dot_general3A_1341 = tpu.matmul %convert_element_type3A_5, %broadcast_in_dim3A_1339, %dot_general3A_1340 {dimension_numbers = #tpu.dot_dimension_numbers<[1], [0], [0], [1], [0, 0, 1, 1], [], []>, transpose_lhs_hint = false} : vector<16x16xf32>, vector<16x1xf32>, vector<16x1xf32> -> vector<16x1xf32>
    %add3A_1342 = arith.constant 0.000000e+00 : f32
    %add3A_1343 = arith.addf %add3A_1342, %add3A_1008 : f32
    %add3A_1344 = vector.broadcast %add3A_1343 : f32 to vector<16x1xf32>
    %add3A_1345 = arith.addf %add3A_1344, %dot_general3A_1341 : vector<16x1xf32>
    %add3A_1346 = vector.broadcast %add3A_1345 : vector<16x1xf32> to vector<16x128xf32>
    %add3A_1347 = arith.addf %add3A_1346, %dot_general3A_1336 : vector<16x128xf32>
    %eq3A_1348 = arith.constant 0 : i32
    %eq3A_1349 = vector.broadcast %eq3A_1348 : i32 to vector<16x128xi32>
    %eq3A_1350 = arith.cmpi eq, %slice3A_1318, %eq3A_1349 : vector<16x128xi32>
    %jit3A_1351 = arith.constant 0.000000e+00 : f32
    %broadcast_in_dim3A_1352 = vector.broadcast %jit3A_1351 : f32 to vector<16x128xf32>
    %select_n3A_1353 = arith.select %eq3A_1350, %add3A_1347, %broadcast_in_dim3A_1352 : vector<16x128xi1>, vector<16x128xf32>
    %add3A_1354 = arith.addf %broadcast_in_dim3A_1321, %select_n3A_1353 : vector<16x128xf32>
    %eq3A_1355 = arith.constant 0 : i32
    %eq3A_1356 = vector.broadcast %eq3A_1355 : i32 to vector<16x128xi32>
    %eq3A_1357 = arith.cmpi eq, %slice3A_1319, %eq3A_1356 : vector<16x128xi32>
    %jit3A_1358 = arith.constant 0.000000e+00 : f32
    %broadcast_in_dim3A_1359 = vector.broadcast %jit3A_1358 : f32 to vector<16x128xf32>
    %select_n3A_1360 = arith.select %eq3A_1357, %add3A_1347, %broadcast_in_dim3A_1359 : vector<16x128xi1>, vector<16x128xf32>
    %add3A_1361 = arith.addf %broadcast_in_dim3A_1323, %select_n3A_1360 : vector<16x128xf32>
    %eq3A_1362 = arith.constant 1 : i32
    %eq3A_1363 = vector.broadcast %eq3A_1362 : i32 to vector<16x128xi32>
    %eq3A_1364 = arith.cmpi eq, %slice3A_1318, %eq3A_1363 : vector<16x128xi32>
    %convert_element_type3A_1365 = arith.extui %eq3A_1364 : vector<16x128xi1> to vector<16x128xi32>
    %convert_element_type3A_1366 = arith.sitofp %convert_element_type3A_1365 : vector<16x128xi32> to vector<16x128xf32>
    %eq3A_1367 = arith.constant 1 : i32
    %eq3A_1368 = vector.broadcast %eq3A_1367 : i32 to vector<16x128xi32>
    %eq3A_1369 = arith.cmpi eq, %slice3A_1319, %eq3A_1368 : vector<16x128xi32>
    %convert_element_type3A_1370 = arith.extui %eq3A_1369 : vector<16x128xi1> to vector<16x128xi32>
    %convert_element_type3A_1371 = arith.sitofp %convert_element_type3A_1370 : vector<16x128xi32> to vector<16x128xf32>
    %add3A_1372 = arith.addf %convert_element_type3A_1366, %convert_element_type3A_1371 : vector<16x128xf32>
    %dot_general3A_1373 = arith.constant dense<0.000000e+00> : vector<16x128xf32>
    %dot_general3A_1374 = tpu.matmul %add3A_1372, %convert_element_type3A_1, %dot_general3A_1373 {dimension_numbers = #tpu.dot_dimension_numbers<[1], [0], [0], [1], [0, 0, 1, 1], [], []>, transpose_lhs_hint = false} : vector<16x128xf32>, vector<128x128xf32>, vector<16x128xf32> -> vector<16x128xf32>
    %reduce_sum3A_1375 = arith.constant dense<0.000000e+00> : vector<16xf32>
    %reduce_sum3A_1376 = vector.multi_reduction <add>, %add3A_1372, %reduce_sum3A_1375 [1] : vector<16x128xf32> to vector<16xf32>
    %broadcast_in_dim3A_1377 = vector.shape_cast %reduce_sum3A_1376 : vector<16xf32> to vector<16x1xf32>
    %dot_general3A_1378 = arith.constant dense<0.000000e+00> : vector<16x1xf32>
    %dot_general3A_1379 = tpu.matmul %convert_element_type3A_5, %broadcast_in_dim3A_1377, %dot_general3A_1378 {dimension_numbers = #tpu.dot_dimension_numbers<[1], [0], [0], [1], [0, 0, 1, 1], [], []>, transpose_lhs_hint = false} : vector<16x16xf32>, vector<16x1xf32>, vector<16x1xf32> -> vector<16x1xf32>
    %add3A_1380 = arith.addf %add3A_139, %add3A_1051 : f32
    %add3A_1381 = vector.broadcast %add3A_1380 : f32 to vector<16x1xf32>
    %add3A_1382 = arith.addf %add3A_1381, %dot_general3A_1379 : vector<16x1xf32>
    %add3A_1383 = vector.broadcast %add3A_1382 : vector<16x1xf32> to vector<16x128xf32>
    %add3A_1384 = arith.addf %add3A_1383, %dot_general3A_1374 : vector<16x128xf32>
    %eq3A_1385 = arith.constant 1 : i32
    %eq3A_1386 = vector.broadcast %eq3A_1385 : i32 to vector<16x128xi32>
    %eq3A_1387 = arith.cmpi eq, %slice3A_1318, %eq3A_1386 : vector<16x128xi32>
    %jit3A_1388 = arith.constant 0.000000e+00 : f32
    %broadcast_in_dim3A_1389 = vector.broadcast %jit3A_1388 : f32 to vector<16x128xf32>
    %select_n3A_1390 = arith.select %eq3A_1387, %add3A_1384, %broadcast_in_dim3A_1389 : vector<16x128xi1>, vector<16x128xf32>
    %add3A_1391 = arith.addf %add3A_1354, %select_n3A_1390 : vector<16x128xf32>
    %eq3A_1392 = arith.constant 1 : i32
    %eq3A_1393 = vector.broadcast %eq3A_1392 : i32 to vector<16x128xi32>
    %eq3A_1394 = arith.cmpi eq, %slice3A_1319, %eq3A_1393 : vector<16x128xi32>
    %jit3A_1395 = arith.constant 0.000000e+00 : f32
    %broadcast_in_dim3A_1396 = vector.broadcast %jit3A_1395 : f32 to vector<16x128xf32>
    %select_n3A_1397 = arith.select %eq3A_1394, %add3A_1384, %broadcast_in_dim3A_1396 : vector<16x128xi1>, vector<16x128xf32>
    %add3A_1398 = arith.addf %add3A_1361, %select_n3A_1397 : vector<16x128xf32>
    %eq3A_1399 = arith.constant 2 : i32
    %eq3A_1400 = vector.broadcast %eq3A_1399 : i32 to vector<16x128xi32>
    %eq3A_1401 = arith.cmpi eq, %slice3A_1318, %eq3A_1400 : vector<16x128xi32>
    %convert_element_type3A_1402 = arith.extui %eq3A_1401 : vector<16x128xi1> to vector<16x128xi32>
    %convert_element_type3A_1403 = arith.sitofp %convert_element_type3A_1402 : vector<16x128xi32> to vector<16x128xf32>
    %eq3A_1404 = arith.constant 2 : i32
    %eq3A_1405 = vector.broadcast %eq3A_1404 : i32 to vector<16x128xi32>
    %eq3A_1406 = arith.cmpi eq, %slice3A_1319, %eq3A_1405 : vector<16x128xi32>
    %convert_element_type3A_1407 = arith.extui %eq3A_1406 : vector<16x128xi1> to vector<16x128xi32>
    %convert_element_type3A_1408 = arith.sitofp %convert_element_type3A_1407 : vector<16x128xi32> to vector<16x128xf32>
    %add3A_1409 = arith.addf %convert_element_type3A_1403, %convert_element_type3A_1408 : vector<16x128xf32>
    %dot_general3A_1410 = arith.constant dense<0.000000e+00> : vector<16x128xf32>
    %dot_general3A_1411 = tpu.matmul %add3A_1409, %convert_element_type3A_1, %dot_general3A_1410 {dimension_numbers = #tpu.dot_dimension_numbers<[1], [0], [0], [1], [0, 0, 1, 1], [], []>, transpose_lhs_hint = false} : vector<16x128xf32>, vector<128x128xf32>, vector<16x128xf32> -> vector<16x128xf32>
    %reduce_sum3A_1412 = arith.constant dense<0.000000e+00> : vector<16xf32>
    %reduce_sum3A_1413 = vector.multi_reduction <add>, %add3A_1409, %reduce_sum3A_1412 [1] : vector<16x128xf32> to vector<16xf32>
    %broadcast_in_dim3A_1414 = vector.shape_cast %reduce_sum3A_1413 : vector<16xf32> to vector<16x1xf32>
    %dot_general3A_1415 = arith.constant dense<0.000000e+00> : vector<16x1xf32>
    %dot_general3A_1416 = tpu.matmul %convert_element_type3A_5, %broadcast_in_dim3A_1414, %dot_general3A_1415 {dimension_numbers = #tpu.dot_dimension_numbers<[1], [0], [0], [1], [0, 0, 1, 1], [], []>, transpose_lhs_hint = false} : vector<16x16xf32>, vector<16x1xf32>, vector<16x1xf32> -> vector<16x1xf32>
    %add3A_1417 = arith.addf %add3A_145, %add3A_1094 : f32
    %add3A_1418 = vector.broadcast %add3A_1417 : f32 to vector<16x1xf32>
    %add3A_1419 = arith.addf %add3A_1418, %dot_general3A_1416 : vector<16x1xf32>
    %add3A_1420 = vector.broadcast %add3A_1419 : vector<16x1xf32> to vector<16x128xf32>
    %add3A_1421 = arith.addf %add3A_1420, %dot_general3A_1411 : vector<16x128xf32>
    %eq3A_1422 = arith.constant 2 : i32
    %eq3A_1423 = vector.broadcast %eq3A_1422 : i32 to vector<16x128xi32>
    %eq3A_1424 = arith.cmpi eq, %slice3A_1318, %eq3A_1423 : vector<16x128xi32>
    %jit3A_1425 = arith.constant 0.000000e+00 : f32
    %broadcast_in_dim3A_1426 = vector.broadcast %jit3A_1425 : f32 to vector<16x128xf32>
    %select_n3A_1427 = arith.select %eq3A_1424, %add3A_1421, %broadcast_in_dim3A_1426 : vector<16x128xi1>, vector<16x128xf32>
    %add3A_1428 = arith.addf %add3A_1391, %select_n3A_1427 : vector<16x128xf32>
    %eq3A_1429 = arith.constant 2 : i32
    %eq3A_1430 = vector.broadcast %eq3A_1429 : i32 to vector<16x128xi32>
    %eq3A_1431 = arith.cmpi eq, %slice3A_1319, %eq3A_1430 : vector<16x128xi32>
    %jit3A_1432 = arith.constant 0.000000e+00 : f32
    %broadcast_in_dim3A_1433 = vector.broadcast %jit3A_1432 : f32 to vector<16x128xf32>
    %select_n3A_1434 = arith.select %eq3A_1431, %add3A_1421, %broadcast_in_dim3A_1433 : vector<16x128xi1>, vector<16x128xf32>
    %add3A_1435 = arith.addf %add3A_1398, %select_n3A_1434 : vector<16x128xf32>
    %eq3A_1436 = arith.constant 3 : i32
    %eq3A_1437 = vector.broadcast %eq3A_1436 : i32 to vector<16x128xi32>
    %eq3A_1438 = arith.cmpi eq, %slice3A_1318, %eq3A_1437 : vector<16x128xi32>
    %convert_element_type3A_1439 = arith.extui %eq3A_1438 : vector<16x128xi1> to vector<16x128xi32>
    %convert_element_type3A_1440 = arith.sitofp %convert_element_type3A_1439 : vector<16x128xi32> to vector<16x128xf32>
    %eq3A_1441 = arith.constant 3 : i32
    %eq3A_1442 = vector.broadcast %eq3A_1441 : i32 to vector<16x128xi32>
    %eq3A_1443 = arith.cmpi eq, %slice3A_1319, %eq3A_1442 : vector<16x128xi32>
    %convert_element_type3A_1444 = arith.extui %eq3A_1443 : vector<16x128xi1> to vector<16x128xi32>
    %convert_element_type3A_1445 = arith.sitofp %convert_element_type3A_1444 : vector<16x128xi32> to vector<16x128xf32>
    %add3A_1446 = arith.addf %convert_element_type3A_1440, %convert_element_type3A_1445 : vector<16x128xf32>
    %dot_general3A_1447 = arith.constant dense<0.000000e+00> : vector<16x128xf32>
    %dot_general3A_1448 = tpu.matmul %add3A_1446, %convert_element_type3A_1, %dot_general3A_1447 {dimension_numbers = #tpu.dot_dimension_numbers<[1], [0], [0], [1], [0, 0, 1, 1], [], []>, transpose_lhs_hint = false} : vector<16x128xf32>, vector<128x128xf32>, vector<16x128xf32> -> vector<16x128xf32>
    %reduce_sum3A_1449 = arith.constant dense<0.000000e+00> : vector<16xf32>
    %reduce_sum3A_1450 = vector.multi_reduction <add>, %add3A_1446, %reduce_sum3A_1449 [1] : vector<16x128xf32> to vector<16xf32>
    %broadcast_in_dim3A_1451 = vector.shape_cast %reduce_sum3A_1450 : vector<16xf32> to vector<16x1xf32>
    %dot_general3A_1452 = arith.constant dense<0.000000e+00> : vector<16x1xf32>
    %dot_general3A_1453 = tpu.matmul %convert_element_type3A_5, %broadcast_in_dim3A_1451, %dot_general3A_1452 {dimension_numbers = #tpu.dot_dimension_numbers<[1], [0], [0], [1], [0, 0, 1, 1], [], []>, transpose_lhs_hint = false} : vector<16x16xf32>, vector<16x1xf32>, vector<16x1xf32> -> vector<16x1xf32>
    %add3A_1454 = arith.addf %add3A_151, %add3A_1137 : f32
    %add3A_1455 = vector.broadcast %add3A_1454 : f32 to vector<16x1xf32>
    %add3A_1456 = arith.addf %add3A_1455, %dot_general3A_1453 : vector<16x1xf32>
    %add3A_1457 = vector.broadcast %add3A_1456 : vector<16x1xf32> to vector<16x128xf32>
    %add3A_1458 = arith.addf %add3A_1457, %dot_general3A_1448 : vector<16x128xf32>
    %eq3A_1459 = arith.constant 3 : i32
    %eq3A_1460 = vector.broadcast %eq3A_1459 : i32 to vector<16x128xi32>
    %eq3A_1461 = arith.cmpi eq, %slice3A_1318, %eq3A_1460 : vector<16x128xi32>
    %jit3A_1462 = arith.constant 0.000000e+00 : f32
    %broadcast_in_dim3A_1463 = vector.broadcast %jit3A_1462 : f32 to vector<16x128xf32>
    %select_n3A_1464 = arith.select %eq3A_1461, %add3A_1458, %broadcast_in_dim3A_1463 : vector<16x128xi1>, vector<16x128xf32>
    %add3A_1465 = arith.addf %add3A_1428, %select_n3A_1464 : vector<16x128xf32>
    %eq3A_1466 = arith.constant 3 : i32
    %eq3A_1467 = vector.broadcast %eq3A_1466 : i32 to vector<16x128xi32>
    %eq3A_1468 = arith.cmpi eq, %slice3A_1319, %eq3A_1467 : vector<16x128xi32>
    %jit3A_1469 = arith.constant 0.000000e+00 : f32
    %broadcast_in_dim3A_1470 = vector.broadcast %jit3A_1469 : f32 to vector<16x128xf32>
    %select_n3A_1471 = arith.select %eq3A_1468, %add3A_1458, %broadcast_in_dim3A_1470 : vector<16x128xi1>, vector<16x128xf32>
    %add3A_1472 = arith.addf %add3A_1435, %select_n3A_1471 : vector<16x128xf32>
    %eq3A_1473 = arith.constant 4 : i32
    %eq3A_1474 = vector.broadcast %eq3A_1473 : i32 to vector<16x128xi32>
    %eq3A_1475 = arith.cmpi eq, %slice3A_1318, %eq3A_1474 : vector<16x128xi32>
    %convert_element_type3A_1476 = arith.extui %eq3A_1475 : vector<16x128xi1> to vector<16x128xi32>
    %convert_element_type3A_1477 = arith.sitofp %convert_element_type3A_1476 : vector<16x128xi32> to vector<16x128xf32>
    %eq3A_1478 = arith.constant 4 : i32
    %eq3A_1479 = vector.broadcast %eq3A_1478 : i32 to vector<16x128xi32>
    %eq3A_1480 = arith.cmpi eq, %slice3A_1319, %eq3A_1479 : vector<16x128xi32>
    %convert_element_type3A_1481 = arith.extui %eq3A_1480 : vector<16x128xi1> to vector<16x128xi32>
    %convert_element_type3A_1482 = arith.sitofp %convert_element_type3A_1481 : vector<16x128xi32> to vector<16x128xf32>
    %add3A_1483 = arith.addf %convert_element_type3A_1477, %convert_element_type3A_1482 : vector<16x128xf32>
    %dot_general3A_1484 = arith.constant dense<0.000000e+00> : vector<16x128xf32>
    %dot_general3A_1485 = tpu.matmul %add3A_1483, %convert_element_type3A_1, %dot_general3A_1484 {dimension_numbers = #tpu.dot_dimension_numbers<[1], [0], [0], [1], [0, 0, 1, 1], [], []>, transpose_lhs_hint = false} : vector<16x128xf32>, vector<128x128xf32>, vector<16x128xf32> -> vector<16x128xf32>
    %reduce_sum3A_1486 = arith.constant dense<0.000000e+00> : vector<16xf32>
    %reduce_sum3A_1487 = vector.multi_reduction <add>, %add3A_1483, %reduce_sum3A_1486 [1] : vector<16x128xf32> to vector<16xf32>
    %broadcast_in_dim3A_1488 = vector.shape_cast %reduce_sum3A_1487 : vector<16xf32> to vector<16x1xf32>
    %dot_general3A_1489 = arith.constant dense<0.000000e+00> : vector<16x1xf32>
    %dot_general3A_1490 = tpu.matmul %convert_element_type3A_5, %broadcast_in_dim3A_1488, %dot_general3A_1489 {dimension_numbers = #tpu.dot_dimension_numbers<[1], [0], [0], [1], [0, 0, 1, 1], [], []>, transpose_lhs_hint = false} : vector<16x16xf32>, vector<16x1xf32>, vector<16x1xf32> -> vector<16x1xf32>
    %add3A_1491 = arith.addf %add3A_157, %add3A_1180 : f32
    %add3A_1492 = vector.broadcast %add3A_1491 : f32 to vector<16x1xf32>
    %add3A_1493 = arith.addf %add3A_1492, %dot_general3A_1490 : vector<16x1xf32>
    %add3A_1494 = vector.broadcast %add3A_1493 : vector<16x1xf32> to vector<16x128xf32>
    %add3A_1495 = arith.addf %add3A_1494, %dot_general3A_1485 : vector<16x128xf32>
    %eq3A_1496 = arith.constant 4 : i32
    %eq3A_1497 = vector.broadcast %eq3A_1496 : i32 to vector<16x128xi32>
    %eq3A_1498 = arith.cmpi eq, %slice3A_1318, %eq3A_1497 : vector<16x128xi32>
    %jit3A_1499 = arith.constant 0.000000e+00 : f32
    %broadcast_in_dim3A_1500 = vector.broadcast %jit3A_1499 : f32 to vector<16x128xf32>
    %select_n3A_1501 = arith.select %eq3A_1498, %add3A_1495, %broadcast_in_dim3A_1500 : vector<16x128xi1>, vector<16x128xf32>
    %add3A_1502 = arith.addf %add3A_1465, %select_n3A_1501 : vector<16x128xf32>
    %eq3A_1503 = arith.constant 4 : i32
    %eq3A_1504 = vector.broadcast %eq3A_1503 : i32 to vector<16x128xi32>
    %eq3A_1505 = arith.cmpi eq, %slice3A_1319, %eq3A_1504 : vector<16x128xi32>
    %jit3A_1506 = arith.constant 0.000000e+00 : f32
    %broadcast_in_dim3A_1507 = vector.broadcast %jit3A_1506 : f32 to vector<16x128xf32>
    %select_n3A_1508 = arith.select %eq3A_1505, %add3A_1495, %broadcast_in_dim3A_1507 : vector<16x128xi1>, vector<16x128xf32>
    %add3A_1509 = arith.addf %add3A_1472, %select_n3A_1508 : vector<16x128xf32>
    %eq3A_1510 = arith.constant 5 : i32
    %eq3A_1511 = vector.broadcast %eq3A_1510 : i32 to vector<16x128xi32>
    %eq3A_1512 = arith.cmpi eq, %slice3A_1318, %eq3A_1511 : vector<16x128xi32>
    %convert_element_type3A_1513 = arith.extui %eq3A_1512 : vector<16x128xi1> to vector<16x128xi32>
    %convert_element_type3A_1514 = arith.sitofp %convert_element_type3A_1513 : vector<16x128xi32> to vector<16x128xf32>
    %eq3A_1515 = arith.constant 5 : i32
    %eq3A_1516 = vector.broadcast %eq3A_1515 : i32 to vector<16x128xi32>
    %eq3A_1517 = arith.cmpi eq, %slice3A_1319, %eq3A_1516 : vector<16x128xi32>
    %convert_element_type3A_1518 = arith.extui %eq3A_1517 : vector<16x128xi1> to vector<16x128xi32>
    %convert_element_type3A_1519 = arith.sitofp %convert_element_type3A_1518 : vector<16x128xi32> to vector<16x128xf32>
    %add3A_1520 = arith.addf %convert_element_type3A_1514, %convert_element_type3A_1519 : vector<16x128xf32>
    %dot_general3A_1521 = arith.constant dense<0.000000e+00> : vector<16x128xf32>
    %dot_general3A_1522 = tpu.matmul %add3A_1520, %convert_element_type3A_1, %dot_general3A_1521 {dimension_numbers = #tpu.dot_dimension_numbers<[1], [0], [0], [1], [0, 0, 1, 1], [], []>, transpose_lhs_hint = false} : vector<16x128xf32>, vector<128x128xf32>, vector<16x128xf32> -> vector<16x128xf32>
    %reduce_sum3A_1523 = arith.constant dense<0.000000e+00> : vector<16xf32>
    %reduce_sum3A_1524 = vector.multi_reduction <add>, %add3A_1520, %reduce_sum3A_1523 [1] : vector<16x128xf32> to vector<16xf32>
    %broadcast_in_dim3A_1525 = vector.shape_cast %reduce_sum3A_1524 : vector<16xf32> to vector<16x1xf32>
    %dot_general3A_1526 = arith.constant dense<0.000000e+00> : vector<16x1xf32>
    %dot_general3A_1527 = tpu.matmul %convert_element_type3A_5, %broadcast_in_dim3A_1525, %dot_general3A_1526 {dimension_numbers = #tpu.dot_dimension_numbers<[1], [0], [0], [1], [0, 0, 1, 1], [], []>, transpose_lhs_hint = false} : vector<16x16xf32>, vector<16x1xf32>, vector<16x1xf32> -> vector<16x1xf32>
    %add3A_1528 = arith.addf %add3A_163, %add3A_1223 : f32
    %add3A_1529 = vector.broadcast %add3A_1528 : f32 to vector<16x1xf32>
    %add3A_1530 = arith.addf %add3A_1529, %dot_general3A_1527 : vector<16x1xf32>
    %add3A_1531 = vector.broadcast %add3A_1530 : vector<16x1xf32> to vector<16x128xf32>
    %add3A_1532 = arith.addf %add3A_1531, %dot_general3A_1522 : vector<16x128xf32>
    %eq3A_1533 = arith.constant 5 : i32
    %eq3A_1534 = vector.broadcast %eq3A_1533 : i32 to vector<16x128xi32>
    %eq3A_1535 = arith.cmpi eq, %slice3A_1318, %eq3A_1534 : vector<16x128xi32>
    %jit3A_1536 = arith.constant 0.000000e+00 : f32
    %broadcast_in_dim3A_1537 = vector.broadcast %jit3A_1536 : f32 to vector<16x128xf32>
    %select_n3A_1538 = arith.select %eq3A_1535, %add3A_1532, %broadcast_in_dim3A_1537 : vector<16x128xi1>, vector<16x128xf32>
    %add3A_1539 = arith.addf %add3A_1502, %select_n3A_1538 : vector<16x128xf32>
    %eq3A_1540 = arith.constant 5 : i32
    %eq3A_1541 = vector.broadcast %eq3A_1540 : i32 to vector<16x128xi32>
    %eq3A_1542 = arith.cmpi eq, %slice3A_1319, %eq3A_1541 : vector<16x128xi32>
    %jit3A_1543 = arith.constant 0.000000e+00 : f32
    %broadcast_in_dim3A_1544 = vector.broadcast %jit3A_1543 : f32 to vector<16x128xf32>
    %select_n3A_1545 = arith.select %eq3A_1542, %add3A_1532, %broadcast_in_dim3A_1544 : vector<16x128xi1>, vector<16x128xf32>
    %add3A_1546 = arith.addf %add3A_1509, %select_n3A_1545 : vector<16x128xf32>
    %eq3A_1547 = arith.constant 6 : i32
    %eq3A_1548 = vector.broadcast %eq3A_1547 : i32 to vector<16x128xi32>
    %eq3A_1549 = arith.cmpi eq, %slice3A_1318, %eq3A_1548 : vector<16x128xi32>
    %convert_element_type3A_1550 = arith.extui %eq3A_1549 : vector<16x128xi1> to vector<16x128xi32>
    %convert_element_type3A_1551 = arith.sitofp %convert_element_type3A_1550 : vector<16x128xi32> to vector<16x128xf32>
    %eq3A_1552 = arith.constant 6 : i32
    %eq3A_1553 = vector.broadcast %eq3A_1552 : i32 to vector<16x128xi32>
    %eq3A_1554 = arith.cmpi eq, %slice3A_1319, %eq3A_1553 : vector<16x128xi32>
    %convert_element_type3A_1555 = arith.extui %eq3A_1554 : vector<16x128xi1> to vector<16x128xi32>
    %convert_element_type3A_1556 = arith.sitofp %convert_element_type3A_1555 : vector<16x128xi32> to vector<16x128xf32>
    %add3A_1557 = arith.addf %convert_element_type3A_1551, %convert_element_type3A_1556 : vector<16x128xf32>
    %dot_general3A_1558 = arith.constant dense<0.000000e+00> : vector<16x128xf32>
    %dot_general3A_1559 = tpu.matmul %add3A_1557, %convert_element_type3A_1, %dot_general3A_1558 {dimension_numbers = #tpu.dot_dimension_numbers<[1], [0], [0], [1], [0, 0, 1, 1], [], []>, transpose_lhs_hint = false} : vector<16x128xf32>, vector<128x128xf32>, vector<16x128xf32> -> vector<16x128xf32>
    %reduce_sum3A_1560 = arith.constant dense<0.000000e+00> : vector<16xf32>
    %reduce_sum3A_1561 = vector.multi_reduction <add>, %add3A_1557, %reduce_sum3A_1560 [1] : vector<16x128xf32> to vector<16xf32>
    %broadcast_in_dim3A_1562 = vector.shape_cast %reduce_sum3A_1561 : vector<16xf32> to vector<16x1xf32>
    %dot_general3A_1563 = arith.constant dense<0.000000e+00> : vector<16x1xf32>
    %dot_general3A_1564 = tpu.matmul %convert_element_type3A_5, %broadcast_in_dim3A_1562, %dot_general3A_1563 {dimension_numbers = #tpu.dot_dimension_numbers<[1], [0], [0], [1], [0, 0, 1, 1], [], []>, transpose_lhs_hint = false} : vector<16x16xf32>, vector<16x1xf32>, vector<16x1xf32> -> vector<16x1xf32>
    %add3A_1565 = arith.addf %add3A_169, %add3A_1266 : f32
    %add3A_1566 = vector.broadcast %add3A_1565 : f32 to vector<16x1xf32>
    %add3A_1567 = arith.addf %add3A_1566, %dot_general3A_1564 : vector<16x1xf32>
    %add3A_1568 = vector.broadcast %add3A_1567 : vector<16x1xf32> to vector<16x128xf32>
    %add3A_1569 = arith.addf %add3A_1568, %dot_general3A_1559 : vector<16x128xf32>
    %eq3A_1570 = arith.constant 6 : i32
    %eq3A_1571 = vector.broadcast %eq3A_1570 : i32 to vector<16x128xi32>
    %eq3A_1572 = arith.cmpi eq, %slice3A_1318, %eq3A_1571 : vector<16x128xi32>
    %jit3A_1573 = arith.constant 0.000000e+00 : f32
    %broadcast_in_dim3A_1574 = vector.broadcast %jit3A_1573 : f32 to vector<16x128xf32>
    %select_n3A_1575 = arith.select %eq3A_1572, %add3A_1569, %broadcast_in_dim3A_1574 : vector<16x128xi1>, vector<16x128xf32>
    %add3A_1576 = arith.addf %add3A_1539, %select_n3A_1575 : vector<16x128xf32>
    %eq3A_1577 = arith.constant 6 : i32
    %eq3A_1578 = vector.broadcast %eq3A_1577 : i32 to vector<16x128xi32>
    %eq3A_1579 = arith.cmpi eq, %slice3A_1319, %eq3A_1578 : vector<16x128xi32>
    %jit3A_1580 = arith.constant 0.000000e+00 : f32
    %broadcast_in_dim3A_1581 = vector.broadcast %jit3A_1580 : f32 to vector<16x128xf32>
    %select_n3A_1582 = arith.select %eq3A_1579, %add3A_1569, %broadcast_in_dim3A_1581 : vector<16x128xi1>, vector<16x128xf32>
    %add3A_1583 = arith.addf %add3A_1546, %select_n3A_1582 : vector<16x128xf32>
    %eq3A_1584 = arith.constant 7 : i32
    %eq3A_1585 = vector.broadcast %eq3A_1584 : i32 to vector<16x128xi32>
    %eq3A_1586 = arith.cmpi eq, %slice3A_1318, %eq3A_1585 : vector<16x128xi32>
    %convert_element_type3A_1587 = arith.extui %eq3A_1586 : vector<16x128xi1> to vector<16x128xi32>
    %convert_element_type3A_1588 = arith.sitofp %convert_element_type3A_1587 : vector<16x128xi32> to vector<16x128xf32>
    %eq3A_1589 = arith.constant 7 : i32
    %eq3A_1590 = vector.broadcast %eq3A_1589 : i32 to vector<16x128xi32>
    %eq3A_1591 = arith.cmpi eq, %slice3A_1319, %eq3A_1590 : vector<16x128xi32>
    %convert_element_type3A_1592 = arith.extui %eq3A_1591 : vector<16x128xi1> to vector<16x128xi32>
    %convert_element_type3A_1593 = arith.sitofp %convert_element_type3A_1592 : vector<16x128xi32> to vector<16x128xf32>
    %add3A_1594 = arith.addf %convert_element_type3A_1588, %convert_element_type3A_1593 : vector<16x128xf32>
    %dot_general3A_1595 = arith.constant dense<0.000000e+00> : vector<16x128xf32>
    %dot_general3A_1596 = tpu.matmul %add3A_1594, %convert_element_type3A_1, %dot_general3A_1595 {dimension_numbers = #tpu.dot_dimension_numbers<[1], [0], [0], [1], [0, 0, 1, 1], [], []>, transpose_lhs_hint = false} : vector<16x128xf32>, vector<128x128xf32>, vector<16x128xf32> -> vector<16x128xf32>
    %reduce_sum3A_1597 = arith.constant dense<0.000000e+00> : vector<16xf32>
    %reduce_sum3A_1598 = vector.multi_reduction <add>, %add3A_1594, %reduce_sum3A_1597 [1] : vector<16x128xf32> to vector<16xf32>
    %broadcast_in_dim3A_1599 = vector.shape_cast %reduce_sum3A_1598 : vector<16xf32> to vector<16x1xf32>
    %dot_general3A_1600 = arith.constant dense<0.000000e+00> : vector<16x1xf32>
    %dot_general3A_1601 = tpu.matmul %convert_element_type3A_5, %broadcast_in_dim3A_1599, %dot_general3A_1600 {dimension_numbers = #tpu.dot_dimension_numbers<[1], [0], [0], [1], [0, 0, 1, 1], [], []>, transpose_lhs_hint = false} : vector<16x16xf32>, vector<16x1xf32>, vector<16x1xf32> -> vector<16x1xf32>
    %add3A_1602 = arith.addf %add3A_175, %add3A_1309 : f32
    %add3A_1603 = vector.broadcast %add3A_1602 : f32 to vector<16x1xf32>
    %add3A_1604 = arith.addf %add3A_1603, %dot_general3A_1601 : vector<16x1xf32>
    %add3A_1605 = vector.broadcast %add3A_1604 : vector<16x1xf32> to vector<16x128xf32>
    %add3A_1606 = arith.addf %add3A_1605, %dot_general3A_1596 : vector<16x128xf32>
    %eq3A_1607 = arith.constant 7 : i32
    %eq3A_1608 = vector.broadcast %eq3A_1607 : i32 to vector<16x128xi32>
    %eq3A_1609 = arith.cmpi eq, %slice3A_1318, %eq3A_1608 : vector<16x128xi32>
    %jit3A_1610 = arith.constant 0.000000e+00 : f32
    %broadcast_in_dim3A_1611 = vector.broadcast %jit3A_1610 : f32 to vector<16x128xf32>
    %select_n3A_1612 = arith.select %eq3A_1609, %add3A_1606, %broadcast_in_dim3A_1611 : vector<16x128xi1>, vector<16x128xf32>
    %add3A_1613 = arith.addf %add3A_1576, %select_n3A_1612 : vector<16x128xf32>
    %eq3A_1614 = arith.constant 7 : i32
    %eq3A_1615 = vector.broadcast %eq3A_1614 : i32 to vector<16x128xi32>
    %eq3A_1616 = arith.cmpi eq, %slice3A_1319, %eq3A_1615 : vector<16x128xi32>
    %jit3A_1617 = arith.constant 0.000000e+00 : f32
    %broadcast_in_dim3A_1618 = vector.broadcast %jit3A_1617 : f32 to vector<16x128xf32>
    %select_n3A_1619 = arith.select %eq3A_1616, %add3A_1606, %broadcast_in_dim3A_1618 : vector<16x128xi1>, vector<16x128xf32>
    %add3A_1620 = arith.addf %add3A_1583, %select_n3A_1619 : vector<16x128xf32>
    %convert_element_type3A_1621 = arith.fptosi %add3A_1613 : vector<16x128xf32> to vector<16x128xi32>
    %swap3A_1622 = arith.constant 48 : index
    %swap3A_1623 = arith.constant 0 : index
    %swap3A_1624 = vector.load %arg3[%swap3A_1622, %swap3A_1623] : memref<64x128xi32, #tpu.memory_space<vmem>>, vector<16x128xi32>
    tpu.vector_store %arg3[%swap3A_1622, %swap3A_1623], %convert_element_type3A_1621 {strides = array<i32>} : memref<64x128xi32, #tpu.memory_space<vmem>>, vector<16x128xi32>,
    %convert_element_type3A_1625 = arith.fptosi %add3A_1620 : vector<16x128xf32> to vector<16x128xi32>
    %swap3A_1626 = arith.constant 48 : index
    %swap3A_1627 = arith.constant 0 : index
    %swap3A_1628 = vector.load %arg4[%swap3A_1626, %swap3A_1627] : memref<64x128xi32, #tpu.memory_space<vmem>>, vector<16x128xi32>
    tpu.vector_store %arg4[%swap3A_1626, %swap3A_1627], %convert_element_type3A_1625 {strides = array<i32>} : memref<64x128xi32, #tpu.memory_space<vmem>>, vector<16x128xi32>,
    return
  }
  func.func @transform_0(%arg0: i32) -> (i32, i32) {
    %c0_i32 = arith.constant 0 : i32
    %c0_i32_0 = arith.constant 0 : i32
    %c0_i32_1 = arith.constant 0 : i32
    return %c0_i32, %c0_i32_0 : i32, i32
  }
  func.func @transform_1(%arg0: i32) -> (i32, i32) {
    %c0_i32 = arith.constant 0 : i32
    %c0_i32_0 = arith.constant 0 : i32
    %c0_i32_1 = arith.constant 0 : i32
    return %c0_i32, %c0_i32_0 : i32, i32
  }
  func.func @transform_2(%arg0: i32) -> (i32, i32) {
    %c0_i32 = arith.constant 0 : i32
    %c0_i32_0 = arith.constant 0 : i32
    %c0_i32_1 = arith.constant 0 : i32
    return %c0_i32, %c0_i32_0 : i32, i32
  }
  func.func @transform_3(%arg0: i32) -> (i32, i32) {
    %c0_i32 = arith.constant 0 : i32
    %c0_i32_0 = arith.constant 0 : i32
    %c0_i32_1 = arith.constant 0 : i32
    return %c0_i32, %c0_i32_0 : i32, i32
  }
  func.func @transform_4(%arg0: i32) -> (i32, i32) {
    %c0_i32 = arith.constant 0 : i32
    %c0_i32_0 = arith.constant 0 : i32
    %c0_i32_1 = arith.constant 0 : i32
    return %c0_i32, %c0_i32_0 : i32, i32
  }
}

module attributes {stable_mosaic.version = 14 : i64} {
  func.func @_router_kernel(%arg0: i32, %arg1: memref<4096x128xf32, #tpu.memory_space<vmem>>, %arg2: memref<128x8xf32, #tpu.memory_space<vmem>>, %arg3: memref<32x128xi32, #tpu.memory_space<vmem>>, %arg4: memref<32x128xi32, #tpu.memory_space<vmem>>, %arg5: memref<512x8xf32, #tpu.memory_space<vmem>>, %arg6: memref<512x8xf32, #tpu.memory_space<vmem>>) attributes {dimension_semantics = [#tpu.dimension_semantics<arbitrary>], iteration_bounds = array<i64: 2>, scalar_prefetch = 0 : i64, scratch_operands = 0 : i64, tpu.core_type = #tpu.core_type<tc>, window_params = [{transform_indices = @transform_0, window_bounds = array<i64: 4096, 128>}, {pipeline_mode = #tpu.pipeline_mode<synchronous>, transform_indices = @transform_1, window_bounds = array<i64: 128, 8>}, {transform_indices = @transform_2, window_bounds = array<i64: 32, 128>}, {transform_indices = @transform_3, window_bounds = array<i64: 32, 128>}, {transform_indices = @transform_4, window_bounds = array<i64: 512, 8>}, {transform_indices = @transform_5, window_bounds = array<i64: 512, 8>}]} {
    %get3A = arith.constant 0 : index
    %get3A_0 = arith.constant 0 : index
    %get3A_1 = vector.load %arg1[%get3A, %get3A_0] : memref<4096x128xf32, #tpu.memory_space<vmem>>, vector<4096x128xf32>
    %get3A_2 = arith.constant 0 : index
    %get3A_3 = arith.constant 0 : index
    %get3A_4 = vector.load %arg2[%get3A_2, %get3A_3] : memref<128x8xf32, #tpu.memory_space<vmem>>, vector<128x8xf32>
    %dot_general3A = arith.constant dense<0.000000e+00> : vector<4096x8xf32>
    %dot_general3A_5 = tpu.matmul %get3A_1, %get3A_4, %dot_general3A {dimension_numbers = #tpu.dot_dimension_numbers<[1], [0], [0], [1], [0, 0, 1, 1], [], []>, transpose_lhs_hint = false} : vector<4096x128xf32>, vector<128x8xf32>, vector<4096x8xf32> -> vector<4096x8xf32>
    %iota3A = tpu.iota {dimensions = array<i32: 0>} : vector<8x8xi32>
    %iota3A_6 = tpu.iota {dimensions = array<i32: 1>} : vector<8x8xi32>
    %lt3A = arith.cmpi slt, %iota3A, %iota3A_6 : vector<8x8xi32>
    %convert_element_type3A = arith.extui %lt3A : vector<8x8xi1> to vector<8x8xi32>
    %convert_element_type3A_7 = arith.sitofp %convert_element_type3A : vector<8x8xi32> to vector<8x8xf32>
    %iota3A_8 = tpu.iota {dimensions = array<i32: 0>} : vector<8x1xi32>
    %convert_element_type3A_9 = arith.sitofp %iota3A_8 : vector<8x1xi32> to vector<8x1xf32>
    %reduce_max3A = arith.constant dense<0xFF800000> : vector<4096xf32>
    %reduce_max3A_10 = vector.multi_reduction <maximumf>, %dot_general3A_5, %reduce_max3A [1] : vector<4096x8xf32> to vector<4096xf32>
    %broadcast_in_dim3A = vector.shape_cast %reduce_max3A_10 : vector<4096xf32> to vector<4096x1xf32>
    %eq3A = vector.broadcast %broadcast_in_dim3A : vector<4096x1xf32> to vector<4096x8xf32>
    %eq3A_11 = arith.cmpf oeq, %dot_general3A_5, %eq3A : vector<4096x8xf32>
    %convert_element_type3A_12 = arith.extui %eq3A_11 : vector<4096x8xi1> to vector<4096x8xi32>
    %convert_element_type3A_13 = arith.sitofp %convert_element_type3A_12 : vector<4096x8xi32> to vector<4096x8xf32>
    %dot_general3A_14 = arith.constant dense<0.000000e+00> : vector<4096x8xf32>
    %dot_general3A_15 = tpu.matmul %convert_element_type3A_13, %convert_element_type3A_7, %dot_general3A_14 {dimension_numbers = #tpu.dot_dimension_numbers<[1], [0], [0], [1], [0, 0, 1, 1], [], []>, transpose_lhs_hint = false} : vector<4096x8xf32>, vector<8x8xf32>, vector<4096x8xf32> -> vector<4096x8xf32>
    %eq3A_16 = arith.constant 0.000000e+00 : f32
    %eq3A_17 = vector.broadcast %eq3A_16 : f32 to vector<4096x8xf32>
    %eq3A_18 = arith.cmpf oeq, %dot_general3A_15, %eq3A_17 : vector<4096x8xf32>
    %and3A = arith.andi %eq3A_11, %eq3A_18 : vector<4096x8xi1>
    %convert_element_type3A_19 = arith.extui %and3A : vector<4096x8xi1> to vector<4096x8xi32>
    %convert_element_type3A_20 = arith.sitofp %convert_element_type3A_19 : vector<4096x8xi32> to vector<4096x8xf32>
    %dot_general3A_21 = arith.constant dense<0.000000e+00> : vector<4096x1xf32>
    %dot_general3A_22 = tpu.matmul %convert_element_type3A_20, %convert_element_type3A_9, %dot_general3A_21 {dimension_numbers = #tpu.dot_dimension_numbers<[1], [0], [0], [1], [0, 0, 1, 1], [], []>, transpose_lhs_hint = false} : vector<4096x8xf32>, vector<8x1xf32>, vector<4096x1xf32> -> vector<4096x1xf32>
    %jit3A = arith.constant 0xFF800000 : f32
    %broadcast_in_dim3A_23 = vector.broadcast %jit3A : f32 to vector<4096x8xf32>
    %select_n3A = arith.select %and3A, %broadcast_in_dim3A_23, %dot_general3A_5 : vector<4096x8xi1>, vector<4096x8xf32>
    %reduce_max3A_24 = arith.constant dense<0xFF800000> : vector<4096xf32>
    %reduce_max3A_25 = vector.multi_reduction <maximumf>, %select_n3A, %reduce_max3A_24 [1] : vector<4096x8xf32> to vector<4096xf32>
    %broadcast_in_dim3A_26 = vector.shape_cast %reduce_max3A_25 : vector<4096xf32> to vector<4096x1xf32>
    %eq3A_27 = vector.broadcast %broadcast_in_dim3A_26 : vector<4096x1xf32> to vector<4096x8xf32>
    %eq3A_28 = arith.cmpf oeq, %select_n3A, %eq3A_27 : vector<4096x8xf32>
    %convert_element_type3A_29 = arith.extui %eq3A_28 : vector<4096x8xi1> to vector<4096x8xi32>
    %convert_element_type3A_30 = arith.sitofp %convert_element_type3A_29 : vector<4096x8xi32> to vector<4096x8xf32>
    %dot_general3A_31 = arith.constant dense<0.000000e+00> : vector<4096x8xf32>
    %dot_general3A_32 = tpu.matmul %convert_element_type3A_30, %convert_element_type3A_7, %dot_general3A_31 {dimension_numbers = #tpu.dot_dimension_numbers<[1], [0], [0], [1], [0, 0, 1, 1], [], []>, transpose_lhs_hint = false} : vector<4096x8xf32>, vector<8x8xf32>, vector<4096x8xf32> -> vector<4096x8xf32>
    %eq3A_33 = arith.constant 0.000000e+00 : f32
    %eq3A_34 = vector.broadcast %eq3A_33 : f32 to vector<4096x8xf32>
    %eq3A_35 = arith.cmpf oeq, %dot_general3A_32, %eq3A_34 : vector<4096x8xf32>
    %and3A_36 = arith.andi %eq3A_28, %eq3A_35 : vector<4096x8xi1>
    %convert_element_type3A_37 = arith.extui %and3A_36 : vector<4096x8xi1> to vector<4096x8xi32>
    %convert_element_type3A_38 = arith.sitofp %convert_element_type3A_37 : vector<4096x8xi32> to vector<4096x8xf32>
    %dot_general3A_39 = arith.constant dense<0.000000e+00> : vector<4096x1xf32>
    %dot_general3A_40 = tpu.matmul %convert_element_type3A_38, %convert_element_type3A_9, %dot_general3A_39 {dimension_numbers = #tpu.dot_dimension_numbers<[1], [0], [0], [1], [0, 0, 1, 1], [], []>, transpose_lhs_hint = false} : vector<4096x8xf32>, vector<8x1xf32>, vector<4096x1xf32> -> vector<4096x1xf32>
    %sub3A = arith.subf %broadcast_in_dim3A_26, %broadcast_in_dim3A : vector<4096x1xf32>
    %exp3A = math.exp %sub3A : vector<4096x1xf32>
    %add3A = arith.constant 1.000000e+00 : f32
    %add3A_41 = vector.broadcast %add3A : f32 to vector<4096x1xf32>
    %add3A_42 = arith.addf %add3A_41, %exp3A : vector<4096x1xf32>
    %div3A = arith.constant 1.000000e+00 : f32
    %div3A_43 = vector.broadcast %div3A : f32 to vector<4096x1xf32>
    %div3A_44 = arith.divf %div3A_43, %add3A_42 : vector<4096x1xf32>
    %mul3A = arith.mulf %exp3A, %div3A_44 : vector<4096x1xf32>
    %convert_element_type3A_45 = arith.fptosi %dot_general3A_22 : vector<4096x1xf32> to vector<4096x1xi32>
    %reshape3A = vector.shape_cast %convert_element_type3A_45 : vector<4096x1xi32> to vector<32x128xi32>
    %swap3A = arith.constant 0 : index
    %swap3A_46 = arith.constant 0 : index
    %swap3A_47 = vector.load %arg3[%swap3A, %swap3A_46] : memref<32x128xi32, #tpu.memory_space<vmem>>, vector<32x128xi32>
    tpu.vector_store %arg3[%swap3A, %swap3A_46], %reshape3A {strides = array<i32>} : memref<32x128xi32, #tpu.memory_space<vmem>>, vector<32x128xi32>,
    %convert_element_type3A_48 = arith.fptosi %dot_general3A_40 : vector<4096x1xf32> to vector<4096x1xi32>
    %reshape3A_49 = vector.shape_cast %convert_element_type3A_48 : vector<4096x1xi32> to vector<32x128xi32>
    %swap3A_50 = arith.constant 0 : index
    %swap3A_51 = arith.constant 0 : index
    %swap3A_52 = vector.load %arg4[%swap3A_50, %swap3A_51] : memref<32x128xi32, #tpu.memory_space<vmem>>, vector<32x128xi32>
    tpu.vector_store %arg4[%swap3A_50, %swap3A_51], %reshape3A_49 {strides = array<i32>} : memref<32x128xi32, #tpu.memory_space<vmem>>, vector<32x128xi32>,
    %reshape3A_53 = vector.shape_cast %div3A_44 : vector<4096x1xf32> to vector<512x8xf32>
    %swap3A_54 = arith.constant 0 : index
    %swap3A_55 = arith.constant 0 : index
    %swap3A_56 = vector.load %arg5[%swap3A_54, %swap3A_55] : memref<512x8xf32, #tpu.memory_space<vmem>>, vector<512x8xf32>
    tpu.vector_store %arg5[%swap3A_54, %swap3A_55], %reshape3A_53 {strides = array<i32>} : memref<512x8xf32, #tpu.memory_space<vmem>>, vector<512x8xf32>,
    %reshape3A_57 = vector.shape_cast %mul3A : vector<4096x1xf32> to vector<512x8xf32>
    %swap3A_58 = arith.constant 0 : index
    %swap3A_59 = arith.constant 0 : index
    %swap3A_60 = vector.load %arg6[%swap3A_58, %swap3A_59] : memref<512x8xf32, #tpu.memory_space<vmem>>, vector<512x8xf32>
    tpu.vector_store %arg6[%swap3A_58, %swap3A_59], %reshape3A_57 {strides = array<i32>} : memref<512x8xf32, #tpu.memory_space<vmem>>, vector<512x8xf32>,
    return
  }
  func.func @transform_0(%arg0: i32) -> (i32, i32) {
    %add3A = arith.constant 2 : i32
    %add3A_0 = arith.addi %arg0, %add3A : i32
    %c0_i32 = arith.constant 0 : i32
    %c0_i32_1 = arith.constant 0 : i32
    return %add3A_0, %c0_i32 : i32, i32
  }
  func.func @transform_1(%arg0: i32) -> (i32, i32) {
    %c0_i32 = arith.constant 0 : i32
    %c0_i32_0 = arith.constant 0 : i32
    %c0_i32_1 = arith.constant 0 : i32
    return %c0_i32, %c0_i32_0 : i32, i32
  }
  func.func @transform_2(%arg0: i32) -> (i32, i32) {
    %c0_i32 = arith.constant 0 : i32
    %c0_i32_0 = arith.constant 0 : i32
    return %arg0, %c0_i32 : i32, i32
  }
  func.func @transform_3(%arg0: i32) -> (i32, i32) {
    %c0_i32 = arith.constant 0 : i32
    %c0_i32_0 = arith.constant 0 : i32
    return %arg0, %c0_i32 : i32, i32
  }
  func.func @transform_4(%arg0: i32) -> (i32, i32) {
    %c0_i32 = arith.constant 0 : i32
    %c0_i32_0 = arith.constant 0 : i32
    return %arg0, %c0_i32 : i32, i32
  }
  func.func @transform_5(%arg0: i32) -> (i32, i32) {
    %c0_i32 = arith.constant 0 : i32
    %c0_i32_0 = arith.constant 0 : i32
    return %arg0, %c0_i32 : i32, i32
  }
}

module attributes {stable_mosaic.version = 14 : i64} {
  func.func @_ffn_kernel(%arg0: i32, %arg1: memref<1x256xi32, #tpu.memory_space<smem>>, %arg2: memref<1024x128xf32, #tpu.memory_space<vmem>>, %arg3: memref<1x128x512xf32, #tpu.memory_space<vmem>>, %arg4: memref<1x1x512xf32, #tpu.memory_space<vmem>>, %arg5: memref<1x512x128xf32, #tpu.memory_space<vmem>>, %arg6: memref<1x1x128xf32, #tpu.memory_space<vmem>>, %arg7: memref<1024x128xf32, #tpu.memory_space<vmem>>) attributes {dimension_semantics = [#tpu.dimension_semantics<arbitrary>], iteration_bounds = array<i64: 24>, scalar_prefetch = 1 : i64, scratch_operands = 0 : i64, tpu.core_type = #tpu.core_type<tc>, window_params = [{transform_indices = @transform_0, window_bounds = array<i64: 1024, 128>}, {transform_indices = @transform_1, window_bounds = array<i64: 1, 128, 512>}, {transform_indices = @transform_2, window_bounds = array<i64: 1, 1, 512>}, {transform_indices = @transform_3, window_bounds = array<i64: 1, 512, 128>}, {transform_indices = @transform_4, window_bounds = array<i64: 1, 1, 128>}, {transform_indices = @transform_5, window_bounds = array<i64: 1024, 128>}]} {
    %get3A = arith.constant 0 : index
    %get3A_0 = arith.index_cast %arg0 : i32 to index
    %get3A_1 = memref.load %arg1[%get3A, %get3A_0] : memref<1x256xi32, #tpu.memory_space<smem>>
    %ge3A = arith.constant 0 : i32
    %ge3A_2 = arith.cmpi sge, %get3A_1, %ge3A : i32
    %convert_element_type3A = arith.extui %ge3A_2 : i1 to i32
    %cond3A = arith.constant 0 : i32
    %cond3A_3 = arith.cmpi ne, %convert_element_type3A, %cond3A : i32
    scf.if %cond3A_3 {
      %get3A_4 = arith.constant 0 : index
      %get3A_5 = arith.constant 0 : index
      %get3A_6 = vector.load %arg2[%get3A_4, %get3A_5] : memref<1024x128xf32, #tpu.memory_space<vmem>>, vector<1024x128xf32>
      %convert_element_type3A_7 = arith.truncf %get3A_6 : vector<1024x128xf32> to vector<1024x128xbf16>
      %get3A_8 = arith.constant 0 : index
      %get3A_9 = arith.constant 0 : index
      %get3A_10 = arith.constant 0 : index
      %get3A_11 = vector.load %arg3[%get3A_8, %get3A_9, %get3A_10] : memref<1x128x512xf32, #tpu.memory_space<vmem>>, vector<1x128x512xf32>
      %get3A_12 = vector.shape_cast %get3A_11 : vector<1x128x512xf32> to vector<128x512xf32>
      %convert_element_type3A_13 = arith.truncf %get3A_12 : vector<128x512xf32> to vector<128x512xbf16>
      %dot_general3A = arith.constant dense<0.000000e+00> : vector<1024x512xf32>
      %dot_general3A_14 = tpu.matmul %convert_element_type3A_7, %convert_element_type3A_13, %dot_general3A {dimension_numbers = #tpu.dot_dimension_numbers<[1], [0], [0], [1], [0, 0, 1, 1], [], []>, transpose_lhs_hint = false} : vector<1024x128xbf16>, vector<128x512xbf16>, vector<1024x512xf32> -> vector<1024x512xf32>
      %get3A_15 = arith.constant 0 : index
      %get3A_16 = arith.constant 0 : index
      %get3A_17 = arith.constant 0 : index
      %get3A_18 = vector.load %arg4[%get3A_15, %get3A_16, %get3A_17] : memref<1x1x512xf32, #tpu.memory_space<vmem>>, vector<1x1x512xf32>
      %get3A_19 = vector.shape_cast %get3A_18 : vector<1x1x512xf32> to vector<1x512xf32>
      %add3A = vector.broadcast %get3A_19 : vector<1x512xf32> to vector<1024x512xf32>
      %add3A_20 = arith.addf %dot_general3A_14, %add3A : vector<1024x512xf32>
      %mul3A = arith.mulf %add3A_20, %add3A_20 : vector<1024x512xf32>
      %mul3A_21 = arith.constant -0.102943242 : f32
      %mul3A_22 = vector.broadcast %mul3A_21 : f32 to vector<1024x512xf32>
      %mul3A_23 = arith.mulf %mul3A_22, %mul3A : vector<1024x512xf32>
      %add3A_24 = arith.constant -2.30220819 : f32
      %add3A_25 = vector.broadcast %add3A_24 : f32 to vector<1024x512xf32>
      %add3A_26 = arith.addf %add3A_25, %mul3A_23 : vector<1024x512xf32>
      %mul3A_27 = arith.mulf %add3A_26, %add3A_20 : vector<1024x512xf32>
      %exp23A = math.exp2 %mul3A_27 : vector<1024x512xf32>
      %add3A_28 = arith.constant 1.000000e+00 : f32
      %add3A_29 = vector.broadcast %add3A_28 : f32 to vector<1024x512xf32>
      %add3A_30 = arith.addf %add3A_29, %exp23A : vector<1024x512xf32>
      %div3A = arith.divf %add3A_20, %add3A_30 : vector<1024x512xf32>
      %convert_element_type3A_31 = arith.truncf %div3A : vector<1024x512xf32> to vector<1024x512xbf16>
      %get3A_32 = arith.constant 0 : index
      %get3A_33 = arith.constant 0 : index
      %get3A_34 = arith.constant 0 : index
      %get3A_35 = vector.load %arg5[%get3A_32, %get3A_33, %get3A_34] : memref<1x512x128xf32, #tpu.memory_space<vmem>>, vector<1x512x128xf32>
      %get3A_36 = vector.shape_cast %get3A_35 : vector<1x512x128xf32> to vector<512x128xf32>
      %convert_element_type3A_37 = arith.truncf %get3A_36 : vector<512x128xf32> to vector<512x128xbf16>
      %dot_general3A_38 = arith.constant dense<0.000000e+00> : vector<1024x128xf32>
      %dot_general3A_39 = tpu.matmul %convert_element_type3A_31, %convert_element_type3A_37, %dot_general3A_38 {dimension_numbers = #tpu.dot_dimension_numbers<[1], [0], [0], [1], [0, 0, 1, 1], [], []>, transpose_lhs_hint = false} : vector<1024x512xbf16>, vector<512x128xbf16>, vector<1024x128xf32> -> vector<1024x128xf32>
      %get3A_40 = arith.constant 0 : index
      %get3A_41 = arith.constant 0 : index
      %get3A_42 = arith.constant 0 : index
      %get3A_43 = vector.load %arg6[%get3A_40, %get3A_41, %get3A_42] : memref<1x1x128xf32, #tpu.memory_space<vmem>>, vector<1x1x128xf32>
      %get3A_44 = vector.shape_cast %get3A_43 : vector<1x1x128xf32> to vector<1x128xf32>
      %add3A_45 = vector.broadcast %get3A_44 : vector<1x128xf32> to vector<1024x128xf32>
      %add3A_46 = arith.addf %dot_general3A_39, %add3A_45 : vector<1024x128xf32>
      %swap3A = arith.constant 0 : index
      %swap3A_47 = arith.constant 0 : index
      %swap3A_48 = vector.load %arg7[%swap3A, %swap3A_47] : memref<1024x128xf32, #tpu.memory_space<vmem>>, vector<1024x128xf32>
      tpu.vector_store %arg7[%swap3A, %swap3A_47], %add3A_46 {strides = array<i32>} : memref<1024x128xf32, #tpu.memory_space<vmem>>, vector<1024x128xf32>,
    } else {
    }
    return
  }
  func.func @transform_0(%arg0: i32, %arg1: memref<1x256xi32, #tpu.memory_space<smem>>) -> (i32, i32) {
    %c0_i32 = arith.constant 0 : i32
    %c0_i32_0 = arith.constant 0 : i32
    return %arg0, %c0_i32 : i32, i32
  }
  func.func @transform_1(%arg0: i32, %arg1: memref<1x256xi32, #tpu.memory_space<smem>>) -> (i32, i32, i32) {
    %get3A = arith.constant 0 : index
    %get3A_0 = arith.index_cast %arg0 : i32 to index
    %get3A_1 = memref.load %arg1[%get3A, %get3A_0] : memref<1x256xi32, #tpu.memory_space<smem>>
    %max3A = arith.constant 0 : i32
    %max3A_2 = arith.maxsi %get3A_1, %max3A : i32
    %c0_i32 = arith.constant 0 : i32
    %c0_i32_3 = arith.constant 0 : i32
    %c0_i32_4 = arith.constant 0 : i32
    return %max3A_2, %c0_i32, %c0_i32_3 : i32, i32, i32
  }
  func.func @transform_2(%arg0: i32, %arg1: memref<1x256xi32, #tpu.memory_space<smem>>) -> (i32, i32, i32) {
    %get3A = arith.constant 0 : index
    %get3A_0 = arith.index_cast %arg0 : i32 to index
    %get3A_1 = memref.load %arg1[%get3A, %get3A_0] : memref<1x256xi32, #tpu.memory_space<smem>>
    %max3A = arith.constant 0 : i32
    %max3A_2 = arith.maxsi %get3A_1, %max3A : i32
    %c0_i32 = arith.constant 0 : i32
    %c0_i32_3 = arith.constant 0 : i32
    %c0_i32_4 = arith.constant 0 : i32
    return %max3A_2, %c0_i32, %c0_i32_3 : i32, i32, i32
  }
  func.func @transform_3(%arg0: i32, %arg1: memref<1x256xi32, #tpu.memory_space<smem>>) -> (i32, i32, i32) {
    %get3A = arith.constant 0 : index
    %get3A_0 = arith.index_cast %arg0 : i32 to index
    %get3A_1 = memref.load %arg1[%get3A, %get3A_0] : memref<1x256xi32, #tpu.memory_space<smem>>
    %max3A = arith.constant 0 : i32
    %max3A_2 = arith.maxsi %get3A_1, %max3A : i32
    %c0_i32 = arith.constant 0 : i32
    %c0_i32_3 = arith.constant 0 : i32
    %c0_i32_4 = arith.constant 0 : i32
    return %max3A_2, %c0_i32, %c0_i32_3 : i32, i32, i32
  }
  func.func @transform_4(%arg0: i32, %arg1: memref<1x256xi32, #tpu.memory_space<smem>>) -> (i32, i32, i32) {
    %get3A = arith.constant 0 : index
    %get3A_0 = arith.index_cast %arg0 : i32 to index
    %get3A_1 = memref.load %arg1[%get3A, %get3A_0] : memref<1x256xi32, #tpu.memory_space<smem>>
    %max3A = arith.constant 0 : i32
    %max3A_2 = arith.maxsi %get3A_1, %max3A : i32
    %c0_i32 = arith.constant 0 : i32
    %c0_i32_3 = arith.constant 0 : i32
    %c0_i32_4 = arith.constant 0 : i32
    return %max3A_2, %c0_i32, %c0_i32_3 : i32, i32, i32
  }
  func.func @transform_5(%arg0: i32, %arg1: memref<1x256xi32, #tpu.memory_space<smem>>) -> (i32, i32) {
    %c0_i32 = arith.constant 0 : i32
    %c0_i32_0 = arith.constant 0 : i32
    return %arg0, %c0_i32 : i32, i32
  }
}

module attributes {stable_mosaic.version = 14 : i64} {
  func.func @_merge_kernel(%arg0: i32, %arg1: memref<4096x128xf32, #tpu.memory_space<vmem>>, %arg2: memref<4096x128xf32, #tpu.memory_space<vmem>>, %arg3: memref<512x8xf32, #tpu.memory_space<vmem>>, %arg4: memref<512x8xf32, #tpu.memory_space<vmem>>, %arg5: memref<1024x1024xf32, #tpu.memory_space<vmem>>, %arg6: memref<1x1024xf32, #tpu.memory_space<vmem>>, %arg7: memref<512x1024xf32, #tpu.memory_space<vmem>>) attributes {dimension_semantics = [#tpu.dimension_semantics<arbitrary>], iteration_bounds = array<i64: 2>, scalar_prefetch = 0 : i64, scratch_operands = 0 : i64, tpu.core_type = #tpu.core_type<tc>, window_params = [{transform_indices = @transform_0, window_bounds = array<i64: 4096, 128>}, {transform_indices = @transform_1, window_bounds = array<i64: 4096, 128>}, {transform_indices = @transform_2, window_bounds = array<i64: 512, 8>}, {transform_indices = @transform_3, window_bounds = array<i64: 512, 8>}, {pipeline_mode = #tpu.pipeline_mode<synchronous>, transform_indices = @transform_4, window_bounds = array<i64: 1024, 1024>}, {pipeline_mode = #tpu.pipeline_mode<synchronous>, transform_indices = @transform_5, window_bounds = array<i64: 1, 1024>}, {transform_indices = @transform_6, window_bounds = array<i64: 512, 1024>}]} {
    %iota3A = tpu.iota {dimensions = array<i32: 0>} : vector<8x1024xi32>
    %iota3A_0 = tpu.iota {dimensions = array<i32: 1>} : vector<8x1024xi32>
    %jit3A = arith.constant 128 : i32
    %div3A = vector.broadcast %jit3A : i32 to vector<8x1024xi32>
    %div3A_1 = arith.divsi %iota3A_0, %div3A : vector<8x1024xi32>
    %sign3A = arith.constant 0 : i32
    %sign3A_2 = vector.broadcast %sign3A : i32 to vector<8x1024xi32>
    %sign3A_3 = arith.cmpi sgt, %iota3A_0, %sign3A_2 : vector<8x1024xi32>
    %sign3A_4 = arith.extui %sign3A_3 : vector<8x1024xi1> to vector<8x1024xi32>
    %sign3A_5 = arith.constant 0 : i32
    %sign3A_6 = vector.broadcast %sign3A_5 : i32 to vector<8x1024xi32>
    %sign3A_7 = arith.cmpi slt, %iota3A_0, %sign3A_6 : vector<8x1024xi32>
    %sign3A_8 = arith.extui %sign3A_7 : vector<8x1024xi1> to vector<8x1024xi32>
    %sign3A_9 = arith.subi %sign3A_4, %sign3A_8 : vector<8x1024xi32>
    %sign3A_10 = arith.constant 0 : i32
    %sign3A_11 = arith.cmpi sgt, %jit3A, %sign3A_10 : i32
    %sign3A_12 = arith.extui %sign3A_11 : i1 to i32
    %sign3A_13 = arith.constant 0 : i32
    %sign3A_14 = arith.cmpi slt, %jit3A, %sign3A_13 : i32
    %sign3A_15 = arith.extui %sign3A_14 : i1 to i32
    %sign3A_16 = arith.subi %sign3A_12, %sign3A_15 : i32
    %ne3A = vector.broadcast %sign3A_16 : i32 to vector<8x1024xi32>
    %ne3A_17 = arith.cmpi ne, %sign3A_9, %ne3A : vector<8x1024xi32>
    %rem3A = vector.broadcast %jit3A : i32 to vector<8x1024xi32>
    %rem3A_18 = arith.remsi %iota3A_0, %rem3A : vector<8x1024xi32>
    %ne3A_19 = arith.constant 0 : i32
    %ne3A_20 = vector.broadcast %ne3A_19 : i32 to vector<8x1024xi32>
    %ne3A_21 = arith.cmpi ne, %rem3A_18, %ne3A_20 : vector<8x1024xi32>
    %and3A = arith.andi %ne3A_17, %ne3A_21 : vector<8x1024xi1>
    %sub3A = arith.constant 1 : i32
    %sub3A_22 = vector.broadcast %sub3A : i32 to vector<8x1024xi32>
    %sub3A_23 = arith.subi %div3A_1, %sub3A_22 : vector<8x1024xi32>
    %select_n3A = arith.select %and3A, %sub3A_23, %div3A_1 : vector<8x1024xi1>, vector<8x1024xi32>
    %eq3A = arith.cmpi eq, %select_n3A, %iota3A : vector<8x1024xi32>
    %convert_element_type3A = arith.extui %eq3A : vector<8x1024xi1> to vector<8x1024xi32>
    %convert_element_type3A_24 = arith.sitofp %convert_element_type3A : vector<8x1024xi32> to vector<8x1024xf32>
    %get3A = arith.constant 0 : index
    %get3A_25 = arith.constant 0 : index
    %get3A_26 = vector.load %arg3[%get3A, %get3A_25] : memref<512x8xf32, #tpu.memory_space<vmem>>, vector<512x8xf32>
    %dot_general3A = arith.constant dense<0.000000e+00> : vector<512x1024xf32>
    %dot_general3A_27 = tpu.matmul %get3A_26, %convert_element_type3A_24, %dot_general3A {dimension_numbers = #tpu.dot_dimension_numbers<[1], [0], [0], [1], [0, 0, 1, 1], [], []>, transpose_lhs_hint = false} : vector<512x8xf32>, vector<8x1024xf32>, vector<512x1024xf32> -> vector<512x1024xf32>
    %get3A_28 = arith.constant 0 : index
    %get3A_29 = arith.constant 0 : index
    %get3A_30 = vector.load %arg4[%get3A_28, %get3A_29] : memref<512x8xf32, #tpu.memory_space<vmem>>, vector<512x8xf32>
    %dot_general3A_31 = arith.constant dense<0.000000e+00> : vector<512x1024xf32>
    %dot_general3A_32 = tpu.matmul %get3A_30, %convert_element_type3A_24, %dot_general3A_31 {dimension_numbers = #tpu.dot_dimension_numbers<[1], [0], [0], [1], [0, 0, 1, 1], [], []>, transpose_lhs_hint = false} : vector<512x8xf32>, vector<8x1024xf32>, vector<512x1024xf32> -> vector<512x1024xf32>
    %get3A_33 = arith.constant 0 : index
    %get3A_34 = arith.constant 0 : index
    %get3A_35 = vector.load %arg1[%get3A_33, %get3A_34] : memref<4096x128xf32, #tpu.memory_space<vmem>>, vector<4096x128xf32>
    %reshape3A = vector.shape_cast %get3A_35 : vector<4096x128xf32> to vector<512x1024xf32>
    %get3A_36 = arith.constant 0 : index
    %get3A_37 = arith.constant 0 : index
    %get3A_38 = vector.load %arg2[%get3A_36, %get3A_37] : memref<4096x128xf32, #tpu.memory_space<vmem>>, vector<4096x128xf32>
    %reshape3A_39 = vector.shape_cast %get3A_38 : vector<4096x128xf32> to vector<512x1024xf32>
    %mul3A = arith.mulf %dot_general3A_27, %reshape3A : vector<512x1024xf32>
    %mul3A_40 = arith.mulf %dot_general3A_32, %reshape3A_39 : vector<512x1024xf32>
    %add3A = arith.addf %mul3A, %mul3A_40 : vector<512x1024xf32>
    %convert_element_type3A_41 = arith.truncf %add3A : vector<512x1024xf32> to vector<512x1024xbf16>
    %get3A_42 = arith.constant 0 : index
    %get3A_43 = arith.constant 0 : index
    %get3A_44 = vector.load %arg5[%get3A_42, %get3A_43] : memref<1024x1024xf32, #tpu.memory_space<vmem>>, vector<1024x1024xf32>
    %convert_element_type3A_45 = arith.truncf %get3A_44 : vector<1024x1024xf32> to vector<1024x1024xbf16>
    %dot_general3A_46 = arith.constant dense<0.000000e+00> : vector<512x1024xf32>
    %dot_general3A_47 = tpu.matmul %convert_element_type3A_41, %convert_element_type3A_45, %dot_general3A_46 {dimension_numbers = #tpu.dot_dimension_numbers<[1], [0], [0], [1], [0, 0, 1, 1], [], []>, transpose_lhs_hint = false} : vector<512x1024xbf16>, vector<1024x1024xbf16>, vector<512x1024xf32> -> vector<512x1024xf32>
    %get3A_48 = arith.constant 0 : index
    %get3A_49 = arith.constant 0 : index
    %get3A_50 = vector.load %arg6[%get3A_48, %get3A_49] : memref<1x1024xf32, #tpu.memory_space<vmem>>, vector<1x1024xf32>
    %add3A_51 = vector.broadcast %get3A_50 : vector<1x1024xf32> to vector<512x1024xf32>
    %add3A_52 = arith.addf %dot_general3A_47, %add3A_51 : vector<512x1024xf32>
    %swap3A = arith.constant 0 : index
    %swap3A_53 = arith.constant 0 : index
    %swap3A_54 = vector.load %arg7[%swap3A, %swap3A_53] : memref<512x1024xf32, #tpu.memory_space<vmem>>, vector<512x1024xf32>
    tpu.vector_store %arg7[%swap3A, %swap3A_53], %add3A_52 {strides = array<i32>} : memref<512x1024xf32, #tpu.memory_space<vmem>>, vector<512x1024xf32>,
    return
  }
  func.func @transform_0(%arg0: i32) -> (i32, i32) {
    %c0_i32 = arith.constant 0 : i32
    %c0_i32_0 = arith.constant 0 : i32
    return %arg0, %c0_i32 : i32, i32
  }
  func.func @transform_1(%arg0: i32) -> (i32, i32) {
    %c0_i32 = arith.constant 0 : i32
    %c0_i32_0 = arith.constant 0 : i32
    return %arg0, %c0_i32 : i32, i32
  }
  func.func @transform_2(%arg0: i32) -> (i32, i32) {
    %c0_i32 = arith.constant 0 : i32
    %c0_i32_0 = arith.constant 0 : i32
    return %arg0, %c0_i32 : i32, i32
  }
  func.func @transform_3(%arg0: i32) -> (i32, i32) {
    %c0_i32 = arith.constant 0 : i32
    %c0_i32_0 = arith.constant 0 : i32
    return %arg0, %c0_i32 : i32, i32
  }
  func.func @transform_4(%arg0: i32) -> (i32, i32) {
    %c0_i32 = arith.constant 0 : i32
    %c0_i32_0 = arith.constant 0 : i32
    %c0_i32_1 = arith.constant 0 : i32
    return %c0_i32, %c0_i32_0 : i32, i32
  }
  func.func @transform_5(%arg0: i32) -> (i32, i32) {
    %c0_i32 = arith.constant 0 : i32
    %c0_i32_0 = arith.constant 0 : i32
    %c0_i32_1 = arith.constant 0 : i32
    return %c0_i32, %c0_i32_0 : i32, i32
  }
  func.func @transform_6(%arg0: i32) -> (i32, i32) {
    %add3A = arith.constant 0 : i32
    %add3A_0 = arith.addi %arg0, %add3A : i32
    %c0_i32 = arith.constant 0 : i32
    %c0_i32_1 = arith.constant 0 : i32
    return %add3A_0, %c0_i32 : i32, i32
  }
}

module attributes {stable_mosaic.version = 14 : i64} {
  func.func @_lambda_(%arg0: i32, %arg1: memref<2048x1024xf32, #tpu.memory_space<any>>, %arg2: memref<4096x128xf32, #tpu.memory_space<vmem>>, %arg3: memref<4096x128xf32, #tpu.memory_space<vmem>>, %arg4: memref<512x8xf32, #tpu.memory_space<vmem>>, %arg5: memref<512x8xf32, #tpu.memory_space<vmem>>, %arg6: memref<1024x1024xf32, #tpu.memory_space<vmem>>, %arg7: memref<1x1024xf32, #tpu.memory_space<vmem>>, %arg8: memref<512x1024xf32, #tpu.memory_space<vmem>>) attributes {dimension_semantics = [#tpu.dimension_semantics<arbitrary>], iteration_bounds = array<i64: 2>, scalar_prefetch = 0 : i64, scratch_operands = 0 : i64, tpu.core_type = #tpu.core_type<tc>, window_params = [{}, {transform_indices = @transform_1, window_bounds = array<i64: 4096, 128>}, {transform_indices = @transform_2, window_bounds = array<i64: 4096, 128>}, {transform_indices = @transform_3, window_bounds = array<i64: 512, 8>}, {transform_indices = @transform_4, window_bounds = array<i64: 512, 8>}, {pipeline_mode = #tpu.pipeline_mode<synchronous>, transform_indices = @transform_5, window_bounds = array<i64: 1024, 1024>}, {pipeline_mode = #tpu.pipeline_mode<synchronous>, transform_indices = @transform_6, window_bounds = array<i64: 1, 1024>}, {transform_indices = @transform_7, window_bounds = array<i64: 512, 1024>}]} {
    %iota3A = tpu.iota {dimensions = array<i32: 0>} : vector<8x1024xi32>
    %iota3A_0 = tpu.iota {dimensions = array<i32: 1>} : vector<8x1024xi32>
    %jit3A = arith.constant 128 : i32
    %div3A = vector.broadcast %jit3A : i32 to vector<8x1024xi32>
    %div3A_1 = arith.divsi %iota3A_0, %div3A : vector<8x1024xi32>
    %sign3A = arith.constant 0 : i32
    %sign3A_2 = vector.broadcast %sign3A : i32 to vector<8x1024xi32>
    %sign3A_3 = arith.cmpi sgt, %iota3A_0, %sign3A_2 : vector<8x1024xi32>
    %sign3A_4 = arith.extui %sign3A_3 : vector<8x1024xi1> to vector<8x1024xi32>
    %sign3A_5 = arith.constant 0 : i32
    %sign3A_6 = vector.broadcast %sign3A_5 : i32 to vector<8x1024xi32>
    %sign3A_7 = arith.cmpi slt, %iota3A_0, %sign3A_6 : vector<8x1024xi32>
    %sign3A_8 = arith.extui %sign3A_7 : vector<8x1024xi1> to vector<8x1024xi32>
    %sign3A_9 = arith.subi %sign3A_4, %sign3A_8 : vector<8x1024xi32>
    %sign3A_10 = arith.constant 0 : i32
    %sign3A_11 = arith.cmpi sgt, %jit3A, %sign3A_10 : i32
    %sign3A_12 = arith.extui %sign3A_11 : i1 to i32
    %sign3A_13 = arith.constant 0 : i32
    %sign3A_14 = arith.cmpi slt, %jit3A, %sign3A_13 : i32
    %sign3A_15 = arith.extui %sign3A_14 : i1 to i32
    %sign3A_16 = arith.subi %sign3A_12, %sign3A_15 : i32
    %ne3A = vector.broadcast %sign3A_16 : i32 to vector<8x1024xi32>
    %ne3A_17 = arith.cmpi ne, %sign3A_9, %ne3A : vector<8x1024xi32>
    %rem3A = vector.broadcast %jit3A : i32 to vector<8x1024xi32>
    %rem3A_18 = arith.remsi %iota3A_0, %rem3A : vector<8x1024xi32>
    %ne3A_19 = arith.constant 0 : i32
    %ne3A_20 = vector.broadcast %ne3A_19 : i32 to vector<8x1024xi32>
    %ne3A_21 = arith.cmpi ne, %rem3A_18, %ne3A_20 : vector<8x1024xi32>
    %and3A = arith.andi %ne3A_17, %ne3A_21 : vector<8x1024xi1>
    %sub3A = arith.constant 1 : i32
    %sub3A_22 = vector.broadcast %sub3A : i32 to vector<8x1024xi32>
    %sub3A_23 = arith.subi %div3A_1, %sub3A_22 : vector<8x1024xi32>
    %select_n3A = arith.select %and3A, %sub3A_23, %div3A_1 : vector<8x1024xi1>, vector<8x1024xi32>
    %eq3A = arith.cmpi eq, %select_n3A, %iota3A : vector<8x1024xi32>
    %convert_element_type3A = arith.extui %eq3A : vector<8x1024xi1> to vector<8x1024xi32>
    %convert_element_type3A_24 = arith.sitofp %convert_element_type3A : vector<8x1024xi32> to vector<8x1024xf32>
    %get3A = arith.constant 0 : index
    %get3A_25 = arith.constant 0 : index
    %get3A_26 = vector.load %arg4[%get3A, %get3A_25] : memref<512x8xf32, #tpu.memory_space<vmem>>, vector<512x8xf32>
    %dot_general3A = arith.constant dense<0.000000e+00> : vector<512x1024xf32>
    %dot_general3A_27 = tpu.matmul %get3A_26, %convert_element_type3A_24, %dot_general3A {dimension_numbers = #tpu.dot_dimension_numbers<[1], [0], [0], [1], [0, 0, 1, 1], [], []>, transpose_lhs_hint = false} : vector<512x8xf32>, vector<8x1024xf32>, vector<512x1024xf32> -> vector<512x1024xf32>
    %get3A_28 = arith.constant 0 : index
    %get3A_29 = arith.constant 0 : index
    %get3A_30 = vector.load %arg5[%get3A_28, %get3A_29] : memref<512x8xf32, #tpu.memory_space<vmem>>, vector<512x8xf32>
    %dot_general3A_31 = arith.constant dense<0.000000e+00> : vector<512x1024xf32>
    %dot_general3A_32 = tpu.matmul %get3A_30, %convert_element_type3A_24, %dot_general3A_31 {dimension_numbers = #tpu.dot_dimension_numbers<[1], [0], [0], [1], [0, 0, 1, 1], [], []>, transpose_lhs_hint = false} : vector<512x8xf32>, vector<8x1024xf32>, vector<512x1024xf32> -> vector<512x1024xf32>
    %get3A_33 = arith.constant 0 : index
    %get3A_34 = arith.constant 0 : index
    %get3A_35 = vector.load %arg2[%get3A_33, %get3A_34] : memref<4096x128xf32, #tpu.memory_space<vmem>>, vector<4096x128xf32>
    %reshape3A = vector.shape_cast %get3A_35 : vector<4096x128xf32> to vector<512x1024xf32>
    %get3A_36 = arith.constant 0 : index
    %get3A_37 = arith.constant 0 : index
    %get3A_38 = vector.load %arg3[%get3A_36, %get3A_37] : memref<4096x128xf32, #tpu.memory_space<vmem>>, vector<4096x128xf32>
    %reshape3A_39 = vector.shape_cast %get3A_38 : vector<4096x128xf32> to vector<512x1024xf32>
    %mul3A = arith.mulf %dot_general3A_27, %reshape3A : vector<512x1024xf32>
    %mul3A_40 = arith.mulf %dot_general3A_32, %reshape3A_39 : vector<512x1024xf32>
    %add3A = arith.addf %mul3A, %mul3A_40 : vector<512x1024xf32>
    %convert_element_type3A_41 = arith.truncf %add3A : vector<512x1024xf32> to vector<512x1024xbf16>
    %get3A_42 = arith.constant 0 : index
    %get3A_43 = arith.constant 0 : index
    %get3A_44 = vector.load %arg6[%get3A_42, %get3A_43] : memref<1024x1024xf32, #tpu.memory_space<vmem>>, vector<1024x1024xf32>
    %convert_element_type3A_45 = arith.truncf %get3A_44 : vector<1024x1024xf32> to vector<1024x1024xbf16>
    %dot_general3A_46 = arith.constant dense<0.000000e+00> : vector<512x1024xf32>
    %dot_general3A_47 = tpu.matmul %convert_element_type3A_41, %convert_element_type3A_45, %dot_general3A_46 {dimension_numbers = #tpu.dot_dimension_numbers<[1], [0], [0], [1], [0, 0, 1, 1], [], []>, transpose_lhs_hint = false} : vector<512x1024xbf16>, vector<1024x1024xbf16>, vector<512x1024xf32> -> vector<512x1024xf32>
    %get3A_48 = arith.constant 0 : index
    %get3A_49 = arith.constant 0 : index
    %get3A_50 = vector.load %arg7[%get3A_48, %get3A_49] : memref<1x1024xf32, #tpu.memory_space<vmem>>, vector<1x1024xf32>
    %add3A_51 = vector.broadcast %get3A_50 : vector<1x1024xf32> to vector<512x1024xf32>
    %add3A_52 = arith.addf %dot_general3A_47, %add3A_51 : vector<512x1024xf32>
    %swap3A = arith.constant 0 : index
    %swap3A_53 = arith.constant 0 : index
    %swap3A_54 = vector.load %arg8[%swap3A, %swap3A_53] : memref<512x1024xf32, #tpu.memory_space<vmem>>, vector<512x1024xf32>
    tpu.vector_store %arg8[%swap3A, %swap3A_53], %add3A_52 {strides = array<i32>} : memref<512x1024xf32, #tpu.memory_space<vmem>>, vector<512x1024xf32>,
    return
  }
  func.func @transform_1(%arg0: i32) -> (i32, i32) {
    %c0_i32 = arith.constant 0 : i32
    %c0_i32_0 = arith.constant 0 : i32
    return %arg0, %c0_i32 : i32, i32
  }
  func.func @transform_2(%arg0: i32) -> (i32, i32) {
    %c0_i32 = arith.constant 0 : i32
    %c0_i32_0 = arith.constant 0 : i32
    return %arg0, %c0_i32 : i32, i32
  }
  func.func @transform_3(%arg0: i32) -> (i32, i32) {
    %c0_i32 = arith.constant 0 : i32
    %c0_i32_0 = arith.constant 0 : i32
    return %arg0, %c0_i32 : i32, i32
  }
  func.func @transform_4(%arg0: i32) -> (i32, i32) {
    %c0_i32 = arith.constant 0 : i32
    %c0_i32_0 = arith.constant 0 : i32
    return %arg0, %c0_i32 : i32, i32
  }
  func.func @transform_5(%arg0: i32) -> (i32, i32) {
    %c0_i32 = arith.constant 0 : i32
    %c0_i32_0 = arith.constant 0 : i32
    %c0_i32_1 = arith.constant 0 : i32
    return %c0_i32, %c0_i32_0 : i32, i32
  }
  func.func @transform_6(%arg0: i32) -> (i32, i32) {
    %c0_i32 = arith.constant 0 : i32
    %c0_i32_0 = arith.constant 0 : i32
    %c0_i32_1 = arith.constant 0 : i32
    return %c0_i32, %c0_i32_0 : i32, i32
  }
  func.func @transform_7(%arg0: i32) -> (i32, i32) {
    %add3A = arith.constant 2 : i32
    %add3A_0 = arith.addi %arg0, %add3A : i32
    %c0_i32 = arith.constant 0 : i32
    %c0_i32_1 = arith.constant 0 : i32
    return %add3A_0, %c0_i32 : i32, i32
  }
}

</mosaic_0001>

<sc_bundles>
// kernel: kernel.15.cloned.1.call-start
scs
__scs_entry_jumppad:
0x0: {  	(pc) =	sbr.rel $0x88, $3  }
0x1: {  	(tag) =	ssettag $0x0;
	lr =	simm.s32 $0x1  }
0x2: {  	[smem:$0x3F97] =	sst lr;
	_ =	strace $0xD0000000  }
0x3: {  	_ = 	snop  }
0x4: {  	_ = 	snop  }
0x5: {  	_ = 	snop  }
0x6: {  	_ = 	snop  }
0x7: {  	_ = 	snop  }
__scs_overlays_trampoline_lowered:
0x8: {  	[smem:$0x3FA6] =	sst s0  }
0x9: {  	[smem:$0x3FA7] =	sst s1  }
0xa: {  	[smem:$0x3FA8] =	sst s2  }
0xb: {  	[smem:$0x3FA9] =	sst s3  }
0xc: {  	[smem:$0x3FAA] =	sst s4  }
0xd: {  	[smem:$0x3FAB] =	sst s5  }
0xe: {  	[smem:$0x3FAC] =	sst s6  }
0xf: {  	[smem:$0x3FAD] =	sst s7  }
0x10: {  	[smem:$0x3FAE] =	sst s8  }
0x11: {  	[smem:$0x3FAF] =	sst s9;
	s0 =	simm.s32 @!p0 $0x0  }
0x12: {  	s1 =	sld [smem:$0x3F95];
	s0 =	simm.s32 @p0 $0x1  }
0x13: {  	[smem:$0x3FB0] =	sst s0;
	s0 =	simm.s32 @!p1 $0x0  }
0x14: {  	s2 =	sld [smem:$0x3F94];
	s0 =	simm.s32 @p1 $0x1  }
0x15: {  	[smem:$0x3FB1] =	sst s0;
	s0 =	simm.s32 @!p2 $0x0  }
0x16: {  	s3 =	sld [smem:$0x3FDB];
	s0 =	simm.s32 @p2 $0x1  }
0x17: {  	s4 =	simm.s32 $0x1BF5;
	[smem:$0x3FB3] =	sst s0  }
0x18: {  	s0 =	sld [smem:$0x3F96];
	_ =	swait.ge [sflag:s4], $0x0  }
0x19: {  	s7 =	sld [smem:$0x3F97]  }
0x1a: {  	s8 =	sadd.s32 $0xFFFFE003, lr  }
0x1b: {  	s9 =	sadd.s32 $0xFFFFFEF7, lr;
	s5 =	simm.s32 $0xFFFFFFFF;
	p2 =	slt.u32 s8, $0xFFFFF086  }
0x1c: {  	p1 =	slt.u32 s9, $0xF7A;
	s5 =	simm.s32 @!p2 $0x0  }
0x1d: {  	s5 =	simm.s32 @p1 $0x1;
	p0 =	seq.s32 s7, s2  }
0x1e: {  	s7 =	smul.u32 @!p0 $0xF7A, s2;
	p2 =	seq.s32 @!p0 s5, $0x0  }
0x1f: {  	s9 =	smul.u32 $0xF7A, s1;
	s8 =	simm.s32 @!p0 $0x1BF5;
	p2 =	por !p2, p0  }
0x20: {  	[sflag:s8] =	ssyncset.s32 @!p0 $0xFFFFF086;
	s6 =	sadd.s32 @!p0 s3, s7;
	s7 =	simm.s32 @!p0 $0x108  }
0x21: {  	s3 =	sadd.s32 s3, s9;
	s6 =	sadd.s32 @!p0 $0x88, s6;
	s7 =	simm.s32 @p2 $0x1082  }
0x22: {  	[simem:s7], [sflag:s8] =	dma.local @!p0 [hbm:s6], $0xF7A  }
0x23: {  	s9 =	sor.u32 $0xD0000000, s2;
	s6 =	simm.s32 $0x108;
	_ =	swait.ge @!p0 [sflag:s8], $0x0  }
0x24: {  	s3 =	sadd.s32 $0x88, s3;
	s6 =	simm.s32 @!p1 $0x1082;
	[sflag:s4] =	ssyncset.s32 $0xFFFFF086  }
0x25: {  	[simem:s6], [sflag:s4] =	dma.local [hbm:s3], $0xF7A  }
0x26: {  	[smem:$0x3F97] =	sst s1;
	(tag) =	ssettag s2;
	_ =	strace s9  }
0x27: {  	s1 =	sld [smem:$0x3FA7]  }
0x28: {  	s2 =	sld [smem:$0x3FA8]  }
0x29: {  	s4 =	sld [smem:$0x3FAA]  }
0x2a: {  	p0 =	seq.s32 s5, $0x0;
	s5 =	sld [smem:$0x3FAB]  }
0x2b: {  	s6 =	sld [smem:$0x3FAC]  }
0x2c: {  	s7 =	sld [smem:$0x3FAD]  }
0x2d: {  	s3 =	simm.s32 $0x108;
	s8 =	sld [smem:$0x3FAE]  }
0x2e: {  	s3 =	simm.s32 @!p0 $0x1082;
	s9 =	sld [smem:$0x3FAF]  }
0x2f: {  	lr =	sadd.s32 s0, s3;
	s0 =	sld [smem:$0x3FA6]  }
0x30: {  	s3 =	sld [smem:$0x3FA9]  }
0x31: {  	[smem:$0x3FB2] =	sst s10  }
0x32: {  	s10 =	sld [smem:$0x3FB0];
	_ =	sdelay $0x3  }
0x33: {  	p0 =	seq.s32 s10, $0x1;
	s10 =	sld [smem:$0x3FB2];
	_ =	sdelay $0x3  }
0x34: {  	[smem:$0x3FB2] =	sst s10  }
0x35: {  	s10 =	sld [smem:$0x3FB1];
	_ =	sdelay $0x3  }
0x36: {  	p1 =	seq.s32 s10, $0x1;
	s10 =	sld [smem:$0x3FB2];
	_ =	sdelay $0x3  }
0x37: {  	[smem:$0x3FB2] =	sst s10  }
0x38: {  	s10 =	sld [smem:$0x3FB3]  }
0x39: {  	_ = 	snop;
	(pc) =	sbr.ind lr, $3  }
0x3a: {  	_ = 	snop  }
0x3b: {  	_ = 	snop  }
0x3c: {  	p2 =	seq.s32 s10, $0x1;
	s10 =	sld [smem:$0x3FB2]  }
0x3d: {  	_ =	shalt  }
0x3e: {  	_ =	shalt  }
0x3f: {  	_ =	shalt  }
0x40: {  	_ =	shalt  }
0x41: {  	_ =	shalt  }
0x42: {  	_ =	shalt  }
0x43: {  	_ =	shalt  }
0x44: {  	_ =	shalt  }
0x45: {  	_ =	shalt  }
0x46: {  	_ =	shalt  }
0x47: {  	_ =	shalt  }
0x48: {  	_ =	shalt  }
0x49: {  	_ =	shalt  }
0x4a: {  	_ =	shalt  }
0x4b: {  	_ =	shalt  }
0x4c: {  	_ =	shalt  }
0x4d: {  	_ =	shalt  }
0x4e: {  	_ =	shalt  }
0x4f: {  	_ =	shalt  }
0x50: {  	_ =	shalt  }
0x51: {  	_ =	shalt  }
0x52: {  	_ =	shalt  }
0x53: {  	_ =	shalt  }
0x54: {  	_ =	shalt  }
0x55: {  	_ =	shalt  }
0x56: {  	_ =	shalt  }
0x57: {  	_ =	shalt  }
0x58: {  	_ =	shalt  }
0x59: {  	_ =	shalt  }
0x5a: {  	_ =	shalt  }
0x5b: {  	_ =	shalt  }
0x5c: {  	_ =	shalt  }
0x5d: {  	_ =	shalt  }
0x5e: {  	_ =	shalt  }
0x5f: {  	_ =	shalt  }
0x60: {  	_ =	shalt  }
0x61: {  	_ =	shalt  }
0x62: {  	_ =	shalt  }
0x63: {  	_ =	shalt  }
0x64: {  	_ =	shalt  }
0x65: {  	_ =	shalt  }
0x66: {  	_ =	shalt  }
0x67: {  	_ =	shalt  }
0x68: {  	_ =	shalt  }
0x69: {  	_ =	shalt  }
0x6a: {  	_ =	shalt  }
0x6b: {  	_ =	shalt  }
0x6c: {  	_ =	shalt  }
0x6d: {  	_ =	shalt  }
0x6e: {  	_ =	shalt  }
0x6f: {  	_ =	shalt  }
0x70: {  	_ =	shalt  }
0x71: {  	_ =	shalt  }
0x72: {  	_ =	shalt  }
0x73: {  	_ =	shalt  }
0x74: {  	_ =	shalt  }
0x75: {  	_ =	shalt  }
0x76: {  	_ =	shalt  }
0x77: {  	_ =	shalt  }
0x78: {  	_ =	shalt  }
0x79: {  	_ =	shalt  }
0x7a: {  	_ =	shalt  }
0x7b: {  	_ =	shalt  }
0x7c: {  	_ =	shalt  }
0x7d: {  	_ =	shalt  }
0x7e: {  	_ =	shalt  }
0x7f: {  	_ =	shalt  }
0x80: {  	_ =	shalt  }
0x81: {  	_ =	shalt  }
0x82: {  	_ =	shalt  }
0x83: {  	_ =	shalt  }
0x84: {  	_ =	shalt  }
0x85: {  	_ =	shalt  }
0x86: {  	_ =	shalt  }
0x87: {  	_ =	shalt  }
.Lfunc_end0:
.L_simem_size_0:
called_computation_lowered:
.L_overlay_start_0:
0x88: {  	s2 =	sld [smem:$0x3FD9]  }
0x89: {  	s3 =	sld [smem:$0x3FFE];
	_ =	sdelay $0x1  }
0x8a: {  	s1 =	srdreg.scid  }
0x8b: {  	s0 =	sand.u32 $0x1, s1  }
0x8c: {  	s17 =	sshll.u32 s0, $0xA;
	s2 =	sadd.s32 s3, s2  }
0x8d: {  	s2 =	sadd.s32 s2, s17  }
0x8e: {  	[smem:$0x3FBE] =	sst s2  }
0x8f: {  	_ = 	snop  }
0x90: {  	s2 =	sld [smem:$0x3FD0];
	(tm) =	ssettm $0x1  }
0x91: {  	s18 =	sld [smem:$0x3FFB];
	_ =	sdelay $0x3  }
0x92: {  	_ =	strace s18  }
0x93: {  	s3 =	sld [smem:$0x3FFC];
	_ =	sdelay $0x3  }
0x94: {  	_ =	strace s3  }
0x95: {  	s3 =	sld [smem:$0x3FFD];
	_ =	sdelay $0x3  }
0x96: {  	_ =	strace s3  }
0x97: {  	_ =	strace $0x8FFFFFFF  }
0x98: {  	s19 =	sld [smem:$0x3FDB];
	_ =	sdelay $0x1  }
0x99: {  	s4 =	simm.s32 $_scs_section_size  }
0x9a: {  	s5 =	simm.s32 $_size__tile_overlayer_lowered;
	s6 =	simm.s32 $_tile_overlayer_lowered  }
0x9b: {  	s22 =	simm.s32 $0x1BFF;
	s21 =	sshll.u32 s6, $0x1;
	s3 =	sadd.s32 s4, s19  }
0x9c: {  	s7 =	simm.s32 $0x0;
	s20 =	sshll.u32 s5, $0x1;
	s5 =	sadd.s32 s21, s3  }
0x9d: {  	[timem:s7], [sflag:s22] =	dma.local [hbm:s5], s20  }
0x9e: {  	_ =	swait.ge [sflag:s22], s20  }
0x9f: {  	s4 =	ssub.s32 $0x0, s20;
	[sflag:s22] =	ssyncset.done $0x0  }
0xa0: {  	[sflag:s22] =	ssyncadd.s32 s4;
	_ =	sdelay $0x1  }
0xa1: {  	s23 =	simm.s32 $0x1B8B  }
0xa2: {  	_ =	swait.ge [sflag:s23], $0x1  }
0xa3: {  	[sflag:s23] =	ssyncset.done $0x0  }
0xa4: {  	s25 =	simm.s32 $0x1B8E;
	s24 =	sld [smem:$0x3FFE];
	[sflag:s23] =	ssyncadd.s32 $0xFFFFFFFF  }
0xa5: {  	s26 =	simm.s32 $execute0_lowered;
	[smem:$0x3FD2] =	sst s25  }
0xa6: {  	s5 =	sshll.u32 s26, $0x1;
	_ =	strace $0x80000046;
	[dreg:$0x1] =	wrdreg $0xFFFFFFFF  }
0xa7: {  	s28 =	simm.s32 $_size_execute0_lowered;
	s3 =	sadd.s32 s3, s5;
	[dreg:$0x0] =	wrdreg $0x0  }
0xa8: {  	s5 =	sshll.u32 s28, $0x1;
	[dreg:$0x2] =	wrdreg s3  }
0xa9: {  	[dreg:$0x3] =	wrdreg s5  }
0xaa: {  	[dreg:$0x4] =	wrdreg $0xC0  }
0xab: {  	_ =	task [dreg:s7], $0x5FFFF  }
0xac: {  	[dreg:$0x1] =	wrdreg $0xFFFFFFFF  }
0xad: {  	[dreg:$0x0] =	wrdreg $0x60  }
0xae: {  	[dreg:$0x2] =	wrdreg s2  }
0xaf: {  	[dreg:$0x3] =	wrdreg s24  }
0xb0: {  	[dreg:$0x4] =	wrdreg $0x9  }
0xb1: {  	_ =	task.clear_ibuf [dreg:s7], $0x5FFFF;
	_ =	strace $0x90000046  }
0xb2: {  	s29 =	simm.s32 $0x9;
	_ =	strace $0x80000048  }
0xb3: {  	_ =	swait.ge [sflag:s29], $0x1  }
0xb4: {  	[sflag:s29] =	ssyncadd.s32 $0xFFFFFFFF  }
0xb5: {  	_ =	strace $0x90000048  }
0xb6: {  	_ =	sfence  }
0xb7: {  	s30 =	sld [smem:$0x0];
	_ =	sdelay $0x2  }
0xb8: {  	s31 =	sshll.u32 s1, $0xD;
	s1 =	sshrl.u32 s1, $0x2  }
0xb9: {  	s3 =	sand.u32 $0x4000, s31;
	s1 =	sadd.s32 s1, s30  }
0xba: {  	s0 =	sor.u32 s3, s0;
	s1 =	sshll.u32 s1, $0x11  }
0xbb: {  	s0 =	sor.u32 s1, s0  }
0xbc: {  	s0 =	sadd.s32 $0x8F2B, s0  }
0xbd: {  	[sflag:s0] =	ssyncadd.remote.s32 $0x1  }
0xbe: {  	_ =	sfence.sel $0xFFFF  }
0xbf: {  	[dreg:$0x0] =	wrdreg $0xFFFFFFFF;
	(pc) =	sbr.abs _section_cstart, $3  }
0xc0: {  	[dreg:$0x1] =	wrdreg $0xFFFFFFFF  }
0xc1: {  	_ =	task.clear_ibuf [dreg:s7], $0x2FFFF;
	_ =	strace $0x9FFFFFFF  }
0xc2: {  	(tm) =	ssettm $0x7FFFFFFF  }
0xc3: {  	_ =	shalt  }
tec
execute0_lowered:
.L_overlay_start_1:
0x0: {  	(tag) =	ssettag $0x1  }
0x1: {  	s1 =	srdreg.scid;
	s0 =	stileid.u32  }
0x2: {  	s8 =	rddreg [dreg:$0x0];
	s15 =	sand.u32 $0x1, s1;
	s3 =	sshll.u32 s0, $0x1  }
0x3: {  	s9 =	rddreg [dreg:$0x1];
	s10 =	sor.u32 s15, s3  }
0x4: {  	s2 =	simm.s32 $0x0;
	s4 =	simm.s32 $0x8000;
	s3 =	sshll.u32 s10, $0x5  }
0x5: {  	s5 =	simm.s32 $0x2;
	[smem:$0x7FF] =	sst s2;
	s6 =	sadd.s32 s3, s9  }
0x6: {  	s1 =	rddreg [dreg:$0x2];
	_ =	strace $0x80000047;
	s3 =	sadd.s32 $0x4A00, s6  }
0x7: {  	[tilespmem:s4], [sflag:$0x2] =	stream.linear.gather [hbm4b:s3+s2], $0x100, $0x38;
	[tilespmem:$0x8200] =	vst v63  }
0x8: {  	_ =	swait.ge [sflag:s5], $0x100  }
0x9: {  	[sflag:s5] =	ssyncset.done $0x0  }
0xa: {  	s7 =	simm.s32 $0x8100;
	s6 =	sadd.s32 $0x4E00, s6;
	[sflag:s5] =	ssyncadd.s32 $0xFFFFFF00  }
0xb: {  	[tilespmem:s7], [sflag:$0x2] =	stream.linear.gather [hbm4b:s6+s2], $0x100, $0x38;
	[tilespmem:$0x8200] =	vst v63  }
0xc: {  	_ =	swait.ge [sflag:s5], $0x100  }
0xd: {  	s10 =	sshll.u32 s10, $0xC;
	[sflag:s5] =	ssyncset.done $0x0  }
0xe: {  	s8 =	sadd.s32 s8, s10;
	[sflag:s5] =	ssyncadd.s32 $0xFFFFFF00  }
0xf: {  	[tilespmem:s2], [sflag:$0x2] =	stream.linear.gather [hbm4b:s8+s2], $0x8000, $0x38;
	[tilespmem:$0x8200] =	vst v63  }
0x10: {  	_ =	swait.ge [sflag:s5], $0x8000  }
0x11: {  	[sflag:s5] =	ssyncset.done $0x0  }
0x12: {  	s9 =	sadd.s32 $0x5200, s9;
	s10 =	simm.s32 $0x80;
	[sflag:s5] =	ssyncadd.s32 $0xFFFF8000  }
0x13: {  	[hbm4b:s9+s10] =	stream.indirect.scatter [tilespmem:s2], [sflag:$0x1], $0x80, s4, s10, $0xb8;
	[tilespmem:$0x8200] =	vst v63  }
0x14: {  	_ = 	snop  }
0x15: {  	[hbm4b:s9+s10] =	stream.indirect.scatter [tilespmem:s2], [sflag:$0x1], $0x80, s7, s10, $0xb8;
	[tilespmem:$0x8200] =	vst v63  }
0x16: {  	s11 =	simm.s32 $0x8080;
	s12 =	simm.s32 $0x4000  }
0x17: {  	[hbm4b:s9+s10] =	stream.indirect.scatter [tilespmem:s12], [sflag:$0x1], $0x80, s11, s10, $0xb8;
	[tilespmem:$0x8200] =	vst v63  }
0x18: {  	s14 =	simm.s32 $0x8180;
	s13 =	simm.s32 $0x1  }
0x19: {  	[hbm4b:s9+s10] =	stream.indirect.scatter [tilespmem:s12], [sflag:$0x1], $0x80, s14, s10, $0xb8;
	[tilespmem:$0x8200] =	vst v63  }
0x1a: {  	_ =	swait.ge [sflag:s13], $0x4000  }
0x1b: {  	s15 =	ssub.s32 $0x2, s15;
	[sflag:s13] =	ssyncset.done $0x0  }
0x1c: {  	s16 =	sshrl.u32 s15, $0x1;
	[sflag:s13] =	ssyncadd.s32 $0xFFFFC000  }
0x1d: {  	s15 =	ssub.s32 s15, s16;
	_ =	swait.ge [sflag:s13], $0x4000  }
0x1e: {  	s15 =	smax.u32 s15, $0x1;
	[sflag:s13] =	ssyncset.done $0x0  }
0x1f: {  	p0 =	sne.s32 s15, $0x1;
	[sflag:s13] =	ssyncadd.s32 $0xFFFFC000  }
.Ltmp0:
0x20: {  	_ =	swait.ge [sflag:s13], $0x4000;
	(pc) =	sbr.rel @!p0 .LBB2_2-.Ltmp0, $4  }
0x21: {  	[sflag:s13] =	ssyncset.done $0x0  }
0x22: {  	[sflag:s13] =	ssyncadd.s32 $0xFFFFC000  }
0x23: {  	_ =	swait.ge [sflag:s13], $0x4000  }
0x24: {  	s15 =	sadd.s32 $0xFFFFFFFF, s15;
	[sflag:s13] =	ssyncset.done $0x0  }
.LBB2_1:
0x25: {  	p0 =	sne.s32 s15, $0x1;
	s15 =	sadd.s32 $0xFFFFFFFF, s15;
	[sflag:s13] =	ssyncadd.s32 $0xFFFFC000  }
0x26: {  	[tilespmem:s4], [sflag:$0x2] =	stream.linear.gather [hbm4b:s3+s2], $0x100, $0x38;
	[tilespmem:$0x8200] =	vst v63  }
0x27: {  	_ =	swait.ge [sflag:s5], $0x100  }
0x28: {  	[sflag:s5] =	ssyncset.done $0x0  }
0x29: {  	[sflag:s5] =	ssyncadd.s32 $0xFFFFFF00  }
0x2a: {  	[tilespmem:s7], [sflag:$0x2] =	stream.linear.gather [hbm4b:s6+s2], $0x100, $0x38;
	[tilespmem:$0x8200] =	vst v63  }
0x2b: {  	_ =	swait.ge [sflag:s5], $0x100  }
0x2c: {  	[sflag:s5] =	ssyncset.done $0x0  }
0x2d: {  	[sflag:s5] =	ssyncadd.s32 $0xFFFFFF00  }
0x2e: {  	[tilespmem:s2], [sflag:$0x2] =	stream.linear.gather [hbm4b:s8+s2], $0x8000, $0x38;
	[tilespmem:$0x8200] =	vst v63  }
0x2f: {  	_ =	swait.ge [sflag:s5], $0x8000  }
0x30: {  	[sflag:s5] =	ssyncset.done $0x0  }
0x31: {  	[sflag:s5] =	ssyncadd.s32 $0xFFFF8000  }
0x32: {  	[hbm4b:s9+s10] =	stream.indirect.scatter [tilespmem:s2], [sflag:$0x1], $0x80, s4, s10, $0xb8;
	[tilespmem:$0x8200] =	vst v63  }
0x33: {  	_ = 	snop  }
0x34: {  	[hbm4b:s9+s10] =	stream.indirect.scatter [tilespmem:s2], [sflag:$0x1], $0x80, s7, s10, $0xb8;
	[tilespmem:$0x8200] =	vst v63  }
0x35: {  	_ = 	snop  }
0x36: {  	[hbm4b:s9+s10] =	stream.indirect.scatter [tilespmem:s12], [sflag:$0x1], $0x80, s11, s10, $0xb8;
	[tilespmem:$0x8200] =	vst v63  }
0x37: {  	_ = 	snop  }
0x38: {  	[hbm4b:s9+s10] =	stream.indirect.scatter [tilespmem:s12], [sflag:$0x1], $0x80, s14, s10, $0xb8;
	[tilespmem:$0x8200] =	vst v63  }
0x39: {  	_ =	swait.ge [sflag:s13], $0x4000  }
0x3a: {  	[sflag:s13] =	ssyncset.done $0x0  }
0x3b: {  	[sflag:s13] =	ssyncadd.s32 $0xFFFFC000  }
0x3c: {  	_ =	swait.ge [sflag:s13], $0x4000  }
0x3d: {  	[sflag:s13] =	ssyncset.done $0x0  }
0x3e: {  	[sflag:s13] =	ssyncadd.s32 $0xFFFFC000  }
.Ltmp1:
0x3f: {  	_ =	swait.ge [sflag:s13], $0x4000;
	(pc) =	sbr.rel @p0 .LBB2_1-.Ltmp1, $4  }
0x40: {  	[sflag:s13] =	ssyncset.done $0x0  }
0x41: {  	[sflag:s13] =	ssyncadd.s32 $0xFFFFC000  }
0x42: {  	_ =	swait.ge [sflag:s13], $0x4000  }
0x43: {  	[sflag:s13] =	ssyncset.done $0x0  }
.LBB2_2:
0x44: {  	[sflag:s13] =	ssyncadd.s32 $0xFFFFC000  }
0x45: {  	_ =	sfence.sel $0x180000  }
0x46: {  	[bflag:$0x0] =	sbarrier.arrive $0xFFFF  }
0x47: {  	p0 =	sne.s32 s0, $0x0;
	_ =	strace $0x90000047  }
0x48: {  	s0 =	sadd.s32 @!p0 $0x100000, s1;
	[bflag:$0x2] =	sbarrier.arrive $0xFFFF  }
0x49: {  	[sflag:s0] =	ssyncadd.tile.s32 @!p0 $0x1;
	_ =	shalt  }
.Lfunc_end2:
_tile_overlayer_lowered:
.L_overlay_start_2:
0x4a: {  	(tag) =	ssettag $0x2  }
0x4b: {  	s0 =	rddreg [dreg:$0x0];
	s2 =	stileid.u32  }
0x4c: {  	s1 =	rddreg [dreg:$0x1];
	p0 =	sne.s32 s2, $0x0  }
0x4d: {  	s3 =	rddreg [dreg:$0x2];
	[bflag:$0x3] =	sbarrier.arrive $0xFFFF;
	s2 =	simm.s32 @!p0 $0x1C02  }
0x4e: {  	[timem:s3], [sflag:s2] =	dma.local @!p0 [hbm:s0], s1  }
0x4f: {  	s0 =	simm.s32 @!p0 $0x2  }
0x50: {  	_ =	swait.ge @!p0 [sflag:s0], s1  }
0x51: {  	s1 =	ssub.s32 @!p0 $0x0, s1;
	[sflag:s0] =	ssyncset.done @!p0 $0x0  }
0x52: {  	[sflag:s0] =	ssyncadd.s32 @!p0 s1  }
0x53: {  	[bflag:$0x3] =	sbarrier.arrive $0xFFFF  }
0x54: {  	_ =	shalt  }

// kernel: kernel.18.cloned.1.call-start
scs
__scs_entry_jumppad:
0x0: {  	(pc) =	sbr.rel $0x88, $3  }
0x1: {  	(tag) =	ssettag $0x0;
	lr =	simm.s32 $0x1  }
0x2: {  	[smem:$0x3F97] =	sst lr;
	_ =	strace $0xD0000000  }
0x3: {  	_ = 	snop  }
0x4: {  	_ = 	snop  }
0x5: {  	_ = 	snop  }
0x6: {  	_ = 	snop  }
0x7: {  	_ = 	snop  }
__scs_overlays_trampoline_lowered:
0x8: {  	[smem:$0x3FA6] =	sst s0  }
0x9: {  	[smem:$0x3FA7] =	sst s1  }
0xa: {  	[smem:$0x3FA8] =	sst s2  }
0xb: {  	[smem:$0x3FA9] =	sst s3  }
0xc: {  	[smem:$0x3FAA] =	sst s4  }
0xd: {  	[smem:$0x3FAB] =	sst s5  }
0xe: {  	[smem:$0x3FAC] =	sst s6  }
0xf: {  	[smem:$0x3FAD] =	sst s7  }
0x10: {  	[smem:$0x3FAE] =	sst s8  }
0x11: {  	[smem:$0x3FAF] =	sst s9;
	s0 =	simm.s32 @!p0 $0x0  }
0x12: {  	s1 =	sld [smem:$0x3F95];
	s0 =	simm.s32 @p0 $0x1  }
0x13: {  	[smem:$0x3FB0] =	sst s0;
	s0 =	simm.s32 @!p1 $0x0  }
0x14: {  	s2 =	sld [smem:$0x3F94];
	s0 =	simm.s32 @p1 $0x1  }
0x15: {  	[smem:$0x3FB1] =	sst s0;
	s0 =	simm.s32 @!p2 $0x0  }
0x16: {  	s3 =	sld [smem:$0x3FDB];
	s0 =	simm.s32 @p2 $0x1  }
0x17: {  	s4 =	simm.s32 $0x1BF5;
	[smem:$0x3FB3] =	sst s0  }
0x18: {  	s0 =	sld [smem:$0x3F96];
	_ =	swait.ge [sflag:s4], $0x0  }
0x19: {  	s7 =	sld [smem:$0x3F97]  }
0x1a: {  	s8 =	sadd.s32 $0xFFFFE003, lr  }
0x1b: {  	s9 =	sadd.s32 $0xFFFFFEF7, lr;
	s5 =	simm.s32 $0xFFFFFFFF;
	p2 =	slt.u32 s8, $0xFFFFF086  }
0x1c: {  	p1 =	slt.u32 s9, $0xF7A;
	s5 =	simm.s32 @!p2 $0x0  }
0x1d: {  	s5 =	simm.s32 @p1 $0x1;
	p0 =	seq.s32 s7, s2  }
0x1e: {  	s7 =	smul.u32 @!p0 $0xF7A, s2;
	p2 =	seq.s32 @!p0 s5, $0x0  }
0x1f: {  	s9 =	smul.u32 $0xF7A, s1;
	s8 =	simm.s32 @!p0 $0x1BF5;
	p2 =	por !p2, p0  }
0x20: {  	[sflag:s8] =	ssyncset.s32 @!p0 $0xFFFFF086;
	s6 =	sadd.s32 @!p0 s3, s7;
	s7 =	simm.s32 @!p0 $0x108  }
0x21: {  	s3 =	sadd.s32 s3, s9;
	s6 =	sadd.s32 @!p0 $0x88, s6;
	s7 =	simm.s32 @p2 $0x1082  }
0x22: {  	[simem:s7], [sflag:s8] =	dma.local @!p0 [hbm:s6], $0xF7A  }
0x23: {  	s9 =	sor.u32 $0xD0000000, s2;
	s6 =	simm.s32 $0x108;
	_ =	swait.ge @!p0 [sflag:s8], $0x0  }
0x24: {  	s3 =	sadd.s32 $0x88, s3;
	s6 =	simm.s32 @!p1 $0x1082;
	[sflag:s4] =	ssyncset.s32 $0xFFFFF086  }
0x25: {  	[simem:s6], [sflag:s4] =	dma.local [hbm:s3], $0xF7A  }
0x26: {  	[smem:$0x3F97] =	sst s1;
	(tag) =	ssettag s2;
	_ =	strace s9  }
0x27: {  	s1 =	sld [smem:$0x3FA7]  }
0x28: {  	s2 =	sld [smem:$0x3FA8]  }
0x29: {  	s4 =	sld [smem:$0x3FAA]  }
0x2a: {  	p0 =	seq.s32 s5, $0x0;
	s5 =	sld [smem:$0x3FAB]  }
0x2b: {  	s6 =	sld [smem:$0x3FAC]  }
0x2c: {  	s7 =	sld [smem:$0x3FAD]  }
0x2d: {  	s3 =	simm.s32 $0x108;
	s8 =	sld [smem:$0x3FAE]  }
0x2e: {  	s3 =	simm.s32 @!p0 $0x1082;
	s9 =	sld [smem:$0x3FAF]  }
0x2f: {  	lr =	sadd.s32 s0, s3;
	s0 =	sld [smem:$0x3FA6]  }
0x30: {  	s3 =	sld [smem:$0x3FA9]  }
0x31: {  	[smem:$0x3FB2] =	sst s10  }
0x32: {  	s10 =	sld [smem:$0x3FB0];
	_ =	sdelay $0x3  }
0x33: {  	p0 =	seq.s32 s10, $0x1;
	s10 =	sld [smem:$0x3FB2];
	_ =	sdelay $0x3  }
0x34: {  	[smem:$0x3FB2] =	sst s10  }
0x35: {  	s10 =	sld [smem:$0x3FB1];
	_ =	sdelay $0x3  }
0x36: {  	p1 =	seq.s32 s10, $0x1;
	s10 =	sld [smem:$0x3FB2];
	_ =	sdelay $0x3  }
0x37: {  	[smem:$0x3FB2] =	sst s10  }
0x38: {  	s10 =	sld [smem:$0x3FB3]  }
0x39: {  	_ = 	snop;
	(pc) =	sbr.ind lr, $3  }
0x3a: {  	_ = 	snop  }
0x3b: {  	_ = 	snop  }
0x3c: {  	p2 =	seq.s32 s10, $0x1;
	s10 =	sld [smem:$0x3FB2]  }
0x3d: {  	_ =	shalt  }
0x3e: {  	_ =	shalt  }
0x3f: {  	_ =	shalt  }
0x40: {  	_ =	shalt  }
0x41: {  	_ =	shalt  }
0x42: {  	_ =	shalt  }
0x43: {  	_ =	shalt  }
0x44: {  	_ =	shalt  }
0x45: {  	_ =	shalt  }
0x46: {  	_ =	shalt  }
0x47: {  	_ =	shalt  }
0x48: {  	_ =	shalt  }
0x49: {  	_ =	shalt  }
0x4a: {  	_ =	shalt  }
0x4b: {  	_ =	shalt  }
0x4c: {  	_ =	shalt  }
0x4d: {  	_ =	shalt  }
0x4e: {  	_ =	shalt  }
0x4f: {  	_ =	shalt  }
0x50: {  	_ =	shalt  }
0x51: {  	_ =	shalt  }
0x52: {  	_ =	shalt  }
0x53: {  	_ =	shalt  }
0x54: {  	_ =	shalt  }
0x55: {  	_ =	shalt  }
0x56: {  	_ =	shalt  }
0x57: {  	_ =	shalt  }
0x58: {  	_ =	shalt  }
0x59: {  	_ =	shalt  }
0x5a: {  	_ =	shalt  }
0x5b: {  	_ =	shalt  }
0x5c: {  	_ =	shalt  }
0x5d: {  	_ =	shalt  }
0x5e: {  	_ =	shalt  }
0x5f: {  	_ =	shalt  }
0x60: {  	_ =	shalt  }
0x61: {  	_ =	shalt  }
0x62: {  	_ =	shalt  }
0x63: {  	_ =	shalt  }
0x64: {  	_ =	shalt  }
0x65: {  	_ =	shalt  }
0x66: {  	_ =	shalt  }
0x67: {  	_ =	shalt  }
0x68: {  	_ =	shalt  }
0x69: {  	_ =	shalt  }
0x6a: {  	_ =	shalt  }
0x6b: {  	_ =	shalt  }
0x6c: {  	_ =	shalt  }
0x6d: {  	_ =	shalt  }
0x6e: {  	_ =	shalt  }
0x6f: {  	_ =	shalt  }
0x70: {  	_ =	shalt  }
0x71: {  	_ =	shalt  }
0x72: {  	_ =	shalt  }
0x73: {  	_ =	shalt  }
0x74: {  	_ =	shalt  }
0x75: {  	_ =	shalt  }
0x76: {  	_ =	shalt  }
0x77: {  	_ =	shalt  }
0x78: {  	_ =	shalt  }
0x79: {  	_ =	shalt  }
0x7a: {  	_ =	shalt  }
0x7b: {  	_ =	shalt  }
0x7c: {  	_ =	shalt  }
0x7d: {  	_ =	shalt  }
0x7e: {  	_ =	shalt  }
0x7f: {  	_ =	shalt  }
0x80: {  	_ =	shalt  }
0x81: {  	_ =	shalt  }
0x82: {  	_ =	shalt  }
0x83: {  	_ =	shalt  }
0x84: {  	_ =	shalt  }
0x85: {  	_ =	shalt  }
0x86: {  	_ =	shalt  }
0x87: {  	_ =	shalt  }
.Lfunc_end0:
.L_simem_size_0:
called_computation.1_lowered:
.L_overlay_start_0:
0x88: {  	s2 =	sld [smem:$0x3FD9]  }
0x89: {  	s3 =	sld [smem:$0x3FFE];
	_ =	sdelay $0x1  }
0x8a: {  	s1 =	srdreg.scid  }
0x8b: {  	s0 =	sand.u32 $0x1, s1  }
0x8c: {  	s17 =	sshll.u32 s0, $0xA;
	s2 =	sadd.s32 s3, s2  }
0x8d: {  	s2 =	sadd.s32 s2, s17  }
0x8e: {  	[smem:$0x3FBE] =	sst s2  }
0x8f: {  	_ = 	snop  }
0x90: {  	(tm) =	ssettm $0x1  }
0x91: {  	s18 =	sld [smem:$0x3FFB];
	_ =	sdelay $0x3  }
0x92: {  	_ =	strace s18  }
0x93: {  	s2 =	sld [smem:$0x3FFC];
	_ =	sdelay $0x3  }
0x94: {  	_ =	strace s2  }
0x95: {  	s2 =	sld [smem:$0x3FFD];
	_ =	sdelay $0x3  }
0x96: {  	_ =	strace s2  }
0x97: {  	_ =	strace $0x8FFFFFFF  }
0x98: {  	s19 =	sld [smem:$0x3FDB];
	_ =	sdelay $0x1  }
0x99: {  	s20 =	simm.s32 $_scs_section_size  }
0x9a: {  	s4 =	simm.s32 $_size__tile_overlayer_lowered;
	s5 =	simm.s32 $_tile_overlayer_lowered  }
0x9b: {  	s6 =	simm.s32 $0x1BFF;
	s21 =	sshll.u32 s5, $0x1;
	s3 =	sadd.s32 s20, s19  }
0x9c: {  	s22 =	simm.s32 $0x0;
	s4 =	sshll.u32 s4, $0x1;
	s5 =	sadd.s32 s21, s3  }
0x9d: {  	[timem:s22], [sflag:s6] =	dma.local [hbm:s5], s4  }
0x9e: {  	_ =	swait.ge [sflag:s6], s4  }
0x9f: {  	s4 =	ssub.s32 $0x0, s4;
	[sflag:s6] =	ssyncset.done $0x0  }
0xa0: {  	[sflag:s6] =	ssyncadd.s32 s4;
	_ =	sdelay $0x1  }
0xa1: {  	s23 =	simm.s32 $0x1B8B  }
0xa2: {  	_ =	swait.ge [sflag:s23], $0x1  }
0xa3: {  	[sflag:s23] =	ssyncset.done $0x0  }
0xa4: {  	[sflag:s23] =	ssyncadd.s32 $0xFFFFFFFF  }
0xa5: {  	s4 =	sld [smem:$0x0]  }
0xa6: {  	s5 =	sand.u32 $0xFFFFFFFE, s1  }
0xa7: {  	p0 =	sne.s32 s1, s5  }
0xa8: {  	s5 =	sshll.u32 @p0 s5, $0xE  }
0xa9: {  	s5 =	sadd.s32 @p0 $0x11B8D, s5;
	s6 =	sshll.u32 @p0 s4, $0x11  }
0xaa: {  	s5 =	sor.u32 @p0 s6, s5  }
0xab: {  	[sflag:s5] =	ssyncadd.remote.s32 @p0 $0x1;
	_ =	sdelay $0x1  }
0xac: {  	s5 =	simm.s32 @p0 $0x1B8D  }
0xad: {  	_ =	swait.eq @p0 [sflag:s5], $0x1  }
0xae: {  	[sflag:s5] =	ssyncadd.s32 @p0 $0xFFFFFFFF  }
0xaf: {  	s6 =	sshll.u32 @!p0 s1, $0xE  }
0xb0: {  	s6 =	sor.u32 @!p0 $0x4000, s6;
	s5 =	simm.s32 @!p0 $0x1B8D  }
0xb1: {  	s4 =	sshll.u32 @!p0 s4, $0x11;
	s6 =	sadd.s32 @!p0 $0x11B8D, s6;
	_ =	swait.eq @!p0 [sflag:s5], $0x1  }
0xb2: {  	s4 =	sor.u32 @!p0 s4, s6;
	[sflag:s5] =	ssyncadd.s32 @!p0 $0xFFFFFFFF  }
0xb3: {  	s25 =	simm.s32 $0x1B8E;
	s24 =	sld [smem:$0x3FFE];
	[sflag:s4] =	ssyncadd.remote.s32 @!p0 $0x1  }
0xb4: {  	s26 =	simm.s32 $execute0_lowered;
	[smem:$0x3FD2] =	sst s25  }
0xb5: {  	s5 =	sshll.u32 s26, $0x1;
	_ =	strace $0x8000004C;
	[dreg:$0x1] =	wrdreg $0xFFFFFFFF  }
0xb6: {  	s28 =	simm.s32 $_size_execute0_lowered;
	s3 =	sadd.s32 s3, s5;
	[dreg:$0x0] =	wrdreg $0x0  }
0xb7: {  	s5 =	sshll.u32 s28, $0x1;
	[dreg:$0x2] =	wrdreg s3  }
0xb8: {  	[dreg:$0x3] =	wrdreg s5  }
0xb9: {  	[dreg:$0x4] =	wrdreg $0xC0  }
0xba: {  	_ =	task [dreg:s22], $0x5FFFF  }
0xbb: {  	[dreg:$0x1] =	wrdreg $0xFFFFFFFF  }
0xbc: {  	[dreg:$0x0] =	wrdreg $0x60  }
0xbd: {  	[dreg:$0x2] =	wrdreg s24  }
0xbe: {  	[dreg:$0x3] =	wrdreg $0x9  }
0xbf: {  	_ =	task.clear_ibuf [dreg:s22], $0x4FFFF;
	_ =	strace $0x9000004C  }
0xc0: {  	s29 =	simm.s32 $0x9;
	_ =	strace $0x8000004E  }
0xc1: {  	_ =	swait.ge [sflag:s29], $0x1  }
0xc2: {  	[sflag:s29] =	ssyncadd.s32 $0xFFFFFFFF  }
0xc3: {  	_ =	strace $0x9000004E  }
0xc4: {  	_ =	sfence  }
0xc5: {  	s30 =	sld [smem:$0x0];
	_ =	sdelay $0x2  }
0xc6: {  	s31 =	sshll.u32 s1, $0xD;
	s1 =	sshrl.u32 s1, $0x2  }
0xc7: {  	s4 =	sand.u32 $0x4000, s31;
	s1 =	sadd.s32 s1, s30  }
0xc8: {  	s0 =	sor.u32 s4, s0;
	s1 =	sshll.u32 s1, $0x11  }
0xc9: {  	s0 =	sor.u32 s1, s0  }
0xca: {  	s0 =	sadd.s32 $0x8F2B, s0  }
0xcb: {  	[sflag:s0] =	ssyncadd.remote.s32 $0x1  }
0xcc: {  	_ =	sfence.sel $0xFFFF  }
0xcd: {  	[dreg:$0x0] =	wrdreg $0xFFFFFFFF;
	(pc) =	sbr.abs _section_cstart, $3  }
0xce: {  	[dreg:$0x1] =	wrdreg $0xFFFFFFFF  }
0xcf: {  	_ =	task.clear_ibuf [dreg:s22], $0x2FFFF;
	_ =	strace $0x9FFFFFFF  }
0xd0: {  	(tm) =	ssettm $0x7FFFFFFF  }
0xd1: {  	_ =	shalt  }
tec
execute0_lowered:
.L_overlay_start_1:
0x0: {  	(tag) =	ssettag $0x1  }
0x1: {  	s1 =	srdreg.scid;
	s0 =	stileid.u32  }
0x2: {  	s16 =	sand.u32 $0x1, s1;
	s31 =	sshll.u32 s0, $0x1  }
0x3: {  	s17 =	sor.u32 s16, s31  }
0x4: {  	s15 =	rddreg [dreg:$0x0];
	s2 =	simm.s32 $0x0;
	s3 =	sshll.u32 s17, $0x5  }
0x5: {  	s4 =	simm.s32 $0x3;
	[smem:$0x7FF] =	sst s2;
	s5 =	sadd.s32 s3, s15  }
0x6: {  	s1 =	rddreg [dreg:$0x1];
	_ =	strace $0x8000004D;
	s3 =	sadd.s32 $0x4A00, s5  }
0x7: {  	[tilespmem:s2], [sflag:$0x3] =	stream.linear.gather [hbm4b:s3+s2], $0x100, $0x38;
	[tilespmem:$0x10200] =	vst v63  }
0x8: {  	_ =	swait.ge [sflag:s4], $0x100  }
0x9: {  	[sflag:s4] =	ssyncset.done $0x0  }
0xa: {  	s6 =	simm.s32 $0x100;
	s5 =	sadd.s32 $0x4E00, s5;
	[sflag:s4] =	ssyncadd.s32 $0xFFFFFF00  }
0xb: {  	[tilespmem:s6], [sflag:$0x3] =	stream.linear.gather [hbm4b:s5+s2], $0x100, $0x38;
	[tilespmem:$0x10200] =	vst v63  }
0xc: {  	_ =	swait.ge [sflag:s4], $0x100  }
0xd: {  	s8 =	simm.s32 $0x80;
	[sflag:s4] =	ssyncset.done $0x0  }
0xe: {  	s9 =	simm.s32 $0x200;
	s7 =	sadd.s32 $0x5200, s15;
	[sflag:s4] =	ssyncadd.s32 $0xFFFFFF00  }
0xf: {  	[tilespmem:s9], [sflag:$0x1] =	stream.indirect.gather [hbm4b:s7+s8], $0x80, s2, s8, $0xb8;
	[tilespmem:$0x10200] =	vst v63  }
0x10: {  	s10 =	simm.s32 $0x8200  }
0x11: {  	[tilespmem:s10], [sflag:$0x1] =	stream.indirect.gather [hbm4b:s7+s8], $0x80, s6, s8, $0xb8;
	[tilespmem:$0x10200] =	vst v63  }
0x12: {  	s11 =	simm.s32 $0x4200  }
0x13: {  	[tilespmem:s11], [sflag:$0x1] =	stream.indirect.gather [hbm4b:s7+s8], $0x80, s8, s8, $0xb8;
	[tilespmem:$0x10200] =	vst v63  }
0x14: {  	s12 =	simm.s32 $0x180;
	s13 =	simm.s32 $0xC200;
	s14 =	simm.s32 $0x1  }
0x15: {  	[tilespmem:s13], [sflag:$0x1] =	stream.indirect.gather [hbm4b:s7+s8], $0x80, s12, s8, $0xb8;
	[tilespmem:$0x10200] =	vst v63  }
0x16: {  	_ =	swait.ge [sflag:s14], $0x4000  }
0x17: {  	[sflag:s14] =	ssyncset.done $0x0  }
0x18: {  	[sflag:s14] =	ssyncadd.s32 $0xFFFFC000  }
0x19: {  	_ =	swait.ge [sflag:s14], $0x4000  }
0x1a: {  	[sflag:s14] =	ssyncset.done $0x0  }
0x1b: {  	[sflag:s14] =	ssyncadd.s32 $0xFFFFC000  }
0x1c: {  	_ =	swait.ge [sflag:s14], $0x4000  }
0x1d: {  	[sflag:s14] =	ssyncset.done $0x0  }
0x1e: {  	s18 =	ssub.s32 $0x2, s16;
	[sflag:s14] =	ssyncadd.s32 $0xFFFFC000  }
0x1f: {  	s17 =	sshll.u32 s17, $0xC;
	s19 =	sshrl.u32 s18, $0x1;
	_ =	swait.ge [sflag:s14], $0x4000  }
0x20: {  	s17 =	sadd.s32 s17, s15;
	s18 =	ssub.s32 s18, s19;
	[sflag:s14] =	ssyncset.done $0x0  }
0x21: {  	s15 =	sadd.s32 $0xC5A00, s17;
	s18 =	smax.u32 s18, $0x1;
	[sflag:s14] =	ssyncadd.s32 $0xFFFFC000  }
0x22: {  	[hbm4b:s15+s2] =	stream.linear.scatter [tilespmem:s9], [sflag:$0x2], $0x8000, $0x38;
	[tilespmem:$0x10200] =	vst v63  }
0x23: {  	s16 =	simm.s32 $0x2;
	s17 =	sadd.s32 $0xE5A00, s17;
	p0 =	sne.s32 s18, $0x1  }
0x24: {  	[hbm4b:s17+s2] =	stream.linear.scatter [tilespmem:s10], [sflag:$0x2], $0x8000, $0x38;
	[tilespmem:$0x10200] =	vst v63  }
.Ltmp0:
0x25: {  	_ =	swait.ge [sflag:s16], $0x8000;
	(pc) =	sbr.rel @!p0 .LBB2_2-.Ltmp0, $4  }
0x26: {  	[sflag:s16] =	ssyncset.done $0x0  }
0x27: {  	[sflag:s16] =	ssyncadd.s32 $0xFFFF8000  }
0x28: {  	_ =	swait.ge [sflag:s16], $0x8000  }
0x29: {  	s18 =	sadd.s32 $0xFFFFFFFF, s18;
	[sflag:s16] =	ssyncset.done $0x0  }
.LBB2_1:
0x2a: {  	p0 =	sne.s32 s18, $0x1;
	s18 =	sadd.s32 $0xFFFFFFFF, s18;
	[sflag:s16] =	ssyncadd.s32 $0xFFFF8000  }
0x2b: {  	[tilespmem:s2], [sflag:$0x3] =	stream.linear.gather [hbm4b:s3+s2], $0x100, $0x38;
	[tilespmem:$0x10200] =	vst v63  }
0x2c: {  	_ =	swait.ge [sflag:s4], $0x100  }
0x2d: {  	[sflag:s4] =	ssyncset.done $0x0  }
0x2e: {  	[sflag:s4] =	ssyncadd.s32 $0xFFFFFF00  }
0x2f: {  	[tilespmem:s6], [sflag:$0x3] =	stream.linear.gather [hbm4b:s5+s2], $0x100, $0x38;
	[tilespmem:$0x10200] =	vst v63  }
0x30: {  	_ =	swait.ge [sflag:s4], $0x100  }
0x31: {  	[sflag:s4] =	ssyncset.done $0x0  }
0x32: {  	[sflag:s4] =	ssyncadd.s32 $0xFFFFFF00  }
0x33: {  	[tilespmem:s9], [sflag:$0x1] =	stream.indirect.gather [hbm4b:s7+s8], $0x80, s2, s8, $0xb8;
	[tilespmem:$0x10200] =	vst v63  }
0x34: {  	_ = 	snop  }
0x35: {  	[tilespmem:s10], [sflag:$0x1] =	stream.indirect.gather [hbm4b:s7+s8], $0x80, s6, s8, $0xb8;
	[tilespmem:$0x10200] =	vst v63  }
0x36: {  	_ = 	snop  }
0x37: {  	[tilespmem:s11], [sflag:$0x1] =	stream.indirect.gather [hbm4b:s7+s8], $0x80, s8, s8, $0xb8;
	[tilespmem:$0x10200] =	vst v63  }
0x38: {  	_ = 	snop  }
0x39: {  	[tilespmem:s13], [sflag:$0x1] =	stream.indirect.gather [hbm4b:s7+s8], $0x80, s12, s8, $0xb8;
	[tilespmem:$0x10200] =	vst v63  }
0x3a: {  	_ =	swait.ge [sflag:s14], $0x4000  }
0x3b: {  	[sflag:s14] =	ssyncset.done $0x0  }
0x3c: {  	[sflag:s14] =	ssyncadd.s32 $0xFFFFC000  }
0x3d: {  	_ =	swait.ge [sflag:s14], $0x4000  }
0x3e: {  	[sflag:s14] =	ssyncset.done $0x0  }
0x3f: {  	[sflag:s14] =	ssyncadd.s32 $0xFFFFC000  }
0x40: {  	_ =	swait.ge [sflag:s14], $0x4000  }
0x41: {  	[sflag:s14] =	ssyncset.done $0x0  }
0x42: {  	[sflag:s14] =	ssyncadd.s32 $0xFFFFC000  }
0x43: {  	_ =	swait.ge [sflag:s14], $0x4000  }
0x44: {  	[sflag:s14] =	ssyncset.done $0x0  }
0x45: {  	[sflag:s14] =	ssyncadd.s32 $0xFFFFC000  }
0x46: {  	[hbm4b:s15+s2] =	stream.linear.scatter [tilespmem:s9], [sflag:$0x2], $0x8000, $0x38;
	[tilespmem:$0x10200] =	vst v63  }
0x47: {  	_ = 	snop  }
0x48: {  	[hbm4b:s17+s2] =	stream.linear.scatter [tilespmem:s10], [sflag:$0x2], $0x8000, $0x38;
	[tilespmem:$0x10200] =	vst v63  }
.Ltmp1:
0x49: {  	_ =	swait.ge [sflag:s16], $0x8000;
	(pc) =	sbr.rel @p0 .LBB2_1-.Ltmp1, $4  }
0x4a: {  	[sflag:s16] =	ssyncset.done $0x0  }
0x4b: {  	[sflag:s16] =	ssyncadd.s32 $0xFFFF8000  }
0x4c: {  	_ =	swait.ge [sflag:s16], $0x8000  }
0x4d: {  	[sflag:s16] =	ssyncset.done $0x0  }
.LBB2_2:
0x4e: {  	[sflag:s16] =	ssyncadd.s32 $0xFFFF8000  }
0x4f: {  	_ =	sfence.sel $0x180000  }
0x50: {  	[bflag:$0x0] =	sbarrier.arrive $0xFFFF  }
0x51: {  	p0 =	sne.s32 s0, $0x0;
	_ =	strace $0x9000004D  }
0x52: {  	s0 =	sadd.s32 @!p0 $0x100000, s1;
	[bflag:$0x2] =	sbarrier.arrive $0xFFFF  }
0x53: {  	[sflag:s0] =	ssyncadd.tile.s32 @!p0 $0x1;
	_ =	shalt  }
.Lfunc_end2:
_tile_overlayer_lowered:
.L_overlay_start_2:
0x54: {  	(tag) =	ssettag $0x2  }
0x55: {  	s0 =	rddreg [dreg:$0x0];
	s2 =	stileid.u32  }
0x56: {  	s1 =	rddreg [dreg:$0x1];
	p0 =	sne.s32 s2, $0x0  }
0x57: {  	s3 =	rddreg [dreg:$0x2];
	[bflag:$0x3] =	sbarrier.arrive $0xFFFF;
	s2 =	simm.s32 @!p0 $0x1C03  }
0x58: {  	[timem:s3], [sflag:s2] =	dma.local @!p0 [hbm:s0], s1  }
0x59: {  	s0 =	simm.s32 @!p0 $0x3  }
0x5a: {  	_ =	swait.ge @!p0 [sflag:s0], s1  }
0x5b: {  	s1 =	ssub.s32 @!p0 $0x0, s1;
	[sflag:s0] =	ssyncset.done @!p0 $0x0  }
0x5c: {  	[sflag:s0] =	ssyncadd.s32 @!p0 s1  }
0x5d: {  	[bflag:$0x3] =	sbarrier.arrive $0xFFFF  }
0x5e: {  	_ =	shalt  }

// kernel: kernel.21.cloned.1.call-start
scs
__scs_entry_jumppad:
0x0: {  	(pc) =	sbr.rel $0x88, $3  }
0x1: {  	(tag) =	ssettag $0x0;
	lr =	simm.s32 $0x1  }
0x2: {  	[smem:$0x3F97] =	sst lr;
	_ =	strace $0xD0000000  }
0x3: {  	_ = 	snop  }
0x4: {  	_ = 	snop  }
0x5: {  	_ = 	snop  }
0x6: {  	_ = 	snop  }
0x7: {  	_ = 	snop  }
__scs_overlays_trampoline_lowered:
0x8: {  	[smem:$0x3FA6] =	sst s0  }
0x9: {  	[smem:$0x3FA7] =	sst s1  }
0xa: {  	[smem:$0x3FA8] =	sst s2  }
0xb: {  	[smem:$0x3FA9] =	sst s3  }
0xc: {  	[smem:$0x3FAA] =	sst s4  }
0xd: {  	[smem:$0x3FAB] =	sst s5  }
0xe: {  	[smem:$0x3FAC] =	sst s6  }
0xf: {  	[smem:$0x3FAD] =	sst s7  }
0x10: {  	[smem:$0x3FAE] =	sst s8  }
0x11: {  	[smem:$0x3FAF] =	sst s9;
	s0 =	simm.s32 @!p0 $0x0  }
0x12: {  	s1 =	sld [smem:$0x3F95];
	s0 =	simm.s32 @p0 $0x1  }
0x13: {  	[smem:$0x3FB0] =	sst s0;
	s0 =	simm.s32 @!p1 $0x0  }
0x14: {  	s2 =	sld [smem:$0x3F94];
	s0 =	simm.s32 @p1 $0x1  }
0x15: {  	[smem:$0x3FB1] =	sst s0;
	s0 =	simm.s32 @!p2 $0x0  }
0x16: {  	s3 =	sld [smem:$0x3FDB];
	s0 =	simm.s32 @p2 $0x1  }
0x17: {  	s4 =	simm.s32 $0x1BF5;
	[smem:$0x3FB3] =	sst s0  }
0x18: {  	s0 =	sld [smem:$0x3F96];
	_ =	swait.ge [sflag:s4], $0x0  }
0x19: {  	s7 =	sld [smem:$0x3F97]  }
0x1a: {  	s8 =	sadd.s32 $0xFFFFE003, lr  }
0x1b: {  	s9 =	sadd.s32 $0xFFFFFEF7, lr;
	s5 =	simm.s32 $0xFFFFFFFF;
	p2 =	slt.u32 s8, $0xFFFFF086  }
0x1c: {  	p1 =	slt.u32 s9, $0xF7A;
	s5 =	simm.s32 @!p2 $0x0  }
0x1d: {  	s5 =	simm.s32 @p1 $0x1;
	p0 =	seq.s32 s7, s2  }
0x1e: {  	s7 =	smul.u32 @!p0 $0xF7A, s2;
	p2 =	seq.s32 @!p0 s5, $0x0  }
0x1f: {  	s9 =	smul.u32 $0xF7A, s1;
	s8 =	simm.s32 @!p0 $0x1BF5;
	p2 =	por !p2, p0  }
0x20: {  	[sflag:s8] =	ssyncset.s32 @!p0 $0xFFFFF086;
	s6 =	sadd.s32 @!p0 s3, s7;
	s7 =	simm.s32 @!p0 $0x108  }
0x21: {  	s3 =	sadd.s32 s3, s9;
	s6 =	sadd.s32 @!p0 $0x88, s6;
	s7 =	simm.s32 @p2 $0x1082  }
0x22: {  	[simem:s7], [sflag:s8] =	dma.local @!p0 [hbm:s6], $0xF7A  }
0x23: {  	s9 =	sor.u32 $0xD0000000, s2;
	s6 =	simm.s32 $0x108;
	_ =	swait.ge @!p0 [sflag:s8], $0x0  }
0x24: {  	s3 =	sadd.s32 $0x88, s3;
	s6 =	simm.s32 @!p1 $0x1082;
	[sflag:s4] =	ssyncset.s32 $0xFFFFF086  }
0x25: {  	[simem:s6], [sflag:s4] =	dma.local [hbm:s3], $0xF7A  }
0x26: {  	[smem:$0x3F97] =	sst s1;
	(tag) =	ssettag s2;
	_ =	strace s9  }
0x27: {  	s1 =	sld [smem:$0x3FA7]  }
0x28: {  	s2 =	sld [smem:$0x3FA8]  }
0x29: {  	s4 =	sld [smem:$0x3FAA]  }
0x2a: {  	p0 =	seq.s32 s5, $0x0;
	s5 =	sld [smem:$0x3FAB]  }
0x2b: {  	s6 =	sld [smem:$0x3FAC]  }
0x2c: {  	s7 =	sld [smem:$0x3FAD]  }
0x2d: {  	s3 =	simm.s32 $0x108;
	s8 =	sld [smem:$0x3FAE]  }
0x2e: {  	s3 =	simm.s32 @!p0 $0x1082;
	s9 =	sld [smem:$0x3FAF]  }
0x2f: {  	lr =	sadd.s32 s0, s3;
	s0 =	sld [smem:$0x3FA6]  }
0x30: {  	s3 =	sld [smem:$0x3FA9]  }
0x31: {  	[smem:$0x3FB2] =	sst s10  }
0x32: {  	s10 =	sld [smem:$0x3FB0];
	_ =	sdelay $0x3  }
0x33: {  	p0 =	seq.s32 s10, $0x1;
	s10 =	sld [smem:$0x3FB2];
	_ =	sdelay $0x3  }
0x34: {  	[smem:$0x3FB2] =	sst s10  }
0x35: {  	s10 =	sld [smem:$0x3FB1];
	_ =	sdelay $0x3  }
0x36: {  	p1 =	seq.s32 s10, $0x1;
	s10 =	sld [smem:$0x3FB2];
	_ =	sdelay $0x3  }
0x37: {  	[smem:$0x3FB2] =	sst s10  }
0x38: {  	s10 =	sld [smem:$0x3FB3]  }
0x39: {  	_ = 	snop;
	(pc) =	sbr.ind lr, $3  }
0x3a: {  	_ = 	snop  }
0x3b: {  	_ = 	snop  }
0x3c: {  	p2 =	seq.s32 s10, $0x1;
	s10 =	sld [smem:$0x3FB2]  }
0x3d: {  	_ =	shalt  }
0x3e: {  	_ =	shalt  }
0x3f: {  	_ =	shalt  }
0x40: {  	_ =	shalt  }
0x41: {  	_ =	shalt  }
0x42: {  	_ =	shalt  }
0x43: {  	_ =	shalt  }
0x44: {  	_ =	shalt  }
0x45: {  	_ =	shalt  }
0x46: {  	_ =	shalt  }
0x47: {  	_ =	shalt  }
0x48: {  	_ =	shalt  }
0x49: {  	_ =	shalt  }
0x4a: {  	_ =	shalt  }
0x4b: {  	_ =	shalt  }
0x4c: {  	_ =	shalt  }
0x4d: {  	_ =	shalt  }
0x4e: {  	_ =	shalt  }
0x4f: {  	_ =	shalt  }
0x50: {  	_ =	shalt  }
0x51: {  	_ =	shalt  }
0x52: {  	_ =	shalt  }
0x53: {  	_ =	shalt  }
0x54: {  	_ =	shalt  }
0x55: {  	_ =	shalt  }
0x56: {  	_ =	shalt  }
0x57: {  	_ =	shalt  }
0x58: {  	_ =	shalt  }
0x59: {  	_ =	shalt  }
0x5a: {  	_ =	shalt  }
0x5b: {  	_ =	shalt  }
0x5c: {  	_ =	shalt  }
0x5d: {  	_ =	shalt  }
0x5e: {  	_ =	shalt  }
0x5f: {  	_ =	shalt  }
0x60: {  	_ =	shalt  }
0x61: {  	_ =	shalt  }
0x62: {  	_ =	shalt  }
0x63: {  	_ =	shalt  }
0x64: {  	_ =	shalt  }
0x65: {  	_ =	shalt  }
0x66: {  	_ =	shalt  }
0x67: {  	_ =	shalt  }
0x68: {  	_ =	shalt  }
0x69: {  	_ =	shalt  }
0x6a: {  	_ =	shalt  }
0x6b: {  	_ =	shalt  }
0x6c: {  	_ =	shalt  }
0x6d: {  	_ =	shalt  }
0x6e: {  	_ =	shalt  }
0x6f: {  	_ =	shalt  }
0x70: {  	_ =	shalt  }
0x71: {  	_ =	shalt  }
0x72: {  	_ =	shalt  }
0x73: {  	_ =	shalt  }
0x74: {  	_ =	shalt  }
0x75: {  	_ =	shalt  }
0x76: {  	_ =	shalt  }
0x77: {  	_ =	shalt  }
0x78: {  	_ =	shalt  }
0x79: {  	_ =	shalt  }
0x7a: {  	_ =	shalt  }
0x7b: {  	_ =	shalt  }
0x7c: {  	_ =	shalt  }
0x7d: {  	_ =	shalt  }
0x7e: {  	_ =	shalt  }
0x7f: {  	_ =	shalt  }
0x80: {  	_ =	shalt  }
0x81: {  	_ =	shalt  }
0x82: {  	_ =	shalt  }
0x83: {  	_ =	shalt  }
0x84: {  	_ =	shalt  }
0x85: {  	_ =	shalt  }
0x86: {  	_ =	shalt  }
0x87: {  	_ =	shalt  }
.Lfunc_end0:
.L_simem_size_0:
called_computation.2_lowered:
.L_overlay_start_0:
0x88: {  	s2 =	sld [smem:$0x3FD9]  }
0x89: {  	s3 =	sld [smem:$0x3FFE];
	_ =	sdelay $0x1  }
0x8a: {  	s1 =	srdreg.scid  }
0x8b: {  	s0 =	sand.u32 $0x1, s1  }
0x8c: {  	s17 =	sshll.u32 s0, $0xA;
	s2 =	sadd.s32 s3, s2  }
0x8d: {  	s2 =	sadd.s32 s2, s17  }
0x8e: {  	[smem:$0x3FBE] =	sst s2  }
0x8f: {  	_ = 	snop  }
0x90: {  	s18 =	sld [smem:$0x3FD0];
	(tm) =	ssettm $0x1  }
0x91: {  	s19 =	sld [smem:$0x3FFB];
	_ =	sdelay $0x3  }
0x92: {  	_ =	strace s19  }
0x93: {  	s2 =	sld [smem:$0x3FFC];
	_ =	sdelay $0x3  }
0x94: {  	_ =	strace s2  }
0x95: {  	s2 =	sld [smem:$0x3FFD];
	_ =	sdelay $0x3  }
0x96: {  	_ =	strace s2  }
0x97: {  	_ =	strace $0x8FFFFFFF  }
0x98: {  	s20 =	sld [smem:$0x3FDB];
	_ =	sdelay $0x1  }
0x99: {  	s4 =	simm.s32 $_scs_section_size  }
0x9a: {  	s5 =	simm.s32 $_size__tile_overlayer_lowered;
	s6 =	simm.s32 $_tile_overlayer_lowered  }
0x9b: {  	s7 =	simm.s32 $0x1BFF;
	s21 =	sshll.u32 s6, $0x1;
	s4 =	sadd.s32 s4, s20  }
0x9c: {  	s22 =	simm.s32 $0x0;
	s5 =	sshll.u32 s5, $0x1;
	s6 =	sadd.s32 s21, s4  }
0x9d: {  	[timem:s22], [sflag:s7] =	dma.local [hbm:s6], s5  }
0x9e: {  	_ =	swait.ge [sflag:s7], s5  }
0x9f: {  	s5 =	ssub.s32 $0x0, s5;
	[sflag:s7] =	ssyncset.done $0x0  }
0xa0: {  	[sflag:s7] =	ssyncadd.s32 s5;
	_ =	sdelay $0x1  }
0xa1: {  	s23 =	simm.s32 $0x1B8B  }
0xa2: {  	_ =	swait.ge [sflag:s23], $0x1  }
0xa3: {  	[sflag:s23] =	ssyncset.done $0x0  }
0xa4: {  	[sflag:s23] =	ssyncadd.s32 $0xFFFFFFFF  }
0xa5: {  	s5 =	sld [smem:$0x0]  }
0xa6: {  	s6 =	sand.u32 $0xFFFFFFFE, s1  }
0xa7: {  	p0 =	sne.s32 s1, s6  }
0xa8: {  	s6 =	sshll.u32 @p0 s6, $0xE  }
0xa9: {  	s6 =	sadd.s32 @p0 $0x11B8D, s6;
	s7 =	sshll.u32 @p0 s5, $0x11  }
0xaa: {  	s6 =	sor.u32 @p0 s7, s6  }
0xab: {  	[sflag:s6] =	ssyncadd.remote.s32 @p0 $0x1;
	_ =	sdelay $0x1  }
0xac: {  	s6 =	simm.s32 @p0 $0x1B8D  }
0xad: {  	_ =	swait.eq @p0 [sflag:s6], $0x1  }
0xae: {  	[sflag:s6] =	ssyncadd.s32 @p0 $0xFFFFFFFF  }
0xaf: {  	s7 =	sshll.u32 @!p0 s1, $0xE  }
0xb0: {  	s7 =	sor.u32 @!p0 $0x4000, s7;
	s6 =	simm.s32 @!p0 $0x1B8D  }
0xb1: {  	s5 =	sshll.u32 @!p0 s5, $0x11;
	s7 =	sadd.s32 @!p0 $0x11B8D, s7;
	_ =	swait.eq @!p0 [sflag:s6], $0x1  }
0xb2: {  	s5 =	sor.u32 @!p0 s5, s7;
	[sflag:s6] =	ssyncadd.s32 @!p0 $0xFFFFFFFF  }
0xb3: {  	s25 =	simm.s32 $0x1B8E;
	s24 =	sld [smem:$0x3FFE];
	[sflag:s5] =	ssyncadd.remote.s32 @!p0 $0x1  }
0xb4: {  	s26 =	simm.s32 $execute0_lowered;
	[smem:$0x3FD2] =	sst s25  }
0xb5: {  	s6 =	sshll.u32 s26, $0x1;
	_ =	strace $0x80000049;
	[dreg:$0x1] =	wrdreg $0xFFFFFFFF  }
0xb6: {  	s28 =	simm.s32 $_size_execute0_lowered;
	s4 =	sadd.s32 s4, s6;
	[dreg:$0x0] =	wrdreg $0x0  }
0xb7: {  	s6 =	sshll.u32 s28, $0x1;
	[dreg:$0x2] =	wrdreg s4  }
0xb8: {  	[dreg:$0x3] =	wrdreg s6  }
0xb9: {  	[dreg:$0x4] =	wrdreg $0xC0  }
0xba: {  	_ =	task [dreg:s22], $0x5FFFF  }
0xbb: {  	[dreg:$0x1] =	wrdreg $0xFFFFFFFF  }
0xbc: {  	[dreg:$0x0] =	wrdreg $0x60  }
0xbd: {  	[dreg:$0x2] =	wrdreg s18  }
0xbe: {  	[dreg:$0x3] =	wrdreg s24  }
0xbf: {  	[dreg:$0x4] =	wrdreg $0xA  }
0xc0: {  	_ =	task.clear_ibuf [dreg:s22], $0x5FFFF;
	_ =	strace $0x90000049  }
0xc1: {  	s29 =	simm.s32 $0xA;
	_ =	strace $0x8000004B  }
0xc2: {  	_ =	swait.ge [sflag:s29], $0x1  }
0xc3: {  	[sflag:s29] =	ssyncadd.s32 $0xFFFFFFFF  }
0xc4: {  	_ =	strace $0x9000004B  }
0xc5: {  	_ =	sfence  }
0xc6: {  	s30 =	sld [smem:$0x0];
	_ =	sdelay $0x2  }
0xc7: {  	s31 =	sshll.u32 s1, $0xD;
	s1 =	sshrl.u32 s1, $0x2  }
0xc8: {  	s4 =	sand.u32 $0x4000, s31;
	s1 =	sadd.s32 s1, s30  }
0xc9: {  	s0 =	sor.u32 s4, s0;
	s1 =	sshll.u32 s1, $0x11  }
0xca: {  	s0 =	sor.u32 s1, s0  }
0xcb: {  	s0 =	sadd.s32 $0x8F2B, s0  }
0xcc: {  	[sflag:s0] =	ssyncadd.remote.s32 $0x1  }
0xcd: {  	_ =	sfence.sel $0xFFFF  }
0xce: {  	[dreg:$0x0] =	wrdreg $0xFFFFFFFF;
	(pc) =	sbr.abs _section_cstart, $3  }
0xcf: {  	[dreg:$0x1] =	wrdreg $0xFFFFFFFF  }
0xd0: {  	_ =	task.clear_ibuf [dreg:s22], $0x2FFFF;
	_ =	strace $0x9FFFFFFF  }
0xd1: {  	(tm) =	ssettm $0x7FFFFFFF  }
tec
execute0_lowered:
.L_overlay_start_1:
0x0: {  	(tag) =	ssettag $0x1  }
0x1: {  	s1 =	srdreg.scid;
	s0 =	stileid.u32  }
0x2: {  	s8 =	rddreg [dreg:$0x0];
	s15 =	sand.u32 $0x1, s1;
	s3 =	sshll.u32 s0, $0x1  }
0x3: {  	s9 =	rddreg [dreg:$0x1];
	s10 =	sor.u32 s15, s3  }
0x4: {  	s2 =	simm.s32 $0x0;
	s4 =	simm.s32 $0x8000;
	s3 =	sshll.u32 s10, $0x5  }
0x5: {  	s5 =	simm.s32 $0x2;
	[smem:$0x7FF] =	sst s2;
	s6 =	sadd.s32 s3, s9  }
0x6: {  	s1 =	rddreg [dreg:$0x2];
	_ =	strace $0x8000004A;
	s3 =	sadd.s32 $0x65200, s6  }
0x7: {  	[tilespmem:s4], [sflag:$0x2] =	stream.linear.gather [hbm4b:s3+s2], $0x100, $0x38;
	[tilespmem:$0x8200] =	vst v63  }
0x8: {  	_ =	swait.ge [sflag:s5], $0x100  }
0x9: {  	[sflag:s5] =	ssyncset.done $0x0  }
0xa: {  	s7 =	simm.s32 $0x8100;
	s6 =	sadd.s32 $0x65600, s6;
	[sflag:s5] =	ssyncadd.s32 $0xFFFFFF00  }
0xb: {  	[tilespmem:s7], [sflag:$0x2] =	stream.linear.gather [hbm4b:s6+s2], $0x100, $0x38;
	[tilespmem:$0x8200] =	vst v63  }
0xc: {  	s10 =	sshll.u32 s10, $0xC;
	_ =	swait.ge [sflag:s5], $0x100  }
0xd: {  	s8 =	sadd.s32 s10, s8;
	[sflag:s5] =	ssyncset.done $0x0  }
0xe: {  	s8 =	sadd.s32 $0x20000, s8;
	[sflag:s5] =	ssyncadd.s32 $0xFFFFFF00  }
0xf: {  	[tilespmem:s2], [sflag:$0x2] =	stream.linear.gather [hbm4b:s8+s2], $0x8000, $0x38;
	[tilespmem:$0x8200] =	vst v63  }
0x10: {  	_ =	swait.ge [sflag:s5], $0x8000  }
0x11: {  	[sflag:s5] =	ssyncset.done $0x0  }
0x12: {  	s9 =	sadd.s32 $0x65A00, s9;
	s10 =	simm.s32 $0x80;
	[sflag:s5] =	ssyncadd.s32 $0xFFFF8000  }
0x13: {  	[hbm4b:s9+s10] =	stream.indirect.scatter [tilespmem:s2], [sflag:$0x1], $0x80, s4, s10, $0xb8;
	[tilespmem:$0x8200] =	vst v63  }
0x14: {  	_ = 	snop  }
0x15: {  	[hbm4b:s9+s10] =	stream.indirect.scatter [tilespmem:s2], [sflag:$0x1], $0x80, s7, s10, $0xb8;
	[tilespmem:$0x8200] =	vst v63  }
0x16: {  	s11 =	simm.s32 $0x8080;
	s12 =	simm.s32 $0x4000  }
0x17: {  	[hbm4b:s9+s10] =	stream.indirect.scatter [tilespmem:s12], [sflag:$0x1], $0x80, s11, s10, $0xb8;
	[tilespmem:$0x8200] =	vst v63  }
0x18: {  	s14 =	simm.s32 $0x8180;
	s13 =	simm.s32 $0x1  }
0x19: {  	[hbm4b:s9+s10] =	stream.indirect.scatter [tilespmem:s12], [sflag:$0x1], $0x80, s14, s10, $0xb8;
	[tilespmem:$0x8200] =	vst v63  }
0x1a: {  	_ =	swait.ge [sflag:s13], $0x4000  }
0x1b: {  	s15 =	ssub.s32 $0x2, s15;
	[sflag:s13] =	ssyncset.done $0x0  }
0x1c: {  	s16 =	sshrl.u32 s15, $0x1;
	[sflag:s13] =	ssyncadd.s32 $0xFFFFC000  }
0x1d: {  	s15 =	ssub.s32 s15, s16;
	_ =	swait.ge [sflag:s13], $0x4000  }
0x1e: {  	s15 =	smax.u32 s15, $0x1;
	[sflag:s13] =	ssyncset.done $0x0  }
0x1f: {  	p0 =	sne.s32 s15, $0x1;
	[sflag:s13] =	ssyncadd.s32 $0xFFFFC000  }
.Ltmp0:
0x20: {  	_ =	swait.ge [sflag:s13], $0x4000;
	(pc) =	sbr.rel @!p0 .LBB2_2-.Ltmp0, $4  }
0x21: {  	[sflag:s13] =	ssyncset.done $0x0  }
0x22: {  	[sflag:s13] =	ssyncadd.s32 $0xFFFFC000  }
0x23: {  	_ =	swait.ge [sflag:s13], $0x4000  }
0x24: {  	s15 =	sadd.s32 $0xFFFFFFFF, s15;
	[sflag:s13] =	ssyncset.done $0x0  }
.LBB2_1:
0x25: {  	p0 =	sne.s32 s15, $0x1;
	s15 =	sadd.s32 $0xFFFFFFFF, s15;
	[sflag:s13] =	ssyncadd.s32 $0xFFFFC000  }
0x26: {  	[tilespmem:s4], [sflag:$0x2] =	stream.linear.gather [hbm4b:s3+s2], $0x100, $0x38;
	[tilespmem:$0x8200] =	vst v63  }
0x27: {  	_ =	swait.ge [sflag:s5], $0x100  }
0x28: {  	[sflag:s5] =	ssyncset.done $0x0  }
0x29: {  	[sflag:s5] =	ssyncadd.s32 $0xFFFFFF00  }
0x2a: {  	[tilespmem:s7], [sflag:$0x2] =	stream.linear.gather [hbm4b:s6+s2], $0x100, $0x38;
	[tilespmem:$0x8200] =	vst v63  }
0x2b: {  	_ =	swait.ge [sflag:s5], $0x100  }
0x2c: {  	[sflag:s5] =	ssyncset.done $0x0  }
0x2d: {  	[sflag:s5] =	ssyncadd.s32 $0xFFFFFF00  }
0x2e: {  	[tilespmem:s2], [sflag:$0x2] =	stream.linear.gather [hbm4b:s8+s2], $0x8000, $0x38;
	[tilespmem:$0x8200] =	vst v63  }
0x2f: {  	_ =	swait.ge [sflag:s5], $0x8000  }
0x30: {  	[sflag:s5] =	ssyncset.done $0x0  }
0x31: {  	[sflag:s5] =	ssyncadd.s32 $0xFFFF8000  }
0x32: {  	[hbm4b:s9+s10] =	stream.indirect.scatter [tilespmem:s2], [sflag:$0x1], $0x80, s4, s10, $0xb8;
	[tilespmem:$0x8200] =	vst v63  }
0x33: {  	_ = 	snop  }
0x34: {  	[hbm4b:s9+s10] =	stream.indirect.scatter [tilespmem:s2], [sflag:$0x1], $0x80, s7, s10, $0xb8;
	[tilespmem:$0x8200] =	vst v63  }
0x35: {  	_ = 	snop  }
0x36: {  	[hbm4b:s9+s10] =	stream.indirect.scatter [tilespmem:s12], [sflag:$0x1], $0x80, s11, s10, $0xb8;
	[tilespmem:$0x8200] =	vst v63  }
0x37: {  	_ = 	snop  }
0x38: {  	[hbm4b:s9+s10] =	stream.indirect.scatter [tilespmem:s12], [sflag:$0x1], $0x80, s14, s10, $0xb8;
	[tilespmem:$0x8200] =	vst v63  }
0x39: {  	_ =	swait.ge [sflag:s13], $0x4000  }
0x3a: {  	[sflag:s13] =	ssyncset.done $0x0  }
0x3b: {  	[sflag:s13] =	ssyncadd.s32 $0xFFFFC000  }
0x3c: {  	_ =	swait.ge [sflag:s13], $0x4000  }
0x3d: {  	[sflag:s13] =	ssyncset.done $0x0  }
0x3e: {  	[sflag:s13] =	ssyncadd.s32 $0xFFFFC000  }
.Ltmp1:
0x3f: {  	_ =	swait.ge [sflag:s13], $0x4000;
	(pc) =	sbr.rel @p0 .LBB2_1-.Ltmp1, $4  }
0x40: {  	[sflag:s13] =	ssyncset.done $0x0  }
0x41: {  	[sflag:s13] =	ssyncadd.s32 $0xFFFFC000  }
0x42: {  	_ =	swait.ge [sflag:s13], $0x4000  }
0x43: {  	[sflag:s13] =	ssyncset.done $0x0  }
.LBB2_2:
0x44: {  	[sflag:s13] =	ssyncadd.s32 $0xFFFFC000  }
0x45: {  	_ =	sfence.sel $0x180000  }
0x46: {  	[bflag:$0x0] =	sbarrier.arrive $0xFFFF  }
0x47: {  	p0 =	sne.s32 s0, $0x0;
	_ =	strace $0x9000004A  }
0x48: {  	s0 =	sadd.s32 @!p0 $0x100000, s1;
	[bflag:$0x2] =	sbarrier.arrive $0xFFFF  }
0x49: {  	[sflag:s0] =	ssyncadd.tile.s32 @!p0 $0x1;
	_ =	shalt  }
.Lfunc_end2:
_tile_overlayer_lowered:
.L_overlay_start_2:
0x4a: {  	(tag) =	ssettag $0x2  }
0x4b: {  	s0 =	rddreg [dreg:$0x0];
	s2 =	stileid.u32  }
0x4c: {  	s1 =	rddreg [dreg:$0x1];
	p0 =	sne.s32 s2, $0x0  }
0x4d: {  	s3 =	rddreg [dreg:$0x2];
	[bflag:$0x3] =	sbarrier.arrive $0xFFFF;
	s2 =	simm.s32 @!p0 $0x1C02  }
0x4e: {  	[timem:s3], [sflag:s2] =	dma.local @!p0 [hbm:s0], s1  }
0x4f: {  	s0 =	simm.s32 @!p0 $0x2  }
0x50: {  	_ =	swait.ge @!p0 [sflag:s0], s1  }
0x51: {  	s1 =	ssub.s32 @!p0 $0x0, s1;
	[sflag:s0] =	ssyncset.done @!p0 $0x0  }
0x52: {  	[sflag:s0] =	ssyncadd.s32 @!p0 s1  }
0x53: {  	[bflag:$0x3] =	sbarrier.arrive $0xFFFF  }
0x54: {  	_ =	shalt  }

// kernel: kernel.24.cloned.1.call-start
scs
__scs_entry_jumppad:
0x0: {  	(pc) =	sbr.rel $0x88, $3  }
0x1: {  	(tag) =	ssettag $0x0;
	lr =	simm.s32 $0x1  }
0x2: {  	[smem:$0x3F97] =	sst lr;
	_ =	strace $0xD0000000  }
0x3: {  	_ = 	snop  }
0x4: {  	_ = 	snop  }
0x5: {  	_ = 	snop  }
0x6: {  	_ = 	snop  }
0x7: {  	_ = 	snop  }
__scs_overlays_trampoline_lowered:
0x8: {  	[smem:$0x3FA6] =	sst s0  }
0x9: {  	[smem:$0x3FA7] =	sst s1  }
0xa: {  	[smem:$0x3FA8] =	sst s2  }
0xb: {  	[smem:$0x3FA9] =	sst s3  }
0xc: {  	[smem:$0x3FAA] =	sst s4  }
0xd: {  	[smem:$0x3FAB] =	sst s5  }
0xe: {  	[smem:$0x3FAC] =	sst s6  }
0xf: {  	[smem:$0x3FAD] =	sst s7  }
0x10: {  	[smem:$0x3FAE] =	sst s8  }
0x11: {  	[smem:$0x3FAF] =	sst s9;
	s0 =	simm.s32 @!p0 $0x0  }
0x12: {  	s1 =	sld [smem:$0x3F95];
	s0 =	simm.s32 @p0 $0x1  }
0x13: {  	[smem:$0x3FB0] =	sst s0;
	s0 =	simm.s32 @!p1 $0x0  }
0x14: {  	s2 =	sld [smem:$0x3F94];
	s0 =	simm.s32 @p1 $0x1  }
0x15: {  	[smem:$0x3FB1] =	sst s0;
	s0 =	simm.s32 @!p2 $0x0  }
0x16: {  	s3 =	sld [smem:$0x3FDB];
	s0 =	simm.s32 @p2 $0x1  }
0x17: {  	s4 =	simm.s32 $0x1BF5;
	[smem:$0x3FB3] =	sst s0  }
0x18: {  	s0 =	sld [smem:$0x3F96];
	_ =	swait.ge [sflag:s4], $0x0  }
0x19: {  	s7 =	sld [smem:$0x3F97]  }
0x1a: {  	s8 =	sadd.s32 $0xFFFFE003, lr  }
0x1b: {  	s9 =	sadd.s32 $0xFFFFFEF7, lr;
	s5 =	simm.s32 $0xFFFFFFFF;
	p2 =	slt.u32 s8, $0xFFFFF086  }
0x1c: {  	p1 =	slt.u32 s9, $0xF7A;
	s5 =	simm.s32 @!p2 $0x0  }
0x1d: {  	s5 =	simm.s32 @p1 $0x1;
	p0 =	seq.s32 s7, s2  }
0x1e: {  	s7 =	smul.u32 @!p0 $0xF7A, s2;
	p2 =	seq.s32 @!p0 s5, $0x0  }
0x1f: {  	s9 =	smul.u32 $0xF7A, s1;
	s8 =	simm.s32 @!p0 $0x1BF5;
	p2 =	por !p2, p0  }
0x20: {  	[sflag:s8] =	ssyncset.s32 @!p0 $0xFFFFF086;
	s6 =	sadd.s32 @!p0 s3, s7;
	s7 =	simm.s32 @!p0 $0x108  }
0x21: {  	s3 =	sadd.s32 s3, s9;
	s6 =	sadd.s32 @!p0 $0x88, s6;
	s7 =	simm.s32 @p2 $0x1082  }
0x22: {  	[simem:s7], [sflag:s8] =	dma.local @!p0 [hbm:s6], $0xF7A  }
0x23: {  	s9 =	sor.u32 $0xD0000000, s2;
	s6 =	simm.s32 $0x108;
	_ =	swait.ge @!p0 [sflag:s8], $0x0  }
0x24: {  	s3 =	sadd.s32 $0x88, s3;
	s6 =	simm.s32 @!p1 $0x1082;
	[sflag:s4] =	ssyncset.s32 $0xFFFFF086  }
0x25: {  	[simem:s6], [sflag:s4] =	dma.local [hbm:s3], $0xF7A  }
0x26: {  	[smem:$0x3F97] =	sst s1;
	(tag) =	ssettag s2;
	_ =	strace s9  }
0x27: {  	s1 =	sld [smem:$0x3FA7]  }
0x28: {  	s2 =	sld [smem:$0x3FA8]  }
0x29: {  	s4 =	sld [smem:$0x3FAA]  }
0x2a: {  	p0 =	seq.s32 s5, $0x0;
	s5 =	sld [smem:$0x3FAB]  }
0x2b: {  	s6 =	sld [smem:$0x3FAC]  }
0x2c: {  	s7 =	sld [smem:$0x3FAD]  }
0x2d: {  	s3 =	simm.s32 $0x108;
	s8 =	sld [smem:$0x3FAE]  }
0x2e: {  	s3 =	simm.s32 @!p0 $0x1082;
	s9 =	sld [smem:$0x3FAF]  }
0x2f: {  	lr =	sadd.s32 s0, s3;
	s0 =	sld [smem:$0x3FA6]  }
0x30: {  	s3 =	sld [smem:$0x3FA9]  }
0x31: {  	[smem:$0x3FB2] =	sst s10  }
0x32: {  	s10 =	sld [smem:$0x3FB0];
	_ =	sdelay $0x3  }
0x33: {  	p0 =	seq.s32 s10, $0x1;
	s10 =	sld [smem:$0x3FB2];
	_ =	sdelay $0x3  }
0x34: {  	[smem:$0x3FB2] =	sst s10  }
0x35: {  	s10 =	sld [smem:$0x3FB1];
	_ =	sdelay $0x3  }
0x36: {  	p1 =	seq.s32 s10, $0x1;
	s10 =	sld [smem:$0x3FB2];
	_ =	sdelay $0x3  }
0x37: {  	[smem:$0x3FB2] =	sst s10  }
0x38: {  	s10 =	sld [smem:$0x3FB3]  }
0x39: {  	_ = 	snop;
	(pc) =	sbr.ind lr, $3  }
0x3a: {  	_ = 	snop  }
0x3b: {  	_ = 	snop  }
0x3c: {  	p2 =	seq.s32 s10, $0x1;
	s10 =	sld [smem:$0x3FB2]  }
0x3d: {  	_ =	shalt  }
0x3e: {  	_ =	shalt  }
0x3f: {  	_ =	shalt  }
0x40: {  	_ =	shalt  }
0x41: {  	_ =	shalt  }
0x42: {  	_ =	shalt  }
0x43: {  	_ =	shalt  }
0x44: {  	_ =	shalt  }
0x45: {  	_ =	shalt  }
0x46: {  	_ =	shalt  }
0x47: {  	_ =	shalt  }
0x48: {  	_ =	shalt  }
0x49: {  	_ =	shalt  }
0x4a: {  	_ =	shalt  }
0x4b: {  	_ =	shalt  }
0x4c: {  	_ =	shalt  }
0x4d: {  	_ =	shalt  }
0x4e: {  	_ =	shalt  }
0x4f: {  	_ =	shalt  }
0x50: {  	_ =	shalt  }
0x51: {  	_ =	shalt  }
0x52: {  	_ =	shalt  }
0x53: {  	_ =	shalt  }
0x54: {  	_ =	shalt  }
0x55: {  	_ =	shalt  }
0x56: {  	_ =	shalt  }
0x57: {  	_ =	shalt  }
0x58: {  	_ =	shalt  }
0x59: {  	_ =	shalt  }
0x5a: {  	_ =	shalt  }
0x5b: {  	_ =	shalt  }
0x5c: {  	_ =	shalt  }
0x5d: {  	_ =	shalt  }
0x5e: {  	_ =	shalt  }
0x5f: {  	_ =	shalt  }
0x60: {  	_ =	shalt  }
0x61: {  	_ =	shalt  }
0x62: {  	_ =	shalt  }
0x63: {  	_ =	shalt  }
0x64: {  	_ =	shalt  }
0x65: {  	_ =	shalt  }
0x66: {  	_ =	shalt  }
0x67: {  	_ =	shalt  }
0x68: {  	_ =	shalt  }
0x69: {  	_ =	shalt  }
0x6a: {  	_ =	shalt  }
0x6b: {  	_ =	shalt  }
0x6c: {  	_ =	shalt  }
0x6d: {  	_ =	shalt  }
0x6e: {  	_ =	shalt  }
0x6f: {  	_ =	shalt  }
0x70: {  	_ =	shalt  }
0x71: {  	_ =	shalt  }
0x72: {  	_ =	shalt  }
0x73: {  	_ =	shalt  }
0x74: {  	_ =	shalt  }
0x75: {  	_ =	shalt  }
0x76: {  	_ =	shalt  }
0x77: {  	_ =	shalt  }
0x78: {  	_ =	shalt  }
0x79: {  	_ =	shalt  }
0x7a: {  	_ =	shalt  }
0x7b: {  	_ =	shalt  }
0x7c: {  	_ =	shalt  }
0x7d: {  	_ =	shalt  }
0x7e: {  	_ =	shalt  }
0x7f: {  	_ =	shalt  }
0x80: {  	_ =	shalt  }
0x81: {  	_ =	shalt  }
0x82: {  	_ =	shalt  }
0x83: {  	_ =	shalt  }
0x84: {  	_ =	shalt  }
0x85: {  	_ =	shalt  }
0x86: {  	_ =	shalt  }
0x87: {  	_ =	shalt  }
.Lfunc_end0:
.L_simem_size_0:
called_computation.3_lowered:
.L_overlay_start_0:
0x88: {  	s2 =	sld [smem:$0x3FD9]  }
0x89: {  	s3 =	sld [smem:$0x3FFE];
	_ =	sdelay $0x1  }
0x8a: {  	s1 =	srdreg.scid  }
0x8b: {  	s0 =	sand.u32 $0x1, s1  }
0x8c: {  	s17 =	sshll.u32 s0, $0xA;
	s2 =	sadd.s32 s3, s2  }
0x8d: {  	s2 =	sadd.s32 s2, s17  }
0x8e: {  	[smem:$0x3FBE] =	sst s2  }
0x8f: {  	_ = 	snop  }
0x90: {  	(tm) =	ssettm $0x1  }
0x91: {  	s18 =	sld [smem:$0x3FFB];
	_ =	sdelay $0x3  }
0x92: {  	_ =	strace s18  }
0x93: {  	s2 =	sld [smem:$0x3FFC];
	_ =	sdelay $0x3  }
0x94: {  	_ =	strace s2  }
0x95: {  	s2 =	sld [smem:$0x3FFD];
	_ =	sdelay $0x3  }
0x96: {  	_ =	strace s2  }
0x97: {  	_ =	strace $0x8FFFFFFF  }
0x98: {  	s19 =	sld [smem:$0x3FDB];
	_ =	sdelay $0x1  }
0x99: {  	s20 =	simm.s32 $_scs_section_size  }
0x9a: {  	s4 =	simm.s32 $_size__tile_overlayer_lowered;
	s5 =	simm.s32 $_tile_overlayer_lowered  }
0x9b: {  	s6 =	simm.s32 $0x1BFF;
	s21 =	sshll.u32 s5, $0x1;
	s3 =	sadd.s32 s20, s19  }
0x9c: {  	s22 =	simm.s32 $0x0;
	s4 =	sshll.u32 s4, $0x1;
	s5 =	sadd.s32 s21, s3  }
0x9d: {  	[timem:s22], [sflag:s6] =	dma.local [hbm:s5], s4  }
0x9e: {  	_ =	swait.ge [sflag:s6], s4  }
0x9f: {  	s4 =	ssub.s32 $0x0, s4;
	[sflag:s6] =	ssyncset.done $0x0  }
0xa0: {  	[sflag:s6] =	ssyncadd.s32 s4;
	_ =	sdelay $0x1  }
0xa1: {  	s23 =	simm.s32 $0x1B8B  }
0xa2: {  	_ =	swait.ge [sflag:s23], $0x1  }
0xa3: {  	[sflag:s23] =	ssyncset.done $0x0  }
0xa4: {  	[sflag:s23] =	ssyncadd.s32 $0xFFFFFFFF  }
0xa5: {  	s4 =	sld [smem:$0x0]  }
0xa6: {  	s5 =	sand.u32 $0xFFFFFFFE, s1  }
0xa7: {  	p0 =	sne.s32 s1, s5  }
0xa8: {  	s5 =	sshll.u32 @p0 s5, $0xE  }
0xa9: {  	s5 =	sadd.s32 @p0 $0x11B8D, s5;
	s6 =	sshll.u32 @p0 s4, $0x11  }
0xaa: {  	s5 =	sor.u32 @p0 s6, s5  }
0xab: {  	[sflag:s5] =	ssyncadd.remote.s32 @p0 $0x1;
	_ =	sdelay $0x1  }
0xac: {  	s5 =	simm.s32 @p0 $0x1B8D  }
0xad: {  	_ =	swait.eq @p0 [sflag:s5], $0x1  }
0xae: {  	[sflag:s5] =	ssyncadd.s32 @p0 $0xFFFFFFFF  }
0xaf: {  	s6 =	sshll.u32 @!p0 s1, $0xE  }
0xb0: {  	s6 =	sor.u32 @!p0 $0x4000, s6;
	s5 =	simm.s32 @!p0 $0x1B8D  }
0xb1: {  	s4 =	sshll.u32 @!p0 s4, $0x11;
	s6 =	sadd.s32 @!p0 $0x11B8D, s6;
	_ =	swait.eq @!p0 [sflag:s5], $0x1  }
0xb2: {  	s4 =	sor.u32 @!p0 s4, s6;
	[sflag:s5] =	ssyncadd.s32 @!p0 $0xFFFFFFFF  }
0xb3: {  	s25 =	simm.s32 $0x1B8E;
	s24 =	sld [smem:$0x3FFE];
	[sflag:s4] =	ssyncadd.remote.s32 @!p0 $0x1  }
0xb4: {  	s26 =	simm.s32 $execute0_lowered;
	[smem:$0x3FD2] =	sst s25  }
0xb5: {  	s5 =	sshll.u32 s26, $0x1;
	_ =	strace $0x8000004F;
	[dreg:$0x1] =	wrdreg $0xFFFFFFFF  }
0xb6: {  	s28 =	simm.s32 $_size_execute0_lowered;
	s3 =	sadd.s32 s3, s5;
	[dreg:$0x0] =	wrdreg $0x0  }
0xb7: {  	s5 =	sshll.u32 s28, $0x1;
	[dreg:$0x2] =	wrdreg s3  }
0xb8: {  	[dreg:$0x3] =	wrdreg s5  }
0xb9: {  	[dreg:$0x4] =	wrdreg $0xC0  }
0xba: {  	_ =	task [dreg:s22], $0x5FFFF  }
0xbb: {  	[dreg:$0x1] =	wrdreg $0xFFFFFFFF  }
0xbc: {  	[dreg:$0x0] =	wrdreg $0x60  }
0xbd: {  	[dreg:$0x2] =	wrdreg s24  }
0xbe: {  	[dreg:$0x3] =	wrdreg $0xA  }
0xbf: {  	_ =	task.clear_ibuf [dreg:s22], $0x4FFFF;
	_ =	strace $0x9000004F  }
0xc0: {  	s29 =	simm.s32 $0xA;
	_ =	strace $0x80000051  }
0xc1: {  	_ =	swait.ge [sflag:s29], $0x1  }
0xc2: {  	[sflag:s29] =	ssyncadd.s32 $0xFFFFFFFF  }
0xc3: {  	_ =	strace $0x90000051  }
0xc4: {  	_ =	sfence  }
0xc5: {  	s30 =	sld [smem:$0x0];
	_ =	sdelay $0x2  }
0xc6: {  	s31 =	sshll.u32 s1, $0xD;
	s1 =	sshrl.u32 s1, $0x2  }
0xc7: {  	s4 =	sand.u32 $0x4000, s31;
	s1 =	sadd.s32 s1, s30  }
0xc8: {  	s0 =	sor.u32 s4, s0;
	s1 =	sshll.u32 s1, $0x11  }
0xc9: {  	s0 =	sor.u32 s1, s0  }
0xca: {  	s0 =	sadd.s32 $0x8F2B, s0  }
0xcb: {  	[sflag:s0] =	ssyncadd.remote.s32 $0x1  }
0xcc: {  	_ =	sfence.sel $0xFFFF  }
0xcd: {  	[dreg:$0x0] =	wrdreg $0xFFFFFFFF;
	(pc) =	sbr.abs _section_cstart, $3  }
0xce: {  	[dreg:$0x1] =	wrdreg $0xFFFFFFFF  }
0xcf: {  	_ =	task.clear_ibuf [dreg:s22], $0x2FFFF;
	_ =	strace $0x9FFFFFFF  }
0xd0: {  	(tm) =	ssettm $0x7FFFFFFF  }
0xd1: {  	_ =	shalt  }
tec
execute0_lowered:
.L_overlay_start_1:
0x0: {  	(tag) =	ssettag $0x1  }
0x1: {  	s1 =	srdreg.scid;
	s0 =	stileid.u32  }
0x2: {  	s16 =	sand.u32 $0x1, s1;
	s31 =	sshll.u32 s0, $0x1  }
0x3: {  	s17 =	sor.u32 s16, s31  }
0x4: {  	s15 =	rddreg [dreg:$0x0];
	s2 =	simm.s32 $0x0;
	s3 =	sshll.u32 s17, $0x5  }
0x5: {  	s4 =	simm.s32 $0x3;
	[smem:$0x7FF] =	sst s2;
	s5 =	sadd.s32 s3, s15  }
0x6: {  	s1 =	rddreg [dreg:$0x1];
	_ =	strace $0x80000050;
	s3 =	sadd.s32 $0x65200, s5  }
0x7: {  	[tilespmem:s2], [sflag:$0x3] =	stream.linear.gather [hbm4b:s3+s2], $0x100, $0x38;
	[tilespmem:$0x10200] =	vst v63  }
0x8: {  	_ =	swait.ge [sflag:s4], $0x100  }
0x9: {  	[sflag:s4] =	ssyncset.done $0x0  }
0xa: {  	s6 =	simm.s32 $0x100;
	s5 =	sadd.s32 $0x65600, s5;
	[sflag:s4] =	ssyncadd.s32 $0xFFFFFF00  }
0xb: {  	[tilespmem:s6], [sflag:$0x3] =	stream.linear.gather [hbm4b:s5+s2], $0x100, $0x38;
	[tilespmem:$0x10200] =	vst v63  }
0xc: {  	_ =	swait.ge [sflag:s4], $0x100  }
0xd: {  	s8 =	simm.s32 $0x80;
	[sflag:s4] =	ssyncset.done $0x0  }
0xe: {  	s9 =	simm.s32 $0x200;
	s7 =	sadd.s32 $0x65A00, s15;
	[sflag:s4] =	ssyncadd.s32 $0xFFFFFF00  }
0xf: {  	[tilespmem:s9], [sflag:$0x1] =	stream.indirect.gather [hbm4b:s7+s8], $0x80, s2, s8, $0xb8;
	[tilespmem:$0x10200] =	vst v63  }
0x10: {  	s10 =	simm.s32 $0x8200  }
0x11: {  	[tilespmem:s10], [sflag:$0x1] =	stream.indirect.gather [hbm4b:s7+s8], $0x80, s6, s8, $0xb8;
	[tilespmem:$0x10200] =	vst v63  }
0x12: {  	s11 =	simm.s32 $0x4200  }
0x13: {  	[tilespmem:s11], [sflag:$0x1] =	stream.indirect.gather [hbm4b:s7+s8], $0x80, s8, s8, $0xb8;
	[tilespmem:$0x10200] =	vst v63  }
0x14: {  	s12 =	simm.s32 $0x180;
	s13 =	simm.s32 $0xC200;
	s14 =	simm.s32 $0x1  }
0x15: {  	[tilespmem:s13], [sflag:$0x1] =	stream.indirect.gather [hbm4b:s7+s8], $0x80, s12, s8, $0xb8;
	[tilespmem:$0x10200] =	vst v63  }
0x16: {  	_ =	swait.ge [sflag:s14], $0x4000  }
0x17: {  	[sflag:s14] =	ssyncset.done $0x0  }
0x18: {  	[sflag:s14] =	ssyncadd.s32 $0xFFFFC000  }
0x19: {  	_ =	swait.ge [sflag:s14], $0x4000  }
0x1a: {  	[sflag:s14] =	ssyncset.done $0x0  }
0x1b: {  	[sflag:s14] =	ssyncadd.s32 $0xFFFFC000  }
0x1c: {  	_ =	swait.ge [sflag:s14], $0x4000  }
0x1d: {  	[sflag:s14] =	ssyncset.done $0x0  }
0x1e: {  	s18 =	ssub.s32 $0x2, s16;
	[sflag:s14] =	ssyncadd.s32 $0xFFFFC000  }
0x1f: {  	s17 =	sshll.u32 s17, $0xC;
	s19 =	sshrl.u32 s18, $0x1;
	_ =	swait.ge [sflag:s14], $0x4000  }
0x20: {  	s17 =	sadd.s32 s17, s15;
	s18 =	ssub.s32 s18, s19;
	[sflag:s14] =	ssyncset.done $0x0  }
0x21: {  	s15 =	sadd.s32 $0x105A00, s17;
	s18 =	smax.u32 s18, $0x1;
	[sflag:s14] =	ssyncadd.s32 $0xFFFFC000  }
0x22: {  	[hbm4b:s15+s2] =	stream.linear.scatter [tilespmem:s9], [sflag:$0x2], $0x8000, $0x38;
	[tilespmem:$0x10200] =	vst v63  }
0x23: {  	s16 =	simm.s32 $0x2;
	s17 =	sadd.s32 $0x125A00, s17;
	p0 =	sne.s32 s18, $0x1  }
0x24: {  	[hbm4b:s17+s2] =	stream.linear.scatter [tilespmem:s10], [sflag:$0x2], $0x8000, $0x38;
	[tilespmem:$0x10200] =	vst v63  }
.Ltmp0:
0x25: {  	_ =	swait.ge [sflag:s16], $0x8000;
	(pc) =	sbr.rel @!p0 .LBB2_2-.Ltmp0, $4  }
0x26: {  	[sflag:s16] =	ssyncset.done $0x0  }
0x27: {  	[sflag:s16] =	ssyncadd.s32 $0xFFFF8000  }
0x28: {  	_ =	swait.ge [sflag:s16], $0x8000  }
0x29: {  	s18 =	sadd.s32 $0xFFFFFFFF, s18;
	[sflag:s16] =	ssyncset.done $0x0  }
.LBB2_1:
0x2a: {  	p0 =	sne.s32 s18, $0x1;
	s18 =	sadd.s32 $0xFFFFFFFF, s18;
	[sflag:s16] =	ssyncadd.s32 $0xFFFF8000  }
0x2b: {  	[tilespmem:s2], [sflag:$0x3] =	stream.linear.gather [hbm4b:s3+s2], $0x100, $0x38;
	[tilespmem:$0x10200] =	vst v63  }
0x2c: {  	_ =	swait.ge [sflag:s4], $0x100  }
0x2d: {  	[sflag:s4] =	ssyncset.done $0x0  }
0x2e: {  	[sflag:s4] =	ssyncadd.s32 $0xFFFFFF00  }
0x2f: {  	[tilespmem:s6], [sflag:$0x3] =	stream.linear.gather [hbm4b:s5+s2], $0x100, $0x38;
	[tilespmem:$0x10200] =	vst v63  }
0x30: {  	_ =	swait.ge [sflag:s4], $0x100  }
0x31: {  	[sflag:s4] =	ssyncset.done $0x0  }
0x32: {  	[sflag:s4] =	ssyncadd.s32 $0xFFFFFF00  }
0x33: {  	[tilespmem:s9], [sflag:$0x1] =	stream.indirect.gather [hbm4b:s7+s8], $0x80, s2, s8, $0xb8;
	[tilespmem:$0x10200] =	vst v63  }
0x34: {  	_ = 	snop  }
0x35: {  	[tilespmem:s10], [sflag:$0x1] =	stream.indirect.gather [hbm4b:s7+s8], $0x80, s6, s8, $0xb8;
	[tilespmem:$0x10200] =	vst v63  }
0x36: {  	_ = 	snop  }
0x37: {  	[tilespmem:s11], [sflag:$0x1] =	stream.indirect.gather [hbm4b:s7+s8], $0x80, s8, s8, $0xb8;
	[tilespmem:$0x10200] =	vst v63  }
0x38: {  	_ = 	snop  }
0x39: {  	[tilespmem:s13], [sflag:$0x1] =	stream.indirect.gather [hbm4b:s7+s8], $0x80, s12, s8, $0xb8;
	[tilespmem:$0x10200] =	vst v63  }
0x3a: {  	_ =	swait.ge [sflag:s14], $0x4000  }
0x3b: {  	[sflag:s14] =	ssyncset.done $0x0  }
0x3c: {  	[sflag:s14] =	ssyncadd.s32 $0xFFFFC000  }
0x3d: {  	_ =	swait.ge [sflag:s14], $0x4000  }
0x3e: {  	[sflag:s14] =	ssyncset.done $0x0  }
0x3f: {  	[sflag:s14] =	ssyncadd.s32 $0xFFFFC000  }
0x40: {  	_ =	swait.ge [sflag:s14], $0x4000  }
0x41: {  	[sflag:s14] =	ssyncset.done $0x0  }
0x42: {  	[sflag:s14] =	ssyncadd.s32 $0xFFFFC000  }
0x43: {  	_ =	swait.ge [sflag:s14], $0x4000  }
0x44: {  	[sflag:s14] =	ssyncset.done $0x0  }
0x45: {  	[sflag:s14] =	ssyncadd.s32 $0xFFFFC000  }
0x46: {  	[hbm4b:s15+s2] =	stream.linear.scatter [tilespmem:s9], [sflag:$0x2], $0x8000, $0x38;
	[tilespmem:$0x10200] =	vst v63  }
0x47: {  	_ = 	snop  }
0x48: {  	[hbm4b:s17+s2] =	stream.linear.scatter [tilespmem:s10], [sflag:$0x2], $0x8000, $0x38;
	[tilespmem:$0x10200] =	vst v63  }
.Ltmp1:
0x49: {  	_ =	swait.ge [sflag:s16], $0x8000;
	(pc) =	sbr.rel @p0 .LBB2_1-.Ltmp1, $4  }
0x4a: {  	[sflag:s16] =	ssyncset.done $0x0  }
0x4b: {  	[sflag:s16] =	ssyncadd.s32 $0xFFFF8000  }
0x4c: {  	_ =	swait.ge [sflag:s16], $0x8000  }
0x4d: {  	[sflag:s16] =	ssyncset.done $0x0  }
.LBB2_2:
0x4e: {  	[sflag:s16] =	ssyncadd.s32 $0xFFFF8000  }
0x4f: {  	_ =	sfence.sel $0x180000  }
0x50: {  	[bflag:$0x0] =	sbarrier.arrive $0xFFFF  }
0x51: {  	p0 =	sne.s32 s0, $0x0;
	_ =	strace $0x90000050  }
0x52: {  	s0 =	sadd.s32 @!p0 $0x100000, s1;
	[bflag:$0x2] =	sbarrier.arrive $0xFFFF  }
0x53: {  	[sflag:s0] =	ssyncadd.tile.s32 @!p0 $0x1;
	_ =	shalt  }
.Lfunc_end2:
_tile_overlayer_lowered:
.L_overlay_start_2:
0x54: {  	(tag) =	ssettag $0x2  }
0x55: {  	s0 =	rddreg [dreg:$0x0];
	s2 =	stileid.u32  }
0x56: {  	s1 =	rddreg [dreg:$0x1];
	p0 =	sne.s32 s2, $0x0  }
0x57: {  	s3 =	rddreg [dreg:$0x2];
	[bflag:$0x3] =	sbarrier.arrive $0xFFFF;
	s2 =	simm.s32 @!p0 $0x1C03  }
0x58: {  	[timem:s3], [sflag:s2] =	dma.local @!p0 [hbm:s0], s1  }
0x59: {  	s0 =	simm.s32 @!p0 $0x3  }
0x5a: {  	_ =	swait.ge @!p0 [sflag:s0], s1  }
0x5b: {  	s1 =	ssub.s32 @!p0 $0x0, s1;
	[sflag:s0] =	ssyncset.done @!p0 $0x0  }
0x5c: {  	[sflag:s0] =	ssyncadd.s32 @!p0 s1  }
0x5d: {  	[bflag:$0x3] =	sbarrier.arrive $0xFFFF  }
0x5e: {  	_ =	shalt  }

</sc_bundles>
